<compile_context>
chip_gen: v7x
topology: tpu7x:2x2x1
jax: 0.10.2.dev20260603
libtpu: 0.0.44.dev20260713+nightly
codegen_flags: <defaults>
</compile_context>

<pallas_src>
import jax
import jax.numpy as jnp
from jax import lax
from jax.experimental import pallas as pl
from jax.experimental.pallas import tpu as pltpu
from jax.experimental.pallas import tpu_sc as plsc

N = 10000
E = 320000
H = 128
ED = 16

NPAD = 10240
NC = 2
NS = 16
NW = NC * NS
EPW = E // NW
CH = 80
NCHUNK = EPW // CH
RPT = NPAD // NS


def _silu(v):
    return v * jax.nn.sigmoid(v)


def _node_proj_body(hp, w_hs, w_hd, bm1, ts, td):
    ts[...] = jnp.dot(hp[...], w_hs[...], preferred_element_type=jnp.float32)
    td[...] = jnp.dot(hp[...], w_hd[...], preferred_element_type=jnp.float32) + bm1[...]


def _node_proj(hp, w_hs, w_hd, bm1):
    blk = 512
    return pl.pallas_call(
        _node_proj_body,
        grid=(NPAD // blk,),
        in_specs=[
            pl.BlockSpec((blk, H), lambda i: (i, 0)),
            pl.BlockSpec((H, H), lambda i: (0, 0)),
            pl.BlockSpec((H, H), lambda i: (0, 0)),
            pl.BlockSpec((1, H), lambda i: (0, 0)),
        ],
        out_specs=[
            pl.BlockSpec((blk, H), lambda i: (i, 0)),
            pl.BlockSpec((blk, H), lambda i: (i, 0)),
        ],
        out_shape=[
            jax.ShapeDtypeStruct((NPAD, H), jnp.float32),
            jax.ShapeDtypeStruct((NPAD, H), jnp.float32),
        ],
    )(hp, w_hs, w_hd, bm1)


def _gather_body(tsrc, tdst, src_h, dst_h, x4_h, gs_out, gd_out, d2_out,
                 r0_out, r1_out, r2_out,
                 idx_s, idx_d, x4,
                 rows_s0, rows_d0, dr0, rows_s1, rows_d1, dr1,
                 gsem0, gsem1, wsem0, wsem1):
    cid = lax.axis_index("c")
    sid = lax.axis_index("s")
    wid = sid * NC + cid
    base = pl.multiple_of(wid * EPW, 8)
    pltpu.sync_copy(x4_h, x4)
    pltpu.sync_copy(src_h.at[pl.ds(base, EPW)], idx_s)
    pltpu.sync_copy(dst_h.at[pl.ds(base, EPW)], idx_d)

    slot_a = (rows_s0, rows_d0, dr0, gsem0, wsem0)
    slot_b = (rows_s1, rows_d1, dr1, gsem1, wsem1)
    outs = (d2_out, r0_out, r1_out, r2_out)

    def issue_gathers(slot, c):
        rows_s, rows_d, _, gsem, _ = slot
        off = pl.multiple_of(c * CH, 8)
        pltpu.async_copy(tsrc.at[idx_s.at[pl.ds(off, CH)]], rows_s, gsem)
        pltpu.async_copy(tdst.at[idx_d.at[pl.ds(off, CH)]], rows_d, gsem)

    def wait_gathers(slot):
        rows_s, rows_d, _, gsem, _ = slot
        pltpu.make_async_copy(tsrc.at[idx_s.at[pl.ds(0, CH)]], rows_s,
                              gsem).wait()
        pltpu.make_async_copy(tdst.at[idx_d.at[pl.ds(0, CH)]], rows_d,
                              gsem).wait()

    def compute_dr(slot, c):
        _, _, dr, _, _ = slot
        off = pl.multiple_of(c * CH, 8)

        def grp(g, c2):
            goff = pl.multiple_of(off + g * 16, 16)
            lo = pl.ds(pl.multiple_of(g * 16, 16), 16)
            sv = idx_s[pl.ds(goff, 16)]
            dv = idx_d[pl.ds(goff, 16)]
            acc = jnp.zeros((16,), jnp.float32)
            for comp in range(3):
                xs = plsc.load_gather(x4, [sv * 4 + comp])
                xd = plsc.load_gather(x4, [dv * 4 + comp])
                d = xs - xd
                dr[1 + comp, lo] = d
                acc = acc + d * d
            dr[0, lo] = acc
            return c2

        lax.fori_loop(0, CH // 16, grp, 0)

    def issue_writes(slot, c):
        rows_s, rows_d, dr, _, wsem = slot
        off = pl.multiple_of(base + c * CH, 8)
        pltpu.async_copy(rows_s, gs_out.at[pl.ds(off, CH)], wsem)
        pltpu.async_copy(rows_d, gd_out.at[pl.ds(off, CH)], wsem)
        for k in range(4):
            pltpu.async_copy(dr.at[k], outs[k].at[pl.ds(off, CH)], wsem)

    def wait_writes(slot):
        rows_s, rows_d, dr, _, wsem = slot
        pltpu.make_async_copy(rows_s, gs_out.at[pl.ds(0, CH)], wsem).wait()
        pltpu.make_async_copy(rows_d, gd_out.at[pl.ds(0, CH)], wsem).wait()
        for k in range(4):
            pltpu.make_async_copy(dr.at[k], outs[k].at[pl.ds(0, CH)],
                                  wsem).wait()

    issue_gathers(slot_a, 0)

    def pair(k, carry):
        @pl.when(k > 0)
        def _():
            wait_writes(slot_b)

        issue_gathers(slot_b, 2 * k + 1)
        compute_dr(slot_a, 2 * k)
        wait_gathers(slot_a)
        issue_writes(slot_a, 2 * k)
        wait_writes(slot_a)
        issue_gathers(slot_a, 2 * k + 2)
        compute_dr(slot_b, 2 * k + 1)
        wait_gathers(slot_b)
        issue_writes(slot_b, 2 * k + 1)
        return carry

    lax.fori_loop(0, (NCHUNK - 1) // 2, pair, 0)
    wait_writes(slot_b)
    compute_dr(slot_a, NCHUNK - 1)
    wait_gathers(slot_a)
    issue_writes(slot_a, NCHUNK - 1)
    wait_writes(slot_a)


def _gather(tsrc, tdst, src_i, dst_i, x4flat):
    mesh = plsc.VectorSubcoreMesh(core_axis_name="c", subcore_axis_name="s")
    f = pl.kernel(
        _gather_body,
        out_type=[
            jax.ShapeDtypeStruct((E, H), jnp.float32),
            jax.ShapeDtypeStruct((E, H), jnp.float32),
            jax.ShapeDtypeStruct((E,), jnp.float32),
            jax.ShapeDtypeStruct((E,), jnp.float32),
            jax.ShapeDtypeStruct((E,), jnp.float32),
            jax.ShapeDtypeStruct((E,), jnp.float32),
        ],
        mesh=mesh,
        compiler_params=pltpu.CompilerParams(needs_layout_passes=False),
        scratch_types=[
            pltpu.VMEM((EPW,), jnp.int32),
            pltpu.VMEM((EPW,), jnp.int32),
            pltpu.VMEM((NPAD * 4,), jnp.float32),
            pltpu.VMEM((CH, H), jnp.float32),
            pltpu.VMEM((CH, H), jnp.float32),
            pltpu.VMEM((4, CH), jnp.float32),
            pltpu.VMEM((CH, H), jnp.float32),
            pltpu.VMEM((CH, H), jnp.float32),
            pltpu.VMEM((4, CH), jnp.float32),
            pltpu.SemaphoreType.DMA,
            pltpu.SemaphoreType.DMA,
            pltpu.SemaphoreType.DMA,
            pltpu.SemaphoreType.DMA,
        ],
    )
    return f(tsrc, tdst, src_i, dst_i, x4flat)


def _edge_body(gs, gd, ea, d2r, r0r, r1r, r2r, w_ea, w_d2, wm2, bm2, wc1,
               bc1, wc2, bc2, msg_out, wr0_out, wr1_out, wr2_out):
    d2 = jnp.transpose(d2r[0])
    pre = gs[...] + gd[...] \
        + jnp.dot(ea[...], w_ea[...], preferred_element_type=jnp.float32) \
        + d2 * w_d2[...]
    a1 = _silu(pre).astype(jnp.bfloat16)
    msg = jnp.dot(a1, wm2[...].astype(jnp.bfloat16),
                  preferred_element_type=jnp.float32) + bm2[...]
    c1 = _silu(jnp.dot(msg.astype(jnp.bfloat16), wc1[...].astype(jnp.bfloat16),
                       preferred_element_type=jnp.float32) + bc1[...])
    w = jnp.dot(c1.astype(jnp.bfloat16), wc2[...].astype(jnp.bfloat16),
                preferred_element_type=jnp.float32) + bc2[...]
    w = jnp.clip(w, -1.0, 1.0)
    msg_out[...] = msg
    wrow = jnp.transpose(w)
    wr0_out[0] = wrow * r0r[0]
    wr1_out[0] = wrow * r1r[0]
    wr2_out[0] = wrow * r2r[0]


def _edge_mlp(gs, gd, ea, d2, r0, r1, r2, w_ea, w_d2, wm2, bm2, wc1, bc1,
              wc2, bc2):
    blk = 2560
    grid = E // blk
    full = lambda shape: pl.BlockSpec(shape, lambda i: tuple(0 for _ in shape))
    sc1 = pl.BlockSpec((1, 1, blk), lambda i: (i, 0, 0))
    scalar_out = jax.ShapeDtypeStruct((grid, 1, blk), jnp.float32)
    return pl.pallas_call(
        _edge_body,
        grid=(grid,),
        in_specs=[
            pl.BlockSpec((blk, H), lambda i: (i, 0)),
            pl.BlockSpec((blk, H), lambda i: (i, 0)),
            pl.BlockSpec((blk, ED), lambda i: (i, 0)),
            sc1, sc1, sc1, sc1,
            full((ED, H)),
            full((1, H)),
            full((H, H)),
            full((1, H)),
            full((H, H)),
            full((1, H)),
            full((H, 1)),
            full((1, 1)),
        ],
        out_specs=[
            pl.BlockSpec((blk, H), lambda i: (i, 0)),
            sc1, sc1, sc1,
        ],
        out_shape=[
            jax.ShapeDtypeStruct((E, H), jnp.float32),
            scalar_out, scalar_out, scalar_out,
        ],
    )(gs, gd, ea, d2.reshape(grid, 1, blk), r0.reshape(grid, 1, blk),
      r1.reshape(grid, 1, blk), r2.reshape(grid, 1, blk), w_ea, w_d2,
      wm2, bm2, wc1, bc1, wc2, bc2)


def _scatter_body(msg_h, wr0_h, wr1_h, wr2_h, dst_h, zf_h, z4_h,
                  outf_h, out4_h,
                  accf, acc4,
                  dstc0, mbuf0, updc0, idxc0,
                  dstc1, mbuf1, updc1, idxc1,
                  obuf, o4buf, lsem0, lsem1, ssem0, ssem1):
    cid = lax.axis_index("c")
    sid = lax.axis_index("s")
    wid = sid * NC + cid
    base = pl.multiple_of(wid * EPW, 8)

    zrow = pl.multiple_of(sid * RPT, 8)
    pltpu.sync_copy(zf_h.at[pl.ds(zrow, RPT)], accf.at[pl.ds(zrow, RPT)])
    z4 = pl.multiple_of(sid * (NPAD * 4 // NS), 8)
    pltpu.sync_copy(z4_h.at[pl.ds(z4, NPAD * 4 // NS)],
                    acc4.at[pl.ds(z4, NPAD * 4 // NS)])
    plsc.subcore_barrier()

    slot_a = (dstc0, mbuf0, updc0, idxc0, lsem0, ssem0)
    slot_b = (dstc1, mbuf1, updc1, idxc1, lsem1, ssem1)

    def issue_loads(slot, c):
        dstc, mbuf, updc, _, lsem, _ = slot
        off = pl.multiple_of(base + c * CH, 8)
        pltpu.async_copy(dst_h.at[pl.ds(off, CH)], dstc, lsem)
        pltpu.async_copy(msg_h.at[pl.ds(off, CH)], mbuf, lsem)
        pltpu.async_copy(wr0_h.at[pl.ds(off, CH)], updc.at[0], lsem)
        pltpu.async_copy(wr1_h.at[pl.ds(off, CH)], updc.at[1], lsem)
        pltpu.async_copy(wr2_h.at[pl.ds(off, CH)], updc.at[2], lsem)

    def wait_loads(slot):
        dstc, mbuf, updc, _, lsem, _ = slot
        pltpu.make_async_copy(dst_h.at[pl.ds(0, CH)], dstc, lsem).wait()
        pltpu.make_async_copy(msg_h.at[pl.ds(0, CH)], mbuf, lsem).wait()
        for k in range(3):
            pltpu.make_async_copy(wr0_h.at[pl.ds(0, CH)], updc.at[k],
                                  lsem).wait()

    def do_scatter(slot):
        dstc, mbuf, updc, idxc, _, ssem = slot

        def grp(g, c2):
            goff = pl.multiple_of(g * 16, 16)
            dv = dstc[pl.ds(goff, 16)]
            for comp in range(3):
                idxc[comp, pl.ds(goff, 16)] = dv * 4 + comp
            return c2

        lax.fori_loop(0, CH // 16, grp, 0)
        pltpu.async_copy(mbuf, accf.at[dstc], ssem, add=True)
        for comp in range(3):
            pltpu.async_copy(updc.at[comp], acc4.at[idxc.at[comp]], ssem,
                             add=True)

    def wait_scatter(slot):
        dstc, mbuf, updc, idxc, _, ssem = slot
        pltpu.make_async_copy(mbuf, accf.at[dstc], ssem).wait()
        for comp in range(3):
            pltpu.make_async_copy(updc.at[comp], acc4.at[idxc.at[comp]],
                                  ssem).wait()

    issue_loads(slot_a, 0)

    def pair(k, carry):
        @pl.when(k > 0)
        def _():
            wait_scatter(slot_b)

        issue_loads(slot_b, 2 * k + 1)
        wait_loads(slot_a)
        do_scatter(slot_a)
        wait_scatter(slot_a)
        issue_loads(slot_a, 2 * k + 2)
        wait_loads(slot_b)
        do_scatter(slot_b)
        return carry

    lax.fori_loop(0, (NCHUNK - 1) // 2, pair, 0)
    wait_scatter(slot_b)
    wait_loads(slot_a)
    do_scatter(slot_a)
    wait_scatter(slot_a)
    plsc.subcore_barrier()

    for k in range(8):
        row0 = pl.multiple_of(sid * RPT + k * (RPT // 8), 8)
        pltpu.sync_copy(accf.at[pl.ds(row0, RPT // 8)], obuf)
        pltpu.sync_copy(obuf, outf_h.at[cid].at[pl.ds(row0, RPT // 8)])
    pltpu.sync_copy(acc4.at[pl.ds(z4, NPAD * 4 // NS)], o4buf)
    pltpu.sync_copy(o4buf, out4_h.at[cid].at[pl.ds(z4, NPAD * 4 // NS)])


def _scatter(msg, wr0, wr1, wr2, dst_i, zerosf, zeros4):
    mesh = plsc.VectorSubcoreMesh(core_axis_name="c", subcore_axis_name="s")
    slot = [
        pltpu.VMEM((CH,), jnp.int32),
        pltpu.VMEM((CH, H), jnp.float32),
        pltpu.VMEM((3, CH), jnp.float32),
        pltpu.VMEM((3, CH), jnp.int32),
    ]
    f = pl.kernel(
        _scatter_body,
        out_type=[
            jax.ShapeDtypeStruct((NC, NPAD, H), jnp.float32),
            jax.ShapeDtypeStruct((NC, NPAD * 4), jnp.float32),
        ],
        mesh=mesh,
        compiler_params=pltpu.CompilerParams(needs_layout_passes=False),
        scratch_types=[
            pltpu.VMEM_SHARED((NPAD, H), jnp.float32),
            pltpu.VMEM_SHARED((NPAD * 4,), jnp.float32),
        ] + slot + slot + [
            pltpu.VMEM((RPT // 8, H), jnp.float32),
            pltpu.VMEM((NPAD * 4 // NS,), jnp.float32),
            pltpu.SemaphoreType.DMA,
            pltpu.SemaphoreType.DMA,
            pltpu.SemaphoreType.DMA,
            pltpu.SemaphoreType.DMA,
        ],
    )
    return f(msg, wr0, wr1, wr2, dst_i, zerosf, zeros4)


def _update_body(hp, pf0, pf1, p40, p41, xp4, wn1h, wn1a, bn1, wn2, bn2,
                 gamma, beta, hout, xout):
    agg = pf0[...] + pf1[...]
    u = _silu(jnp.dot(hp[...], wn1h[...], preferred_element_type=jnp.float32)
              + jnp.dot(agg, wn1a[...], preferred_element_type=jnp.float32)
              + bn1[...])
    hn = hp[...] + jnp.dot(u, wn2[...], preferred_element_type=jnp.float32) + bn2[...]
    mean = jnp.mean(hn, axis=1, keepdims=True)
    zc = hn - mean
    var = jnp.mean(zc * zc, axis=1, keepdims=True)
    hout[...] = zc * lax.rsqrt(var + 1e-5) * gamma[...] + beta[...]
    xout[...] = xp4[...] + p40[...] + p41[...]


def _node_update(hp, pf0, pf1, p40, p41, xp4, wn1h, wn1a, bn1, wn2, bn2,
                 gamma, beta):
    blk = 512
    grid = NPAD // blk
    full = lambda shape: pl.BlockSpec(shape, lambda i: tuple(0 for _ in shape))
    return pl.pallas_call(
        _update_body,
        grid=(grid,),
        in_specs=[
            pl.BlockSpec((blk, H), lambda i: (i, 0)),
            pl.BlockSpec((blk, H), lambda i: (i, 0)),
            pl.BlockSpec((blk, H), lambda i: (i, 0)),
            pl.BlockSpec((blk * 4,), lambda i: (i,)),
            pl.BlockSpec((blk * 4,), lambda i: (i,)),
            pl.BlockSpec((blk * 4,), lambda i: (i,)),
            full((H, H)),
            full((H, H)),
            full((1, H)),
            full((H, H)),
            full((1, H)),
            full((1, H)),
            full((1, H)),
        ],
        out_specs=[
            pl.BlockSpec((blk, H), lambda i: (i, 0)),
            pl.BlockSpec((blk * 4,), lambda i: (i,)),
        ],
        out_shape=[
            jax.ShapeDtypeStruct((NPAD, H), jnp.float32),
            jax.ShapeDtypeStruct((NPAD * 4,), jnp.float32),
        ],
    )(hp, pf0, pf1, p40, p41, xp4, wn1h, wn1a, bn1, wn2, bn2, gamma, beta)


def kernel(x, h, edge_index, edge_attr, Wm1, bm1, Wm2, bm2, Wn1, bn1,
           Wn2, bn2, Wc1, bc1, Wc2, bc2, gamma, beta):
    src = edge_index[0].astype(jnp.int32)
    dst = edge_index[1].astype(jnp.int32)
    x4 = jnp.zeros((NPAD, 4), jnp.float32).at[:N, :3].set(x)
    x4flat = x4.reshape(NPAD * 4)
    hp = jnp.zeros((NPAD, H), jnp.float32).at[:N].set(h)

    w_hs = Wm1[:H]
    w_hd = Wm1[H:2 * H]
    w_ea = Wm1[2 * H:2 * H + ED]
    w_d2 = Wm1[2 * H + ED:]

    tsrc, tdst = _node_proj(hp, w_hs, w_hd, bm1.reshape(1, H))
    gs, gd, d2, r0, r1, r2 = _gather(tsrc, tdst, src, dst, x4flat)
    msg, wr0, wr1, wr2 = _edge_mlp(gs, gd, edge_attr, d2, r0, r1, r2,
                                   w_ea, w_d2, Wm2, bm2.reshape(1, H),
                                   Wc1, bc1.reshape(1, H),
                                   Wc2.reshape(H, 1), bc2.reshape(1, 1))
    pf, p4 = _scatter(msg, wr0.reshape(E), wr1.reshape(E), wr2.reshape(E),
                      dst, jnp.zeros((NPAD, H), jnp.float32),
                      jnp.zeros((NPAD * 4,), jnp.float32))
    hn, xn = _node_update(hp, pf[0], pf[1], p4[0], p4[1], x4flat,
                          Wn1[:H], Wn1[H:], bn1.reshape(1, H),
                          Wn2, bn2.reshape(1, H),
                          gamma.reshape(1, H), beta.reshape(1, H))
    return (xn.reshape(NPAD, 4)[:N, :3], hn[:N])

# --- scband reference (transcript-rebuilt; emitter-appended) ---
"""Pipeline reference for scband-egnnlayer-86019605004410 (READ-ONLY COPY).

The authoritative reference and input builder live on the scoring server;
editing this copy changes nothing except your own understanding.
"""

import jax, jax.numpy as jnp
import numpy as np

N = 10000
E = 320000
H = 128
ED = 16

def _lin_init(key, fan_in, fan_out):
    k1, k2 = jax.random.split(key)
    lim = 1.0 / np.sqrt(fan_in)
    W = jax.random.uniform(k1, (fan_in, fan_out), jnp.float32, -lim, lim)
    b = jax.random.uniform(k2, (fan_out,), jnp.float32, -lim, lim)
    return W, b

def setup_inputs(seed: int = 0) -> dict:
    key = jax.random.key(seed)
    ks = jax.random.split(key, 12)
    x = jax.random.normal(ks[0], (N, 3), jnp.float32)
    h = jax.random.normal(ks[1], (N, H), jnp.float32)
    edge_index = jax.random.randint(ks[2], (2, E), 0, N)
    edge_attr = jax.random.normal(ks[3], (E, ED), jnp.float32)
    Wm1, bm1 = _lin_init(ks[4], 2 * H + ED + 1, H)
    Wm2, bm2 = _lin_init(ks[5], H, H)
    Wn1, bn1 = _lin_init(ks[6], 2 * H, H)
    Wn2, bn2 = _lin_init(ks[7], H, H)
    Wc1, bc1 = _lin_init(ks[8], H, H)
    Wc2, bc2 = _lin_init(ks[9], H, 1)
    gamma = jnp.ones((H,), jnp.float32)
    beta = jnp.zeros((H,), jnp.float32)
    return {"x": x, "h": h, "edge_index": edge_index, "edge_attr": edge_attr,
            "Wm1": Wm1, "bm1": bm1, "Wm2": Wm2, "bm2": bm2,
            "Wn1": Wn1, "bn1": bn1, "Wn2": Wn2, "bn2": bn2,
            "Wc1": Wc1, "bc1": bc1, "Wc2": Wc2, "bc2": bc2,
            "gamma": gamma, "beta": beta}

def _silu(v):
    return v * jax.nn.sigmoid(v)

def reference(x, h, edge_index, edge_attr, Wm1, bm1, Wm2, bm2, Wn1, bn1, Wn2, bn2, Wc1, bc1, Wc2, bc2, gamma, beta):
    src = edge_index[0]
    dst = edge_index[1]
    n = h.shape[0]
    r_ij = x[src] - x[dst]
    d2 = jnp.sum(r_ij ** 2, axis=-1, keepdims=True)
    msg_in = jnp.concatenate([h[src], h[dst], edge_attr, d2], axis=-1)
    msg = _silu(msg_in @ Wm1 + bm1) @ Wm2 + bm2
    agg = jnp.zeros((n, h.shape[1]), h.dtype).at[dst].add(msg)
    h_upd = _silu(jnp.concatenate([h, agg], axis=-1) @ Wn1 + bn1) @ Wn2 + bn2
    h_new = h + h_upd
    mean = jnp.mean(h_new, axis=-1, keepdims=True)
    var = jnp.var(h_new, axis=-1, keepdims=True)
    h_new = (h_new - mean) / jnp.sqrt(var + 1e-5) * gamma + beta
    w = (_silu(msg @ Wc1 + bc1) @ Wc2 + bc2)[:, 0]
    w = jnp.clip(w, -1.0, 1.0)
    coord_delta = jnp.zeros((n, 3), x.dtype).at[dst].add(w[:, None] * r_ij)
    x_new = x + coord_delta
    return (x_new, h_new)

if __name__ == "__main__":
    import jax
    _d = setup_inputs()
    print(jax.jit(kernel)(*tuple(_d.values())))

</pallas_src>

<mosaic_0001>
#map = affine_map<(d0, d1) -> (0, 0)>
#map1 = affine_map<(d0, d1) -> (0)>
#map2 = affine_map<(d0, d1) -> (0, 0, 0)>
module attributes {stable_mosaic.version = 14 : i64} {
  func.func @_scatter_body(%arg0: i32, %arg1: i32, %arg2: memref<320000x128xf32, #tpu.memory_space<hbm>>, %arg3: memref<320000xf32, #tpu.memory_space<hbm>>, %arg4: memref<320000xf32, #tpu.memory_space<hbm>>, %arg5: memref<320000xf32, #tpu.memory_space<hbm>>, %arg6: memref<320000xi32, #tpu.memory_space<hbm>>, %arg7: memref<10240x128xf32, #tpu.memory_space<hbm>>, %arg8: memref<40960xf32, #tpu.memory_space<hbm>>, %arg9: memref<2x10240x128xf32, #tpu.memory_space<hbm>>, %arg10: memref<2x40960xf32, #tpu.memory_space<hbm>>, %arg11: memref<10240x128xf32, #tpu.memory_space<vmem_shared>>, %arg12: memref<40960xf32, #tpu.memory_space<vmem_shared>>, %arg13: memref<80xi32, #tpu.memory_space<vmem>>, %arg14: memref<80x128xf32, #tpu.memory_space<vmem>>, %arg15: memref<3x80xf32, #tpu.memory_space<vmem>>, %arg16: memref<3x80xi32, #tpu.memory_space<vmem>>, %arg17: memref<80xi32, #tpu.memory_space<vmem>>, %arg18: memref<80x128xf32, #tpu.memory_space<vmem>>, %arg19: memref<3x80xf32, #tpu.memory_space<vmem>>, %arg20: memref<3x80xi32, #tpu.memory_space<vmem>>, %arg21: memref<80x128xf32, #tpu.memory_space<vmem>>, %arg22: memref<2560xf32, #tpu.memory_space<vmem>>, %arg23: memref<!tpu.dma_semaphore, #tpu.memory_space<semaphore_mem>>, %arg24: memref<!tpu.dma_semaphore, #tpu.memory_space<semaphore_mem>>, %arg25: memref<!tpu.dma_semaphore, #tpu.memory_space<semaphore_mem>>, %arg26: memref<!tpu.dma_semaphore, #tpu.memory_space<semaphore_mem>>) attributes {dimension_semantics = [#tpu.dimension_semantics<core_parallel>, #tpu.dimension_semantics<subcore_parallel>], iteration_bounds = array<i64: 2, 16>, scalar_prefetch = 0 : i64, scratch_operands = 16 : i64, tpu.core_type = #tpu.core_type<sc_vector_subcore>, window_params = [{transform_indices = #map}, {transform_indices = #map1}, {transform_indices = #map1}, {transform_indices = #map1}, {transform_indices = #map1}, {transform_indices = #map}, {transform_indices = #map1}, {transform_indices = #map2}, {transform_indices = #map}]} {
    %mul3A = arith.constant 2 : i32
    %mul3A_0 = arith.muli %arg1, %mul3A : i32
    %add3A = arith.addi %mul3A_0, %arg0 : i32
    %mul3A_1 = arith.constant 10000 : i32
    %mul3A_2 = arith.muli %add3A, %mul3A_1 : i32
    %multiple_of3A = tpu.assume_multiple %mul3A_2, 8 : i32
    %mul3A_3 = arith.constant 640 : i32
    %mul3A_4 = arith.muli %arg1, %mul3A_3 : i32
    %multiple_of3A_5 = tpu.assume_multiple %mul3A_4, 8 : i32
    "tpu.region"() ({
      %run_scoped3A = tpu.sem_alloc : memref<!tpu.dma_semaphore, #tpu.memory_space<semaphore_mem>>
      %dma_start3A_237 = arith.constant 0 : i32
      %dma_start3A_238 = tpu.memref_slice %arg11[%multiple_of3A_5, %dma_start3A_237] : memref<10240x128xf32, #tpu.memory_space<vmem_shared>> -> memref<640x128xf32, #tpu.memory_space<vmem_shared>>
      %dma_start3A_239 = arith.constant 0 : i32
      %dma_start3A_240 = tpu.memref_slice %arg7[%multiple_of3A_5, %dma_start3A_239] : memref<10240x128xf32, #tpu.memory_space<hbm>> -> memref<640x128xf32, #tpu.memory_space<hbm>>
      tpu.enqueue_dma source(%dma_start3A_240 : memref<640x128xf32, #tpu.memory_space<hbm>>) target(%dma_start3A_238 : memref<640x128xf32, #tpu.memory_space<vmem_shared>>) target_semaphore(%run_scoped3A : memref<!tpu.dma_semaphore, #tpu.memory_space<semaphore_mem>>)
      %dma_wait3A_241 = arith.constant 0 : i32
      %dma_wait3A_242 = tpu.memref_slice %arg11[%multiple_of3A_5, %dma_wait3A_241] : memref<10240x128xf32, #tpu.memory_space<vmem_shared>> -> memref<640x128xf32, #tpu.memory_space<vmem_shared>>
      %dma_wait3A_243 = arith.constant 0 : i32
      %dma_wait3A_244 = tpu.memref_slice %arg7[%multiple_of3A_5, %dma_wait3A_243] : memref<10240x128xf32, #tpu.memory_space<hbm>> -> memref<640x128xf32, #tpu.memory_space<hbm>>
      tpu.wait_dma2 semaphore(%run_scoped3A : memref<!tpu.dma_semaphore, #tpu.memory_space<semaphore_mem>>) src(%dma_wait3A_244 : memref<640x128xf32, #tpu.memory_space<hbm>>) dst(%dma_wait3A_242 : memref<640x128xf32, #tpu.memory_space<vmem_shared>>)
      tpu.yield
    }) : () -> ()
    %mul3A_6 = arith.constant 2560 : i32
    %mul3A_7 = arith.muli %arg1, %mul3A_6 : i32
    %multiple_of3A_8 = tpu.assume_multiple %mul3A_7, 8 : i32
    "tpu.region"() ({
      %run_scoped3A = tpu.sem_alloc : memref<!tpu.dma_semaphore, #tpu.memory_space<semaphore_mem>>
      %dma_start3A_237 = tpu.memref_slice %arg12[%multiple_of3A_8] : memref<40960xf32, #tpu.memory_space<vmem_shared>> -> memref<2560xf32, #tpu.memory_space<vmem_shared>>
      %dma_start3A_238 = tpu.memref_slice %arg8[%multiple_of3A_8] : memref<40960xf32, #tpu.memory_space<hbm>> -> memref<2560xf32, #tpu.memory_space<hbm>>
      tpu.enqueue_dma source(%dma_start3A_238 : memref<2560xf32, #tpu.memory_space<hbm>>) target(%dma_start3A_237 : memref<2560xf32, #tpu.memory_space<vmem_shared>>) target_semaphore(%run_scoped3A : memref<!tpu.dma_semaphore, #tpu.memory_space<semaphore_mem>>)
      %dma_wait3A_239 = tpu.memref_slice %arg12[%multiple_of3A_8] : memref<40960xf32, #tpu.memory_space<vmem_shared>> -> memref<2560xf32, #tpu.memory_space<vmem_shared>>
      %dma_wait3A_240 = tpu.memref_slice %arg8[%multiple_of3A_8] : memref<40960xf32, #tpu.memory_space<hbm>> -> memref<2560xf32, #tpu.memory_space<hbm>>
      tpu.wait_dma2 semaphore(%run_scoped3A : memref<!tpu.dma_semaphore, #tpu.memory_space<semaphore_mem>>) src(%dma_wait3A_240 : memref<2560xf32, #tpu.memory_space<hbm>>) dst(%dma_wait3A_239 : memref<2560xf32, #tpu.memory_space<vmem_shared>>)
      tpu.yield
    }) : () -> ()
    %barrier3A = arith.constant 0 : index
    tpu.barrier barrier_id(%barrier3A)
    %add3A_9 = arith.constant 0 : i32
    %add3A_10 = arith.addi %multiple_of3A, %add3A_9 : i32
    %multiple_of3A_11 = tpu.assume_multiple %add3A_10, 8 : i32
    %dma_start3A = tpu.memref_slice %arg6[%multiple_of3A_11] : memref<320000xi32, #tpu.memory_space<hbm>> -> memref<80xi32, #tpu.memory_space<hbm>>
    %dma_start3A_12 = tpu.memref_slice %arg6[%multiple_of3A_11] : memref<320000xi32, #tpu.memory_space<hbm>> -> memref<80xi32, #tpu.memory_space<hbm>>
    tpu.enqueue_dma source(%dma_start3A_12 : memref<80xi32, #tpu.memory_space<hbm>>) target(%arg13 : memref<80xi32, #tpu.memory_space<vmem>>) target_semaphore(%arg23 : memref<!tpu.dma_semaphore, #tpu.memory_space<semaphore_mem>>)
    %dma_start3A_13 = arith.constant 0 : i32
    %dma_start3A_14 = tpu.memref_slice %arg2[%multiple_of3A_11, %dma_start3A_13] : memref<320000x128xf32, #tpu.memory_space<hbm>> -> memref<80x128xf32, #tpu.memory_space<hbm>>
    %dma_start3A_15 = arith.constant 0 : i32
    %dma_start3A_16 = tpu.memref_slice %arg2[%multiple_of3A_11, %dma_start3A_15] : memref<320000x128xf32, #tpu.memory_space<hbm>> -> memref<80x128xf32, #tpu.memory_space<hbm>>
    tpu.enqueue_dma source(%dma_start3A_16 : memref<80x128xf32, #tpu.memory_space<hbm>>) target(%arg14 : memref<80x128xf32, #tpu.memory_space<vmem>>) target_semaphore(%arg23 : memref<!tpu.dma_semaphore, #tpu.memory_space<semaphore_mem>>)
    %dma_start3A_17 = arith.constant 0 : i32
    %dma_start3A_18 = arith.constant 0 : i32
    %dma_start3A_19 = tpu.memref_slice %arg15[%dma_start3A_17, %dma_start3A_18] : memref<3x80xf32, #tpu.memory_space<vmem>> -> memref<1x80xf32, #tpu.memory_space<vmem>>
    %dma_start3A_20 = tpu.memref_squeeze %dma_start3A_19 : memref<1x80xf32, #tpu.memory_space<vmem>> -> memref<80xf32, #tpu.memory_space<vmem>>
    %dma_start3A_21 = tpu.memref_slice %arg3[%multiple_of3A_11] : memref<320000xf32, #tpu.memory_space<hbm>> -> memref<80xf32, #tpu.memory_space<hbm>>
    %dma_start3A_22 = arith.constant 0 : i32
    %dma_start3A_23 = tpu.memref_slice %arg15[%dma_start3A_17, %dma_start3A_22] : memref<3x80xf32, #tpu.memory_space<vmem>> -> memref<1x80xf32, #tpu.memory_space<vmem>>
    %dma_start3A_24 = tpu.memref_squeeze %dma_start3A_23 : memref<1x80xf32, #tpu.memory_space<vmem>> -> memref<80xf32, #tpu.memory_space<vmem>>
    %dma_start3A_25 = tpu.memref_slice %arg3[%multiple_of3A_11] : memref<320000xf32, #tpu.memory_space<hbm>> -> memref<80xf32, #tpu.memory_space<hbm>>
    tpu.enqueue_dma source(%dma_start3A_25 : memref<80xf32, #tpu.memory_space<hbm>>) target(%dma_start3A_24 : memref<80xf32, #tpu.memory_space<vmem>>) target_semaphore(%arg23 : memref<!tpu.dma_semaphore, #tpu.memory_space<semaphore_mem>>)
    %dma_start3A_26 = arith.constant 1 : i32
    %dma_start3A_27 = arith.constant 0 : i32
    %dma_start3A_28 = tpu.memref_slice %arg15[%dma_start3A_26, %dma_start3A_27] : memref<3x80xf32, #tpu.memory_space<vmem>> -> memref<1x80xf32, #tpu.memory_space<vmem>>
    %dma_start3A_29 = tpu.memref_squeeze %dma_start3A_28 : memref<1x80xf32, #tpu.memory_space<vmem>> -> memref<80xf32, #tpu.memory_space<vmem>>
    %dma_start3A_30 = tpu.memref_slice %arg4[%multiple_of3A_11] : memref<320000xf32, #tpu.memory_space<hbm>> -> memref<80xf32, #tpu.memory_space<hbm>>
    %dma_start3A_31 = arith.constant 0 : i32
    %dma_start3A_32 = tpu.memref_slice %arg15[%dma_start3A_26, %dma_start3A_31] : memref<3x80xf32, #tpu.memory_space<vmem>> -> memref<1x80xf32, #tpu.memory_space<vmem>>
    %dma_start3A_33 = tpu.memref_squeeze %dma_start3A_32 : memref<1x80xf32, #tpu.memory_space<vmem>> -> memref<80xf32, #tpu.memory_space<vmem>>
    %dma_start3A_34 = tpu.memref_slice %arg4[%multiple_of3A_11] : memref<320000xf32, #tpu.memory_space<hbm>> -> memref<80xf32, #tpu.memory_space<hbm>>
    tpu.enqueue_dma source(%dma_start3A_34 : memref<80xf32, #tpu.memory_space<hbm>>) target(%dma_start3A_33 : memref<80xf32, #tpu.memory_space<vmem>>) target_semaphore(%arg23 : memref<!tpu.dma_semaphore, #tpu.memory_space<semaphore_mem>>)
    %dma_start3A_35 = arith.constant 2 : i32
    %dma_start3A_36 = arith.constant 0 : i32
    %dma_start3A_37 = tpu.memref_slice %arg15[%dma_start3A_35, %dma_start3A_36] : memref<3x80xf32, #tpu.memory_space<vmem>> -> memref<1x80xf32, #tpu.memory_space<vmem>>
    %dma_start3A_38 = tpu.memref_squeeze %dma_start3A_37 : memref<1x80xf32, #tpu.memory_space<vmem>> -> memref<80xf32, #tpu.memory_space<vmem>>
    %dma_start3A_39 = tpu.memref_slice %arg5[%multiple_of3A_11] : memref<320000xf32, #tpu.memory_space<hbm>> -> memref<80xf32, #tpu.memory_space<hbm>>
    %dma_start3A_40 = arith.constant 0 : i32
    %dma_start3A_41 = tpu.memref_slice %arg15[%dma_start3A_35, %dma_start3A_40] : memref<3x80xf32, #tpu.memory_space<vmem>> -> memref<1x80xf32, #tpu.memory_space<vmem>>
    %dma_start3A_42 = tpu.memref_squeeze %dma_start3A_41 : memref<1x80xf32, #tpu.memory_space<vmem>> -> memref<80xf32, #tpu.memory_space<vmem>>
    %dma_start3A_43 = tpu.memref_slice %arg5[%multiple_of3A_11] : memref<320000xf32, #tpu.memory_space<hbm>> -> memref<80xf32, #tpu.memory_space<hbm>>
    tpu.enqueue_dma source(%dma_start3A_43 : memref<80xf32, #tpu.memory_space<hbm>>) target(%dma_start3A_42 : memref<80xf32, #tpu.memory_space<vmem>>) target_semaphore(%arg23 : memref<!tpu.dma_semaphore, #tpu.memory_space<semaphore_mem>>)
    %scan3A = arith.constant 0 : i32
    %scan3A_44 = arith.constant 0 : i32
    %scan3A_45 = arith.constant 62 : i32
    %scan3A_46 = arith.addi %scan3A_44, %scan3A_45 : i32
    %scan3A_47 = arith.constant 1 : i32
    scf.for %scan3A_237 = %scan3A_44 to %scan3A_46 step %scan3A_47  : i32 {
      %gt3A = arith.constant 0 : i32
      %gt3A_238 = arith.cmpi sgt, %scan3A_237, %gt3A : i32
      %convert_element_type3A = arith.extui %gt3A_238 : i1 to i32
      %cond3A = arith.constant 0 : i32
      %cond3A_239 = arith.cmpi ne, %convert_element_type3A, %cond3A : i32
      scf.if %cond3A_239 {
        %dma_wait3A_519 = arith.constant 0 : i32
        %dma_wait3A_520 = arith.constant 0 : i32
        %dma_wait3A_521 = tpu.memref_slice %arg11[%dma_wait3A_519, %dma_wait3A_520] : memref<10240x128xf32, #tpu.memory_space<vmem_shared>> -> memref<10240x128xf32, #tpu.memory_space<vmem_shared>>
        tpu.wait_indirect_dma semaphore(%arg26 : memref<!tpu.dma_semaphore, #tpu.memory_space<semaphore_mem>>) src(%arg18 : memref<80x128xf32, #tpu.memory_space<vmem>>) dst(%dma_wait3A_521 : memref<10240x128xf32, #tpu.memory_space<vmem_shared>>)
        %dma_wait3A_522 = arith.constant 0 : i32
        %dma_wait3A_523 = arith.constant 0 : i32
        %dma_wait3A_524 = arith.constant 0 : i32
        %dma_wait3A_525 = tpu.memref_slice %arg19[%dma_wait3A_522, %dma_wait3A_524] : memref<3x80xf32, #tpu.memory_space<vmem>> -> memref<1x80xf32, #tpu.memory_space<vmem>>
        %dma_wait3A_526 = tpu.memref_squeeze %dma_wait3A_525 : memref<1x80xf32, #tpu.memory_space<vmem>> -> memref<80xf32, #tpu.memory_space<vmem>>
        %dma_wait3A_527 = arith.constant 0 : i32
        %dma_wait3A_528 = tpu.memref_slice %arg20[%dma_wait3A_523, %dma_wait3A_527] : memref<3x80xi32, #tpu.memory_space<vmem>> -> memref<1x80xi32, #tpu.memory_space<vmem>>
        %dma_wait3A_529 = tpu.memref_squeeze %dma_wait3A_528 : memref<1x80xi32, #tpu.memory_space<vmem>> -> memref<80xi32, #tpu.memory_space<vmem>>
        %dma_wait3A_530 = arith.constant 0 : i32
        %dma_wait3A_531 = tpu.memref_slice %arg12[%dma_wait3A_530] : memref<40960xf32, #tpu.memory_space<vmem_shared>> -> memref<40960xf32, #tpu.memory_space<vmem_shared>>
        tpu.wait_indirect_dma semaphore(%arg26 : memref<!tpu.dma_semaphore, #tpu.memory_space<semaphore_mem>>) src(%dma_wait3A_526 : memref<80xf32, #tpu.memory_space<vmem>>) dst(%dma_wait3A_531 : memref<40960xf32, #tpu.memory_space<vmem_shared>>)
        %dma_wait3A_532 = arith.constant 1 : i32
        %dma_wait3A_533 = arith.constant 1 : i32
        %dma_wait3A_534 = arith.constant 0 : i32
        %dma_wait3A_535 = tpu.memref_slice %arg19[%dma_wait3A_532, %dma_wait3A_534] : memref<3x80xf32, #tpu.memory_space<vmem>> -> memref<1x80xf32, #tpu.memory_space<vmem>>
        %dma_wait3A_536 = tpu.memref_squeeze %dma_wait3A_535 : memref<1x80xf32, #tpu.memory_space<vmem>> -> memref<80xf32, #tpu.memory_space<vmem>>
        %dma_wait3A_537 = arith.constant 0 : i32
        %dma_wait3A_538 = tpu.memref_slice %arg20[%dma_wait3A_533, %dma_wait3A_537] : memref<3x80xi32, #tpu.memory_space<vmem>> -> memref<1x80xi32, #tpu.memory_space<vmem>>
        %dma_wait3A_539 = tpu.memref_squeeze %dma_wait3A_538 : memref<1x80xi32, #tpu.memory_space<vmem>> -> memref<80xi32, #tpu.memory_space<vmem>>
        %dma_wait3A_540 = arith.constant 0 : i32
        %dma_wait3A_541 = tpu.memref_slice %arg12[%dma_wait3A_540] : memref<40960xf32, #tpu.memory_space<vmem_shared>> -> memref<40960xf32, #tpu.memory_space<vmem_shared>>
        tpu.wait_indirect_dma semaphore(%arg26 : memref<!tpu.dma_semaphore, #tpu.memory_space<semaphore_mem>>) src(%dma_wait3A_536 : memref<80xf32, #tpu.memory_space<vmem>>) dst(%dma_wait3A_541 : memref<40960xf32, #tpu.memory_space<vmem_shared>>)
        %dma_wait3A_542 = arith.constant 2 : i32
        %dma_wait3A_543 = arith.constant 2 : i32
        %dma_wait3A_544 = arith.constant 0 : i32
        %dma_wait3A_545 = tpu.memref_slice %arg19[%dma_wait3A_542, %dma_wait3A_544] : memref<3x80xf32, #tpu.memory_space<vmem>> -> memref<1x80xf32, #tpu.memory_space<vmem>>
        %dma_wait3A_546 = tpu.memref_squeeze %dma_wait3A_545 : memref<1x80xf32, #tpu.memory_space<vmem>> -> memref<80xf32, #tpu.memory_space<vmem>>
        %dma_wait3A_547 = arith.constant 0 : i32
        %dma_wait3A_548 = tpu.memref_slice %arg20[%dma_wait3A_543, %dma_wait3A_547] : memref<3x80xi32, #tpu.memory_space<vmem>> -> memref<1x80xi32, #tpu.memory_space<vmem>>
        %dma_wait3A_549 = tpu.memref_squeeze %dma_wait3A_548 : memref<1x80xi32, #tpu.memory_space<vmem>> -> memref<80xi32, #tpu.memory_space<vmem>>
        %dma_wait3A_550 = arith.constant 0 : i32
        %dma_wait3A_551 = tpu.memref_slice %arg12[%dma_wait3A_550] : memref<40960xf32, #tpu.memory_space<vmem_shared>> -> memref<40960xf32, #tpu.memory_space<vmem_shared>>
        tpu.wait_indirect_dma semaphore(%arg26 : memref<!tpu.dma_semaphore, #tpu.memory_space<semaphore_mem>>) src(%dma_wait3A_546 : memref<80xf32, #tpu.memory_space<vmem>>) dst(%dma_wait3A_551 : memref<40960xf32, #tpu.memory_space<vmem_shared>>)
      } else {
      }
      %mul3A_240 = arith.constant 2 : i32
      %mul3A_241 = arith.muli %mul3A_240, %scan3A_237 : i32
      %add3A_242 = arith.constant 1 : i32
      %add3A_243 = arith.addi %mul3A_241, %add3A_242 : i32
      %mul3A_244 = arith.constant 80 : i32
      %mul3A_245 = arith.muli %add3A_243, %mul3A_244 : i32
      %add3A_246 = arith.addi %multiple_of3A, %mul3A_245 : i32
      %multiple_of3A_247 = tpu.assume_multiple %add3A_246, 8 : i32
      %dma_start3A_248 = tpu.memref_slice %arg6[%multiple_of3A_247] : memref<320000xi32, #tpu.memory_space<hbm>> -> memref<80xi32, #tpu.memory_space<hbm>>
      %dma_start3A_249 = tpu.memref_slice %arg6[%multiple_of3A_247] : memref<320000xi32, #tpu.memory_space<hbm>> -> memref<80xi32, #tpu.memory_space<hbm>>
      tpu.enqueue_dma source(%dma_start3A_249 : memref<80xi32, #tpu.memory_space<hbm>>) target(%arg17 : memref<80xi32, #tpu.memory_space<vmem>>) target_semaphore(%arg24 : memref<!tpu.dma_semaphore, #tpu.memory_space<semaphore_mem>>)
      %dma_start3A_250 = arith.constant 0 : i32
      %dma_start3A_251 = tpu.memref_slice %arg2[%multiple_of3A_247, %dma_start3A_250] : memref<320000x128xf32, #tpu.memory_space<hbm>> -> memref<80x128xf32, #tpu.memory_space<hbm>>
      %dma_start3A_252 = arith.constant 0 : i32
      %dma_start3A_253 = tpu.memref_slice %arg2[%multiple_of3A_247, %dma_start3A_252] : memref<320000x128xf32, #tpu.memory_space<hbm>> -> memref<80x128xf32, #tpu.memory_space<hbm>>
      tpu.enqueue_dma source(%dma_start3A_253 : memref<80x128xf32, #tpu.memory_space<hbm>>) target(%arg18 : memref<80x128xf32, #tpu.memory_space<vmem>>) target_semaphore(%arg24 : memref<!tpu.dma_semaphore, #tpu.memory_space<semaphore_mem>>)
      %dma_start3A_254 = arith.constant 0 : i32
      %dma_start3A_255 = arith.constant 0 : i32
      %dma_start3A_256 = tpu.memref_slice %arg19[%dma_start3A_254, %dma_start3A_255] : memref<3x80xf32, #tpu.memory_space<vmem>> -> memref<1x80xf32, #tpu.memory_space<vmem>>
      %dma_start3A_257 = tpu.memref_squeeze %dma_start3A_256 : memref<1x80xf32, #tpu.memory_space<vmem>> -> memref<80xf32, #tpu.memory_space<vmem>>
      %dma_start3A_258 = tpu.memref_slice %arg3[%multiple_of3A_247] : memref<320000xf32, #tpu.memory_space<hbm>> -> memref<80xf32, #tpu.memory_space<hbm>>
      %dma_start3A_259 = arith.constant 0 : i32
      %dma_start3A_260 = tpu.memref_slice %arg19[%dma_start3A_254, %dma_start3A_259] : memref<3x80xf32, #tpu.memory_space<vmem>> -> memref<1x80xf32, #tpu.memory_space<vmem>>
      %dma_start3A_261 = tpu.memref_squeeze %dma_start3A_260 : memref<1x80xf32, #tpu.memory_space<vmem>> -> memref<80xf32, #tpu.memory_space<vmem>>
      %dma_start3A_262 = tpu.memref_slice %arg3[%multiple_of3A_247] : memref<320000xf32, #tpu.memory_space<hbm>> -> memref<80xf32, #tpu.memory_space<hbm>>
      tpu.enqueue_dma source(%dma_start3A_262 : memref<80xf32, #tpu.memory_space<hbm>>) target(%dma_start3A_261 : memref<80xf32, #tpu.memory_space<vmem>>) target_semaphore(%arg24 : memref<!tpu.dma_semaphore, #tpu.memory_space<semaphore_mem>>)
      %dma_start3A_263 = arith.constant 1 : i32
      %dma_start3A_264 = arith.constant 0 : i32
      %dma_start3A_265 = tpu.memref_slice %arg19[%dma_start3A_263, %dma_start3A_264] : memref<3x80xf32, #tpu.memory_space<vmem>> -> memref<1x80xf32, #tpu.memory_space<vmem>>
      %dma_start3A_266 = tpu.memref_squeeze %dma_start3A_265 : memref<1x80xf32, #tpu.memory_space<vmem>> -> memref<80xf32, #tpu.memory_space<vmem>>
      %dma_start3A_267 = tpu.memref_slice %arg4[%multiple_of3A_247] : memref<320000xf32, #tpu.memory_space<hbm>> -> memref<80xf32, #tpu.memory_space<hbm>>
      %dma_start3A_268 = arith.constant 0 : i32
      %dma_start3A_269 = tpu.memref_slice %arg19[%dma_start3A_263, %dma_start3A_268] : memref<3x80xf32, #tpu.memory_space<vmem>> -> memref<1x80xf32, #tpu.memory_space<vmem>>
      %dma_start3A_270 = tpu.memref_squeeze %dma_start3A_269 : memref<1x80xf32, #tpu.memory_space<vmem>> -> memref<80xf32, #tpu.memory_space<vmem>>
      %dma_start3A_271 = tpu.memref_slice %arg4[%multiple_of3A_247] : memref<320000xf32, #tpu.memory_space<hbm>> -> memref<80xf32, #tpu.memory_space<hbm>>
      tpu.enqueue_dma source(%dma_start3A_271 : memref<80xf32, #tpu.memory_space<hbm>>) target(%dma_start3A_270 : memref<80xf32, #tpu.memory_space<vmem>>) target_semaphore(%arg24 : memref<!tpu.dma_semaphore, #tpu.memory_space<semaphore_mem>>)
      %dma_start3A_272 = arith.constant 2 : i32
      %dma_start3A_273 = arith.constant 0 : i32
      %dma_start3A_274 = tpu.memref_slice %arg19[%dma_start3A_272, %dma_start3A_273] : memref<3x80xf32, #tpu.memory_space<vmem>> -> memref<1x80xf32, #tpu.memory_space<vmem>>
      %dma_start3A_275 = tpu.memref_squeeze %dma_start3A_274 : memref<1x80xf32, #tpu.memory_space<vmem>> -> memref<80xf32, #tpu.memory_space<vmem>>
      %dma_start3A_276 = tpu.memref_slice %arg5[%multiple_of3A_247] : memref<320000xf32, #tpu.memory_space<hbm>> -> memref<80xf32, #tpu.memory_space<hbm>>
      %dma_start3A_277 = arith.constant 0 : i32
      %dma_start3A_278 = tpu.memref_slice %arg19[%dma_start3A_272, %dma_start3A_277] : memref<3x80xf32, #tpu.memory_space<vmem>> -> memref<1x80xf32, #tpu.memory_space<vmem>>
      %dma_start3A_279 = tpu.memref_squeeze %dma_start3A_278 : memref<1x80xf32, #tpu.memory_space<vmem>> -> memref<80xf32, #tpu.memory_space<vmem>>
      %dma_start3A_280 = tpu.memref_slice %arg5[%multiple_of3A_247] : memref<320000xf32, #tpu.memory_space<hbm>> -> memref<80xf32, #tpu.memory_space<hbm>>
      tpu.enqueue_dma source(%dma_start3A_280 : memref<80xf32, #tpu.memory_space<hbm>>) target(%dma_start3A_279 : memref<80xf32, #tpu.memory_space<vmem>>) target_semaphore(%arg24 : memref<!tpu.dma_semaphore, #tpu.memory_space<semaphore_mem>>)
      %dma_wait3A_281 = arith.constant 0 : i32
      %dma_wait3A_282 = tpu.memref_slice %arg6[%dma_wait3A_281] : memref<320000xi32, #tpu.memory_space<hbm>> -> memref<80xi32, #tpu.memory_space<hbm>>
      %dma_wait3A_283 = arith.constant 0 : i32
      %dma_wait3A_284 = tpu.memref_slice %arg6[%dma_wait3A_283] : memref<320000xi32, #tpu.memory_space<hbm>> -> memref<80xi32, #tpu.memory_space<hbm>>
      tpu.wait_dma2 semaphore(%arg23 : memref<!tpu.dma_semaphore, #tpu.memory_space<semaphore_mem>>) src(%dma_wait3A_284 : memref<80xi32, #tpu.memory_space<hbm>>) dst(%arg13 : memref<80xi32, #tpu.memory_space<vmem>>)
      %dma_wait3A_285 = arith.constant 0 : i32
      %dma_wait3A_286 = arith.constant 0 : i32
      %dma_wait3A_287 = tpu.memref_slice %arg2[%dma_wait3A_285, %dma_wait3A_286] : memref<320000x128xf32, #tpu.memory_space<hbm>> -> memref<80x128xf32, #tpu.memory_space<hbm>>
      %dma_wait3A_288 = arith.constant 0 : i32
      %dma_wait3A_289 = arith.constant 0 : i32
      %dma_wait3A_290 = tpu.memref_slice %arg2[%dma_wait3A_288, %dma_wait3A_289] : memref<320000x128xf32, #tpu.memory_space<hbm>> -> memref<80x128xf32, #tpu.memory_space<hbm>>
      tpu.wait_dma2 semaphore(%arg23 : memref<!tpu.dma_semaphore, #tpu.memory_space<semaphore_mem>>) src(%dma_wait3A_290 : memref<80x128xf32, #tpu.memory_space<hbm>>) dst(%arg14 : memref<80x128xf32, #tpu.memory_space<vmem>>)
      %dma_wait3A_291 = arith.constant 0 : i32
      %dma_wait3A_292 = arith.constant 0 : i32
      %dma_wait3A_293 = tpu.memref_slice %arg15[%dma_wait3A_291, %dma_wait3A_292] : memref<3x80xf32, #tpu.memory_space<vmem>> -> memref<1x80xf32, #tpu.memory_space<vmem>>
      %dma_wait3A_294 = tpu.memref_squeeze %dma_wait3A_293 : memref<1x80xf32, #tpu.memory_space<vmem>> -> memref<80xf32, #tpu.memory_space<vmem>>
      %dma_wait3A_295 = arith.constant 0 : i32
      %dma_wait3A_296 = tpu.memref_slice %arg3[%dma_wait3A_295] : memref<320000xf32, #tpu.memory_space<hbm>> -> memref<80xf32, #tpu.memory_space<hbm>>
      %dma_wait3A_297 = arith.constant 0 : i32
      %dma_wait3A_298 = tpu.memref_slice %arg15[%dma_wait3A_291, %dma_wait3A_297] : memref<3x80xf32, #tpu.memory_space<vmem>> -> memref<1x80xf32, #tpu.memory_space<vmem>>
      %dma_wait3A_299 = tpu.memref_squeeze %dma_wait3A_298 : memref<1x80xf32, #tpu.memory_space<vmem>> -> memref<80xf32, #tpu.memory_space<vmem>>
      %dma_wait3A_300 = arith.constant 0 : i32
      %dma_wait3A_301 = tpu.memref_slice %arg3[%dma_wait3A_300] : memref<320000xf32, #tpu.memory_space<hbm>> -> memref<80xf32, #tpu.memory_space<hbm>>
      tpu.wait_dma2 semaphore(%arg23 : memref<!tpu.dma_semaphore, #tpu.memory_space<semaphore_mem>>) src(%dma_wait3A_301 : memref<80xf32, #tpu.memory_space<hbm>>) dst(%dma_wait3A_299 : memref<80xf32, #tpu.memory_space<vmem>>)
      %dma_wait3A_302 = arith.constant 1 : i32
      %dma_wait3A_303 = arith.constant 0 : i32
      %dma_wait3A_304 = tpu.memref_slice %arg15[%dma_wait3A_302, %dma_wait3A_303] : memref<3x80xf32, #tpu.memory_space<vmem>> -> memref<1x80xf32, #tpu.memory_space<vmem>>
      %dma_wait3A_305 = tpu.memref_squeeze %dma_wait3A_304 : memref<1x80xf32, #tpu.memory_space<vmem>> -> memref<80xf32, #tpu.memory_space<vmem>>
      %dma_wait3A_306 = arith.constant 0 : i32
      %dma_wait3A_307 = tpu.memref_slice %arg3[%dma_wait3A_306] : memref<320000xf32, #tpu.memory_space<hbm>> -> memref<80xf32, #tpu.memory_space<hbm>>
      %dma_wait3A_308 = arith.constant 0 : i32
      %dma_wait3A_309 = tpu.memref_slice %arg15[%dma_wait3A_302, %dma_wait3A_308] : memref<3x80xf32, #tpu.memory_space<vmem>> -> memref<1x80xf32, #tpu.memory_space<vmem>>
      %dma_wait3A_310 = tpu.memref_squeeze %dma_wait3A_309 : memref<1x80xf32, #tpu.memory_space<vmem>> -> memref<80xf32, #tpu.memory_space<vmem>>
      %dma_wait3A_311 = arith.constant 0 : i32
      %dma_wait3A_312 = tpu.memref_slice %arg3[%dma_wait3A_311] : memref<320000xf32, #tpu.memory_space<hbm>> -> memref<80xf32, #tpu.memory_space<hbm>>
      tpu.wait_dma2 semaphore(%arg23 : memref<!tpu.dma_semaphore, #tpu.memory_space<semaphore_mem>>) src(%dma_wait3A_312 : memref<80xf32, #tpu.memory_space<hbm>>) dst(%dma_wait3A_310 : memref<80xf32, #tpu.memory_space<vmem>>)
      %dma_wait3A_313 = arith.constant 2 : i32
      %dma_wait3A_314 = arith.constant 0 : i32
      %dma_wait3A_315 = tpu.memref_slice %arg15[%dma_wait3A_313, %dma_wait3A_314] : memref<3x80xf32, #tpu.memory_space<vmem>> -> memref<1x80xf32, #tpu.memory_space<vmem>>
      %dma_wait3A_316 = tpu.memref_squeeze %dma_wait3A_315 : memref<1x80xf32, #tpu.memory_space<vmem>> -> memref<80xf32, #tpu.memory_space<vmem>>
      %dma_wait3A_317 = arith.constant 0 : i32
      %dma_wait3A_318 = tpu.memref_slice %arg3[%dma_wait3A_317] : memref<320000xf32, #tpu.memory_space<hbm>> -> memref<80xf32, #tpu.memory_space<hbm>>
      %dma_wait3A_319 = arith.constant 0 : i32
      %dma_wait3A_320 = tpu.memref_slice %arg15[%dma_wait3A_313, %dma_wait3A_319] : memref<3x80xf32, #tpu.memory_space<vmem>> -> memref<1x80xf32, #tpu.memory_space<vmem>>
      %dma_wait3A_321 = tpu.memref_squeeze %dma_wait3A_320 : memref<1x80xf32, #tpu.memory_space<vmem>> -> memref<80xf32, #tpu.memory_space<vmem>>
      %dma_wait3A_322 = arith.constant 0 : i32
      %dma_wait3A_323 = tpu.memref_slice %arg3[%dma_wait3A_322] : memref<320000xf32, #tpu.memory_space<hbm>> -> memref<80xf32, #tpu.memory_space<hbm>>
      tpu.wait_dma2 semaphore(%arg23 : memref<!tpu.dma_semaphore, #tpu.memory_space<semaphore_mem>>) src(%dma_wait3A_323 : memref<80xf32, #tpu.memory_space<hbm>>) dst(%dma_wait3A_321 : memref<80xf32, #tpu.memory_space<vmem>>)
      %scan3A_324 = arith.constant 0 : i32
      %scan3A_325 = arith.constant 0 : i32
      %scan3A_326 = arith.constant 5 : i32
      %scan3A_327 = arith.addi %scan3A_325, %scan3A_326 : i32
      %scan3A_328 = arith.constant 1 : i32
      scf.for %scan3A_519 = %scan3A_325 to %scan3A_327 step %scan3A_328  : i32 {
        %mul3A_520 = arith.constant 16 : i32
        %mul3A_521 = arith.muli %scan3A_519, %mul3A_520 : i32
        %multiple_of3A_522 = tpu.assume_multiple %mul3A_521, 16 : i32
        %get3A = arith.index_cast %multiple_of3A_522 : i32 to index
        %get3A_523 = tpu.vector_load %arg13[%get3A] {strides = array<i32>} : memref<80xi32, #tpu.memory_space<vmem>>, vector<16xi32>,
        %mul3A_524 = arith.constant 4 : i32
        %mul3A_525 = vector.broadcast %mul3A_524 : i32 to vector<16xi32>
        %mul3A_526 = arith.muli %get3A_523, %mul3A_525 : vector<16xi32>
        %add3A_527 = arith.constant 0 : i32
        %add3A_528 = vector.broadcast %add3A_527 : i32 to vector<16xi32>
        %add3A_529 = arith.addi %mul3A_526, %add3A_528 : vector<16xi32>
        %swap3A = arith.constant 0 : i32
        %swap3A_530 = arith.index_cast %swap3A : i32 to index
        %swap3A_531 = arith.index_cast %multiple_of3A_522 : i32 to index
        %swap3A_532 = tpu.vector_load %arg16[%swap3A_530, %swap3A_531] {strides = array<i32>} : memref<3x80xi32, #tpu.memory_space<vmem>>, vector<16xi32>,
        tpu.vector_store %arg16[%swap3A_530, %swap3A_531], %add3A_529 {strides = array<i32>} : memref<3x80xi32, #tpu.memory_space<vmem>>, vector<16xi32>,
        %mul3A_533 = arith.constant 4 : i32
        %mul3A_534 = vector.broadcast %mul3A_533 : i32 to vector<16xi32>
        %mul3A_535 = arith.muli %get3A_523, %mul3A_534 : vector<16xi32>
        %add3A_536 = arith.constant 1 : i32
        %add3A_537 = vector.broadcast %add3A_536 : i32 to vector<16xi32>
        %add3A_538 = arith.addi %mul3A_535, %add3A_537 : vector<16xi32>
        %swap3A_539 = arith.constant 1 : i32
        %swap3A_540 = arith.index_cast %swap3A_539 : i32 to index
        %swap3A_541 = arith.index_cast %multiple_of3A_522 : i32 to index
        %swap3A_542 = tpu.vector_load %arg16[%swap3A_540, %swap3A_541] {strides = array<i32>} : memref<3x80xi32, #tpu.memory_space<vmem>>, vector<16xi32>,
        tpu.vector_store %arg16[%swap3A_540, %swap3A_541], %add3A_538 {strides = array<i32>} : memref<3x80xi32, #tpu.memory_space<vmem>>, vector<16xi32>,
        %mul3A_543 = arith.constant 4 : i32
        %mul3A_544 = vector.broadcast %mul3A_543 : i32 to vector<16xi32>
        %mul3A_545 = arith.muli %get3A_523, %mul3A_544 : vector<16xi32>
        %add3A_546 = arith.constant 2 : i32
        %add3A_547 = vector.broadcast %add3A_546 : i32 to vector<16xi32>
        %add3A_548 = arith.addi %mul3A_545, %add3A_547 : vector<16xi32>
        %swap3A_549 = arith.constant 2 : i32
        %swap3A_550 = arith.index_cast %swap3A_549 : i32 to index
        %swap3A_551 = arith.index_cast %multiple_of3A_522 : i32 to index
        %swap3A_552 = tpu.vector_load %arg16[%swap3A_550, %swap3A_551] {strides = array<i32>} : memref<3x80xi32, #tpu.memory_space<vmem>>, vector<16xi32>,
        tpu.vector_store %arg16[%swap3A_550, %swap3A_551], %add3A_548 {strides = array<i32>} : memref<3x80xi32, #tpu.memory_space<vmem>>, vector<16xi32>,
      }
      %scan3A_329 = arith.constant 5 : i32
      %dma_start3A_330 = arith.constant 0 : i32
      %dma_start3A_331 = arith.constant 0 : i32
      %dma_start3A_332 = tpu.memref_slice %arg11[%dma_start3A_330, %dma_start3A_331] : memref<10240x128xf32, #tpu.memory_space<vmem_shared>> -> memref<10240x128xf32, #tpu.memory_space<vmem_shared>>
      tpu.enqueue_indirect_dma source(%arg14 : memref<80x128xf32, #tpu.memory_space<vmem>>) target(%dma_start3A_332 : memref<10240x128xf32, #tpu.memory_space<vmem_shared>>) offsets(%arg13 : memref<80xi32, #tpu.memory_space<vmem>>) semaphore(%arg25 : memref<!tpu.dma_semaphore, #tpu.memory_space<semaphore_mem>>) {add = true}
      %dma_start3A_333 = arith.constant 0 : i32
      %dma_start3A_334 = arith.constant 0 : i32
      %dma_start3A_335 = arith.constant 0 : i32
      %dma_start3A_336 = tpu.memref_slice %arg15[%dma_start3A_333, %dma_start3A_335] : memref<3x80xf32, #tpu.memory_space<vmem>> -> memref<1x80xf32, #tpu.memory_space<vmem>>
      %dma_start3A_337 = tpu.memref_squeeze %dma_start3A_336 : memref<1x80xf32, #tpu.memory_space<vmem>> -> memref<80xf32, #tpu.memory_space<vmem>>
      %dma_start3A_338 = arith.constant 0 : i32
      %dma_start3A_339 = tpu.memref_slice %arg16[%dma_start3A_334, %dma_start3A_338] : memref<3x80xi32, #tpu.memory_space<vmem>> -> memref<1x80xi32, #tpu.memory_space<vmem>>
      %dma_start3A_340 = tpu.memref_squeeze %dma_start3A_339 : memref<1x80xi32, #tpu.memory_space<vmem>> -> memref<80xi32, #tpu.memory_space<vmem>>
      %dma_start3A_341 = arith.constant 0 : i32
      %dma_start3A_342 = tpu.memref_slice %arg12[%dma_start3A_341] : memref<40960xf32, #tpu.memory_space<vmem_shared>> -> memref<40960xf32, #tpu.memory_space<vmem_shared>>
      tpu.enqueue_indirect_dma source(%dma_start3A_337 : memref<80xf32, #tpu.memory_space<vmem>>) target(%dma_start3A_342 : memref<40960xf32, #tpu.memory_space<vmem_shared>>) offsets(%dma_start3A_340 : memref<80xi32, #tpu.memory_space<vmem>>) semaphore(%arg25 : memref<!tpu.dma_semaphore, #tpu.memory_space<semaphore_mem>>) {add = true}
      %dma_start3A_343 = arith.constant 1 : i32
      %dma_start3A_344 = arith.constant 1 : i32
      %dma_start3A_345 = arith.constant 0 : i32
      %dma_start3A_346 = tpu.memref_slice %arg15[%dma_start3A_343, %dma_start3A_345] : memref<3x80xf32, #tpu.memory_space<vmem>> -> memref<1x80xf32, #tpu.memory_space<vmem>>
      %dma_start3A_347 = tpu.memref_squeeze %dma_start3A_346 : memref<1x80xf32, #tpu.memory_space<vmem>> -> memref<80xf32, #tpu.memory_space<vmem>>
      %dma_start3A_348 = arith.constant 0 : i32
      %dma_start3A_349 = tpu.memref_slice %arg16[%dma_start3A_344, %dma_start3A_348] : memref<3x80xi32, #tpu.memory_space<vmem>> -> memref<1x80xi32, #tpu.memory_space<vmem>>
      %dma_start3A_350 = tpu.memref_squeeze %dma_start3A_349 : memref<1x80xi32, #tpu.memory_space<vmem>> -> memref<80xi32, #tpu.memory_space<vmem>>
      %dma_start3A_351 = arith.constant 0 : i32
      %dma_start3A_352 = tpu.memref_slice %arg12[%dma_start3A_351] : memref<40960xf32, #tpu.memory_space<vmem_shared>> -> memref<40960xf32, #tpu.memory_space<vmem_shared>>
      tpu.enqueue_indirect_dma source(%dma_start3A_347 : memref<80xf32, #tpu.memory_space<vmem>>) target(%dma_start3A_352 : memref<40960xf32, #tpu.memory_space<vmem_shared>>) offsets(%dma_start3A_350 : memref<80xi32, #tpu.memory_space<vmem>>) semaphore(%arg25 : memref<!tpu.dma_semaphore, #tpu.memory_space<semaphore_mem>>) {add = true}
      %dma_start3A_353 = arith.constant 2 : i32
      %dma_start3A_354 = arith.constant 2 : i32
      %dma_start3A_355 = arith.constant 0 : i32
      %dma_start3A_356 = tpu.memref_slice %arg15[%dma_start3A_353, %dma_start3A_355] : memref<3x80xf32, #tpu.memory_space<vmem>> -> memref<1x80xf32, #tpu.memory_space<vmem>>
      %dma_start3A_357 = tpu.memref_squeeze %dma_start3A_356 : memref<1x80xf32, #tpu.memory_space<vmem>> -> memref<80xf32, #tpu.memory_space<vmem>>
      %dma_start3A_358 = arith.constant 0 : i32
      %dma_start3A_359 = tpu.memref_slice %arg16[%dma_start3A_354, %dma_start3A_358] : memref<3x80xi32, #tpu.memory_space<vmem>> -> memref<1x80xi32, #tpu.memory_space<vmem>>
      %dma_start3A_360 = tpu.memref_squeeze %dma_start3A_359 : memref<1x80xi32, #tpu.memory_space<vmem>> -> memref<80xi32, #tpu.memory_space<vmem>>
      %dma_start3A_361 = arith.constant 0 : i32
      %dma_start3A_362 = tpu.memref_slice %arg12[%dma_start3A_361] : memref<40960xf32, #tpu.memory_space<vmem_shared>> -> memref<40960xf32, #tpu.memory_space<vmem_shared>>
      tpu.enqueue_indirect_dma source(%dma_start3A_357 : memref<80xf32, #tpu.memory_space<vmem>>) target(%dma_start3A_362 : memref<40960xf32, #tpu.memory_space<vmem_shared>>) offsets(%dma_start3A_360 : memref<80xi32, #tpu.memory_space<vmem>>) semaphore(%arg25 : memref<!tpu.dma_semaphore, #tpu.memory_space<semaphore_mem>>) {add = true}
      %dma_wait3A_363 = arith.constant 0 : i32
      %dma_wait3A_364 = arith.constant 0 : i32
      %dma_wait3A_365 = tpu.memref_slice %arg11[%dma_wait3A_363, %dma_wait3A_364] : memref<10240x128xf32, #tpu.memory_space<vmem_shared>> -> memref<10240x128xf32, #tpu.memory_space<vmem_shared>>
      tpu.wait_indirect_dma semaphore(%arg25 : memref<!tpu.dma_semaphore, #tpu.memory_space<semaphore_mem>>) src(%arg14 : memref<80x128xf32, #tpu.memory_space<vmem>>) dst(%dma_wait3A_365 : memref<10240x128xf32, #tpu.memory_space<vmem_shared>>)
      %dma_wait3A_366 = arith.constant 0 : i32
      %dma_wait3A_367 = arith.constant 0 : i32
      %dma_wait3A_368 = arith.constant 0 : i32
      %dma_wait3A_369 = tpu.memref_slice %arg15[%dma_wait3A_366, %dma_wait3A_368] : memref<3x80xf32, #tpu.memory_space<vmem>> -> memref<1x80xf32, #tpu.memory_space<vmem>>
      %dma_wait3A_370 = tpu.memref_squeeze %dma_wait3A_369 : memref<1x80xf32, #tpu.memory_space<vmem>> -> memref<80xf32, #tpu.memory_space<vmem>>
      %dma_wait3A_371 = arith.constant 0 : i32
      %dma_wait3A_372 = tpu.memref_slice %arg16[%dma_wait3A_367, %dma_wait3A_371] : memref<3x80xi32, #tpu.memory_space<vmem>> -> memref<1x80xi32, #tpu.memory_space<vmem>>
      %dma_wait3A_373 = tpu.memref_squeeze %dma_wait3A_372 : memref<1x80xi32, #tpu.memory_space<vmem>> -> memref<80xi32, #tpu.memory_space<vmem>>
      %dma_wait3A_374 = arith.constant 0 : i32
      %dma_wait3A_375 = tpu.memref_slice %arg12[%dma_wait3A_374] : memref<40960xf32, #tpu.memory_space<vmem_shared>> -> memref<40960xf32, #tpu.memory_space<vmem_shared>>
      tpu.wait_indirect_dma semaphore(%arg25 : memref<!tpu.dma_semaphore, #tpu.memory_space<semaphore_mem>>) src(%dma_wait3A_370 : memref<80xf32, #tpu.memory_space<vmem>>) dst(%dma_wait3A_375 : memref<40960xf32, #tpu.memory_space<vmem_shared>>)
      %dma_wait3A_376 = arith.constant 1 : i32
      %dma_wait3A_377 = arith.constant 1 : i32
      %dma_wait3A_378 = arith.constant 0 : i32
      %dma_wait3A_379 = tpu.memref_slice %arg15[%dma_wait3A_376, %dma_wait3A_378] : memref<3x80xf32, #tpu.memory_space<vmem>> -> memref<1x80xf32, #tpu.memory_space<vmem>>
      %dma_wait3A_380 = tpu.memref_squeeze %dma_wait3A_379 : memref<1x80xf32, #tpu.memory_space<vmem>> -> memref<80xf32, #tpu.memory_space<vmem>>
      %dma_wait3A_381 = arith.constant 0 : i32
      %dma_wait3A_382 = tpu.memref_slice %arg16[%dma_wait3A_377, %dma_wait3A_381] : memref<3x80xi32, #tpu.memory_space<vmem>> -> memref<1x80xi32, #tpu.memory_space<vmem>>
      %dma_wait3A_383 = tpu.memref_squeeze %dma_wait3A_382 : memref<1x80xi32, #tpu.memory_space<vmem>> -> memref<80xi32, #tpu.memory_space<vmem>>
      %dma_wait3A_384 = arith.constant 0 : i32
      %dma_wait3A_385 = tpu.memref_slice %arg12[%dma_wait3A_384] : memref<40960xf32, #tpu.memory_space<vmem_shared>> -> memref<40960xf32, #tpu.memory_space<vmem_shared>>
      tpu.wait_indirect_dma semaphore(%arg25 : memref<!tpu.dma_semaphore, #tpu.memory_space<semaphore_mem>>) src(%dma_wait3A_380 : memref<80xf32, #tpu.memory_space<vmem>>) dst(%dma_wait3A_385 : memref<40960xf32, #tpu.memory_space<vmem_shared>>)
      %dma_wait3A_386 = arith.constant 2 : i32
      %dma_wait3A_387 = arith.constant 2 : i32
      %dma_wait3A_388 = arith.constant 0 : i32
      %dma_wait3A_389 = tpu.memref_slice %arg15[%dma_wait3A_386, %dma_wait3A_388] : memref<3x80xf32, #tpu.memory_space<vmem>> -> memref<1x80xf32, #tpu.memory_space<vmem>>
      %dma_wait3A_390 = tpu.memref_squeeze %dma_wait3A_389 : memref<1x80xf32, #tpu.memory_space<vmem>> -> memref<80xf32, #tpu.memory_space<vmem>>
      %dma_wait3A_391 = arith.constant 0 : i32
      %dma_wait3A_392 = tpu.memref_slice %arg16[%dma_wait3A_387, %dma_wait3A_391] : memref<3x80xi32, #tpu.memory_space<vmem>> -> memref<1x80xi32, #tpu.memory_space<vmem>>
      %dma_wait3A_393 = tpu.memref_squeeze %dma_wait3A_392 : memref<1x80xi32, #tpu.memory_space<vmem>> -> memref<80xi32, #tpu.memory_space<vmem>>
      %dma_wait3A_394 = arith.constant 0 : i32
      %dma_wait3A_395 = tpu.memref_slice %arg12[%dma_wait3A_394] : memref<40960xf32, #tpu.memory_space<vmem_shared>> -> memref<40960xf32, #tpu.memory_space<vmem_shared>>
      tpu.wait_indirect_dma semaphore(%arg25 : memref<!tpu.dma_semaphore, #tpu.memory_space<semaphore_mem>>) src(%dma_wait3A_390 : memref<80xf32, #tpu.memory_space<vmem>>) dst(%dma_wait3A_395 : memref<40960xf32, #tpu.memory_space<vmem_shared>>)
      %mul3A_396 = arith.constant 2 : i32
      %mul3A_397 = arith.muli %mul3A_396, %scan3A_237 : i32
      %add3A_398 = arith.constant 2 : i32
      %add3A_399 = arith.addi %mul3A_397, %add3A_398 : i32
      %mul3A_400 = arith.constant 80 : i32
      %mul3A_401 = arith.muli %add3A_399, %mul3A_400 : i32
      %add3A_402 = arith.addi %multiple_of3A, %mul3A_401 : i32
      %multiple_of3A_403 = tpu.assume_multiple %add3A_402, 8 : i32
      %dma_start3A_404 = tpu.memref_slice %arg6[%multiple_of3A_403] : memref<320000xi32, #tpu.memory_space<hbm>> -> memref<80xi32, #tpu.memory_space<hbm>>
      %dma_start3A_405 = tpu.memref_slice %arg6[%multiple_of3A_403] : memref<320000xi32, #tpu.memory_space<hbm>> -> memref<80xi32, #tpu.memory_space<hbm>>
      tpu.enqueue_dma source(%dma_start3A_405 : memref<80xi32, #tpu.memory_space<hbm>>) target(%arg13 : memref<80xi32, #tpu.memory_space<vmem>>) target_semaphore(%arg23 : memref<!tpu.dma_semaphore, #tpu.memory_space<semaphore_mem>>)
      %dma_start3A_406 = arith.constant 0 : i32
      %dma_start3A_407 = tpu.memref_slice %arg2[%multiple_of3A_403, %dma_start3A_406] : memref<320000x128xf32, #tpu.memory_space<hbm>> -> memref<80x128xf32, #tpu.memory_space<hbm>>
      %dma_start3A_408 = arith.constant 0 : i32
      %dma_start3A_409 = tpu.memref_slice %arg2[%multiple_of3A_403, %dma_start3A_408] : memref<320000x128xf32, #tpu.memory_space<hbm>> -> memref<80x128xf32, #tpu.memory_space<hbm>>
      tpu.enqueue_dma source(%dma_start3A_409 : memref<80x128xf32, #tpu.memory_space<hbm>>) target(%arg14 : memref<80x128xf32, #tpu.memory_space<vmem>>) target_semaphore(%arg23 : memref<!tpu.dma_semaphore, #tpu.memory_space<semaphore_mem>>)
      %dma_start3A_410 = arith.constant 0 : i32
      %dma_start3A_411 = arith.constant 0 : i32
      %dma_start3A_412 = tpu.memref_slice %arg15[%dma_start3A_410, %dma_start3A_411] : memref<3x80xf32, #tpu.memory_space<vmem>> -> memref<1x80xf32, #tpu.memory_space<vmem>>
      %dma_start3A_413 = tpu.memref_squeeze %dma_start3A_412 : memref<1x80xf32, #tpu.memory_space<vmem>> -> memref<80xf32, #tpu.memory_space<vmem>>
      %dma_start3A_414 = tpu.memref_slice %arg3[%multiple_of3A_403] : memref<320000xf32, #tpu.memory_space<hbm>> -> memref<80xf32, #tpu.memory_space<hbm>>
      %dma_start3A_415 = arith.constant 0 : i32
      %dma_start3A_416 = tpu.memref_slice %arg15[%dma_start3A_410, %dma_start3A_415] : memref<3x80xf32, #tpu.memory_space<vmem>> -> memref<1x80xf32, #tpu.memory_space<vmem>>
      %dma_start3A_417 = tpu.memref_squeeze %dma_start3A_416 : memref<1x80xf32, #tpu.memory_space<vmem>> -> memref<80xf32, #tpu.memory_space<vmem>>
      %dma_start3A_418 = tpu.memref_slice %arg3[%multiple_of3A_403] : memref<320000xf32, #tpu.memory_space<hbm>> -> memref<80xf32, #tpu.memory_space<hbm>>
      tpu.enqueue_dma source(%dma_start3A_418 : memref<80xf32, #tpu.memory_space<hbm>>) target(%dma_start3A_417 : memref<80xf32, #tpu.memory_space<vmem>>) target_semaphore(%arg23 : memref<!tpu.dma_semaphore, #tpu.memory_space<semaphore_mem>>)
      %dma_start3A_419 = arith.constant 1 : i32
      %dma_start3A_420 = arith.constant 0 : i32
      %dma_start3A_421 = tpu.memref_slice %arg15[%dma_start3A_419, %dma_start3A_420] : memref<3x80xf32, #tpu.memory_space<vmem>> -> memref<1x80xf32, #tpu.memory_space<vmem>>
      %dma_start3A_422 = tpu.memref_squeeze %dma_start3A_421 : memref<1x80xf32, #tpu.memory_space<vmem>> -> memref<80xf32, #tpu.memory_space<vmem>>
      %dma_start3A_423 = tpu.memref_slice %arg4[%multiple_of3A_403] : memref<320000xf32, #tpu.memory_space<hbm>> -> memref<80xf32, #tpu.memory_space<hbm>>
      %dma_start3A_424 = arith.constant 0 : i32
      %dma_start3A_425 = tpu.memref_slice %arg15[%dma_start3A_419, %dma_start3A_424] : memref<3x80xf32, #tpu.memory_space<vmem>> -> memref<1x80xf32, #tpu.memory_space<vmem>>
      %dma_start3A_426 = tpu.memref_squeeze %dma_start3A_425 : memref<1x80xf32, #tpu.memory_space<vmem>> -> memref<80xf32, #tpu.memory_space<vmem>>
      %dma_start3A_427 = tpu.memref_slice %arg4[%multiple_of3A_403] : memref<320000xf32, #tpu.memory_space<hbm>> -> memref<80xf32, #tpu.memory_space<hbm>>
      tpu.enqueue_dma source(%dma_start3A_427 : memref<80xf32, #tpu.memory_space<hbm>>) target(%dma_start3A_426 : memref<80xf32, #tpu.memory_space<vmem>>) target_semaphore(%arg23 : memref<!tpu.dma_semaphore, #tpu.memory_space<semaphore_mem>>)
      %dma_start3A_428 = arith.constant 2 : i32
      %dma_start3A_429 = arith.constant 0 : i32
      %dma_start3A_430 = tpu.memref_slice %arg15[%dma_start3A_428, %dma_start3A_429] : memref<3x80xf32, #tpu.memory_space<vmem>> -> memref<1x80xf32, #tpu.memory_space<vmem>>
      %dma_start3A_431 = tpu.memref_squeeze %dma_start3A_430 : memref<1x80xf32, #tpu.memory_space<vmem>> -> memref<80xf32, #tpu.memory_space<vmem>>
      %dma_start3A_432 = tpu.memref_slice %arg5[%multiple_of3A_403] : memref<320000xf32, #tpu.memory_space<hbm>> -> memref<80xf32, #tpu.memory_space<hbm>>
      %dma_start3A_433 = arith.constant 0 : i32
      %dma_start3A_434 = tpu.memref_slice %arg15[%dma_start3A_428, %dma_start3A_433] : memref<3x80xf32, #tpu.memory_space<vmem>> -> memref<1x80xf32, #tpu.memory_space<vmem>>
      %dma_start3A_435 = tpu.memref_squeeze %dma_start3A_434 : memref<1x80xf32, #tpu.memory_space<vmem>> -> memref<80xf32, #tpu.memory_space<vmem>>
      %dma_start3A_436 = tpu.memref_slice %arg5[%multiple_of3A_403] : memref<320000xf32, #tpu.memory_space<hbm>> -> memref<80xf32, #tpu.memory_space<hbm>>
      tpu.enqueue_dma source(%dma_start3A_436 : memref<80xf32, #tpu.memory_space<hbm>>) target(%dma_start3A_435 : memref<80xf32, #tpu.memory_space<vmem>>) target_semaphore(%arg23 : memref<!tpu.dma_semaphore, #tpu.memory_space<semaphore_mem>>)
      %dma_wait3A_437 = arith.constant 0 : i32
      %dma_wait3A_438 = tpu.memref_slice %arg6[%dma_wait3A_437] : memref<320000xi32, #tpu.memory_space<hbm>> -> memref<80xi32, #tpu.memory_space<hbm>>
      %dma_wait3A_439 = arith.constant 0 : i32
      %dma_wait3A_440 = tpu.memref_slice %arg6[%dma_wait3A_439] : memref<320000xi32, #tpu.memory_space<hbm>> -> memref<80xi32, #tpu.memory_space<hbm>>
      tpu.wait_dma2 semaphore(%arg24 : memref<!tpu.dma_semaphore, #tpu.memory_space<semaphore_mem>>) src(%dma_wait3A_440 : memref<80xi32, #tpu.memory_space<hbm>>) dst(%arg17 : memref<80xi32, #tpu.memory_space<vmem>>)
      %dma_wait3A_441 = arith.constant 0 : i32
      %dma_wait3A_442 = arith.constant 0 : i32
      %dma_wait3A_443 = tpu.memref_slice %arg2[%dma_wait3A_441, %dma_wait3A_442] : memref<320000x128xf32, #tpu.memory_space<hbm>> -> memref<80x128xf32, #tpu.memory_space<hbm>>
      %dma_wait3A_444 = arith.constant 0 : i32
      %dma_wait3A_445 = arith.constant 0 : i32
      %dma_wait3A_446 = tpu.memref_slice %arg2[%dma_wait3A_444, %dma_wait3A_445] : memref<320000x128xf32, #tpu.memory_space<hbm>> -> memref<80x128xf32, #tpu.memory_space<hbm>>
      tpu.wait_dma2 semaphore(%arg24 : memref<!tpu.dma_semaphore, #tpu.memory_space<semaphore_mem>>) src(%dma_wait3A_446 : memref<80x128xf32, #tpu.memory_space<hbm>>) dst(%arg18 : memref<80x128xf32, #tpu.memory_space<vmem>>)
      %dma_wait3A_447 = arith.constant 0 : i32
      %dma_wait3A_448 = arith.constant 0 : i32
      %dma_wait3A_449 = tpu.memref_slice %arg19[%dma_wait3A_447, %dma_wait3A_448] : memref<3x80xf32, #tpu.memory_space<vmem>> -> memref<1x80xf32, #tpu.memory_space<vmem>>
      %dma_wait3A_450 = tpu.memref_squeeze %dma_wait3A_449 : memref<1x80xf32, #tpu.memory_space<vmem>> -> memref<80xf32, #tpu.memory_space<vmem>>
      %dma_wait3A_451 = arith.constant 0 : i32
      %dma_wait3A_452 = tpu.memref_slice %arg3[%dma_wait3A_451] : memref<320000xf32, #tpu.memory_space<hbm>> -> memref<80xf32, #tpu.memory_space<hbm>>
      %dma_wait3A_453 = arith.constant 0 : i32
      %dma_wait3A_454 = tpu.memref_slice %arg19[%dma_wait3A_447, %dma_wait3A_453] : memref<3x80xf32, #tpu.memory_space<vmem>> -> memref<1x80xf32, #tpu.memory_space<vmem>>
      %dma_wait3A_455 = tpu.memref_squeeze %dma_wait3A_454 : memref<1x80xf32, #tpu.memory_space<vmem>> -> memref<80xf32, #tpu.memory_space<vmem>>
      %dma_wait3A_456 = arith.constant 0 : i32
      %dma_wait3A_457 = tpu.memref_slice %arg3[%dma_wait3A_456] : memref<320000xf32, #tpu.memory_space<hbm>> -> memref<80xf32, #tpu.memory_space<hbm>>
      tpu.wait_dma2 semaphore(%arg24 : memref<!tpu.dma_semaphore, #tpu.memory_space<semaphore_mem>>) src(%dma_wait3A_457 : memref<80xf32, #tpu.memory_space<hbm>>) dst(%dma_wait3A_455 : memref<80xf32, #tpu.memory_space<vmem>>)
      %dma_wait3A_458 = arith.constant 1 : i32
      %dma_wait3A_459 = arith.constant 0 : i32
      %dma_wait3A_460 = tpu.memref_slice %arg19[%dma_wait3A_458, %dma_wait3A_459] : memref<3x80xf32, #tpu.memory_space<vmem>> -> memref<1x80xf32, #tpu.memory_space<vmem>>
      %dma_wait3A_461 = tpu.memref_squeeze %dma_wait3A_460 : memref<1x80xf32, #tpu.memory_space<vmem>> -> memref<80xf32, #tpu.memory_space<vmem>>
      %dma_wait3A_462 = arith.constant 0 : i32
      %dma_wait3A_463 = tpu.memref_slice %arg3[%dma_wait3A_462] : memref<320000xf32, #tpu.memory_space<hbm>> -> memref<80xf32, #tpu.memory_space<hbm>>
      %dma_wait3A_464 = arith.constant 0 : i32
      %dma_wait3A_465 = tpu.memref_slice %arg19[%dma_wait3A_458, %dma_wait3A_464] : memref<3x80xf32, #tpu.memory_space<vmem>> -> memref<1x80xf32, #tpu.memory_space<vmem>>
      %dma_wait3A_466 = tpu.memref_squeeze %dma_wait3A_465 : memref<1x80xf32, #tpu.memory_space<vmem>> -> memref<80xf32, #tpu.memory_space<vmem>>
      %dma_wait3A_467 = arith.constant 0 : i32
      %dma_wait3A_468 = tpu.memref_slice %arg3[%dma_wait3A_467] : memref<320000xf32, #tpu.memory_space<hbm>> -> memref<80xf32, #tpu.memory_space<hbm>>
      tpu.wait_dma2 semaphore(%arg24 : memref<!tpu.dma_semaphore, #tpu.memory_space<semaphore_mem>>) src(%dma_wait3A_468 : memref<80xf32, #tpu.memory_space<hbm>>) dst(%dma_wait3A_466 : memref<80xf32, #tpu.memory_space<vmem>>)
      %dma_wait3A_469 = arith.constant 2 : i32
      %dma_wait3A_470 = arith.constant 0 : i32
      %dma_wait3A_471 = tpu.memref_slice %arg19[%dma_wait3A_469, %dma_wait3A_470] : memref<3x80xf32, #tpu.memory_space<vmem>> -> memref<1x80xf32, #tpu.memory_space<vmem>>
      %dma_wait3A_472 = tpu.memref_squeeze %dma_wait3A_471 : memref<1x80xf32, #tpu.memory_space<vmem>> -> memref<80xf32, #tpu.memory_space<vmem>>
      %dma_wait3A_473 = arith.constant 0 : i32
      %dma_wait3A_474 = tpu.memref_slice %arg3[%dma_wait3A_473] : memref<320000xf32, #tpu.memory_space<hbm>> -> memref<80xf32, #tpu.memory_space<hbm>>
      %dma_wait3A_475 = arith.constant 0 : i32
      %dma_wait3A_476 = tpu.memref_slice %arg19[%dma_wait3A_469, %dma_wait3A_475] : memref<3x80xf32, #tpu.memory_space<vmem>> -> memref<1x80xf32, #tpu.memory_space<vmem>>
      %dma_wait3A_477 = tpu.memref_squeeze %dma_wait3A_476 : memref<1x80xf32, #tpu.memory_space<vmem>> -> memref<80xf32, #tpu.memory_space<vmem>>
      %dma_wait3A_478 = arith.constant 0 : i32
      %dma_wait3A_479 = tpu.memref_slice %arg3[%dma_wait3A_478] : memref<320000xf32, #tpu.memory_space<hbm>> -> memref<80xf32, #tpu.memory_space<hbm>>
      tpu.wait_dma2 semaphore(%arg24 : memref<!tpu.dma_semaphore, #tpu.memory_space<semaphore_mem>>) src(%dma_wait3A_479 : memref<80xf32, #tpu.memory_space<hbm>>) dst(%dma_wait3A_477 : memref<80xf32, #tpu.memory_space<vmem>>)
      %scan3A_480 = arith.constant 0 : i32
      %scan3A_481 = arith.constant 0 : i32
      %scan3A_482 = arith.constant 5 : i32
      %scan3A_483 = arith.addi %scan3A_481, %scan3A_482 : i32
      %scan3A_484 = arith.constant 1 : i32
      scf.for %scan3A_519 = %scan3A_481 to %scan3A_483 step %scan3A_484  : i32 {
        %mul3A_520 = arith.constant 16 : i32
        %mul3A_521 = arith.muli %scan3A_519, %mul3A_520 : i32
        %multiple_of3A_522 = tpu.assume_multiple %mul3A_521, 16 : i32
        %get3A = arith.index_cast %multiple_of3A_522 : i32 to index
        %get3A_523 = tpu.vector_load %arg17[%get3A] {strides = array<i32>} : memref<80xi32, #tpu.memory_space<vmem>>, vector<16xi32>,
        %mul3A_524 = arith.constant 4 : i32
        %mul3A_525 = vector.broadcast %mul3A_524 : i32 to vector<16xi32>
        %mul3A_526 = arith.muli %get3A_523, %mul3A_525 : vector<16xi32>
        %add3A_527 = arith.constant 0 : i32
        %add3A_528 = vector.broadcast %add3A_527 : i32 to vector<16xi32>
        %add3A_529 = arith.addi %mul3A_526, %add3A_528 : vector<16xi32>
        %swap3A = arith.constant 0 : i32
        %swap3A_530 = arith.index_cast %swap3A : i32 to index
        %swap3A_531 = arith.index_cast %multiple_of3A_522 : i32 to index
        %swap3A_532 = tpu.vector_load %arg20[%swap3A_530, %swap3A_531] {strides = array<i32>} : memref<3x80xi32, #tpu.memory_space<vmem>>, vector<16xi32>,
        tpu.vector_store %arg20[%swap3A_530, %swap3A_531], %add3A_529 {strides = array<i32>} : memref<3x80xi32, #tpu.memory_space<vmem>>, vector<16xi32>,
        %mul3A_533 = arith.constant 4 : i32
        %mul3A_534 = vector.broadcast %mul3A_533 : i32 to vector<16xi32>
        %mul3A_535 = arith.muli %get3A_523, %mul3A_534 : vector<16xi32>
        %add3A_536 = arith.constant 1 : i32
        %add3A_537 = vector.broadcast %add3A_536 : i32 to vector<16xi32>
        %add3A_538 = arith.addi %mul3A_535, %add3A_537 : vector<16xi32>
        %swap3A_539 = arith.constant 1 : i32
        %swap3A_540 = arith.index_cast %swap3A_539 : i32 to index
        %swap3A_541 = arith.index_cast %multiple_of3A_522 : i32 to index
        %swap3A_542 = tpu.vector_load %arg20[%swap3A_540, %swap3A_541] {strides = array<i32>} : memref<3x80xi32, #tpu.memory_space<vmem>>, vector<16xi32>,
        tpu.vector_store %arg20[%swap3A_540, %swap3A_541], %add3A_538 {strides = array<i32>} : memref<3x80xi32, #tpu.memory_space<vmem>>, vector<16xi32>,
        %mul3A_543 = arith.constant 4 : i32
        %mul3A_544 = vector.broadcast %mul3A_543 : i32 to vector<16xi32>
        %mul3A_545 = arith.muli %get3A_523, %mul3A_544 : vector<16xi32>
        %add3A_546 = arith.constant 2 : i32
        %add3A_547 = vector.broadcast %add3A_546 : i32 to vector<16xi32>
        %add3A_548 = arith.addi %mul3A_545, %add3A_547 : vector<16xi32>
        %swap3A_549 = arith.constant 2 : i32
        %swap3A_550 = arith.index_cast %swap3A_549 : i32 to index
        %swap3A_551 = arith.index_cast %multiple_of3A_522 : i32 to index
        %swap3A_552 = tpu.vector_load %arg20[%swap3A_550, %swap3A_551] {strides = array<i32>} : memref<3x80xi32, #tpu.memory_space<vmem>>, vector<16xi32>,
        tpu.vector_store %arg20[%swap3A_550, %swap3A_551], %add3A_548 {strides = array<i32>} : memref<3x80xi32, #tpu.memory_space<vmem>>, vector<16xi32>,
      }
      %scan3A_485 = arith.constant 5 : i32
      %dma_start3A_486 = arith.constant 0 : i32
      %dma_start3A_487 = arith.constant 0 : i32
      %dma_start3A_488 = tpu.memref_slice %arg11[%dma_start3A_486, %dma_start3A_487] : memref<10240x128xf32, #tpu.memory_space<vmem_shared>> -> memref<10240x128xf32, #tpu.memory_space<vmem_shared>>
      tpu.enqueue_indirect_dma source(%arg18 : memref<80x128xf32, #tpu.memory_space<vmem>>) target(%dma_start3A_488 : memref<10240x128xf32, #tpu.memory_space<vmem_shared>>) offsets(%arg17 : memref<80xi32, #tpu.memory_space<vmem>>) semaphore(%arg26 : memref<!tpu.dma_semaphore, #tpu.memory_space<semaphore_mem>>) {add = true}
      %dma_start3A_489 = arith.constant 0 : i32
      %dma_start3A_490 = arith.constant 0 : i32
      %dma_start3A_491 = arith.constant 0 : i32
      %dma_start3A_492 = tpu.memref_slice %arg19[%dma_start3A_489, %dma_start3A_491] : memref<3x80xf32, #tpu.memory_space<vmem>> -> memref<1x80xf32, #tpu.memory_space<vmem>>
      %dma_start3A_493 = tpu.memref_squeeze %dma_start3A_492 : memref<1x80xf32, #tpu.memory_space<vmem>> -> memref<80xf32, #tpu.memory_space<vmem>>
      %dma_start3A_494 = arith.constant 0 : i32
      %dma_start3A_495 = tpu.memref_slice %arg20[%dma_start3A_490, %dma_start3A_494] : memref<3x80xi32, #tpu.memory_space<vmem>> -> memref<1x80xi32, #tpu.memory_space<vmem>>
      %dma_start3A_496 = tpu.memref_squeeze %dma_start3A_495 : memref<1x80xi32, #tpu.memory_space<vmem>> -> memref<80xi32, #tpu.memory_space<vmem>>
      %dma_start3A_497 = arith.constant 0 : i32
      %dma_start3A_498 = tpu.memref_slice %arg12[%dma_start3A_497] : memref<40960xf32, #tpu.memory_space<vmem_shared>> -> memref<40960xf32, #tpu.memory_space<vmem_shared>>
      tpu.enqueue_indirect_dma source(%dma_start3A_493 : memref<80xf32, #tpu.memory_space<vmem>>) target(%dma_start3A_498 : memref<40960xf32, #tpu.memory_space<vmem_shared>>) offsets(%dma_start3A_496 : memref<80xi32, #tpu.memory_space<vmem>>) semaphore(%arg26 : memref<!tpu.dma_semaphore, #tpu.memory_space<semaphore_mem>>) {add = true}
      %dma_start3A_499 = arith.constant 1 : i32
      %dma_start3A_500 = arith.constant 1 : i32
      %dma_start3A_501 = arith.constant 0 : i32
      %dma_start3A_502 = tpu.memref_slice %arg19[%dma_start3A_499, %dma_start3A_501] : memref<3x80xf32, #tpu.memory_space<vmem>> -> memref<1x80xf32, #tpu.memory_space<vmem>>
      %dma_start3A_503 = tpu.memref_squeeze %dma_start3A_502 : memref<1x80xf32, #tpu.memory_space<vmem>> -> memref<80xf32, #tpu.memory_space<vmem>>
      %dma_start3A_504 = arith.constant 0 : i32
      %dma_start3A_505 = tpu.memref_slice %arg20[%dma_start3A_500, %dma_start3A_504] : memref<3x80xi32, #tpu.memory_space<vmem>> -> memref<1x80xi32, #tpu.memory_space<vmem>>
      %dma_start3A_506 = tpu.memref_squeeze %dma_start3A_505 : memref<1x80xi32, #tpu.memory_space<vmem>> -> memref<80xi32, #tpu.memory_space<vmem>>
      %dma_start3A_507 = arith.constant 0 : i32
      %dma_start3A_508 = tpu.memref_slice %arg12[%dma_start3A_507] : memref<40960xf32, #tpu.memory_space<vmem_shared>> -> memref<40960xf32, #tpu.memory_space<vmem_shared>>
      tpu.enqueue_indirect_dma source(%dma_start3A_503 : memref<80xf32, #tpu.memory_space<vmem>>) target(%dma_start3A_508 : memref<40960xf32, #tpu.memory_space<vmem_shared>>) offsets(%dma_start3A_506 : memref<80xi32, #tpu.memory_space<vmem>>) semaphore(%arg26 : memref<!tpu.dma_semaphore, #tpu.memory_space<semaphore_mem>>) {add = true}
      %dma_start3A_509 = arith.constant 2 : i32
      %dma_start3A_510 = arith.constant 2 : i32
      %dma_start3A_511 = arith.constant 0 : i32
      %dma_start3A_512 = tpu.memref_slice %arg19[%dma_start3A_509, %dma_start3A_511] : memref<3x80xf32, #tpu.memory_space<vmem>> -> memref<1x80xf32, #tpu.memory_space<vmem>>
      %dma_start3A_513 = tpu.memref_squeeze %dma_start3A_512 : memref<1x80xf32, #tpu.memory_space<vmem>> -> memref<80xf32, #tpu.memory_space<vmem>>
      %dma_start3A_514 = arith.constant 0 : i32
      %dma_start3A_515 = tpu.memref_slice %arg20[%dma_start3A_510, %dma_start3A_514] : memref<3x80xi32, #tpu.memory_space<vmem>> -> memref<1x80xi32, #tpu.memory_space<vmem>>
      %dma_start3A_516 = tpu.memref_squeeze %dma_start3A_515 : memref<1x80xi32, #tpu.memory_space<vmem>> -> memref<80xi32, #tpu.memory_space<vmem>>
      %dma_start3A_517 = arith.constant 0 : i32
      %dma_start3A_518 = tpu.memref_slice %arg12[%dma_start3A_517] : memref<40960xf32, #tpu.memory_space<vmem_shared>> -> memref<40960xf32, #tpu.memory_space<vmem_shared>>
      tpu.enqueue_indirect_dma source(%dma_start3A_513 : memref<80xf32, #tpu.memory_space<vmem>>) target(%dma_start3A_518 : memref<40960xf32, #tpu.memory_space<vmem_shared>>) offsets(%dma_start3A_516 : memref<80xi32, #tpu.memory_space<vmem>>) semaphore(%arg26 : memref<!tpu.dma_semaphore, #tpu.memory_space<semaphore_mem>>) {add = true}
    }
    %scan3A_48 = arith.constant 62 : i32
    %dma_wait3A = arith.constant 0 : i32
    %dma_wait3A_49 = arith.constant 0 : i32
    %dma_wait3A_50 = tpu.memref_slice %arg11[%dma_wait3A, %dma_wait3A_49] : memref<10240x128xf32, #tpu.memory_space<vmem_shared>> -> memref<10240x128xf32, #tpu.memory_space<vmem_shared>>
    tpu.wait_indirect_dma semaphore(%arg26 : memref<!tpu.dma_semaphore, #tpu.memory_space<semaphore_mem>>) src(%arg18 : memref<80x128xf32, #tpu.memory_space<vmem>>) dst(%dma_wait3A_50 : memref<10240x128xf32, #tpu.memory_space<vmem_shared>>)
    %dma_wait3A_51 = arith.constant 0 : i32
    %dma_wait3A_52 = arith.constant 0 : i32
    %dma_wait3A_53 = arith.constant 0 : i32
    %dma_wait3A_54 = tpu.memref_slice %arg19[%dma_wait3A_51, %dma_wait3A_53] : memref<3x80xf32, #tpu.memory_space<vmem>> -> memref<1x80xf32, #tpu.memory_space<vmem>>
    %dma_wait3A_55 = tpu.memref_squeeze %dma_wait3A_54 : memref<1x80xf32, #tpu.memory_space<vmem>> -> memref<80xf32, #tpu.memory_space<vmem>>
    %dma_wait3A_56 = arith.constant 0 : i32
    %dma_wait3A_57 = tpu.memref_slice %arg20[%dma_wait3A_52, %dma_wait3A_56] : memref<3x80xi32, #tpu.memory_space<vmem>> -> memref<1x80xi32, #tpu.memory_space<vmem>>
    %dma_wait3A_58 = tpu.memref_squeeze %dma_wait3A_57 : memref<1x80xi32, #tpu.memory_space<vmem>> -> memref<80xi32, #tpu.memory_space<vmem>>
    %dma_wait3A_59 = arith.constant 0 : i32
    %dma_wait3A_60 = tpu.memref_slice %arg12[%dma_wait3A_59] : memref<40960xf32, #tpu.memory_space<vmem_shared>> -> memref<40960xf32, #tpu.memory_space<vmem_shared>>
    tpu.wait_indirect_dma semaphore(%arg26 : memref<!tpu.dma_semaphore, #tpu.memory_space<semaphore_mem>>) src(%dma_wait3A_55 : memref<80xf32, #tpu.memory_space<vmem>>) dst(%dma_wait3A_60 : memref<40960xf32, #tpu.memory_space<vmem_shared>>)
    %dma_wait3A_61 = arith.constant 1 : i32
    %dma_wait3A_62 = arith.constant 1 : i32
    %dma_wait3A_63 = arith.constant 0 : i32
    %dma_wait3A_64 = tpu.memref_slice %arg19[%dma_wait3A_61, %dma_wait3A_63] : memref<3x80xf32, #tpu.memory_space<vmem>> -> memref<1x80xf32, #tpu.memory_space<vmem>>
    %dma_wait3A_65 = tpu.memref_squeeze %dma_wait3A_64 : memref<1x80xf32, #tpu.memory_space<vmem>> -> memref<80xf32, #tpu.memory_space<vmem>>
    %dma_wait3A_66 = arith.constant 0 : i32
    %dma_wait3A_67 = tpu.memref_slice %arg20[%dma_wait3A_62, %dma_wait3A_66] : memref<3x80xi32, #tpu.memory_space<vmem>> -> memref<1x80xi32, #tpu.memory_space<vmem>>
    %dma_wait3A_68 = tpu.memref_squeeze %dma_wait3A_67 : memref<1x80xi32, #tpu.memory_space<vmem>> -> memref<80xi32, #tpu.memory_space<vmem>>
    %dma_wait3A_69 = arith.constant 0 : i32
    %dma_wait3A_70 = tpu.memref_slice %arg12[%dma_wait3A_69] : memref<40960xf32, #tpu.memory_space<vmem_shared>> -> memref<40960xf32, #tpu.memory_space<vmem_shared>>
    tpu.wait_indirect_dma semaphore(%arg26 : memref<!tpu.dma_semaphore, #tpu.memory_space<semaphore_mem>>) src(%dma_wait3A_65 : memref<80xf32, #tpu.memory_space<vmem>>) dst(%dma_wait3A_70 : memref<40960xf32, #tpu.memory_space<vmem_shared>>)
    %dma_wait3A_71 = arith.constant 2 : i32
    %dma_wait3A_72 = arith.constant 2 : i32
    %dma_wait3A_73 = arith.constant 0 : i32
    %dma_wait3A_74 = tpu.memref_slice %arg19[%dma_wait3A_71, %dma_wait3A_73] : memref<3x80xf32, #tpu.memory_space<vmem>> -> memref<1x80xf32, #tpu.memory_space<vmem>>
    %dma_wait3A_75 = tpu.memref_squeeze %dma_wait3A_74 : memref<1x80xf32, #tpu.memory_space<vmem>> -> memref<80xf32, #tpu.memory_space<vmem>>
    %dma_wait3A_76 = arith.constant 0 : i32
    %dma_wait3A_77 = tpu.memref_slice %arg20[%dma_wait3A_72, %dma_wait3A_76] : memref<3x80xi32, #tpu.memory_space<vmem>> -> memref<1x80xi32, #tpu.memory_space<vmem>>
    %dma_wait3A_78 = tpu.memref_squeeze %dma_wait3A_77 : memref<1x80xi32, #tpu.memory_space<vmem>> -> memref<80xi32, #tpu.memory_space<vmem>>
    %dma_wait3A_79 = arith.constant 0 : i32
    %dma_wait3A_80 = tpu.memref_slice %arg12[%dma_wait3A_79] : memref<40960xf32, #tpu.memory_space<vmem_shared>> -> memref<40960xf32, #tpu.memory_space<vmem_shared>>
    tpu.wait_indirect_dma semaphore(%arg26 : memref<!tpu.dma_semaphore, #tpu.memory_space<semaphore_mem>>) src(%dma_wait3A_75 : memref<80xf32, #tpu.memory_space<vmem>>) dst(%dma_wait3A_80 : memref<40960xf32, #tpu.memory_space<vmem_shared>>)
    %dma_wait3A_81 = arith.constant 0 : i32
    %dma_wait3A_82 = tpu.memref_slice %arg6[%dma_wait3A_81] : memref<320000xi32, #tpu.memory_space<hbm>> -> memref<80xi32, #tpu.memory_space<hbm>>
    %dma_wait3A_83 = arith.constant 0 : i32
    %dma_wait3A_84 = tpu.memref_slice %arg6[%dma_wait3A_83] : memref<320000xi32, #tpu.memory_space<hbm>> -> memref<80xi32, #tpu.memory_space<hbm>>
    tpu.wait_dma2 semaphore(%arg23 : memref<!tpu.dma_semaphore, #tpu.memory_space<semaphore_mem>>) src(%dma_wait3A_84 : memref<80xi32, #tpu.memory_space<hbm>>) dst(%arg13 : memref<80xi32, #tpu.memory_space<vmem>>)
    %dma_wait3A_85 = arith.constant 0 : i32
    %dma_wait3A_86 = arith.constant 0 : i32
    %dma_wait3A_87 = tpu.memref_slice %arg2[%dma_wait3A_85, %dma_wait3A_86] : memref<320000x128xf32, #tpu.memory_space<hbm>> -> memref<80x128xf32, #tpu.memory_space<hbm>>
    %dma_wait3A_88 = arith.constant 0 : i32
    %dma_wait3A_89 = arith.constant 0 : i32
    %dma_wait3A_90 = tpu.memref_slice %arg2[%dma_wait3A_88, %dma_wait3A_89] : memref<320000x128xf32, #tpu.memory_space<hbm>> -> memref<80x128xf32, #tpu.memory_space<hbm>>
    tpu.wait_dma2 semaphore(%arg23 : memref<!tpu.dma_semaphore, #tpu.memory_space<semaphore_mem>>) src(%dma_wait3A_90 : memref<80x128xf32, #tpu.memory_space<hbm>>) dst(%arg14 : memref<80x128xf32, #tpu.memory_space<vmem>>)
    %dma_wait3A_91 = arith.constant 0 : i32
    %dma_wait3A_92 = arith.constant 0 : i32
    %dma_wait3A_93 = tpu.memref_slice %arg15[%dma_wait3A_91, %dma_wait3A_92] : memref<3x80xf32, #tpu.memory_space<vmem>> -> memref<1x80xf32, #tpu.memory_space<vmem>>
    %dma_wait3A_94 = tpu.memref_squeeze %dma_wait3A_93 : memref<1x80xf32, #tpu.memory_space<vmem>> -> memref<80xf32, #tpu.memory_space<vmem>>
    %dma_wait3A_95 = arith.constant 0 : i32
    %dma_wait3A_96 = tpu.memref_slice %arg3[%dma_wait3A_95] : memref<320000xf32, #tpu.memory_space<hbm>> -> memref<80xf32, #tpu.memory_space<hbm>>
    %dma_wait3A_97 = arith.constant 0 : i32
    %dma_wait3A_98 = tpu.memref_slice %arg15[%dma_wait3A_91, %dma_wait3A_97] : memref<3x80xf32, #tpu.memory_space<vmem>> -> memref<1x80xf32, #tpu.memory_space<vmem>>
    %dma_wait3A_99 = tpu.memref_squeeze %dma_wait3A_98 : memref<1x80xf32, #tpu.memory_space<vmem>> -> memref<80xf32, #tpu.memory_space<vmem>>
    %dma_wait3A_100 = arith.constant 0 : i32
    %dma_wait3A_101 = tpu.memref_slice %arg3[%dma_wait3A_100] : memref<320000xf32, #tpu.memory_space<hbm>> -> memref<80xf32, #tpu.memory_space<hbm>>
    tpu.wait_dma2 semaphore(%arg23 : memref<!tpu.dma_semaphore, #tpu.memory_space<semaphore_mem>>) src(%dma_wait3A_101 : memref<80xf32, #tpu.memory_space<hbm>>) dst(%dma_wait3A_99 : memref<80xf32, #tpu.memory_space<vmem>>)
    %dma_wait3A_102 = arith.constant 1 : i32
    %dma_wait3A_103 = arith.constant 0 : i32
    %dma_wait3A_104 = tpu.memref_slice %arg15[%dma_wait3A_102, %dma_wait3A_103] : memref<3x80xf32, #tpu.memory_space<vmem>> -> memref<1x80xf32, #tpu.memory_space<vmem>>
    %dma_wait3A_105 = tpu.memref_squeeze %dma_wait3A_104 : memref<1x80xf32, #tpu.memory_space<vmem>> -> memref<80xf32, #tpu.memory_space<vmem>>
    %dma_wait3A_106 = arith.constant 0 : i32
    %dma_wait3A_107 = tpu.memref_slice %arg3[%dma_wait3A_106] : memref<320000xf32, #tpu.memory_space<hbm>> -> memref<80xf32, #tpu.memory_space<hbm>>
    %dma_wait3A_108 = arith.constant 0 : i32
    %dma_wait3A_109 = tpu.memref_slice %arg15[%dma_wait3A_102, %dma_wait3A_108] : memref<3x80xf32, #tpu.memory_space<vmem>> -> memref<1x80xf32, #tpu.memory_space<vmem>>
    %dma_wait3A_110 = tpu.memref_squeeze %dma_wait3A_109 : memref<1x80xf32, #tpu.memory_space<vmem>> -> memref<80xf32, #tpu.memory_space<vmem>>
    %dma_wait3A_111 = arith.constant 0 : i32
    %dma_wait3A_112 = tpu.memref_slice %arg3[%dma_wait3A_111] : memref<320000xf32, #tpu.memory_space<hbm>> -> memref<80xf32, #tpu.memory_space<hbm>>
    tpu.wait_dma2 semaphore(%arg23 : memref<!tpu.dma_semaphore, #tpu.memory_space<semaphore_mem>>) src(%dma_wait3A_112 : memref<80xf32, #tpu.memory_space<hbm>>) dst(%dma_wait3A_110 : memref<80xf32, #tpu.memory_space<vmem>>)
    %dma_wait3A_113 = arith.constant 2 : i32
    %dma_wait3A_114 = arith.constant 0 : i32
    %dma_wait3A_115 = tpu.memref_slice %arg15[%dma_wait3A_113, %dma_wait3A_114] : memref<3x80xf32, #tpu.memory_space<vmem>> -> memref<1x80xf32, #tpu.memory_space<vmem>>
    %dma_wait3A_116 = tpu.memref_squeeze %dma_wait3A_115 : memref<1x80xf32, #tpu.memory_space<vmem>> -> memref<80xf32, #tpu.memory_space<vmem>>
    %dma_wait3A_117 = arith.constant 0 : i32
    %dma_wait3A_118 = tpu.memref_slice %arg3[%dma_wait3A_117] : memref<320000xf32, #tpu.memory_space<hbm>> -> memref<80xf32, #tpu.memory_space<hbm>>
    %dma_wait3A_119 = arith.constant 0 : i32
    %dma_wait3A_120 = tpu.memref_slice %arg15[%dma_wait3A_113, %dma_wait3A_119] : memref<3x80xf32, #tpu.memory_space<vmem>> -> memref<1x80xf32, #tpu.memory_space<vmem>>
    %dma_wait3A_121 = tpu.memref_squeeze %dma_wait3A_120 : memref<1x80xf32, #tpu.memory_space<vmem>> -> memref<80xf32, #tpu.memory_space<vmem>>
    %dma_wait3A_122 = arith.constant 0 : i32
    %dma_wait3A_123 = tpu.memref_slice %arg3[%dma_wait3A_122] : memref<320000xf32, #tpu.memory_space<hbm>> -> memref<80xf32, #tpu.memory_space<hbm>>
    tpu.wait_dma2 semaphore(%arg23 : memref<!tpu.dma_semaphore, #tpu.memory_space<semaphore_mem>>) src(%dma_wait3A_123 : memref<80xf32, #tpu.memory_space<hbm>>) dst(%dma_wait3A_121 : memref<80xf32, #tpu.memory_space<vmem>>)
    %scan3A_124 = arith.constant 0 : i32
    %scan3A_125 = arith.constant 0 : i32
    %scan3A_126 = arith.constant 5 : i32
    %scan3A_127 = arith.addi %scan3A_125, %scan3A_126 : i32
    %scan3A_128 = arith.constant 1 : i32
    scf.for %scan3A_237 = %scan3A_125 to %scan3A_127 step %scan3A_128  : i32 {
      %mul3A_238 = arith.constant 16 : i32
      %mul3A_239 = arith.muli %scan3A_237, %mul3A_238 : i32
      %multiple_of3A_240 = tpu.assume_multiple %mul3A_239, 16 : i32
      %get3A = arith.index_cast %multiple_of3A_240 : i32 to index
      %get3A_241 = tpu.vector_load %arg13[%get3A] {strides = array<i32>} : memref<80xi32, #tpu.memory_space<vmem>>, vector<16xi32>,
      %mul3A_242 = arith.constant 4 : i32
      %mul3A_243 = vector.broadcast %mul3A_242 : i32 to vector<16xi32>
      %mul3A_244 = arith.muli %get3A_241, %mul3A_243 : vector<16xi32>
      %add3A_245 = arith.constant 0 : i32
      %add3A_246 = vector.broadcast %add3A_245 : i32 to vector<16xi32>
      %add3A_247 = arith.addi %mul3A_244, %add3A_246 : vector<16xi32>
      %swap3A = arith.constant 0 : i32
      %swap3A_248 = arith.index_cast %swap3A : i32 to index
      %swap3A_249 = arith.index_cast %multiple_of3A_240 : i32 to index
      %swap3A_250 = tpu.vector_load %arg16[%swap3A_248, %swap3A_249] {strides = array<i32>} : memref<3x80xi32, #tpu.memory_space<vmem>>, vector<16xi32>,
      tpu.vector_store %arg16[%swap3A_248, %swap3A_249], %add3A_247 {strides = array<i32>} : memref<3x80xi32, #tpu.memory_space<vmem>>, vector<16xi32>,
      %mul3A_251 = arith.constant 4 : i32
      %mul3A_252 = vector.broadcast %mul3A_251 : i32 to vector<16xi32>
      %mul3A_253 = arith.muli %get3A_241, %mul3A_252 : vector<16xi32>
      %add3A_254 = arith.constant 1 : i32
      %add3A_255 = vector.broadcast %add3A_254 : i32 to vector<16xi32>
      %add3A_256 = arith.addi %mul3A_253, %add3A_255 : vector<16xi32>
      %swap3A_257 = arith.constant 1 : i32
      %swap3A_258 = arith.index_cast %swap3A_257 : i32 to index
      %swap3A_259 = arith.index_cast %multiple_of3A_240 : i32 to index
      %swap3A_260 = tpu.vector_load %arg16[%swap3A_258, %swap3A_259] {strides = array<i32>} : memref<3x80xi32, #tpu.memory_space<vmem>>, vector<16xi32>,
      tpu.vector_store %arg16[%swap3A_258, %swap3A_259], %add3A_256 {strides = array<i32>} : memref<3x80xi32, #tpu.memory_space<vmem>>, vector<16xi32>,
      %mul3A_261 = arith.constant 4 : i32
      %mul3A_262 = vector.broadcast %mul3A_261 : i32 to vector<16xi32>
      %mul3A_263 = arith.muli %get3A_241, %mul3A_262 : vector<16xi32>
      %add3A_264 = arith.constant 2 : i32
      %add3A_265 = vector.broadcast %add3A_264 : i32 to vector<16xi32>
      %add3A_266 = arith.addi %mul3A_263, %add3A_265 : vector<16xi32>
      %swap3A_267 = arith.constant 2 : i32
      %swap3A_268 = arith.index_cast %swap3A_267 : i32 to index
      %swap3A_269 = arith.index_cast %multiple_of3A_240 : i32 to index
      %swap3A_270 = tpu.vector_load %arg16[%swap3A_268, %swap3A_269] {strides = array<i32>} : memref<3x80xi32, #tpu.memory_space<vmem>>, vector<16xi32>,
      tpu.vector_store %arg16[%swap3A_268, %swap3A_269], %add3A_266 {strides = array<i32>} : memref<3x80xi32, #tpu.memory_space<vmem>>, vector<16xi32>,
    }
    %scan3A_129 = arith.constant 5 : i32
    %dma_start3A_130 = arith.constant 0 : i32
    %dma_start3A_131 = arith.constant 0 : i32
    %dma_start3A_132 = tpu.memref_slice %arg11[%dma_start3A_130, %dma_start3A_131] : memref<10240x128xf32, #tpu.memory_space<vmem_shared>> -> memref<10240x128xf32, #tpu.memory_space<vmem_shared>>
    tpu.enqueue_indirect_dma source(%arg14 : memref<80x128xf32, #tpu.memory_space<vmem>>) target(%dma_start3A_132 : memref<10240x128xf32, #tpu.memory_space<vmem_shared>>) offsets(%arg13 : memref<80xi32, #tpu.memory_space<vmem>>) semaphore(%arg25 : memref<!tpu.dma_semaphore, #tpu.memory_space<semaphore_mem>>) {add = true}
    %dma_start3A_133 = arith.constant 0 : i32
    %dma_start3A_134 = arith.constant 0 : i32
    %dma_start3A_135 = arith.constant 0 : i32
    %dma_start3A_136 = tpu.memref_slice %arg15[%dma_start3A_133, %dma_start3A_135] : memref<3x80xf32, #tpu.memory_space<vmem>> -> memref<1x80xf32, #tpu.memory_space<vmem>>
    %dma_start3A_137 = tpu.memref_squeeze %dma_start3A_136 : memref<1x80xf32, #tpu.memory_space<vmem>> -> memref<80xf32, #tpu.memory_space<vmem>>
    %dma_start3A_138 = arith.constant 0 : i32
    %dma_start3A_139 = tpu.memref_slice %arg16[%dma_start3A_134, %dma_start3A_138] : memref<3x80xi32, #tpu.memory_space<vmem>> -> memref<1x80xi32, #tpu.memory_space<vmem>>
    %dma_start3A_140 = tpu.memref_squeeze %dma_start3A_139 : memref<1x80xi32, #tpu.memory_space<vmem>> -> memref<80xi32, #tpu.memory_space<vmem>>
    %dma_start3A_141 = arith.constant 0 : i32
    %dma_start3A_142 = tpu.memref_slice %arg12[%dma_start3A_141] : memref<40960xf32, #tpu.memory_space<vmem_shared>> -> memref<40960xf32, #tpu.memory_space<vmem_shared>>
    tpu.enqueue_indirect_dma source(%dma_start3A_137 : memref<80xf32, #tpu.memory_space<vmem>>) target(%dma_start3A_142 : memref<40960xf32, #tpu.memory_space<vmem_shared>>) offsets(%dma_start3A_140 : memref<80xi32, #tpu.memory_space<vmem>>) semaphore(%arg25 : memref<!tpu.dma_semaphore, #tpu.memory_space<semaphore_mem>>) {add = true}
    %dma_start3A_143 = arith.constant 1 : i32
    %dma_start3A_144 = arith.constant 1 : i32
    %dma_start3A_145 = arith.constant 0 : i32
    %dma_start3A_146 = tpu.memref_slice %arg15[%dma_start3A_143, %dma_start3A_145] : memref<3x80xf32, #tpu.memory_space<vmem>> -> memref<1x80xf32, #tpu.memory_space<vmem>>
    %dma_start3A_147 = tpu.memref_squeeze %dma_start3A_146 : memref<1x80xf32, #tpu.memory_space<vmem>> -> memref<80xf32, #tpu.memory_space<vmem>>
    %dma_start3A_148 = arith.constant 0 : i32
    %dma_start3A_149 = tpu.memref_slice %arg16[%dma_start3A_144, %dma_start3A_148] : memref<3x80xi32, #tpu.memory_space<vmem>> -> memref<1x80xi32, #tpu.memory_space<vmem>>
    %dma_start3A_150 = tpu.memref_squeeze %dma_start3A_149 : memref<1x80xi32, #tpu.memory_space<vmem>> -> memref<80xi32, #tpu.memory_space<vmem>>
    %dma_start3A_151 = arith.constant 0 : i32
    %dma_start3A_152 = tpu.memref_slice %arg12[%dma_start3A_151] : memref<40960xf32, #tpu.memory_space<vmem_shared>> -> memref<40960xf32, #tpu.memory_space<vmem_shared>>
    tpu.enqueue_indirect_dma source(%dma_start3A_147 : memref<80xf32, #tpu.memory_space<vmem>>) target(%dma_start3A_152 : memref<40960xf32, #tpu.memory_space<vmem_shared>>) offsets(%dma_start3A_150 : memref<80xi32, #tpu.memory_space<vmem>>) semaphore(%arg25 : memref<!tpu.dma_semaphore, #tpu.memory_space<semaphore_mem>>) {add = true}
    %dma_start3A_153 = arith.constant 2 : i32
    %dma_start3A_154 = arith.constant 2 : i32
    %dma_start3A_155 = arith.constant 0 : i32
    %dma_start3A_156 = tpu.memref_slice %arg15[%dma_start3A_153, %dma_start3A_155] : memref<3x80xf32, #tpu.memory_space<vmem>> -> memref<1x80xf32, #tpu.memory_space<vmem>>
    %dma_start3A_157 = tpu.memref_squeeze %dma_start3A_156 : memref<1x80xf32, #tpu.memory_space<vmem>> -> memref<80xf32, #tpu.memory_space<vmem>>
    %dma_start3A_158 = arith.constant 0 : i32
    %dma_start3A_159 = tpu.memref_slice %arg16[%dma_start3A_154, %dma_start3A_158] : memref<3x80xi32, #tpu.memory_space<vmem>> -> memref<1x80xi32, #tpu.memory_space<vmem>>
    %dma_start3A_160 = tpu.memref_squeeze %dma_start3A_159 : memref<1x80xi32, #tpu.memory_space<vmem>> -> memref<80xi32, #tpu.memory_space<vmem>>
    %dma_start3A_161 = arith.constant 0 : i32
    %dma_start3A_162 = tpu.memref_slice %arg12[%dma_start3A_161] : memref<40960xf32, #tpu.memory_space<vmem_shared>> -> memref<40960xf32, #tpu.memory_space<vmem_shared>>
    tpu.enqueue_indirect_dma source(%dma_start3A_157 : memref<80xf32, #tpu.memory_space<vmem>>) target(%dma_start3A_162 : memref<40960xf32, #tpu.memory_space<vmem_shared>>) offsets(%dma_start3A_160 : memref<80xi32, #tpu.memory_space<vmem>>) semaphore(%arg25 : memref<!tpu.dma_semaphore, #tpu.memory_space<semaphore_mem>>) {add = true}
    %dma_wait3A_163 = arith.constant 0 : i32
    %dma_wait3A_164 = arith.constant 0 : i32
    %dma_wait3A_165 = tpu.memref_slice %arg11[%dma_wait3A_163, %dma_wait3A_164] : memref<10240x128xf32, #tpu.memory_space<vmem_shared>> -> memref<10240x128xf32, #tpu.memory_space<vmem_shared>>
    tpu.wait_indirect_dma semaphore(%arg25 : memref<!tpu.dma_semaphore, #tpu.memory_space<semaphore_mem>>) src(%arg14 : memref<80x128xf32, #tpu.memory_space<vmem>>) dst(%dma_wait3A_165 : memref<10240x128xf32, #tpu.memory_space<vmem_shared>>)
    %dma_wait3A_166 = arith.constant 0 : i32
    %dma_wait3A_167 = arith.constant 0 : i32
    %dma_wait3A_168 = arith.constant 0 : i32
    %dma_wait3A_169 = tpu.memref_slice %arg15[%dma_wait3A_166, %dma_wait3A_168] : memref<3x80xf32, #tpu.memory_space<vmem>> -> memref<1x80xf32, #tpu.memory_space<vmem>>
    %dma_wait3A_170 = tpu.memref_squeeze %dma_wait3A_169 : memref<1x80xf32, #tpu.memory_space<vmem>> -> memref<80xf32, #tpu.memory_space<vmem>>
    %dma_wait3A_171 = arith.constant 0 : i32
    %dma_wait3A_172 = tpu.memref_slice %arg16[%dma_wait3A_167, %dma_wait3A_171] : memref<3x80xi32, #tpu.memory_space<vmem>> -> memref<1x80xi32, #tpu.memory_space<vmem>>
    %dma_wait3A_173 = tpu.memref_squeeze %dma_wait3A_172 : memref<1x80xi32, #tpu.memory_space<vmem>> -> memref<80xi32, #tpu.memory_space<vmem>>
    %dma_wait3A_174 = arith.constant 0 : i32
    %dma_wait3A_175 = tpu.memref_slice %arg12[%dma_wait3A_174] : memref<40960xf32, #tpu.memory_space<vmem_shared>> -> memref<40960xf32, #tpu.memory_space<vmem_shared>>
    tpu.wait_indirect_dma semaphore(%arg25 : memref<!tpu.dma_semaphore, #tpu.memory_space<semaphore_mem>>) src(%dma_wait3A_170 : memref<80xf32, #tpu.memory_space<vmem>>) dst(%dma_wait3A_175 : memref<40960xf32, #tpu.memory_space<vmem_shared>>)
    %dma_wait3A_176 = arith.constant 1 : i32
    %dma_wait3A_177 = arith.constant 1 : i32
    %dma_wait3A_178 = arith.constant 0 : i32
    %dma_wait3A_179 = tpu.memref_slice %arg15[%dma_wait3A_176, %dma_wait3A_178] : memref<3x80xf32, #tpu.memory_space<vmem>> -> memref<1x80xf32, #tpu.memory_space<vmem>>
    %dma_wait3A_180 = tpu.memref_squeeze %dma_wait3A_179 : memref<1x80xf32, #tpu.memory_space<vmem>> -> memref<80xf32, #tpu.memory_space<vmem>>
    %dma_wait3A_181 = arith.constant 0 : i32
    %dma_wait3A_182 = tpu.memref_slice %arg16[%dma_wait3A_177, %dma_wait3A_181] : memref<3x80xi32, #tpu.memory_space<vmem>> -> memref<1x80xi32, #tpu.memory_space<vmem>>
    %dma_wait3A_183 = tpu.memref_squeeze %dma_wait3A_182 : memref<1x80xi32, #tpu.memory_space<vmem>> -> memref<80xi32, #tpu.memory_space<vmem>>
    %dma_wait3A_184 = arith.constant 0 : i32
    %dma_wait3A_185 = tpu.memref_slice %arg12[%dma_wait3A_184] : memref<40960xf32, #tpu.memory_space<vmem_shared>> -> memref<40960xf32, #tpu.memory_space<vmem_shared>>
    tpu.wait_indirect_dma semaphore(%arg25 : memref<!tpu.dma_semaphore, #tpu.memory_space<semaphore_mem>>) src(%dma_wait3A_180 : memref<80xf32, #tpu.memory_space<vmem>>) dst(%dma_wait3A_185 : memref<40960xf32, #tpu.memory_space<vmem_shared>>)
    %dma_wait3A_186 = arith.constant 2 : i32
    %dma_wait3A_187 = arith.constant 2 : i32
    %dma_wait3A_188 = arith.constant 0 : i32
    %dma_wait3A_189 = tpu.memref_slice %arg15[%dma_wait3A_186, %dma_wait3A_188] : memref<3x80xf32, #tpu.memory_space<vmem>> -> memref<1x80xf32, #tpu.memory_space<vmem>>
    %dma_wait3A_190 = tpu.memref_squeeze %dma_wait3A_189 : memref<1x80xf32, #tpu.memory_space<vmem>> -> memref<80xf32, #tpu.memory_space<vmem>>
    %dma_wait3A_191 = arith.constant 0 : i32
    %dma_wait3A_192 = tpu.memref_slice %arg16[%dma_wait3A_187, %dma_wait3A_191] : memref<3x80xi32, #tpu.memory_space<vmem>> -> memref<1x80xi32, #tpu.memory_space<vmem>>
    %dma_wait3A_193 = tpu.memref_squeeze %dma_wait3A_192 : memref<1x80xi32, #tpu.memory_space<vmem>> -> memref<80xi32, #tpu.memory_space<vmem>>
    %dma_wait3A_194 = arith.constant 0 : i32
    %dma_wait3A_195 = tpu.memref_slice %arg12[%dma_wait3A_194] : memref<40960xf32, #tpu.memory_space<vmem_shared>> -> memref<40960xf32, #tpu.memory_space<vmem_shared>>
    tpu.wait_indirect_dma semaphore(%arg25 : memref<!tpu.dma_semaphore, #tpu.memory_space<semaphore_mem>>) src(%dma_wait3A_190 : memref<80xf32, #tpu.memory_space<vmem>>) dst(%dma_wait3A_195 : memref<40960xf32, #tpu.memory_space<vmem_shared>>)
    %barrier3A_196 = arith.constant 0 : index
    tpu.barrier barrier_id(%barrier3A_196)
    %mul3A_197 = arith.constant 640 : i32
    %mul3A_198 = arith.muli %arg1, %mul3A_197 : i32
    %add3A_199 = arith.constant 0 : i32
    %add3A_200 = arith.addi %mul3A_198, %add3A_199 : i32
    %multiple_of3A_201 = tpu.assume_multiple %add3A_200, 8 : i32
    "tpu.region"() ({
      %run_scoped3A = tpu.sem_alloc : memref<!tpu.dma_semaphore, #tpu.memory_space<semaphore_mem>>
      %dma_start3A_237 = arith.constant 0 : i32
      %dma_start3A_238 = tpu.memref_slice %arg11[%multiple_of3A_201, %dma_start3A_237] : memref<10240x128xf32, #tpu.memory_space<vmem_shared>> -> memref<80x128xf32, #tpu.memory_space<vmem_shared>>
      %dma_start3A_239 = arith.constant 0 : i32
      %dma_start3A_240 = tpu.memref_slice %arg11[%multiple_of3A_201, %dma_start3A_239] : memref<10240x128xf32, #tpu.memory_space<vmem_shared>> -> memref<80x128xf32, #tpu.memory_space<vmem_shared>>
      tpu.enqueue_dma source(%dma_start3A_240 : memref<80x128xf32, #tpu.memory_space<vmem_shared>>) target(%arg21 : memref<80x128xf32, #tpu.memory_space<vmem>>) target_semaphore(%run_scoped3A : memref<!tpu.dma_semaphore, #tpu.memory_space<semaphore_mem>>)
      %dma_wait3A_241 = arith.constant 0 : i32
      %dma_wait3A_242 = tpu.memref_slice %arg11[%multiple_of3A_201, %dma_wait3A_241] : memref<10240x128xf32, #tpu.memory_space<vmem_shared>> -> memref<80x128xf32, #tpu.memory_space<vmem_shared>>
      %dma_wait3A_243 = arith.constant 0 : i32
      %dma_wait3A_244 = tpu.memref_slice %arg11[%multiple_of3A_201, %dma_wait3A_243] : memref<10240x128xf32, #tpu.memory_space<vmem_shared>> -> memref<80x128xf32, #tpu.memory_space<vmem_shared>>
      tpu.wait_dma2 semaphore(%run_scoped3A : memref<!tpu.dma_semaphore, #tpu.memory_space<semaphore_mem>>) src(%dma_wait3A_244 : memref<80x128xf32, #tpu.memory_space<vmem_shared>>) dst(%arg21 : memref<80x128xf32, #tpu.memory_space<vmem>>)
      tpu.yield
    }) : () -> ()
    "tpu.region"() ({
      %run_scoped3A = tpu.sem_alloc : memref<!tpu.dma_semaphore, #tpu.memory_space<semaphore_mem>>
      %dma_start3A_237 = arith.constant 0 : i32
      %dma_start3A_238 = arith.constant 0 : i32
      %dma_start3A_239 = tpu.memref_slice %arg9[%arg0, %dma_start3A_237, %dma_start3A_238] : memref<2x10240x128xf32, #tpu.memory_space<hbm>> -> memref<1x10240x128xf32, #tpu.memory_space<hbm>>
      %dma_start3A_240 = tpu.memref_squeeze %dma_start3A_239 : memref<1x10240x128xf32, #tpu.memory_space<hbm>> -> memref<10240x128xf32, #tpu.memory_space<hbm>>
      %dma_start3A_241 = arith.constant 0 : i32
      %dma_start3A_242 = tpu.memref_slice %dma_start3A_240[%multiple_of3A_201, %dma_start3A_241] : memref<10240x128xf32, #tpu.memory_space<hbm>> -> memref<80x128xf32, #tpu.memory_space<hbm>>
      %dma_start3A_243 = arith.constant 0 : i32
      %dma_start3A_244 = arith.constant 0 : i32
      %dma_start3A_245 = tpu.memref_slice %arg9[%arg0, %dma_start3A_243, %dma_start3A_244] : memref<2x10240x128xf32, #tpu.memory_space<hbm>> -> memref<1x10240x128xf32, #tpu.memory_space<hbm>>
      %dma_start3A_246 = tpu.memref_squeeze %dma_start3A_245 : memref<1x10240x128xf32, #tpu.memory_space<hbm>> -> memref<10240x128xf32, #tpu.memory_space<hbm>>
      %dma_start3A_247 = arith.constant 0 : i32
      %dma_start3A_248 = tpu.memref_slice %dma_start3A_246[%multiple_of3A_201, %dma_start3A_247] : memref<10240x128xf32, #tpu.memory_space<hbm>> -> memref<80x128xf32, #tpu.memory_space<hbm>>
      tpu.enqueue_dma source(%arg21 : memref<80x128xf32, #tpu.memory_space<vmem>>) target(%dma_start3A_248 : memref<80x128xf32, #tpu.memory_space<hbm>>) target_semaphore(%run_scoped3A : memref<!tpu.dma_semaphore, #tpu.memory_space<semaphore_mem>>)
      %dma_wait3A_249 = arith.constant 0 : i32
      %dma_wait3A_250 = arith.constant 0 : i32
      %dma_wait3A_251 = tpu.memref_slice %arg9[%arg0, %dma_wait3A_249, %dma_wait3A_250] : memref<2x10240x128xf32, #tpu.memory_space<hbm>> -> memref<1x10240x128xf32, #tpu.memory_space<hbm>>
      %dma_wait3A_252 = tpu.memref_squeeze %dma_wait3A_251 : memref<1x10240x128xf32, #tpu.memory_space<hbm>> -> memref<10240x128xf32, #tpu.memory_space<hbm>>
      %dma_wait3A_253 = arith.constant 0 : i32
      %dma_wait3A_254 = tpu.memref_slice %dma_wait3A_252[%multiple_of3A_201, %dma_wait3A_253] : memref<10240x128xf32, #tpu.memory_space<hbm>> -> memref<80x128xf32, #tpu.memory_space<hbm>>
      %dma_wait3A_255 = arith.constant 0 : i32
      %dma_wait3A_256 = arith.constant 0 : i32
      %dma_wait3A_257 = tpu.memref_slice %arg9[%arg0, %dma_wait3A_255, %dma_wait3A_256] : memref<2x10240x128xf32, #tpu.memory_space<hbm>> -> memref<1x10240x128xf32, #tpu.memory_space<hbm>>
      %dma_wait3A_258 = tpu.memref_squeeze %dma_wait3A_257 : memref<1x10240x128xf32, #tpu.memory_space<hbm>> -> memref<10240x128xf32, #tpu.memory_space<hbm>>
      %dma_wait3A_259 = arith.constant 0 : i32
      %dma_wait3A_260 = tpu.memref_slice %dma_wait3A_258[%multiple_of3A_201, %dma_wait3A_259] : memref<10240x128xf32, #tpu.memory_space<hbm>> -> memref<80x128xf32, #tpu.memory_space<hbm>>
      tpu.wait_dma2 semaphore(%run_scoped3A : memref<!tpu.dma_semaphore, #tpu.memory_space<semaphore_mem>>) src(%arg21 : memref<80x128xf32, #tpu.memory_space<vmem>>) dst(%dma_wait3A_260 : memref<80x128xf32, #tpu.memory_space<hbm>>)
      tpu.yield
    }) : () -> ()
    %mul3A_202 = arith.constant 640 : i32
    %mul3A_203 = arith.muli %arg1, %mul3A_202 : i32
    %add3A_204 = arith.constant 80 : i32
    %add3A_205 = arith.addi %mul3A_203, %add3A_204 : i32
    %multiple_of3A_206 = tpu.assume_multiple %add3A_205, 8 : i32
    "tpu.region"() ({
      %run_scoped3A = tpu.sem_alloc : memref<!tpu.dma_semaphore, #tpu.memory_space<semaphore_mem>>
      %dma_start3A_237 = arith.constant 0 : i32
      %dma_start3A_238 = tpu.memref_slice %arg11[%multiple_of3A_206, %dma_start3A_237] : memref<10240x128xf32, #tpu.memory_space<vmem_shared>> -> memref<80x128xf32, #tpu.memory_space<vmem_shared>>
      %dma_start3A_239 = arith.constant 0 : i32
      %dma_start3A_240 = tpu.memref_slice %arg11[%multiple_of3A_206, %dma_start3A_239] : memref<10240x128xf32, #tpu.memory_space<vmem_shared>> -> memref<80x128xf32, #tpu.memory_space<vmem_shared>>
      tpu.enqueue_dma source(%dma_start3A_240 : memref<80x128xf32, #tpu.memory_space<vmem_shared>>) target(%arg21 : memref<80x128xf32, #tpu.memory_space<vmem>>) target_semaphore(%run_scoped3A : memref<!tpu.dma_semaphore, #tpu.memory_space<semaphore_mem>>)
      %dma_wait3A_241 = arith.constant 0 : i32
      %dma_wait3A_242 = tpu.memref_slice %arg11[%multiple_of3A_206, %dma_wait3A_241] : memref<10240x128xf32, #tpu.memory_space<vmem_shared>> -> memref<80x128xf32, #tpu.memory_space<vmem_shared>>
      %dma_wait3A_243 = arith.constant 0 : i32
      %dma_wait3A_244 = tpu.memref_slice %arg11[%multiple_of3A_206, %dma_wait3A_243] : memref<10240x128xf32, #tpu.memory_space<vmem_shared>> -> memref<80x128xf32, #tpu.memory_space<vmem_shared>>
      tpu.wait_dma2 semaphore(%run_scoped3A : memref<!tpu.dma_semaphore, #tpu.memory_space<semaphore_mem>>) src(%dma_wait3A_244 : memref<80x128xf32, #tpu.memory_space<vmem_shared>>) dst(%arg21 : memref<80x128xf32, #tpu.memory_space<vmem>>)
      tpu.yield
    }) : () -> ()
    "tpu.region"() ({
      %run_scoped3A = tpu.sem_alloc : memref<!tpu.dma_semaphore, #tpu.memory_space<semaphore_mem>>
      %dma_start3A_237 = arith.constant 0 : i32
      %dma_start3A_238 = arith.constant 0 : i32
      %dma_start3A_239 = tpu.memref_slice %arg9[%arg0, %dma_start3A_237, %dma_start3A_238] : memref<2x10240x128xf32, #tpu.memory_space<hbm>> -> memref<1x10240x128xf32, #tpu.memory_space<hbm>>
      %dma_start3A_240 = tpu.memref_squeeze %dma_start3A_239 : memref<1x10240x128xf32, #tpu.memory_space<hbm>> -> memref<10240x128xf32, #tpu.memory_space<hbm>>
      %dma_start3A_241 = arith.constant 0 : i32
      %dma_start3A_242 = tpu.memref_slice %dma_start3A_240[%multiple_of3A_206, %dma_start3A_241] : memref<10240x128xf32, #tpu.memory_space<hbm>> -> memref<80x128xf32, #tpu.memory_space<hbm>>
      %dma_start3A_243 = arith.constant 0 : i32
      %dma_start3A_244 = arith.constant 0 : i32
      %dma_start3A_245 = tpu.memref_slice %arg9[%arg0, %dma_start3A_243, %dma_start3A_244] : memref<2x10240x128xf32, #tpu.memory_space<hbm>> -> memref<1x10240x128xf32, #tpu.memory_space<hbm>>
      %dma_start3A_246 = tpu.memref_squeeze %dma_start3A_245 : memref<1x10240x128xf32, #tpu.memory_space<hbm>> -> memref<10240x128xf32, #tpu.memory_space<hbm>>
      %dma_start3A_247 = arith.constant 0 : i32
      %dma_start3A_248 = tpu.memref_slice %dma_start3A_246[%multiple_of3A_206, %dma_start3A_247] : memref<10240x128xf32, #tpu.memory_space<hbm>> -> memref<80x128xf32, #tpu.memory_space<hbm>>
      tpu.enqueue_dma source(%arg21 : memref<80x128xf32, #tpu.memory_space<vmem>>) target(%dma_start3A_248 : memref<80x128xf32, #tpu.memory_space<hbm>>) target_semaphore(%run_scoped3A : memref<!tpu.dma_semaphore, #tpu.memory_space<semaphore_mem>>)
      %dma_wait3A_249 = arith.constant 0 : i32
      %dma_wait3A_250 = arith.constant 0 : i32
      %dma_wait3A_251 = tpu.memref_slice %arg9[%arg0, %dma_wait3A_249, %dma_wait3A_250] : memref<2x10240x128xf32, #tpu.memory_space<hbm>> -> memref<1x10240x128xf32, #tpu.memory_space<hbm>>
      %dma_wait3A_252 = tpu.memref_squeeze %dma_wait3A_251 : memref<1x10240x128xf32, #tpu.memory_space<hbm>> -> memref<10240x128xf32, #tpu.memory_space<hbm>>
      %dma_wait3A_253 = arith.constant 0 : i32
      %dma_wait3A_254 = tpu.memref_slice %dma_wait3A_252[%multiple_of3A_206, %dma_wait3A_253] : memref<10240x128xf32, #tpu.memory_space<hbm>> -> memref<80x128xf32, #tpu.memory_space<hbm>>
      %dma_wait3A_255 = arith.constant 0 : i32
      %dma_wait3A_256 = arith.constant 0 : i32
      %dma_wait3A_257 = tpu.memref_slice %arg9[%arg0, %dma_wait3A_255, %dma_wait3A_256] : memref<2x10240x128xf32, #tpu.memory_space<hbm>> -> memref<1x10240x128xf32, #tpu.memory_space<hbm>>
      %dma_wait3A_258 = tpu.memref_squeeze %dma_wait3A_257 : memref<1x10240x128xf32, #tpu.memory_space<hbm>> -> memref<10240x128xf32, #tpu.memory_space<hbm>>
      %dma_wait3A_259 = arith.constant 0 : i32
      %dma_wait3A_260 = tpu.memref_slice %dma_wait3A_258[%multiple_of3A_206, %dma_wait3A_259] : memref<10240x128xf32, #tpu.memory_space<hbm>> -> memref<80x128xf32, #tpu.memory_space<hbm>>
      tpu.wait_dma2 semaphore(%run_scoped3A : memref<!tpu.dma_semaphore, #tpu.memory_space<semaphore_mem>>) src(%arg21 : memref<80x128xf32, #tpu.memory_space<vmem>>) dst(%dma_wait3A_260 : memref<80x128xf32, #tpu.memory_space<hbm>>)
      tpu.yield
    }) : () -> ()
    %mul3A_207 = arith.constant 640 : i32
    %mul3A_208 = arith.muli %arg1, %mul3A_207 : i32
    %add3A_209 = arith.constant 160 : i32
    %add3A_210 = arith.addi %mul3A_208, %add3A_209 : i32
    %multiple_of3A_211 = tpu.assume_multiple %add3A_210, 8 : i32
    "tpu.region"() ({
      %run_scoped3A = tpu.sem_alloc : memref<!tpu.dma_semaphore, #tpu.memory_space<semaphore_mem>>
      %dma_start3A_237 = arith.constant 0 : i32
      %dma_start3A_238 = tpu.memref_slice %arg11[%multiple_of3A_211, %dma_start3A_237] : memref<10240x128xf32, #tpu.memory_space<vmem_shared>> -> memref<80x128xf32, #tpu.memory_space<vmem_shared>>
      %dma_start3A_239 = arith.constant 0 : i32
      %dma_start3A_240 = tpu.memref_slice %arg11[%multiple_of3A_211, %dma_start3A_239] : memref<10240x128xf32, #tpu.memory_space<vmem_shared>> -> memref<80x128xf32, #tpu.memory_space<vmem_shared>>
      tpu.enqueue_dma source(%dma_start3A_240 : memref<80x128xf32, #tpu.memory_space<vmem_shared>>) target(%arg21 : memref<80x128xf32, #tpu.memory_space<vmem>>) target_semaphore(%run_scoped3A : memref<!tpu.dma_semaphore, #tpu.memory_space<semaphore_mem>>)
      %dma_wait3A_241 = arith.constant 0 : i32
      %dma_wait3A_242 = tpu.memref_slice %arg11[%multiple_of3A_211, %dma_wait3A_241] : memref<10240x128xf32, #tpu.memory_space<vmem_shared>> -> memref<80x128xf32, #tpu.memory_space<vmem_shared>>
      %dma_wait3A_243 = arith.constant 0 : i32
      %dma_wait3A_244 = tpu.memref_slice %arg11[%multiple_of3A_211, %dma_wait3A_243] : memref<10240x128xf32, #tpu.memory_space<vmem_shared>> -> memref<80x128xf32, #tpu.memory_space<vmem_shared>>
      tpu.wait_dma2 semaphore(%run_scoped3A : memref<!tpu.dma_semaphore, #tpu.memory_space<semaphore_mem>>) src(%dma_wait3A_244 : memref<80x128xf32, #tpu.memory_space<vmem_shared>>) dst(%arg21 : memref<80x128xf32, #tpu.memory_space<vmem>>)
      tpu.yield
    }) : () -> ()
    "tpu.region"() ({
      %run_scoped3A = tpu.sem_alloc : memref<!tpu.dma_semaphore, #tpu.memory_space<semaphore_mem>>
      %dma_start3A_237 = arith.constant 0 : i32
      %dma_start3A_238 = arith.constant 0 : i32
      %dma_start3A_239 = tpu.memref_slice %arg9[%arg0, %dma_start3A_237, %dma_start3A_238] : memref<2x10240x128xf32, #tpu.memory_space<hbm>> -> memref<1x10240x128xf32, #tpu.memory_space<hbm>>
      %dma_start3A_240 = tpu.memref_squeeze %dma_start3A_239 : memref<1x10240x128xf32, #tpu.memory_space<hbm>> -> memref<10240x128xf32, #tpu.memory_space<hbm>>
      %dma_start3A_241 = arith.constant 0 : i32
      %dma_start3A_242 = tpu.memref_slice %dma_start3A_240[%multiple_of3A_211, %dma_start3A_241] : memref<10240x128xf32, #tpu.memory_space<hbm>> -> memref<80x128xf32, #tpu.memory_space<hbm>>
      %dma_start3A_243 = arith.constant 0 : i32
      %dma_start3A_244 = arith.constant 0 : i32
      %dma_start3A_245 = tpu.memref_slice %arg9[%arg0, %dma_start3A_243, %dma_start3A_244] : memref<2x10240x128xf32, #tpu.memory_space<hbm>> -> memref<1x10240x128xf32, #tpu.memory_space<hbm>>
      %dma_start3A_246 = tpu.memref_squeeze %dma_start3A_245 : memref<1x10240x128xf32, #tpu.memory_space<hbm>> -> memref<10240x128xf32, #tpu.memory_space<hbm>>
      %dma_start3A_247 = arith.constant 0 : i32
      %dma_start3A_248 = tpu.memref_slice %dma_start3A_246[%multiple_of3A_211, %dma_start3A_247] : memref<10240x128xf32, #tpu.memory_space<hbm>> -> memref<80x128xf32, #tpu.memory_space<hbm>>
      tpu.enqueue_dma source(%arg21 : memref<80x128xf32, #tpu.memory_space<vmem>>) target(%dma_start3A_248 : memref<80x128xf32, #tpu.memory_space<hbm>>) target_semaphore(%run_scoped3A : memref<!tpu.dma_semaphore, #tpu.memory_space<semaphore_mem>>)
      %dma_wait3A_249 = arith.constant 0 : i32
      %dma_wait3A_250 = arith.constant 0 : i32
      %dma_wait3A_251 = tpu.memref_slice %arg9[%arg0, %dma_wait3A_249, %dma_wait3A_250] : memref<2x10240x128xf32, #tpu.memory_space<hbm>> -> memref<1x10240x128xf32, #tpu.memory_space<hbm>>
      %dma_wait3A_252 = tpu.memref_squeeze %dma_wait3A_251 : memref<1x10240x128xf32, #tpu.memory_space<hbm>> -> memref<10240x128xf32, #tpu.memory_space<hbm>>
      %dma_wait3A_253 = arith.constant 0 : i32
      %dma_wait3A_254 = tpu.memref_slice %dma_wait3A_252[%multiple_of3A_211, %dma_wait3A_253] : memref<10240x128xf32, #tpu.memory_space<hbm>> -> memref<80x128xf32, #tpu.memory_space<hbm>>
      %dma_wait3A_255 = arith.constant 0 : i32
      %dma_wait3A_256 = arith.constant 0 : i32
      %dma_wait3A_257 = tpu.memref_slice %arg9[%arg0, %dma_wait3A_255, %dma_wait3A_256] : memref<2x10240x128xf32, #tpu.memory_space<hbm>> -> memref<1x10240x128xf32, #tpu.memory_space<hbm>>
      %dma_wait3A_258 = tpu.memref_squeeze %dma_wait3A_257 : memref<1x10240x128xf32, #tpu.memory_space<hbm>> -> memref<10240x128xf32, #tpu.memory_space<hbm>>
      %dma_wait3A_259 = arith.constant 0 : i32
      %dma_wait3A_260 = tpu.memref_slice %dma_wait3A_258[%multiple_of3A_211, %dma_wait3A_259] : memref<10240x128xf32, #tpu.memory_space<hbm>> -> memref<80x128xf32, #tpu.memory_space<hbm>>
      tpu.wait_dma2 semaphore(%run_scoped3A : memref<!tpu.dma_semaphore, #tpu.memory_space<semaphore_mem>>) src(%arg21 : memref<80x128xf32, #tpu.memory_space<vmem>>) dst(%dma_wait3A_260 : memref<80x128xf32, #tpu.memory_space<hbm>>)
      tpu.yield
    }) : () -> ()
    %mul3A_212 = arith.constant 640 : i32
    %mul3A_213 = arith.muli %arg1, %mul3A_212 : i32
    %add3A_214 = arith.constant 240 : i32
    %add3A_215 = arith.addi %mul3A_213, %add3A_214 : i32
    %multiple_of3A_216 = tpu.assume_multiple %add3A_215, 8 : i32
    "tpu.region"() ({
      %run_scoped3A = tpu.sem_alloc : memref<!tpu.dma_semaphore, #tpu.memory_space<semaphore_mem>>
      %dma_start3A_237 = arith.constant 0 : i32
      %dma_start3A_238 = tpu.memref_slice %arg11[%multiple_of3A_216, %dma_start3A_237] : memref<10240x128xf32, #tpu.memory_space<vmem_shared>> -> memref<80x128xf32, #tpu.memory_space<vmem_shared>>
      %dma_start3A_239 = arith.constant 0 : i32
      %dma_start3A_240 = tpu.memref_slice %arg11[%multiple_of3A_216, %dma_start3A_239] : memref<10240x128xf32, #tpu.memory_space<vmem_shared>> -> memref<80x128xf32, #tpu.memory_space<vmem_shared>>
      tpu.enqueue_dma source(%dma_start3A_240 : memref<80x128xf32, #tpu.memory_space<vmem_shared>>) target(%arg21 : memref<80x128xf32, #tpu.memory_space<vmem>>) target_semaphore(%run_scoped3A : memref<!tpu.dma_semaphore, #tpu.memory_space<semaphore_mem>>)
      %dma_wait3A_241 = arith.constant 0 : i32
      %dma_wait3A_242 = tpu.memref_slice %arg11[%multiple_of3A_216, %dma_wait3A_241] : memref<10240x128xf32, #tpu.memory_space<vmem_shared>> -> memref<80x128xf32, #tpu.memory_space<vmem_shared>>
      %dma_wait3A_243 = arith.constant 0 : i32
      %dma_wait3A_244 = tpu.memref_slice %arg11[%multiple_of3A_216, %dma_wait3A_243] : memref<10240x128xf32, #tpu.memory_space<vmem_shared>> -> memref<80x128xf32, #tpu.memory_space<vmem_shared>>
      tpu.wait_dma2 semaphore(%run_scoped3A : memref<!tpu.dma_semaphore, #tpu.memory_space<semaphore_mem>>) src(%dma_wait3A_244 : memref<80x128xf32, #tpu.memory_space<vmem_shared>>) dst(%arg21 : memref<80x128xf32, #tpu.memory_space<vmem>>)
      tpu.yield
    }) : () -> ()
    "tpu.region"() ({
      %run_scoped3A = tpu.sem_alloc : memref<!tpu.dma_semaphore, #tpu.memory_space<semaphore_mem>>
      %dma_start3A_237 = arith.constant 0 : i32
      %dma_start3A_238 = arith.constant 0 : i32
      %dma_start3A_239 = tpu.memref_slice %arg9[%arg0, %dma_start3A_237, %dma_start3A_238] : memref<2x10240x128xf32, #tpu.memory_space<hbm>> -> memref<1x10240x128xf32, #tpu.memory_space<hbm>>
      %dma_start3A_240 = tpu.memref_squeeze %dma_start3A_239 : memref<1x10240x128xf32, #tpu.memory_space<hbm>> -> memref<10240x128xf32, #tpu.memory_space<hbm>>
      %dma_start3A_241 = arith.constant 0 : i32
      %dma_start3A_242 = tpu.memref_slice %dma_start3A_240[%multiple_of3A_216, %dma_start3A_241] : memref<10240x128xf32, #tpu.memory_space<hbm>> -> memref<80x128xf32, #tpu.memory_space<hbm>>
      %dma_start3A_243 = arith.constant 0 : i32
      %dma_start3A_244 = arith.constant 0 : i32
      %dma_start3A_245 = tpu.memref_slice %arg9[%arg0, %dma_start3A_243, %dma_start3A_244] : memref<2x10240x128xf32, #tpu.memory_space<hbm>> -> memref<1x10240x128xf32, #tpu.memory_space<hbm>>
      %dma_start3A_246 = tpu.memref_squeeze %dma_start3A_245 : memref<1x10240x128xf32, #tpu.memory_space<hbm>> -> memref<10240x128xf32, #tpu.memory_space<hbm>>
      %dma_start3A_247 = arith.constant 0 : i32
      %dma_start3A_248 = tpu.memref_slice %dma_start3A_246[%multiple_of3A_216, %dma_start3A_247] : memref<10240x128xf32, #tpu.memory_space<hbm>> -> memref<80x128xf32, #tpu.memory_space<hbm>>
      tpu.enqueue_dma source(%arg21 : memref<80x128xf32, #tpu.memory_space<vmem>>) target(%dma_start3A_248 : memref<80x128xf32, #tpu.memory_space<hbm>>) target_semaphore(%run_scoped3A : memref<!tpu.dma_semaphore, #tpu.memory_space<semaphore_mem>>)
      %dma_wait3A_249 = arith.constant 0 : i32
      %dma_wait3A_250 = arith.constant 0 : i32
      %dma_wait3A_251 = tpu.memref_slice %arg9[%arg0, %dma_wait3A_249, %dma_wait3A_250] : memref<2x10240x128xf32, #tpu.memory_space<hbm>> -> memref<1x10240x128xf32, #tpu.memory_space<hbm>>
      %dma_wait3A_252 = tpu.memref_squeeze %dma_wait3A_251 : memref<1x10240x128xf32, #tpu.memory_space<hbm>> -> memref<10240x128xf32, #tpu.memory_space<hbm>>
      %dma_wait3A_253 = arith.constant 0 : i32
      %dma_wait3A_254 = tpu.memref_slice %dma_wait3A_252[%multiple_of3A_216, %dma_wait3A_253] : memref<10240x128xf32, #tpu.memory_space<hbm>> -> memref<80x128xf32, #tpu.memory_space<hbm>>
      %dma_wait3A_255 = arith.constant 0 : i32
      %dma_wait3A_256 = arith.constant 0 : i32
      %dma_wait3A_257 = tpu.memref_slice %arg9[%arg0, %dma_wait3A_255, %dma_wait3A_256] : memref<2x10240x128xf32, #tpu.memory_space<hbm>> -> memref<1x10240x128xf32, #tpu.memory_space<hbm>>
      %dma_wait3A_258 = tpu.memref_squeeze %dma_wait3A_257 : memref<1x10240x128xf32, #tpu.memory_space<hbm>> -> memref<10240x128xf32, #tpu.memory_space<hbm>>
      %dma_wait3A_259 = arith.constant 0 : i32
      %dma_wait3A_260 = tpu.memref_slice %dma_wait3A_258[%multiple_of3A_216, %dma_wait3A_259] : memref<10240x128xf32, #tpu.memory_space<hbm>> -> memref<80x128xf32, #tpu.memory_space<hbm>>
      tpu.wait_dma2 semaphore(%run_scoped3A : memref<!tpu.dma_semaphore, #tpu.memory_space<semaphore_mem>>) src(%arg21 : memref<80x128xf32, #tpu.memory_space<vmem>>) dst(%dma_wait3A_260 : memref<80x128xf32, #tpu.memory_space<hbm>>)
      tpu.yield
    }) : () -> ()
    %mul3A_217 = arith.constant 640 : i32
    %mul3A_218 = arith.muli %arg1, %mul3A_217 : i32
    %add3A_219 = arith.constant 320 : i32
    %add3A_220 = arith.addi %mul3A_218, %add3A_219 : i32
    %multiple_of3A_221 = tpu.assume_multiple %add3A_220, 8 : i32
    "tpu.region"() ({
      %run_scoped3A = tpu.sem_alloc : memref<!tpu.dma_semaphore, #tpu.memory_space<semaphore_mem>>
      %dma_start3A_237 = arith.constant 0 : i32
      %dma_start3A_238 = tpu.memref_slice %arg11[%multiple_of3A_221, %dma_start3A_237] : memref<10240x128xf32, #tpu.memory_space<vmem_shared>> -> memref<80x128xf32, #tpu.memory_space<vmem_shared>>
      %dma_start3A_239 = arith.constant 0 : i32
      %dma_start3A_240 = tpu.memref_slice %arg11[%multiple_of3A_221, %dma_start3A_239] : memref<10240x128xf32, #tpu.memory_space<vmem_shared>> -> memref<80x128xf32, #tpu.memory_space<vmem_shared>>
      tpu.enqueue_dma source(%dma_start3A_240 : memref<80x128xf32, #tpu.memory_space<vmem_shared>>) target(%arg21 : memref<80x128xf32, #tpu.memory_space<vmem>>) target_semaphore(%run_scoped3A : memref<!tpu.dma_semaphore, #tpu.memory_space<semaphore_mem>>)
      %dma_wait3A_241 = arith.constant 0 : i32
      %dma_wait3A_242 = tpu.memref_slice %arg11[%multiple_of3A_221, %dma_wait3A_241] : memref<10240x128xf32, #tpu.memory_space<vmem_shared>> -> memref<80x128xf32, #tpu.memory_space<vmem_shared>>
      %dma_wait3A_243 = arith.constant 0 : i32
      %dma_wait3A_244 = tpu.memref_slice %arg11[%multiple_of3A_221, %dma_wait3A_243] : memref<10240x128xf32, #tpu.memory_space<vmem_shared>> -> memref<80x128xf32, #tpu.memory_space<vmem_shared>>
      tpu.wait_dma2 semaphore(%run_scoped3A : memref<!tpu.dma_semaphore, #tpu.memory_space<semaphore_mem>>) src(%dma_wait3A_244 : memref<80x128xf32, #tpu.memory_space<vmem_shared>>) dst(%arg21 : memref<80x128xf32, #tpu.memory_space<vmem>>)
      tpu.yield
    }) : () -> ()
    "tpu.region"() ({
      %run_scoped3A = tpu.sem_alloc : memref<!tpu.dma_semaphore, #tpu.memory_space<semaphore_mem>>
      %dma_start3A_237 = arith.constant 0 : i32
      %dma_start3A_238 = arith.constant 0 : i32
      %dma_start3A_239 = tpu.memref_slice %arg9[%arg0, %dma_start3A_237, %dma_start3A_238] : memref<2x10240x128xf32, #tpu.memory_space<hbm>> -> memref<1x10240x128xf32, #tpu.memory_space<hbm>>
      %dma_start3A_240 = tpu.memref_squeeze %dma_start3A_239 : memref<1x10240x128xf32, #tpu.memory_space<hbm>> -> memref<10240x128xf32, #tpu.memory_space<hbm>>
      %dma_start3A_241 = arith.constant 0 : i32
      %dma_start3A_242 = tpu.memref_slice %dma_start3A_240[%multiple_of3A_221, %dma_start3A_241] : memref<10240x128xf32, #tpu.memory_space<hbm>> -> memref<80x128xf32, #tpu.memory_space<hbm>>
      %dma_start3A_243 = arith.constant 0 : i32
      %dma_start3A_244 = arith.constant 0 : i32
      %dma_start3A_245 = tpu.memref_slice %arg9[%arg0, %dma_start3A_243, %dma_start3A_244] : memref<2x10240x128xf32, #tpu.memory_space<hbm>> -> memref<1x10240x128xf32, #tpu.memory_space<hbm>>
      %dma_start3A_246 = tpu.memref_squeeze %dma_start3A_245 : memref<1x10240x128xf32, #tpu.memory_space<hbm>> -> memref<10240x128xf32, #tpu.memory_space<hbm>>
      %dma_start3A_247 = arith.constant 0 : i32
      %dma_start3A_248 = tpu.memref_slice %dma_start3A_246[%multiple_of3A_221, %dma_start3A_247] : memref<10240x128xf32, #tpu.memory_space<hbm>> -> memref<80x128xf32, #tpu.memory_space<hbm>>
      tpu.enqueue_dma source(%arg21 : memref<80x128xf32, #tpu.memory_space<vmem>>) target(%dma_start3A_248 : memref<80x128xf32, #tpu.memory_space<hbm>>) target_semaphore(%run_scoped3A : memref<!tpu.dma_semaphore, #tpu.memory_space<semaphore_mem>>)
      %dma_wait3A_249 = arith.constant 0 : i32
      %dma_wait3A_250 = arith.constant 0 : i32
      %dma_wait3A_251 = tpu.memref_slice %arg9[%arg0, %dma_wait3A_249, %dma_wait3A_250] : memref<2x10240x128xf32, #tpu.memory_space<hbm>> -> memref<1x10240x128xf32, #tpu.memory_space<hbm>>
      %dma_wait3A_252 = tpu.memref_squeeze %dma_wait3A_251 : memref<1x10240x128xf32, #tpu.memory_space<hbm>> -> memref<10240x128xf32, #tpu.memory_space<hbm>>
      %dma_wait3A_253 = arith.constant 0 : i32
      %dma_wait3A_254 = tpu.memref_slice %dma_wait3A_252[%multiple_of3A_221, %dma_wait3A_253] : memref<10240x128xf32, #tpu.memory_space<hbm>> -> memref<80x128xf32, #tpu.memory_space<hbm>>
      %dma_wait3A_255 = arith.constant 0 : i32
      %dma_wait3A_256 = arith.constant 0 : i32
      %dma_wait3A_257 = tpu.memref_slice %arg9[%arg0, %dma_wait3A_255, %dma_wait3A_256] : memref<2x10240x128xf32, #tpu.memory_space<hbm>> -> memref<1x10240x128xf32, #tpu.memory_space<hbm>>
      %dma_wait3A_258 = tpu.memref_squeeze %dma_wait3A_257 : memref<1x10240x128xf32, #tpu.memory_space<hbm>> -> memref<10240x128xf32, #tpu.memory_space<hbm>>
      %dma_wait3A_259 = arith.constant 0 : i32
      %dma_wait3A_260 = tpu.memref_slice %dma_wait3A_258[%multiple_of3A_221, %dma_wait3A_259] : memref<10240x128xf32, #tpu.memory_space<hbm>> -> memref<80x128xf32, #tpu.memory_space<hbm>>
      tpu.wait_dma2 semaphore(%run_scoped3A : memref<!tpu.dma_semaphore, #tpu.memory_space<semaphore_mem>>) src(%arg21 : memref<80x128xf32, #tpu.memory_space<vmem>>) dst(%dma_wait3A_260 : memref<80x128xf32, #tpu.memory_space<hbm>>)
      tpu.yield
    }) : () -> ()
    %mul3A_222 = arith.constant 640 : i32
    %mul3A_223 = arith.muli %arg1, %mul3A_222 : i32
    %add3A_224 = arith.constant 400 : i32
    %add3A_225 = arith.addi %mul3A_223, %add3A_224 : i32
    %multiple_of3A_226 = tpu.assume_multiple %add3A_225, 8 : i32
    "tpu.region"() ({
      %run_scoped3A = tpu.sem_alloc : memref<!tpu.dma_semaphore, #tpu.memory_space<semaphore_mem>>
      %dma_start3A_237 = arith.constant 0 : i32
      %dma_start3A_238 = tpu.memref_slice %arg11[%multiple_of3A_226, %dma_start3A_237] : memref<10240x128xf32, #tpu.memory_space<vmem_shared>> -> memref<80x128xf32, #tpu.memory_space<vmem_shared>>
      %dma_start3A_239 = arith.constant 0 : i32
      %dma_start3A_240 = tpu.memref_slice %arg11[%multiple_of3A_226, %dma_start3A_239] : memref<10240x128xf32, #tpu.memory_space<vmem_shared>> -> memref<80x128xf32, #tpu.memory_space<vmem_shared>>
      tpu.enqueue_dma source(%dma_start3A_240 : memref<80x128xf32, #tpu.memory_space<vmem_shared>>) target(%arg21 : memref<80x128xf32, #tpu.memory_space<vmem>>) target_semaphore(%run_scoped3A : memref<!tpu.dma_semaphore, #tpu.memory_space<semaphore_mem>>)
      %dma_wait3A_241 = arith.constant 0 : i32
      %dma_wait3A_242 = tpu.memref_slice %arg11[%multiple_of3A_226, %dma_wait3A_241] : memref<10240x128xf32, #tpu.memory_space<vmem_shared>> -> memref<80x128xf32, #tpu.memory_space<vmem_shared>>
      %dma_wait3A_243 = arith.constant 0 : i32
      %dma_wait3A_244 = tpu.memref_slice %arg11[%multiple_of3A_226, %dma_wait3A_243] : memref<10240x128xf32, #tpu.memory_space<vmem_shared>> -> memref<80x128xf32, #tpu.memory_space<vmem_shared>>
      tpu.wait_dma2 semaphore(%run_scoped3A : memref<!tpu.dma_semaphore, #tpu.memory_space<semaphore_mem>>) src(%dma_wait3A_244 : memref<80x128xf32, #tpu.memory_space<vmem_shared>>) dst(%arg21 : memref<80x128xf32, #tpu.memory_space<vmem>>)
      tpu.yield
    }) : () -> ()
    "tpu.region"() ({
      %run_scoped3A = tpu.sem_alloc : memref<!tpu.dma_semaphore, #tpu.memory_space<semaphore_mem>>
      %dma_start3A_237 = arith.constant 0 : i32
      %dma_start3A_238 = arith.constant 0 : i32
      %dma_start3A_239 = tpu.memref_slice %arg9[%arg0, %dma_start3A_237, %dma_start3A_238] : memref<2x10240x128xf32, #tpu.memory_space<hbm>> -> memref<1x10240x128xf32, #tpu.memory_space<hbm>>
      %dma_start3A_240 = tpu.memref_squeeze %dma_start3A_239 : memref<1x10240x128xf32, #tpu.memory_space<hbm>> -> memref<10240x128xf32, #tpu.memory_space<hbm>>
      %dma_start3A_241 = arith.constant 0 : i32
      %dma_start3A_242 = tpu.memref_slice %dma_start3A_240[%multiple_of3A_226, %dma_start3A_241] : memref<10240x128xf32, #tpu.memory_space<hbm>> -> memref<80x128xf32, #tpu.memory_space<hbm>>
      %dma_start3A_243 = arith.constant 0 : i32
      %dma_start3A_244 = arith.constant 0 : i32
      %dma_start3A_245 = tpu.memref_slice %arg9[%arg0, %dma_start3A_243, %dma_start3A_244] : memref<2x10240x128xf32, #tpu.memory_space<hbm>> -> memref<1x10240x128xf32, #tpu.memory_space<hbm>>
      %dma_start3A_246 = tpu.memref_squeeze %dma_start3A_245 : memref<1x10240x128xf32, #tpu.memory_space<hbm>> -> memref<10240x128xf32, #tpu.memory_space<hbm>>
      %dma_start3A_247 = arith.constant 0 : i32
      %dma_start3A_248 = tpu.memref_slice %dma_start3A_246[%multiple_of3A_226, %dma_start3A_247] : memref<10240x128xf32, #tpu.memory_space<hbm>> -> memref<80x128xf32, #tpu.memory_space<hbm>>
      tpu.enqueue_dma source(%arg21 : memref<80x128xf32, #tpu.memory_space<vmem>>) target(%dma_start3A_248 : memref<80x128xf32, #tpu.memory_space<hbm>>) target_semaphore(%run_scoped3A : memref<!tpu.dma_semaphore, #tpu.memory_space<semaphore_mem>>)
      %dma_wait3A_249 = arith.constant 0 : i32
      %dma_wait3A_250 = arith.constant 0 : i32
      %dma_wait3A_251 = tpu.memref_slice %arg9[%arg0, %dma_wait3A_249, %dma_wait3A_250] : memref<2x10240x128xf32, #tpu.memory_space<hbm>> -> memref<1x10240x128xf32, #tpu.memory_space<hbm>>
      %dma_wait3A_252 = tpu.memref_squeeze %dma_wait3A_251 : memref<1x10240x128xf32, #tpu.memory_space<hbm>> -> memref<10240x128xf32, #tpu.memory_space<hbm>>
      %dma_wait3A_253 = arith.constant 0 : i32
      %dma_wait3A_254 = tpu.memref_slice %dma_wait3A_252[%multiple_of3A_226, %dma_wait3A_253] : memref<10240x128xf32, #tpu.memory_space<hbm>> -> memref<80x128xf32, #tpu.memory_space<hbm>>
      %dma_wait3A_255 = arith.constant 0 : i32
      %dma_wait3A_256 = arith.constant 0 : i32
      %dma_wait3A_257 = tpu.memref_slice %arg9[%arg0, %dma_wait3A_255, %dma_wait3A_256] : memref<2x10240x128xf32, #tpu.memory_space<hbm>> -> memref<1x10240x128xf32, #tpu.memory_space<hbm>>
      %dma_wait3A_258 = tpu.memref_squeeze %dma_wait3A_257 : memref<1x10240x128xf32, #tpu.memory_space<hbm>> -> memref<10240x128xf32, #tpu.memory_space<hbm>>
      %dma_wait3A_259 = arith.constant 0 : i32
      %dma_wait3A_260 = tpu.memref_slice %dma_wait3A_258[%multiple_of3A_226, %dma_wait3A_259] : memref<10240x128xf32, #tpu.memory_space<hbm>> -> memref<80x128xf32, #tpu.memory_space<hbm>>
      tpu.wait_dma2 semaphore(%run_scoped3A : memref<!tpu.dma_semaphore, #tpu.memory_space<semaphore_mem>>) src(%arg21 : memref<80x128xf32, #tpu.memory_space<vmem>>) dst(%dma_wait3A_260 : memref<80x128xf32, #tpu.memory_space<hbm>>)
      tpu.yield
    }) : () -> ()
    %mul3A_227 = arith.constant 640 : i32
    %mul3A_228 = arith.muli %arg1, %mul3A_227 : i32
    %add3A_229 = arith.constant 480 : i32
    %add3A_230 = arith.addi %mul3A_228, %add3A_229 : i32
    %multiple_of3A_231 = tpu.assume_multiple %add3A_230, 8 : i32
    "tpu.region"() ({
      %run_scoped3A = tpu.sem_alloc : memref<!tpu.dma_semaphore, #tpu.memory_space<semaphore_mem>>
      %dma_start3A_237 = arith.constant 0 : i32
      %dma_start3A_238 = tpu.memref_slice %arg11[%multiple_of3A_231, %dma_start3A_237] : memref<10240x128xf32, #tpu.memory_space<vmem_shared>> -> memref<80x128xf32, #tpu.memory_space<vmem_shared>>
      %dma_start3A_239 = arith.constant 0 : i32
      %dma_start3A_240 = tpu.memref_slice %arg11[%multiple_of3A_231, %dma_start3A_239] : memref<10240x128xf32, #tpu.memory_space<vmem_shared>> -> memref<80x128xf32, #tpu.memory_space<vmem_shared>>
      tpu.enqueue_dma source(%dma_start3A_240 : memref<80x128xf32, #tpu.memory_space<vmem_shared>>) target(%arg21 : memref<80x128xf32, #tpu.memory_space<vmem>>) target_semaphore(%run_scoped3A : memref<!tpu.dma_semaphore, #tpu.memory_space<semaphore_mem>>)
      %dma_wait3A_241 = arith.constant 0 : i32
      %dma_wait3A_242 = tpu.memref_slice %arg11[%multiple_of3A_231, %dma_wait3A_241] : memref<10240x128xf32, #tpu.memory_space<vmem_shared>> -> memref<80x128xf32, #tpu.memory_space<vmem_shared>>
      %dma_wait3A_243 = arith.constant 0 : i32
      %dma_wait3A_244 = tpu.memref_slice %arg11[%multiple_of3A_231, %dma_wait3A_243] : memref<10240x128xf32, #tpu.memory_space<vmem_shared>> -> memref<80x128xf32, #tpu.memory_space<vmem_shared>>
      tpu.wait_dma2 semaphore(%run_scoped3A : memref<!tpu.dma_semaphore, #tpu.memory_space<semaphore_mem>>) src(%dma_wait3A_244 : memref<80x128xf32, #tpu.memory_space<vmem_shared>>) dst(%arg21 : memref<80x128xf32, #tpu.memory_space<vmem>>)
      tpu.yield
    }) : () -> ()
    "tpu.region"() ({
      %run_scoped3A = tpu.sem_alloc : memref<!tpu.dma_semaphore, #tpu.memory_space<semaphore_mem>>
      %dma_start3A_237 = arith.constant 0 : i32
      %dma_start3A_238 = arith.constant 0 : i32
      %dma_start3A_239 = tpu.memref_slice %arg9[%arg0, %dma_start3A_237, %dma_start3A_238] : memref<2x10240x128xf32, #tpu.memory_space<hbm>> -> memref<1x10240x128xf32, #tpu.memory_space<hbm>>
      %dma_start3A_240 = tpu.memref_squeeze %dma_start3A_239 : memref<1x10240x128xf32, #tpu.memory_space<hbm>> -> memref<10240x128xf32, #tpu.memory_space<hbm>>
      %dma_start3A_241 = arith.constant 0 : i32
      %dma_start3A_242 = tpu.memref_slice %dma_start3A_240[%multiple_of3A_231, %dma_start3A_241] : memref<10240x128xf32, #tpu.memory_space<hbm>> -> memref<80x128xf32, #tpu.memory_space<hbm>>
      %dma_start3A_243 = arith.constant 0 : i32
      %dma_start3A_244 = arith.constant 0 : i32
      %dma_start3A_245 = tpu.memref_slice %arg9[%arg0, %dma_start3A_243, %dma_start3A_244] : memref<2x10240x128xf32, #tpu.memory_space<hbm>> -> memref<1x10240x128xf32, #tpu.memory_space<hbm>>
      %dma_start3A_246 = tpu.memref_squeeze %dma_start3A_245 : memref<1x10240x128xf32, #tpu.memory_space<hbm>> -> memref<10240x128xf32, #tpu.memory_space<hbm>>
      %dma_start3A_247 = arith.constant 0 : i32
      %dma_start3A_248 = tpu.memref_slice %dma_start3A_246[%multiple_of3A_231, %dma_start3A_247] : memref<10240x128xf32, #tpu.memory_space<hbm>> -> memref<80x128xf32, #tpu.memory_space<hbm>>
      tpu.enqueue_dma source(%arg21 : memref<80x128xf32, #tpu.memory_space<vmem>>) target(%dma_start3A_248 : memref<80x128xf32, #tpu.memory_space<hbm>>) target_semaphore(%run_scoped3A : memref<!tpu.dma_semaphore, #tpu.memory_space<semaphore_mem>>)
      %dma_wait3A_249 = arith.constant 0 : i32
      %dma_wait3A_250 = arith.constant 0 : i32
      %dma_wait3A_251 = tpu.memref_slice %arg9[%arg0, %dma_wait3A_249, %dma_wait3A_250] : memref<2x10240x128xf32, #tpu.memory_space<hbm>> -> memref<1x10240x128xf32, #tpu.memory_space<hbm>>
      %dma_wait3A_252 = tpu.memref_squeeze %dma_wait3A_251 : memref<1x10240x128xf32, #tpu.memory_space<hbm>> -> memref<10240x128xf32, #tpu.memory_space<hbm>>
      %dma_wait3A_253 = arith.constant 0 : i32
      %dma_wait3A_254 = tpu.memref_slice %dma_wait3A_252[%multiple_of3A_231, %dma_wait3A_253] : memref<10240x128xf32, #tpu.memory_space<hbm>> -> memref<80x128xf32, #tpu.memory_space<hbm>>
      %dma_wait3A_255 = arith.constant 0 : i32
      %dma_wait3A_256 = arith.constant 0 : i32
      %dma_wait3A_257 = tpu.memref_slice %arg9[%arg0, %dma_wait3A_255, %dma_wait3A_256] : memref<2x10240x128xf32, #tpu.memory_space<hbm>> -> memref<1x10240x128xf32, #tpu.memory_space<hbm>>
      %dma_wait3A_258 = tpu.memref_squeeze %dma_wait3A_257 : memref<1x10240x128xf32, #tpu.memory_space<hbm>> -> memref<10240x128xf32, #tpu.memory_space<hbm>>
      %dma_wait3A_259 = arith.constant 0 : i32
      %dma_wait3A_260 = tpu.memref_slice %dma_wait3A_258[%multiple_of3A_231, %dma_wait3A_259] : memref<10240x128xf32, #tpu.memory_space<hbm>> -> memref<80x128xf32, #tpu.memory_space<hbm>>
      tpu.wait_dma2 semaphore(%run_scoped3A : memref<!tpu.dma_semaphore, #tpu.memory_space<semaphore_mem>>) src(%arg21 : memref<80x128xf32, #tpu.memory_space<vmem>>) dst(%dma_wait3A_260 : memref<80x128xf32, #tpu.memory_space<hbm>>)
      tpu.yield
    }) : () -> ()
    %mul3A_232 = arith.constant 640 : i32
    %mul3A_233 = arith.muli %arg1, %mul3A_232 : i32
    %add3A_234 = arith.constant 560 : i32
    %add3A_235 = arith.addi %mul3A_233, %add3A_234 : i32
    %multiple_of3A_236 = tpu.assume_multiple %add3A_235, 8 : i32
    "tpu.region"() ({
      %run_scoped3A = tpu.sem_alloc : memref<!tpu.dma_semaphore, #tpu.memory_space<semaphore_mem>>
      %dma_start3A_237 = arith.constant 0 : i32
      %dma_start3A_238 = tpu.memref_slice %arg11[%multiple_of3A_236, %dma_start3A_237] : memref<10240x128xf32, #tpu.memory_space<vmem_shared>> -> memref<80x128xf32, #tpu.memory_space<vmem_shared>>
      %dma_start3A_239 = arith.constant 0 : i32
      %dma_start3A_240 = tpu.memref_slice %arg11[%multiple_of3A_236, %dma_start3A_239] : memref<10240x128xf32, #tpu.memory_space<vmem_shared>> -> memref<80x128xf32, #tpu.memory_space<vmem_shared>>
      tpu.enqueue_dma source(%dma_start3A_240 : memref<80x128xf32, #tpu.memory_space<vmem_shared>>) target(%arg21 : memref<80x128xf32, #tpu.memory_space<vmem>>) target_semaphore(%run_scoped3A : memref<!tpu.dma_semaphore, #tpu.memory_space<semaphore_mem>>)
      %dma_wait3A_241 = arith.constant 0 : i32
      %dma_wait3A_242 = tpu.memref_slice %arg11[%multiple_of3A_236, %dma_wait3A_241] : memref<10240x128xf32, #tpu.memory_space<vmem_shared>> -> memref<80x128xf32, #tpu.memory_space<vmem_shared>>
      %dma_wait3A_243 = arith.constant 0 : i32
      %dma_wait3A_244 = tpu.memref_slice %arg11[%multiple_of3A_236, %dma_wait3A_243] : memref<10240x128xf32, #tpu.memory_space<vmem_shared>> -> memref<80x128xf32, #tpu.memory_space<vmem_shared>>
      tpu.wait_dma2 semaphore(%run_scoped3A : memref<!tpu.dma_semaphore, #tpu.memory_space<semaphore_mem>>) src(%dma_wait3A_244 : memref<80x128xf32, #tpu.memory_space<vmem_shared>>) dst(%arg21 : memref<80x128xf32, #tpu.memory_space<vmem>>)
      tpu.yield
    }) : () -> ()
    "tpu.region"() ({
      %run_scoped3A = tpu.sem_alloc : memref<!tpu.dma_semaphore, #tpu.memory_space<semaphore_mem>>
      %dma_start3A_237 = arith.constant 0 : i32
      %dma_start3A_238 = arith.constant 0 : i32
      %dma_start3A_239 = tpu.memref_slice %arg9[%arg0, %dma_start3A_237, %dma_start3A_238] : memref<2x10240x128xf32, #tpu.memory_space<hbm>> -> memref<1x10240x128xf32, #tpu.memory_space<hbm>>
      %dma_start3A_240 = tpu.memref_squeeze %dma_start3A_239 : memref<1x10240x128xf32, #tpu.memory_space<hbm>> -> memref<10240x128xf32, #tpu.memory_space<hbm>>
      %dma_start3A_241 = arith.constant 0 : i32
      %dma_start3A_242 = tpu.memref_slice %dma_start3A_240[%multiple_of3A_236, %dma_start3A_241] : memref<10240x128xf32, #tpu.memory_space<hbm>> -> memref<80x128xf32, #tpu.memory_space<hbm>>
      %dma_start3A_243 = arith.constant 0 : i32
      %dma_start3A_244 = arith.constant 0 : i32
      %dma_start3A_245 = tpu.memref_slice %arg9[%arg0, %dma_start3A_243, %dma_start3A_244] : memref<2x10240x128xf32, #tpu.memory_space<hbm>> -> memref<1x10240x128xf32, #tpu.memory_space<hbm>>
      %dma_start3A_246 = tpu.memref_squeeze %dma_start3A_245 : memref<1x10240x128xf32, #tpu.memory_space<hbm>> -> memref<10240x128xf32, #tpu.memory_space<hbm>>
      %dma_start3A_247 = arith.constant 0 : i32
      %dma_start3A_248 = tpu.memref_slice %dma_start3A_246[%multiple_of3A_236, %dma_start3A_247] : memref<10240x128xf32, #tpu.memory_space<hbm>> -> memref<80x128xf32, #tpu.memory_space<hbm>>
      tpu.enqueue_dma source(%arg21 : memref<80x128xf32, #tpu.memory_space<vmem>>) target(%dma_start3A_248 : memref<80x128xf32, #tpu.memory_space<hbm>>) target_semaphore(%run_scoped3A : memref<!tpu.dma_semaphore, #tpu.memory_space<semaphore_mem>>)
      %dma_wait3A_249 = arith.constant 0 : i32
      %dma_wait3A_250 = arith.constant 0 : i32
      %dma_wait3A_251 = tpu.memref_slice %arg9[%arg0, %dma_wait3A_249, %dma_wait3A_250] : memref<2x10240x128xf32, #tpu.memory_space<hbm>> -> memref<1x10240x128xf32, #tpu.memory_space<hbm>>
      %dma_wait3A_252 = tpu.memref_squeeze %dma_wait3A_251 : memref<1x10240x128xf32, #tpu.memory_space<hbm>> -> memref<10240x128xf32, #tpu.memory_space<hbm>>
      %dma_wait3A_253 = arith.constant 0 : i32
      %dma_wait3A_254 = tpu.memref_slice %dma_wait3A_252[%multiple_of3A_236, %dma_wait3A_253] : memref<10240x128xf32, #tpu.memory_space<hbm>> -> memref<80x128xf32, #tpu.memory_space<hbm>>
      %dma_wait3A_255 = arith.constant 0 : i32
      %dma_wait3A_256 = arith.constant 0 : i32
      %dma_wait3A_257 = tpu.memref_slice %arg9[%arg0, %dma_wait3A_255, %dma_wait3A_256] : memref<2x10240x128xf32, #tpu.memory_space<hbm>> -> memref<1x10240x128xf32, #tpu.memory_space<hbm>>
      %dma_wait3A_258 = tpu.memref_squeeze %dma_wait3A_257 : memref<1x10240x128xf32, #tpu.memory_space<hbm>> -> memref<10240x128xf32, #tpu.memory_space<hbm>>
      %dma_wait3A_259 = arith.constant 0 : i32
      %dma_wait3A_260 = tpu.memref_slice %dma_wait3A_258[%multiple_of3A_236, %dma_wait3A_259] : memref<10240x128xf32, #tpu.memory_space<hbm>> -> memref<80x128xf32, #tpu.memory_space<hbm>>
      tpu.wait_dma2 semaphore(%run_scoped3A : memref<!tpu.dma_semaphore, #tpu.memory_space<semaphore_mem>>) src(%arg21 : memref<80x128xf32, #tpu.memory_space<vmem>>) dst(%dma_wait3A_260 : memref<80x128xf32, #tpu.memory_space<hbm>>)
      tpu.yield
    }) : () -> ()
    "tpu.region"() ({
      %run_scoped3A = tpu.sem_alloc : memref<!tpu.dma_semaphore, #tpu.memory_space<semaphore_mem>>
      %dma_start3A_237 = tpu.memref_slice %arg12[%multiple_of3A_8] : memref<40960xf32, #tpu.memory_space<vmem_shared>> -> memref<2560xf32, #tpu.memory_space<vmem_shared>>
      %dma_start3A_238 = tpu.memref_slice %arg12[%multiple_of3A_8] : memref<40960xf32, #tpu.memory_space<vmem_shared>> -> memref<2560xf32, #tpu.memory_space<vmem_shared>>
      tpu.enqueue_dma source(%dma_start3A_238 : memref<2560xf32, #tpu.memory_space<vmem_shared>>) target(%arg22 : memref<2560xf32, #tpu.memory_space<vmem>>) target_semaphore(%run_scoped3A : memref<!tpu.dma_semaphore, #tpu.memory_space<semaphore_mem>>)
      %dma_wait3A_239 = tpu.memref_slice %arg12[%multiple_of3A_8] : memref<40960xf32, #tpu.memory_space<vmem_shared>> -> memref<2560xf32, #tpu.memory_space<vmem_shared>>
      %dma_wait3A_240 = tpu.memref_slice %arg12[%multiple_of3A_8] : memref<40960xf32, #tpu.memory_space<vmem_shared>> -> memref<2560xf32, #tpu.memory_space<vmem_shared>>
      tpu.wait_dma2 semaphore(%run_scoped3A : memref<!tpu.dma_semaphore, #tpu.memory_space<semaphore_mem>>) src(%dma_wait3A_240 : memref<2560xf32, #tpu.memory_space<vmem_shared>>) dst(%arg22 : memref<2560xf32, #tpu.memory_space<vmem>>)
      tpu.yield
    }) : () -> ()
    "tpu.region"() ({
      %run_scoped3A = tpu.sem_alloc : memref<!tpu.dma_semaphore, #tpu.memory_space<semaphore_mem>>
      %dma_start3A_237 = arith.constant 0 : i32
      %dma_start3A_238 = tpu.memref_slice %arg10[%arg0, %dma_start3A_237] : memref<2x40960xf32, #tpu.memory_space<hbm>> -> memref<1x40960xf32, #tpu.memory_space<hbm>>
      %dma_start3A_239 = tpu.memref_squeeze %dma_start3A_238 : memref<1x40960xf32, #tpu.memory_space<hbm>> -> memref<40960xf32, #tpu.memory_space<hbm>>
      %dma_start3A_240 = tpu.memref_slice %dma_start3A_239[%multiple_of3A_8] : memref<40960xf32, #tpu.memory_space<hbm>> -> memref<2560xf32, #tpu.memory_space<hbm>>
      %dma_start3A_241 = arith.constant 0 : i32
      %dma_start3A_242 = tpu.memref_slice %arg10[%arg0, %dma_start3A_241] : memref<2x40960xf32, #tpu.memory_space<hbm>> -> memref<1x40960xf32, #tpu.memory_space<hbm>>
      %dma_start3A_243 = tpu.memref_squeeze %dma_start3A_242 : memref<1x40960xf32, #tpu.memory_space<hbm>> -> memref<40960xf32, #tpu.memory_space<hbm>>
      %dma_start3A_244 = tpu.memref_slice %dma_start3A_243[%multiple_of3A_8] : memref<40960xf32, #tpu.memory_space<hbm>> -> memref<2560xf32, #tpu.memory_space<hbm>>
      tpu.enqueue_dma source(%arg22 : memref<2560xf32, #tpu.memory_space<vmem>>) target(%dma_start3A_244 : memref<2560xf32, #tpu.memory_space<hbm>>) target_semaphore(%run_scoped3A : memref<!tpu.dma_semaphore, #tpu.memory_space<semaphore_mem>>)
      %dma_wait3A_245 = arith.constant 0 : i32
      %dma_wait3A_246 = tpu.memref_slice %arg10[%arg0, %dma_wait3A_245] : memref<2x40960xf32, #tpu.memory_space<hbm>> -> memref<1x40960xf32, #tpu.memory_space<hbm>>
      %dma_wait3A_247 = tpu.memref_squeeze %dma_wait3A_246 : memref<1x40960xf32, #tpu.memory_space<hbm>> -> memref<40960xf32, #tpu.memory_space<hbm>>
      %dma_wait3A_248 = tpu.memref_slice %dma_wait3A_247[%multiple_of3A_8] : memref<40960xf32, #tpu.memory_space<hbm>> -> memref<2560xf32, #tpu.memory_space<hbm>>
      %dma_wait3A_249 = arith.constant 0 : i32
      %dma_wait3A_250 = tpu.memref_slice %arg10[%arg0, %dma_wait3A_249] : memref<2x40960xf32, #tpu.memory_space<hbm>> -> memref<1x40960xf32, #tpu.memory_space<hbm>>
      %dma_wait3A_251 = tpu.memref_squeeze %dma_wait3A_250 : memref<1x40960xf32, #tpu.memory_space<hbm>> -> memref<40960xf32, #tpu.memory_space<hbm>>
      %dma_wait3A_252 = tpu.memref_slice %dma_wait3A_251[%multiple_of3A_8] : memref<40960xf32, #tpu.memory_space<hbm>> -> memref<2560xf32, #tpu.memory_space<hbm>>
      tpu.wait_dma2 semaphore(%run_scoped3A : memref<!tpu.dma_semaphore, #tpu.memory_space<semaphore_mem>>) src(%arg22 : memref<2560xf32, #tpu.memory_space<vmem>>) dst(%dma_wait3A_252 : memref<2560xf32, #tpu.memory_space<hbm>>)
      tpu.yield
    }) : () -> ()
    return
  }
}

#map = affine_map<(d0, d1) -> (0, 0)>
#map1 = affine_map<(d0, d1) -> (0)>
module attributes {stable_mosaic.version = 14 : i64} {
  func.func @_gather_body(%arg0: i32, %arg1: i32, %arg2: memref<10240x128xf32, #tpu.memory_space<hbm>>, %arg3: memref<10240x128xf32, #tpu.memory_space<hbm>>, %arg4: memref<320000xi32, #tpu.memory_space<hbm>>, %arg5: memref<320000xi32, #tpu.memory_space<hbm>>, %arg6: memref<40960xf32, #tpu.memory_space<hbm>>, %arg7: memref<320000x128xf32, #tpu.memory_space<hbm>>, %arg8: memref<320000x128xf32, #tpu.memory_space<hbm>>, %arg9: memref<320000xf32, #tpu.memory_space<hbm>>, %arg10: memref<320000xf32, #tpu.memory_space<hbm>>, %arg11: memref<320000xf32, #tpu.memory_space<hbm>>, %arg12: memref<320000xf32, #tpu.memory_space<hbm>>, %arg13: memref<10000xi32, #tpu.memory_space<vmem>>, %arg14: memref<10000xi32, #tpu.memory_space<vmem>>, %arg15: memref<40960xf32, #tpu.memory_space<vmem>>, %arg16: memref<80x128xf32, #tpu.memory_space<vmem>>, %arg17: memref<80x128xf32, #tpu.memory_space<vmem>>, %arg18: memref<4x80xf32, #tpu.memory_space<vmem>>, %arg19: memref<80x128xf32, #tpu.memory_space<vmem>>, %arg20: memref<80x128xf32, #tpu.memory_space<vmem>>, %arg21: memref<4x80xf32, #tpu.memory_space<vmem>>, %arg22: memref<!tpu.dma_semaphore, #tpu.memory_space<semaphore_mem>>, %arg23: memref<!tpu.dma_semaphore, #tpu.memory_space<semaphore_mem>>, %arg24: memref<!tpu.dma_semaphore, #tpu.memory_space<semaphore_mem>>, %arg25: memref<!tpu.dma_semaphore, #tpu.memory_space<semaphore_mem>>) attributes {dimension_semantics = [#tpu.dimension_semantics<core_parallel>, #tpu.dimension_semantics<subcore_parallel>], iteration_bounds = array<i64: 2, 16>, scalar_prefetch = 0 : i64, scratch_operands = 13 : i64, tpu.core_type = #tpu.core_type<sc_vector_subcore>, window_params = [{transform_indices = #map}, {transform_indices = #map}, {transform_indices = #map1}, {transform_indices = #map1}, {transform_indices = #map1}, {transform_indices = #map}, {transform_indices = #map}, {transform_indices = #map1}, {transform_indices = #map1}, {transform_indices = #map1}, {transform_indices = #map1}]} {
    %mul3A = arith.constant 2 : i32
    %mul3A_0 = arith.muli %arg1, %mul3A : i32
    %add3A = arith.addi %mul3A_0, %arg0 : i32
    %mul3A_1 = arith.constant 10000 : i32
    %mul3A_2 = arith.muli %add3A, %mul3A_1 : i32
    %multiple_of3A = tpu.assume_multiple %mul3A_2, 8 : i32
    "tpu.region"() ({
      %run_scoped3A = tpu.sem_alloc : memref<!tpu.dma_semaphore, #tpu.memory_space<semaphore_mem>>
      tpu.enqueue_dma source(%arg6 : memref<40960xf32, #tpu.memory_space<hbm>>) target(%arg15 : memref<40960xf32, #tpu.memory_space<vmem>>) target_semaphore(%run_scoped3A : memref<!tpu.dma_semaphore, #tpu.memory_space<semaphore_mem>>)
      tpu.wait_dma2 semaphore(%run_scoped3A : memref<!tpu.dma_semaphore, #tpu.memory_space<semaphore_mem>>) src(%arg6 : memref<40960xf32, #tpu.memory_space<hbm>>) dst(%arg15 : memref<40960xf32, #tpu.memory_space<vmem>>)
      tpu.yield
    }) : () -> ()
    "tpu.region"() ({
      %run_scoped3A = tpu.sem_alloc : memref<!tpu.dma_semaphore, #tpu.memory_space<semaphore_mem>>
      %dma_start3A_193 = tpu.memref_slice %arg4[%multiple_of3A] : memref<320000xi32, #tpu.memory_space<hbm>> -> memref<10000xi32, #tpu.memory_space<hbm>>
      %dma_start3A_194 = tpu.memref_slice %arg4[%multiple_of3A] : memref<320000xi32, #tpu.memory_space<hbm>> -> memref<10000xi32, #tpu.memory_space<hbm>>
      tpu.enqueue_dma source(%dma_start3A_194 : memref<10000xi32, #tpu.memory_space<hbm>>) target(%arg13 : memref<10000xi32, #tpu.memory_space<vmem>>) target_semaphore(%run_scoped3A : memref<!tpu.dma_semaphore, #tpu.memory_space<semaphore_mem>>)
      %dma_wait3A_195 = tpu.memref_slice %arg4[%multiple_of3A] : memref<320000xi32, #tpu.memory_space<hbm>> -> memref<10000xi32, #tpu.memory_space<hbm>>
      %dma_wait3A_196 = tpu.memref_slice %arg4[%multiple_of3A] : memref<320000xi32, #tpu.memory_space<hbm>> -> memref<10000xi32, #tpu.memory_space<hbm>>
      tpu.wait_dma2 semaphore(%run_scoped3A : memref<!tpu.dma_semaphore, #tpu.memory_space<semaphore_mem>>) src(%dma_wait3A_196 : memref<10000xi32, #tpu.memory_space<hbm>>) dst(%arg13 : memref<10000xi32, #tpu.memory_space<vmem>>)
      tpu.yield
    }) : () -> ()
    "tpu.region"() ({
      %run_scoped3A = tpu.sem_alloc : memref<!tpu.dma_semaphore, #tpu.memory_space<semaphore_mem>>
      %dma_start3A_193 = tpu.memref_slice %arg5[%multiple_of3A] : memref<320000xi32, #tpu.memory_space<hbm>> -> memref<10000xi32, #tpu.memory_space<hbm>>
      %dma_start3A_194 = tpu.memref_slice %arg5[%multiple_of3A] : memref<320000xi32, #tpu.memory_space<hbm>> -> memref<10000xi32, #tpu.memory_space<hbm>>
      tpu.enqueue_dma source(%dma_start3A_194 : memref<10000xi32, #tpu.memory_space<hbm>>) target(%arg14 : memref<10000xi32, #tpu.memory_space<vmem>>) target_semaphore(%run_scoped3A : memref<!tpu.dma_semaphore, #tpu.memory_space<semaphore_mem>>)
      %dma_wait3A_195 = tpu.memref_slice %arg5[%multiple_of3A] : memref<320000xi32, #tpu.memory_space<hbm>> -> memref<10000xi32, #tpu.memory_space<hbm>>
      %dma_wait3A_196 = tpu.memref_slice %arg5[%multiple_of3A] : memref<320000xi32, #tpu.memory_space<hbm>> -> memref<10000xi32, #tpu.memory_space<hbm>>
      tpu.wait_dma2 semaphore(%run_scoped3A : memref<!tpu.dma_semaphore, #tpu.memory_space<semaphore_mem>>) src(%dma_wait3A_196 : memref<10000xi32, #tpu.memory_space<hbm>>) dst(%arg14 : memref<10000xi32, #tpu.memory_space<vmem>>)
      tpu.yield
    }) : () -> ()
    %multiple_of3A_3 = arith.constant 0 : i32
    %multiple_of3A_4 = tpu.assume_multiple %multiple_of3A_3, 8 : i32
    %dma_start3A = tpu.memref_slice %arg13[%multiple_of3A_4] : memref<10000xi32, #tpu.memory_space<vmem>> -> memref<80xi32, #tpu.memory_space<vmem>>
    %dma_start3A_5 = arith.constant 0 : i32
    %dma_start3A_6 = arith.constant 0 : i32
    %dma_start3A_7 = tpu.memref_slice %arg2[%dma_start3A_5, %dma_start3A_6] : memref<10240x128xf32, #tpu.memory_space<hbm>> -> memref<10240x128xf32, #tpu.memory_space<hbm>>
    tpu.enqueue_indirect_dma source(%dma_start3A_7 : memref<10240x128xf32, #tpu.memory_space<hbm>>) target(%arg16 : memref<80x128xf32, #tpu.memory_space<vmem>>) offsets(%dma_start3A : memref<80xi32, #tpu.memory_space<vmem>>) semaphore(%arg22 : memref<!tpu.dma_semaphore, #tpu.memory_space<semaphore_mem>>)
    %dma_start3A_8 = tpu.memref_slice %arg14[%multiple_of3A_4] : memref<10000xi32, #tpu.memory_space<vmem>> -> memref<80xi32, #tpu.memory_space<vmem>>
    %dma_start3A_9 = arith.constant 0 : i32
    %dma_start3A_10 = arith.constant 0 : i32
    %dma_start3A_11 = tpu.memref_slice %arg3[%dma_start3A_9, %dma_start3A_10] : memref<10240x128xf32, #tpu.memory_space<hbm>> -> memref<10240x128xf32, #tpu.memory_space<hbm>>
    tpu.enqueue_indirect_dma source(%dma_start3A_11 : memref<10240x128xf32, #tpu.memory_space<hbm>>) target(%arg17 : memref<80x128xf32, #tpu.memory_space<vmem>>) offsets(%dma_start3A_8 : memref<80xi32, #tpu.memory_space<vmem>>) semaphore(%arg22 : memref<!tpu.dma_semaphore, #tpu.memory_space<semaphore_mem>>)
    %scan3A = arith.constant 0 : i32
    %scan3A_12 = arith.constant 0 : i32
    %scan3A_13 = arith.constant 62 : i32
    %scan3A_14 = arith.addi %scan3A_12, %scan3A_13 : i32
    %scan3A_15 = arith.constant 1 : i32
    scf.for %scan3A_193 = %scan3A_12 to %scan3A_14 step %scan3A_15  : i32 {
      %gt3A = arith.constant 0 : i32
      %gt3A_194 = arith.cmpi sgt, %scan3A_193, %gt3A : i32
      %convert_element_type3A = arith.extui %gt3A_194 : i1 to i32
      %cond3A = arith.constant 0 : i32
      %cond3A_195 = arith.cmpi ne, %convert_element_type3A, %cond3A : i32
      scf.if %cond3A_195 {
        %dma_wait3A_428 = arith.constant 0 : i32
        %dma_wait3A_429 = arith.constant 0 : i32
        %dma_wait3A_430 = tpu.memref_slice %arg7[%dma_wait3A_428, %dma_wait3A_429] : memref<320000x128xf32, #tpu.memory_space<hbm>> -> memref<80x128xf32, #tpu.memory_space<hbm>>
        %dma_wait3A_431 = arith.constant 0 : i32
        %dma_wait3A_432 = arith.constant 0 : i32
        %dma_wait3A_433 = tpu.memref_slice %arg7[%dma_wait3A_431, %dma_wait3A_432] : memref<320000x128xf32, #tpu.memory_space<hbm>> -> memref<80x128xf32, #tpu.memory_space<hbm>>
        tpu.wait_dma2 semaphore(%arg25 : memref<!tpu.dma_semaphore, #tpu.memory_space<semaphore_mem>>) src(%arg19 : memref<80x128xf32, #tpu.memory_space<vmem>>) dst(%dma_wait3A_433 : memref<80x128xf32, #tpu.memory_space<hbm>>)
        %dma_wait3A_434 = arith.constant 0 : i32
        %dma_wait3A_435 = arith.constant 0 : i32
        %dma_wait3A_436 = tpu.memref_slice %arg8[%dma_wait3A_434, %dma_wait3A_435] : memref<320000x128xf32, #tpu.memory_space<hbm>> -> memref<80x128xf32, #tpu.memory_space<hbm>>
        %dma_wait3A_437 = arith.constant 0 : i32
        %dma_wait3A_438 = arith.constant 0 : i32
        %dma_wait3A_439 = tpu.memref_slice %arg8[%dma_wait3A_437, %dma_wait3A_438] : memref<320000x128xf32, #tpu.memory_space<hbm>> -> memref<80x128xf32, #tpu.memory_space<hbm>>
        tpu.wait_dma2 semaphore(%arg25 : memref<!tpu.dma_semaphore, #tpu.memory_space<semaphore_mem>>) src(%arg20 : memref<80x128xf32, #tpu.memory_space<vmem>>) dst(%dma_wait3A_439 : memref<80x128xf32, #tpu.memory_space<hbm>>)
        %dma_wait3A_440 = arith.constant 0 : i32
        %dma_wait3A_441 = arith.constant 0 : i32
        %dma_wait3A_442 = tpu.memref_slice %arg21[%dma_wait3A_440, %dma_wait3A_441] : memref<4x80xf32, #tpu.memory_space<vmem>> -> memref<1x80xf32, #tpu.memory_space<vmem>>
        %dma_wait3A_443 = tpu.memref_squeeze %dma_wait3A_442 : memref<1x80xf32, #tpu.memory_space<vmem>> -> memref<80xf32, #tpu.memory_space<vmem>>
        %dma_wait3A_444 = arith.constant 0 : i32
        %dma_wait3A_445 = tpu.memref_slice %arg9[%dma_wait3A_444] : memref<320000xf32, #tpu.memory_space<hbm>> -> memref<80xf32, #tpu.memory_space<hbm>>
        %dma_wait3A_446 = arith.constant 0 : i32
        %dma_wait3A_447 = tpu.memref_slice %arg9[%dma_wait3A_446] : memref<320000xf32, #tpu.memory_space<hbm>> -> memref<80xf32, #tpu.memory_space<hbm>>
        %dma_wait3A_448 = arith.constant 0 : i32
        %dma_wait3A_449 = tpu.memref_slice %arg21[%dma_wait3A_440, %dma_wait3A_448] : memref<4x80xf32, #tpu.memory_space<vmem>> -> memref<1x80xf32, #tpu.memory_space<vmem>>
        %dma_wait3A_450 = tpu.memref_squeeze %dma_wait3A_449 : memref<1x80xf32, #tpu.memory_space<vmem>> -> memref<80xf32, #tpu.memory_space<vmem>>
        tpu.wait_dma2 semaphore(%arg25 : memref<!tpu.dma_semaphore, #tpu.memory_space<semaphore_mem>>) src(%dma_wait3A_450 : memref<80xf32, #tpu.memory_space<vmem>>) dst(%dma_wait3A_447 : memref<80xf32, #tpu.memory_space<hbm>>)
        %dma_wait3A_451 = arith.constant 1 : i32
        %dma_wait3A_452 = arith.constant 0 : i32
        %dma_wait3A_453 = tpu.memref_slice %arg21[%dma_wait3A_451, %dma_wait3A_452] : memref<4x80xf32, #tpu.memory_space<vmem>> -> memref<1x80xf32, #tpu.memory_space<vmem>>
        %dma_wait3A_454 = tpu.memref_squeeze %dma_wait3A_453 : memref<1x80xf32, #tpu.memory_space<vmem>> -> memref<80xf32, #tpu.memory_space<vmem>>
        %dma_wait3A_455 = arith.constant 0 : i32
        %dma_wait3A_456 = tpu.memref_slice %arg10[%dma_wait3A_455] : memref<320000xf32, #tpu.memory_space<hbm>> -> memref<80xf32, #tpu.memory_space<hbm>>
        %dma_wait3A_457 = arith.constant 0 : i32
        %dma_wait3A_458 = tpu.memref_slice %arg10[%dma_wait3A_457] : memref<320000xf32, #tpu.memory_space<hbm>> -> memref<80xf32, #tpu.memory_space<hbm>>
        %dma_wait3A_459 = arith.constant 0 : i32
        %dma_wait3A_460 = tpu.memref_slice %arg21[%dma_wait3A_451, %dma_wait3A_459] : memref<4x80xf32, #tpu.memory_space<vmem>> -> memref<1x80xf32, #tpu.memory_space<vmem>>
        %dma_wait3A_461 = tpu.memref_squeeze %dma_wait3A_460 : memref<1x80xf32, #tpu.memory_space<vmem>> -> memref<80xf32, #tpu.memory_space<vmem>>
        tpu.wait_dma2 semaphore(%arg25 : memref<!tpu.dma_semaphore, #tpu.memory_space<semaphore_mem>>) src(%dma_wait3A_461 : memref<80xf32, #tpu.memory_space<vmem>>) dst(%dma_wait3A_458 : memref<80xf32, #tpu.memory_space<hbm>>)
        %dma_wait3A_462 = arith.constant 2 : i32
        %dma_wait3A_463 = arith.constant 0 : i32
        %dma_wait3A_464 = tpu.memref_slice %arg21[%dma_wait3A_462, %dma_wait3A_463] : memref<4x80xf32, #tpu.memory_space<vmem>> -> memref<1x80xf32, #tpu.memory_space<vmem>>
        %dma_wait3A_465 = tpu.memref_squeeze %dma_wait3A_464 : memref<1x80xf32, #tpu.memory_space<vmem>> -> memref<80xf32, #tpu.memory_space<vmem>>
        %dma_wait3A_466 = arith.constant 0 : i32
        %dma_wait3A_467 = tpu.memref_slice %arg11[%dma_wait3A_466] : memref<320000xf32, #tpu.memory_space<hbm>> -> memref<80xf32, #tpu.memory_space<hbm>>
        %dma_wait3A_468 = arith.constant 0 : i32
        %dma_wait3A_469 = tpu.memref_slice %arg11[%dma_wait3A_468] : memref<320000xf32, #tpu.memory_space<hbm>> -> memref<80xf32, #tpu.memory_space<hbm>>
        %dma_wait3A_470 = arith.constant 0 : i32
        %dma_wait3A_471 = tpu.memref_slice %arg21[%dma_wait3A_462, %dma_wait3A_470] : memref<4x80xf32, #tpu.memory_space<vmem>> -> memref<1x80xf32, #tpu.memory_space<vmem>>
        %dma_wait3A_472 = tpu.memref_squeeze %dma_wait3A_471 : memref<1x80xf32, #tpu.memory_space<vmem>> -> memref<80xf32, #tpu.memory_space<vmem>>
        tpu.wait_dma2 semaphore(%arg25 : memref<!tpu.dma_semaphore, #tpu.memory_space<semaphore_mem>>) src(%dma_wait3A_472 : memref<80xf32, #tpu.memory_space<vmem>>) dst(%dma_wait3A_469 : memref<80xf32, #tpu.memory_space<hbm>>)
        %dma_wait3A_473 = arith.constant 3 : i32
        %dma_wait3A_474 = arith.constant 0 : i32
        %dma_wait3A_475 = tpu.memref_slice %arg21[%dma_wait3A_473, %dma_wait3A_474] : memref<4x80xf32, #tpu.memory_space<vmem>> -> memref<1x80xf32, #tpu.memory_space<vmem>>
        %dma_wait3A_476 = tpu.memref_squeeze %dma_wait3A_475 : memref<1x80xf32, #tpu.memory_space<vmem>> -> memref<80xf32, #tpu.memory_space<vmem>>
        %dma_wait3A_477 = arith.constant 0 : i32
        %dma_wait3A_478 = tpu.memref_slice %arg12[%dma_wait3A_477] : memref<320000xf32, #tpu.memory_space<hbm>> -> memref<80xf32, #tpu.memory_space<hbm>>
        %dma_wait3A_479 = arith.constant 0 : i32
        %dma_wait3A_480 = tpu.memref_slice %arg12[%dma_wait3A_479] : memref<320000xf32, #tpu.memory_space<hbm>> -> memref<80xf32, #tpu.memory_space<hbm>>
        %dma_wait3A_481 = arith.constant 0 : i32
        %dma_wait3A_482 = tpu.memref_slice %arg21[%dma_wait3A_473, %dma_wait3A_481] : memref<4x80xf32, #tpu.memory_space<vmem>> -> memref<1x80xf32, #tpu.memory_space<vmem>>
        %dma_wait3A_483 = tpu.memref_squeeze %dma_wait3A_482 : memref<1x80xf32, #tpu.memory_space<vmem>> -> memref<80xf32, #tpu.memory_space<vmem>>
        tpu.wait_dma2 semaphore(%arg25 : memref<!tpu.dma_semaphore, #tpu.memory_space<semaphore_mem>>) src(%dma_wait3A_483 : memref<80xf32, #tpu.memory_space<vmem>>) dst(%dma_wait3A_480 : memref<80xf32, #tpu.memory_space<hbm>>)
      } else {
      }
      %mul3A_196 = arith.constant 2 : i32
      %mul3A_197 = arith.muli %mul3A_196, %scan3A_193 : i32
      %add3A_198 = arith.constant 1 : i32
      %add3A_199 = arith.addi %mul3A_197, %add3A_198 : i32
      %mul3A_200 = arith.constant 80 : i32
      %mul3A_201 = arith.muli %add3A_199, %mul3A_200 : i32
      %multiple_of3A_202 = tpu.assume_multiple %mul3A_201, 8 : i32
      %dma_start3A_203 = tpu.memref_slice %arg13[%multiple_of3A_202] : memref<10000xi32, #tpu.memory_space<vmem>> -> memref<80xi32, #tpu.memory_space<vmem>>
      %dma_start3A_204 = arith.constant 0 : i32
      %dma_start3A_205 = arith.constant 0 : i32
      %dma_start3A_206 = tpu.memref_slice %arg2[%dma_start3A_204, %dma_start3A_205] : memref<10240x128xf32, #tpu.memory_space<hbm>> -> memref<10240x128xf32, #tpu.memory_space<hbm>>
      tpu.enqueue_indirect_dma source(%dma_start3A_206 : memref<10240x128xf32, #tpu.memory_space<hbm>>) target(%arg19 : memref<80x128xf32, #tpu.memory_space<vmem>>) offsets(%dma_start3A_203 : memref<80xi32, #tpu.memory_space<vmem>>) semaphore(%arg23 : memref<!tpu.dma_semaphore, #tpu.memory_space<semaphore_mem>>)
      %dma_start3A_207 = tpu.memref_slice %arg14[%multiple_of3A_202] : memref<10000xi32, #tpu.memory_space<vmem>> -> memref<80xi32, #tpu.memory_space<vmem>>
      %dma_start3A_208 = arith.constant 0 : i32
      %dma_start3A_209 = arith.constant 0 : i32
      %dma_start3A_210 = tpu.memref_slice %arg3[%dma_start3A_208, %dma_start3A_209] : memref<10240x128xf32, #tpu.memory_space<hbm>> -> memref<10240x128xf32, #tpu.memory_space<hbm>>
      tpu.enqueue_indirect_dma source(%dma_start3A_210 : memref<10240x128xf32, #tpu.memory_space<hbm>>) target(%arg20 : memref<80x128xf32, #tpu.memory_space<vmem>>) offsets(%dma_start3A_207 : memref<80xi32, #tpu.memory_space<vmem>>) semaphore(%arg23 : memref<!tpu.dma_semaphore, #tpu.memory_space<semaphore_mem>>)
      %mul3A_211 = arith.constant 2 : i32
      %mul3A_212 = arith.muli %mul3A_211, %scan3A_193 : i32
      %mul3A_213 = arith.constant 80 : i32
      %mul3A_214 = arith.muli %mul3A_212, %mul3A_213 : i32
      %multiple_of3A_215 = tpu.assume_multiple %mul3A_214, 8 : i32
      %scan3A_216 = arith.constant 0 : i32
      %scan3A_217 = arith.constant 0 : i32
      %scan3A_218 = arith.constant 5 : i32
      %scan3A_219 = arith.addi %scan3A_217, %scan3A_218 : i32
      %scan3A_220 = arith.constant 1 : i32
      scf.for %scan3A_428 = %scan3A_217 to %scan3A_219 step %scan3A_220  : i32 {
        %mul3A_429 = arith.constant 16 : i32
        %mul3A_430 = arith.muli %scan3A_428, %mul3A_429 : i32
        %add3A_431 = arith.addi %multiple_of3A_215, %mul3A_430 : i32
        %multiple_of3A_432 = tpu.assume_multiple %add3A_431, 16 : i32
        %mul3A_433 = arith.constant 16 : i32
        %mul3A_434 = arith.muli %scan3A_428, %mul3A_433 : i32
        %multiple_of3A_435 = tpu.assume_multiple %mul3A_434, 16 : i32
        %get3A = arith.index_cast %multiple_of3A_432 : i32 to index
        %get3A_436 = tpu.vector_load %arg13[%get3A] {strides = array<i32>} : memref<10000xi32, #tpu.memory_space<vmem>>, vector<16xi32>,
        %get3A_437 = arith.index_cast %multiple_of3A_432 : i32 to index
        %get3A_438 = tpu.vector_load %arg14[%get3A_437] {strides = array<i32>} : memref<10000xi32, #tpu.memory_space<vmem>>, vector<16xi32>,
        %broadcast_in_dim3A = arith.constant 0.000000e+00 : f32
        %broadcast_in_dim3A_439 = vector.broadcast %broadcast_in_dim3A : f32 to vector<16xf32>
        %mul3A_440 = arith.constant 4 : i32
        %mul3A_441 = vector.broadcast %mul3A_440 : i32 to vector<16xi32>
        %mul3A_442 = arith.muli %get3A_436, %mul3A_441 : vector<16xi32>
        %add3A_443 = arith.constant 0 : i32
        %add3A_444 = vector.broadcast %add3A_443 : i32 to vector<16xi32>
        %add3A_445 = arith.addi %mul3A_442, %add3A_444 : vector<16xi32>
        %gather3A = tpu.vector_load_idx %arg15[%add3A_445] : memref<40960xf32, #tpu.memory_space<vmem>>[vector<16xi32>], vector<16xf32>,
        %mul3A_446 = arith.constant 4 : i32
        %mul3A_447 = vector.broadcast %mul3A_446 : i32 to vector<16xi32>
        %mul3A_448 = arith.muli %get3A_438, %mul3A_447 : vector<16xi32>
        %add3A_449 = arith.constant 0 : i32
        %add3A_450 = vector.broadcast %add3A_449 : i32 to vector<16xi32>
        %add3A_451 = arith.addi %mul3A_448, %add3A_450 : vector<16xi32>
        %gather3A_452 = tpu.vector_load_idx %arg15[%add3A_451] : memref<40960xf32, #tpu.memory_space<vmem>>[vector<16xi32>], vector<16xf32>,
        %sub3A = arith.subf %gather3A, %gather3A_452 : vector<16xf32>
        %swap3A = arith.constant 1 : i32
        %swap3A_453 = arith.index_cast %swap3A : i32 to index
        %swap3A_454 = arith.index_cast %multiple_of3A_435 : i32 to index
        %swap3A_455 = tpu.vector_load %arg18[%swap3A_453, %swap3A_454] {strides = array<i32>} : memref<4x80xf32, #tpu.memory_space<vmem>>, vector<16xf32>,
        tpu.vector_store %arg18[%swap3A_453, %swap3A_454], %sub3A {strides = array<i32>} : memref<4x80xf32, #tpu.memory_space<vmem>>, vector<16xf32>,
        %mul3A_456 = arith.mulf %sub3A, %sub3A : vector<16xf32>
        %add3A_457 = arith.addf %broadcast_in_dim3A_439, %mul3A_456 : vector<16xf32>
        %mul3A_458 = arith.constant 4 : i32
        %mul3A_459 = vector.broadcast %mul3A_458 : i32 to vector<16xi32>
        %mul3A_460 = arith.muli %get3A_436, %mul3A_459 : vector<16xi32>
        %add3A_461 = arith.constant 1 : i32
        %add3A_462 = vector.broadcast %add3A_461 : i32 to vector<16xi32>
        %add3A_463 = arith.addi %mul3A_460, %add3A_462 : vector<16xi32>
        %gather3A_464 = tpu.vector_load_idx %arg15[%add3A_463] : memref<40960xf32, #tpu.memory_space<vmem>>[vector<16xi32>], vector<16xf32>,
        %mul3A_465 = arith.constant 4 : i32
        %mul3A_466 = vector.broadcast %mul3A_465 : i32 to vector<16xi32>
        %mul3A_467 = arith.muli %get3A_438, %mul3A_466 : vector<16xi32>
        %add3A_468 = arith.constant 1 : i32
        %add3A_469 = vector.broadcast %add3A_468 : i32 to vector<16xi32>
        %add3A_470 = arith.addi %mul3A_467, %add3A_469 : vector<16xi32>
        %gather3A_471 = tpu.vector_load_idx %arg15[%add3A_470] : memref<40960xf32, #tpu.memory_space<vmem>>[vector<16xi32>], vector<16xf32>,
        %sub3A_472 = arith.subf %gather3A_464, %gather3A_471 : vector<16xf32>
        %swap3A_473 = arith.constant 2 : i32
        %swap3A_474 = arith.index_cast %swap3A_473 : i32 to index
        %swap3A_475 = arith.index_cast %multiple_of3A_435 : i32 to index
        %swap3A_476 = tpu.vector_load %arg18[%swap3A_474, %swap3A_475] {strides = array<i32>} : memref<4x80xf32, #tpu.memory_space<vmem>>, vector<16xf32>,
        tpu.vector_store %arg18[%swap3A_474, %swap3A_475], %sub3A_472 {strides = array<i32>} : memref<4x80xf32, #tpu.memory_space<vmem>>, vector<16xf32>,
        %mul3A_477 = arith.mulf %sub3A_472, %sub3A_472 : vector<16xf32>
        %add3A_478 = arith.addf %add3A_457, %mul3A_477 : vector<16xf32>
        %mul3A_479 = arith.constant 4 : i32
        %mul3A_480 = vector.broadcast %mul3A_479 : i32 to vector<16xi32>
        %mul3A_481 = arith.muli %get3A_436, %mul3A_480 : vector<16xi32>
        %add3A_482 = arith.constant 2 : i32
        %add3A_483 = vector.broadcast %add3A_482 : i32 to vector<16xi32>
        %add3A_484 = arith.addi %mul3A_481, %add3A_483 : vector<16xi32>
        %gather3A_485 = tpu.vector_load_idx %arg15[%add3A_484] : memref<40960xf32, #tpu.memory_space<vmem>>[vector<16xi32>], vector<16xf32>,
        %mul3A_486 = arith.constant 4 : i32
        %mul3A_487 = vector.broadcast %mul3A_486 : i32 to vector<16xi32>
        %mul3A_488 = arith.muli %get3A_438, %mul3A_487 : vector<16xi32>
        %add3A_489 = arith.constant 2 : i32
        %add3A_490 = vector.broadcast %add3A_489 : i32 to vector<16xi32>
        %add3A_491 = arith.addi %mul3A_488, %add3A_490 : vector<16xi32>
        %gather3A_492 = tpu.vector_load_idx %arg15[%add3A_491] : memref<40960xf32, #tpu.memory_space<vmem>>[vector<16xi32>], vector<16xf32>,
        %sub3A_493 = arith.subf %gather3A_485, %gather3A_492 : vector<16xf32>
        %swap3A_494 = arith.constant 3 : i32
        %swap3A_495 = arith.index_cast %swap3A_494 : i32 to index
        %swap3A_496 = arith.index_cast %multiple_of3A_435 : i32 to index
        %swap3A_497 = tpu.vector_load %arg18[%swap3A_495, %swap3A_496] {strides = array<i32>} : memref<4x80xf32, #tpu.memory_space<vmem>>, vector<16xf32>,
        tpu.vector_store %arg18[%swap3A_495, %swap3A_496], %sub3A_493 {strides = array<i32>} : memref<4x80xf32, #tpu.memory_space<vmem>>, vector<16xf32>,
        %mul3A_498 = arith.mulf %sub3A_493, %sub3A_493 : vector<16xf32>
        %add3A_499 = arith.addf %add3A_478, %mul3A_498 : vector<16xf32>
        %swap3A_500 = arith.constant 0 : i32
        %swap3A_501 = arith.index_cast %swap3A_500 : i32 to index
        %swap3A_502 = arith.index_cast %multiple_of3A_435 : i32 to index
        %swap3A_503 = tpu.vector_load %arg18[%swap3A_501, %swap3A_502] {strides = array<i32>} : memref<4x80xf32, #tpu.memory_space<vmem>>, vector<16xf32>,
        tpu.vector_store %arg18[%swap3A_501, %swap3A_502], %add3A_499 {strides = array<i32>} : memref<4x80xf32, #tpu.memory_space<vmem>>, vector<16xf32>,
      }
      %scan3A_221 = arith.constant 5 : i32
      %dma_wait3A_222 = arith.constant 0 : i32
      %dma_wait3A_223 = tpu.memref_slice %arg13[%dma_wait3A_222] : memref<10000xi32, #tpu.memory_space<vmem>> -> memref<80xi32, #tpu.memory_space<vmem>>
      %dma_wait3A_224 = arith.constant 0 : i32
      %dma_wait3A_225 = arith.constant 0 : i32
      %dma_wait3A_226 = tpu.memref_slice %arg2[%dma_wait3A_224, %dma_wait3A_225] : memref<10240x128xf32, #tpu.memory_space<hbm>> -> memref<10240x128xf32, #tpu.memory_space<hbm>>
      tpu.wait_indirect_dma semaphore(%arg22 : memref<!tpu.dma_semaphore, #tpu.memory_space<semaphore_mem>>) src(%dma_wait3A_226 : memref<10240x128xf32, #tpu.memory_space<hbm>>) dst(%arg16 : memref<80x128xf32, #tpu.memory_space<vmem>>)
      %dma_wait3A_227 = arith.constant 0 : i32
      %dma_wait3A_228 = tpu.memref_slice %arg14[%dma_wait3A_227] : memref<10000xi32, #tpu.memory_space<vmem>> -> memref<80xi32, #tpu.memory_space<vmem>>
      %dma_wait3A_229 = arith.constant 0 : i32
      %dma_wait3A_230 = arith.constant 0 : i32
      %dma_wait3A_231 = tpu.memref_slice %arg3[%dma_wait3A_229, %dma_wait3A_230] : memref<10240x128xf32, #tpu.memory_space<hbm>> -> memref<10240x128xf32, #tpu.memory_space<hbm>>
      tpu.wait_indirect_dma semaphore(%arg22 : memref<!tpu.dma_semaphore, #tpu.memory_space<semaphore_mem>>) src(%dma_wait3A_231 : memref<10240x128xf32, #tpu.memory_space<hbm>>) dst(%arg17 : memref<80x128xf32, #tpu.memory_space<vmem>>)
      %mul3A_232 = arith.constant 2 : i32
      %mul3A_233 = arith.muli %mul3A_232, %scan3A_193 : i32
      %mul3A_234 = arith.constant 80 : i32
      %mul3A_235 = arith.muli %mul3A_233, %mul3A_234 : i32
      %add3A_236 = arith.addi %multiple_of3A, %mul3A_235 : i32
      %multiple_of3A_237 = tpu.assume_multiple %add3A_236, 8 : i32
      %dma_start3A_238 = arith.constant 0 : i32
      %dma_start3A_239 = tpu.memref_slice %arg7[%multiple_of3A_237, %dma_start3A_238] : memref<320000x128xf32, #tpu.memory_space<hbm>> -> memref<80x128xf32, #tpu.memory_space<hbm>>
      %dma_start3A_240 = arith.constant 0 : i32
      %dma_start3A_241 = tpu.memref_slice %arg7[%multiple_of3A_237, %dma_start3A_240] : memref<320000x128xf32, #tpu.memory_space<hbm>> -> memref<80x128xf32, #tpu.memory_space<hbm>>
      tpu.enqueue_dma source(%arg16 : memref<80x128xf32, #tpu.memory_space<vmem>>) target(%dma_start3A_241 : memref<80x128xf32, #tpu.memory_space<hbm>>) target_semaphore(%arg24 : memref<!tpu.dma_semaphore, #tpu.memory_space<semaphore_mem>>)
      %dma_start3A_242 = arith.constant 0 : i32
      %dma_start3A_243 = tpu.memref_slice %arg8[%multiple_of3A_237, %dma_start3A_242] : memref<320000x128xf32, #tpu.memory_space<hbm>> -> memref<80x128xf32, #tpu.memory_space<hbm>>
      %dma_start3A_244 = arith.constant 0 : i32
      %dma_start3A_245 = tpu.memref_slice %arg8[%multiple_of3A_237, %dma_start3A_244] : memref<320000x128xf32, #tpu.memory_space<hbm>> -> memref<80x128xf32, #tpu.memory_space<hbm>>
      tpu.enqueue_dma source(%arg17 : memref<80x128xf32, #tpu.memory_space<vmem>>) target(%dma_start3A_245 : memref<80x128xf32, #tpu.memory_space<hbm>>) target_semaphore(%arg24 : memref<!tpu.dma_semaphore, #tpu.memory_space<semaphore_mem>>)
      %dma_start3A_246 = arith.constant 0 : i32
      %dma_start3A_247 = arith.constant 0 : i32
      %dma_start3A_248 = tpu.memref_slice %arg18[%dma_start3A_246, %dma_start3A_247] : memref<4x80xf32, #tpu.memory_space<vmem>> -> memref<1x80xf32, #tpu.memory_space<vmem>>
      %dma_start3A_249 = tpu.memref_squeeze %dma_start3A_248 : memref<1x80xf32, #tpu.memory_space<vmem>> -> memref<80xf32, #tpu.memory_space<vmem>>
      %dma_start3A_250 = tpu.memref_slice %arg9[%multiple_of3A_237] : memref<320000xf32, #tpu.memory_space<hbm>> -> memref<80xf32, #tpu.memory_space<hbm>>
      %dma_start3A_251 = tpu.memref_slice %arg9[%multiple_of3A_237] : memref<320000xf32, #tpu.memory_space<hbm>> -> memref<80xf32, #tpu.memory_space<hbm>>
      %dma_start3A_252 = arith.constant 0 : i32
      %dma_start3A_253 = tpu.memref_slice %arg18[%dma_start3A_246, %dma_start3A_252] : memref<4x80xf32, #tpu.memory_space<vmem>> -> memref<1x80xf32, #tpu.memory_space<vmem>>
      %dma_start3A_254 = tpu.memref_squeeze %dma_start3A_253 : memref<1x80xf32, #tpu.memory_space<vmem>> -> memref<80xf32, #tpu.memory_space<vmem>>
      tpu.enqueue_dma source(%dma_start3A_254 : memref<80xf32, #tpu.memory_space<vmem>>) target(%dma_start3A_251 : memref<80xf32, #tpu.memory_space<hbm>>) target_semaphore(%arg24 : memref<!tpu.dma_semaphore, #tpu.memory_space<semaphore_mem>>)
      %dma_start3A_255 = arith.constant 1 : i32
      %dma_start3A_256 = arith.constant 0 : i32
      %dma_start3A_257 = tpu.memref_slice %arg18[%dma_start3A_255, %dma_start3A_256] : memref<4x80xf32, #tpu.memory_space<vmem>> -> memref<1x80xf32, #tpu.memory_space<vmem>>
      %dma_start3A_258 = tpu.memref_squeeze %dma_start3A_257 : memref<1x80xf32, #tpu.memory_space<vmem>> -> memref<80xf32, #tpu.memory_space<vmem>>
      %dma_start3A_259 = tpu.memref_slice %arg10[%multiple_of3A_237] : memref<320000xf32, #tpu.memory_space<hbm>> -> memref<80xf32, #tpu.memory_space<hbm>>
      %dma_start3A_260 = tpu.memref_slice %arg10[%multiple_of3A_237] : memref<320000xf32, #tpu.memory_space<hbm>> -> memref<80xf32, #tpu.memory_space<hbm>>
      %dma_start3A_261 = arith.constant 0 : i32
      %dma_start3A_262 = tpu.memref_slice %arg18[%dma_start3A_255, %dma_start3A_261] : memref<4x80xf32, #tpu.memory_space<vmem>> -> memref<1x80xf32, #tpu.memory_space<vmem>>
      %dma_start3A_263 = tpu.memref_squeeze %dma_start3A_262 : memref<1x80xf32, #tpu.memory_space<vmem>> -> memref<80xf32, #tpu.memory_space<vmem>>
      tpu.enqueue_dma source(%dma_start3A_263 : memref<80xf32, #tpu.memory_space<vmem>>) target(%dma_start3A_260 : memref<80xf32, #tpu.memory_space<hbm>>) target_semaphore(%arg24 : memref<!tpu.dma_semaphore, #tpu.memory_space<semaphore_mem>>)
      %dma_start3A_264 = arith.constant 2 : i32
      %dma_start3A_265 = arith.constant 0 : i32
      %dma_start3A_266 = tpu.memref_slice %arg18[%dma_start3A_264, %dma_start3A_265] : memref<4x80xf32, #tpu.memory_space<vmem>> -> memref<1x80xf32, #tpu.memory_space<vmem>>
      %dma_start3A_267 = tpu.memref_squeeze %dma_start3A_266 : memref<1x80xf32, #tpu.memory_space<vmem>> -> memref<80xf32, #tpu.memory_space<vmem>>
      %dma_start3A_268 = tpu.memref_slice %arg11[%multiple_of3A_237] : memref<320000xf32, #tpu.memory_space<hbm>> -> memref<80xf32, #tpu.memory_space<hbm>>
      %dma_start3A_269 = tpu.memref_slice %arg11[%multiple_of3A_237] : memref<320000xf32, #tpu.memory_space<hbm>> -> memref<80xf32, #tpu.memory_space<hbm>>
      %dma_start3A_270 = arith.constant 0 : i32
      %dma_start3A_271 = tpu.memref_slice %arg18[%dma_start3A_264, %dma_start3A_270] : memref<4x80xf32, #tpu.memory_space<vmem>> -> memref<1x80xf32, #tpu.memory_space<vmem>>
      %dma_start3A_272 = tpu.memref_squeeze %dma_start3A_271 : memref<1x80xf32, #tpu.memory_space<vmem>> -> memref<80xf32, #tpu.memory_space<vmem>>
      tpu.enqueue_dma source(%dma_start3A_272 : memref<80xf32, #tpu.memory_space<vmem>>) target(%dma_start3A_269 : memref<80xf32, #tpu.memory_space<hbm>>) target_semaphore(%arg24 : memref<!tpu.dma_semaphore, #tpu.memory_space<semaphore_mem>>)
      %dma_start3A_273 = arith.constant 3 : i32
      %dma_start3A_274 = arith.constant 0 : i32
      %dma_start3A_275 = tpu.memref_slice %arg18[%dma_start3A_273, %dma_start3A_274] : memref<4x80xf32, #tpu.memory_space<vmem>> -> memref<1x80xf32, #tpu.memory_space<vmem>>
      %dma_start3A_276 = tpu.memref_squeeze %dma_start3A_275 : memref<1x80xf32, #tpu.memory_space<vmem>> -> memref<80xf32, #tpu.memory_space<vmem>>
      %dma_start3A_277 = tpu.memref_slice %arg12[%multiple_of3A_237] : memref<320000xf32, #tpu.memory_space<hbm>> -> memref<80xf32, #tpu.memory_space<hbm>>
      %dma_start3A_278 = tpu.memref_slice %arg12[%multiple_of3A_237] : memref<320000xf32, #tpu.memory_space<hbm>> -> memref<80xf32, #tpu.memory_space<hbm>>
      %dma_start3A_279 = arith.constant 0 : i32
      %dma_start3A_280 = tpu.memref_slice %arg18[%dma_start3A_273, %dma_start3A_279] : memref<4x80xf32, #tpu.memory_space<vmem>> -> memref<1x80xf32, #tpu.memory_space<vmem>>
      %dma_start3A_281 = tpu.memref_squeeze %dma_start3A_280 : memref<1x80xf32, #tpu.memory_space<vmem>> -> memref<80xf32, #tpu.memory_space<vmem>>
      tpu.enqueue_dma source(%dma_start3A_281 : memref<80xf32, #tpu.memory_space<vmem>>) target(%dma_start3A_278 : memref<80xf32, #tpu.memory_space<hbm>>) target_semaphore(%arg24 : memref<!tpu.dma_semaphore, #tpu.memory_space<semaphore_mem>>)
      %dma_wait3A_282 = arith.constant 0 : i32
      %dma_wait3A_283 = arith.constant 0 : i32
      %dma_wait3A_284 = tpu.memref_slice %arg7[%dma_wait3A_282, %dma_wait3A_283] : memref<320000x128xf32, #tpu.memory_space<hbm>> -> memref<80x128xf32, #tpu.memory_space<hbm>>
      %dma_wait3A_285 = arith.constant 0 : i32
      %dma_wait3A_286 = arith.constant 0 : i32
      %dma_wait3A_287 = tpu.memref_slice %arg7[%dma_wait3A_285, %dma_wait3A_286] : memref<320000x128xf32, #tpu.memory_space<hbm>> -> memref<80x128xf32, #tpu.memory_space<hbm>>
      tpu.wait_dma2 semaphore(%arg24 : memref<!tpu.dma_semaphore, #tpu.memory_space<semaphore_mem>>) src(%arg16 : memref<80x128xf32, #tpu.memory_space<vmem>>) dst(%dma_wait3A_287 : memref<80x128xf32, #tpu.memory_space<hbm>>)
      %dma_wait3A_288 = arith.constant 0 : i32
      %dma_wait3A_289 = arith.constant 0 : i32
      %dma_wait3A_290 = tpu.memref_slice %arg8[%dma_wait3A_288, %dma_wait3A_289] : memref<320000x128xf32, #tpu.memory_space<hbm>> -> memref<80x128xf32, #tpu.memory_space<hbm>>
      %dma_wait3A_291 = arith.constant 0 : i32
      %dma_wait3A_292 = arith.constant 0 : i32
      %dma_wait3A_293 = tpu.memref_slice %arg8[%dma_wait3A_291, %dma_wait3A_292] : memref<320000x128xf32, #tpu.memory_space<hbm>> -> memref<80x128xf32, #tpu.memory_space<hbm>>
      tpu.wait_dma2 semaphore(%arg24 : memref<!tpu.dma_semaphore, #tpu.memory_space<semaphore_mem>>) src(%arg17 : memref<80x128xf32, #tpu.memory_space<vmem>>) dst(%dma_wait3A_293 : memref<80x128xf32, #tpu.memory_space<hbm>>)
      %dma_wait3A_294 = arith.constant 0 : i32
      %dma_wait3A_295 = arith.constant 0 : i32
      %dma_wait3A_296 = tpu.memref_slice %arg18[%dma_wait3A_294, %dma_wait3A_295] : memref<4x80xf32, #tpu.memory_space<vmem>> -> memref<1x80xf32, #tpu.memory_space<vmem>>
      %dma_wait3A_297 = tpu.memref_squeeze %dma_wait3A_296 : memref<1x80xf32, #tpu.memory_space<vmem>> -> memref<80xf32, #tpu.memory_space<vmem>>
      %dma_wait3A_298 = arith.constant 0 : i32
      %dma_wait3A_299 = tpu.memref_slice %arg9[%dma_wait3A_298] : memref<320000xf32, #tpu.memory_space<hbm>> -> memref<80xf32, #tpu.memory_space<hbm>>
      %dma_wait3A_300 = arith.constant 0 : i32
      %dma_wait3A_301 = tpu.memref_slice %arg9[%dma_wait3A_300] : memref<320000xf32, #tpu.memory_space<hbm>> -> memref<80xf32, #tpu.memory_space<hbm>>
      %dma_wait3A_302 = arith.constant 0 : i32
      %dma_wait3A_303 = tpu.memref_slice %arg18[%dma_wait3A_294, %dma_wait3A_302] : memref<4x80xf32, #tpu.memory_space<vmem>> -> memref<1x80xf32, #tpu.memory_space<vmem>>
      %dma_wait3A_304 = tpu.memref_squeeze %dma_wait3A_303 : memref<1x80xf32, #tpu.memory_space<vmem>> -> memref<80xf32, #tpu.memory_space<vmem>>
      tpu.wait_dma2 semaphore(%arg24 : memref<!tpu.dma_semaphore, #tpu.memory_space<semaphore_mem>>) src(%dma_wait3A_304 : memref<80xf32, #tpu.memory_space<vmem>>) dst(%dma_wait3A_301 : memref<80xf32, #tpu.memory_space<hbm>>)
      %dma_wait3A_305 = arith.constant 1 : i32
      %dma_wait3A_306 = arith.constant 0 : i32
      %dma_wait3A_307 = tpu.memref_slice %arg18[%dma_wait3A_305, %dma_wait3A_306] : memref<4x80xf32, #tpu.memory_space<vmem>> -> memref<1x80xf32, #tpu.memory_space<vmem>>
      %dma_wait3A_308 = tpu.memref_squeeze %dma_wait3A_307 : memref<1x80xf32, #tpu.memory_space<vmem>> -> memref<80xf32, #tpu.memory_space<vmem>>
      %dma_wait3A_309 = arith.constant 0 : i32
      %dma_wait3A_310 = tpu.memref_slice %arg10[%dma_wait3A_309] : memref<320000xf32, #tpu.memory_space<hbm>> -> memref<80xf32, #tpu.memory_space<hbm>>
      %dma_wait3A_311 = arith.constant 0 : i32
      %dma_wait3A_312 = tpu.memref_slice %arg10[%dma_wait3A_311] : memref<320000xf32, #tpu.memory_space<hbm>> -> memref<80xf32, #tpu.memory_space<hbm>>
      %dma_wait3A_313 = arith.constant 0 : i32
      %dma_wait3A_314 = tpu.memref_slice %arg18[%dma_wait3A_305, %dma_wait3A_313] : memref<4x80xf32, #tpu.memory_space<vmem>> -> memref<1x80xf32, #tpu.memory_space<vmem>>
      %dma_wait3A_315 = tpu.memref_squeeze %dma_wait3A_314 : memref<1x80xf32, #tpu.memory_space<vmem>> -> memref<80xf32, #tpu.memory_space<vmem>>
      tpu.wait_dma2 semaphore(%arg24 : memref<!tpu.dma_semaphore, #tpu.memory_space<semaphore_mem>>) src(%dma_wait3A_315 : memref<80xf32, #tpu.memory_space<vmem>>) dst(%dma_wait3A_312 : memref<80xf32, #tpu.memory_space<hbm>>)
      %dma_wait3A_316 = arith.constant 2 : i32
      %dma_wait3A_317 = arith.constant 0 : i32
      %dma_wait3A_318 = tpu.memref_slice %arg18[%dma_wait3A_316, %dma_wait3A_317] : memref<4x80xf32, #tpu.memory_space<vmem>> -> memref<1x80xf32, #tpu.memory_space<vmem>>
      %dma_wait3A_319 = tpu.memref_squeeze %dma_wait3A_318 : memref<1x80xf32, #tpu.memory_space<vmem>> -> memref<80xf32, #tpu.memory_space<vmem>>
      %dma_wait3A_320 = arith.constant 0 : i32
      %dma_wait3A_321 = tpu.memref_slice %arg11[%dma_wait3A_320] : memref<320000xf32, #tpu.memory_space<hbm>> -> memref<80xf32, #tpu.memory_space<hbm>>
      %dma_wait3A_322 = arith.constant 0 : i32
      %dma_wait3A_323 = tpu.memref_slice %arg11[%dma_wait3A_322] : memref<320000xf32, #tpu.memory_space<hbm>> -> memref<80xf32, #tpu.memory_space<hbm>>
      %dma_wait3A_324 = arith.constant 0 : i32
      %dma_wait3A_325 = tpu.memref_slice %arg18[%dma_wait3A_316, %dma_wait3A_324] : memref<4x80xf32, #tpu.memory_space<vmem>> -> memref<1x80xf32, #tpu.memory_space<vmem>>
      %dma_wait3A_326 = tpu.memref_squeeze %dma_wait3A_325 : memref<1x80xf32, #tpu.memory_space<vmem>> -> memref<80xf32, #tpu.memory_space<vmem>>
      tpu.wait_dma2 semaphore(%arg24 : memref<!tpu.dma_semaphore, #tpu.memory_space<semaphore_mem>>) src(%dma_wait3A_326 : memref<80xf32, #tpu.memory_space<vmem>>) dst(%dma_wait3A_323 : memref<80xf32, #tpu.memory_space<hbm>>)
      %dma_wait3A_327 = arith.constant 3 : i32
      %dma_wait3A_328 = arith.constant 0 : i32
      %dma_wait3A_329 = tpu.memref_slice %arg18[%dma_wait3A_327, %dma_wait3A_328] : memref<4x80xf32, #tpu.memory_space<vmem>> -> memref<1x80xf32, #tpu.memory_space<vmem>>
      %dma_wait3A_330 = tpu.memref_squeeze %dma_wait3A_329 : memref<1x80xf32, #tpu.memory_space<vmem>> -> memref<80xf32, #tpu.memory_space<vmem>>
      %dma_wait3A_331 = arith.constant 0 : i32
      %dma_wait3A_332 = tpu.memref_slice %arg12[%dma_wait3A_331] : memref<320000xf32, #tpu.memory_space<hbm>> -> memref<80xf32, #tpu.memory_space<hbm>>
      %dma_wait3A_333 = arith.constant 0 : i32
      %dma_wait3A_334 = tpu.memref_slice %arg12[%dma_wait3A_333] : memref<320000xf32, #tpu.memory_space<hbm>> -> memref<80xf32, #tpu.memory_space<hbm>>
      %dma_wait3A_335 = arith.constant 0 : i32
      %dma_wait3A_336 = tpu.memref_slice %arg18[%dma_wait3A_327, %dma_wait3A_335] : memref<4x80xf32, #tpu.memory_space<vmem>> -> memref<1x80xf32, #tpu.memory_space<vmem>>
      %dma_wait3A_337 = tpu.memref_squeeze %dma_wait3A_336 : memref<1x80xf32, #tpu.memory_space<vmem>> -> memref<80xf32, #tpu.memory_space<vmem>>
      tpu.wait_dma2 semaphore(%arg24 : memref<!tpu.dma_semaphore, #tpu.memory_space<semaphore_mem>>) src(%dma_wait3A_337 : memref<80xf32, #tpu.memory_space<vmem>>) dst(%dma_wait3A_334 : memref<80xf32, #tpu.memory_space<hbm>>)
      %mul3A_338 = arith.constant 2 : i32
      %mul3A_339 = arith.muli %mul3A_338, %scan3A_193 : i32
      %add3A_340 = arith.constant 2 : i32
      %add3A_341 = arith.addi %mul3A_339, %add3A_340 : i32
      %mul3A_342 = arith.constant 80 : i32
      %mul3A_343 = arith.muli %add3A_341, %mul3A_342 : i32
      %multiple_of3A_344 = tpu.assume_multiple %mul3A_343, 8 : i32
      %dma_start3A_345 = tpu.memref_slice %arg13[%multiple_of3A_344] : memref<10000xi32, #tpu.memory_space<vmem>> -> memref<80xi32, #tpu.memory_space<vmem>>
      %dma_start3A_346 = arith.constant 0 : i32
      %dma_start3A_347 = arith.constant 0 : i32
      %dma_start3A_348 = tpu.memref_slice %arg2[%dma_start3A_346, %dma_start3A_347] : memref<10240x128xf32, #tpu.memory_space<hbm>> -> memref<10240x128xf32, #tpu.memory_space<hbm>>
      tpu.enqueue_indirect_dma source(%dma_start3A_348 : memref<10240x128xf32, #tpu.memory_space<hbm>>) target(%arg16 : memref<80x128xf32, #tpu.memory_space<vmem>>) offsets(%dma_start3A_345 : memref<80xi32, #tpu.memory_space<vmem>>) semaphore(%arg22 : memref<!tpu.dma_semaphore, #tpu.memory_space<semaphore_mem>>)
      %dma_start3A_349 = tpu.memref_slice %arg14[%multiple_of3A_344] : memref<10000xi32, #tpu.memory_space<vmem>> -> memref<80xi32, #tpu.memory_space<vmem>>
      %dma_start3A_350 = arith.constant 0 : i32
      %dma_start3A_351 = arith.constant 0 : i32
      %dma_start3A_352 = tpu.memref_slice %arg3[%dma_start3A_350, %dma_start3A_351] : memref<10240x128xf32, #tpu.memory_space<hbm>> -> memref<10240x128xf32, #tpu.memory_space<hbm>>
      tpu.enqueue_indirect_dma source(%dma_start3A_352 : memref<10240x128xf32, #tpu.memory_space<hbm>>) target(%arg17 : memref<80x128xf32, #tpu.memory_space<vmem>>) offsets(%dma_start3A_349 : memref<80xi32, #tpu.memory_space<vmem>>) semaphore(%arg22 : memref<!tpu.dma_semaphore, #tpu.memory_space<semaphore_mem>>)
      %mul3A_353 = arith.constant 2 : i32
      %mul3A_354 = arith.muli %mul3A_353, %scan3A_193 : i32
      %add3A_355 = arith.constant 1 : i32
      %add3A_356 = arith.addi %mul3A_354, %add3A_355 : i32
      %mul3A_357 = arith.constant 80 : i32
      %mul3A_358 = arith.muli %add3A_356, %mul3A_357 : i32
      %multiple_of3A_359 = tpu.assume_multiple %mul3A_358, 8 : i32
      %scan3A_360 = arith.constant 0 : i32
      %scan3A_361 = arith.constant 0 : i32
      %scan3A_362 = arith.constant 5 : i32
      %scan3A_363 = arith.addi %scan3A_361, %scan3A_362 : i32
      %scan3A_364 = arith.constant 1 : i32
      scf.for %scan3A_428 = %scan3A_361 to %scan3A_363 step %scan3A_364  : i32 {
        %mul3A_429 = arith.constant 16 : i32
        %mul3A_430 = arith.muli %scan3A_428, %mul3A_429 : i32
        %add3A_431 = arith.addi %multiple_of3A_359, %mul3A_430 : i32
        %multiple_of3A_432 = tpu.assume_multiple %add3A_431, 16 : i32
        %mul3A_433 = arith.constant 16 : i32
        %mul3A_434 = arith.muli %scan3A_428, %mul3A_433 : i32
        %multiple_of3A_435 = tpu.assume_multiple %mul3A_434, 16 : i32
        %get3A = arith.index_cast %multiple_of3A_432 : i32 to index
        %get3A_436 = tpu.vector_load %arg13[%get3A] {strides = array<i32>} : memref<10000xi32, #tpu.memory_space<vmem>>, vector<16xi32>,
        %get3A_437 = arith.index_cast %multiple_of3A_432 : i32 to index
        %get3A_438 = tpu.vector_load %arg14[%get3A_437] {strides = array<i32>} : memref<10000xi32, #tpu.memory_space<vmem>>, vector<16xi32>,
        %broadcast_in_dim3A = arith.constant 0.000000e+00 : f32
        %broadcast_in_dim3A_439 = vector.broadcast %broadcast_in_dim3A : f32 to vector<16xf32>
        %mul3A_440 = arith.constant 4 : i32
        %mul3A_441 = vector.broadcast %mul3A_440 : i32 to vector<16xi32>
        %mul3A_442 = arith.muli %get3A_436, %mul3A_441 : vector<16xi32>
        %add3A_443 = arith.constant 0 : i32
        %add3A_444 = vector.broadcast %add3A_443 : i32 to vector<16xi32>
        %add3A_445 = arith.addi %mul3A_442, %add3A_444 : vector<16xi32>
        %gather3A = tpu.vector_load_idx %arg15[%add3A_445] : memref<40960xf32, #tpu.memory_space<vmem>>[vector<16xi32>], vector<16xf32>,
        %mul3A_446 = arith.constant 4 : i32
        %mul3A_447 = vector.broadcast %mul3A_446 : i32 to vector<16xi32>
        %mul3A_448 = arith.muli %get3A_438, %mul3A_447 : vector<16xi32>
        %add3A_449 = arith.constant 0 : i32
        %add3A_450 = vector.broadcast %add3A_449 : i32 to vector<16xi32>
        %add3A_451 = arith.addi %mul3A_448, %add3A_450 : vector<16xi32>
        %gather3A_452 = tpu.vector_load_idx %arg15[%add3A_451] : memref<40960xf32, #tpu.memory_space<vmem>>[vector<16xi32>], vector<16xf32>,
        %sub3A = arith.subf %gather3A, %gather3A_452 : vector<16xf32>
        %swap3A = arith.constant 1 : i32
        %swap3A_453 = arith.index_cast %swap3A : i32 to index
        %swap3A_454 = arith.index_cast %multiple_of3A_435 : i32 to index
        %swap3A_455 = tpu.vector_load %arg21[%swap3A_453, %swap3A_454] {strides = array<i32>} : memref<4x80xf32, #tpu.memory_space<vmem>>, vector<16xf32>,
        tpu.vector_store %arg21[%swap3A_453, %swap3A_454], %sub3A {strides = array<i32>} : memref<4x80xf32, #tpu.memory_space<vmem>>, vector<16xf32>,
        %mul3A_456 = arith.mulf %sub3A, %sub3A : vector<16xf32>
        %add3A_457 = arith.addf %broadcast_in_dim3A_439, %mul3A_456 : vector<16xf32>
        %mul3A_458 = arith.constant 4 : i32
        %mul3A_459 = vector.broadcast %mul3A_458 : i32 to vector<16xi32>
        %mul3A_460 = arith.muli %get3A_436, %mul3A_459 : vector<16xi32>
        %add3A_461 = arith.constant 1 : i32
        %add3A_462 = vector.broadcast %add3A_461 : i32 to vector<16xi32>
        %add3A_463 = arith.addi %mul3A_460, %add3A_462 : vector<16xi32>
        %gather3A_464 = tpu.vector_load_idx %arg15[%add3A_463] : memref<40960xf32, #tpu.memory_space<vmem>>[vector<16xi32>], vector<16xf32>,
        %mul3A_465 = arith.constant 4 : i32
        %mul3A_466 = vector.broadcast %mul3A_465 : i32 to vector<16xi32>
        %mul3A_467 = arith.muli %get3A_438, %mul3A_466 : vector<16xi32>
        %add3A_468 = arith.constant 1 : i32
        %add3A_469 = vector.broadcast %add3A_468 : i32 to vector<16xi32>
        %add3A_470 = arith.addi %mul3A_467, %add3A_469 : vector<16xi32>
        %gather3A_471 = tpu.vector_load_idx %arg15[%add3A_470] : memref<40960xf32, #tpu.memory_space<vmem>>[vector<16xi32>], vector<16xf32>,
        %sub3A_472 = arith.subf %gather3A_464, %gather3A_471 : vector<16xf32>
        %swap3A_473 = arith.constant 2 : i32
        %swap3A_474 = arith.index_cast %swap3A_473 : i32 to index
        %swap3A_475 = arith.index_cast %multiple_of3A_435 : i32 to index
        %swap3A_476 = tpu.vector_load %arg21[%swap3A_474, %swap3A_475] {strides = array<i32>} : memref<4x80xf32, #tpu.memory_space<vmem>>, vector<16xf32>,
        tpu.vector_store %arg21[%swap3A_474, %swap3A_475], %sub3A_472 {strides = array<i32>} : memref<4x80xf32, #tpu.memory_space<vmem>>, vector<16xf32>,
        %mul3A_477 = arith.mulf %sub3A_472, %sub3A_472 : vector<16xf32>
        %add3A_478 = arith.addf %add3A_457, %mul3A_477 : vector<16xf32>
        %mul3A_479 = arith.constant 4 : i32
        %mul3A_480 = vector.broadcast %mul3A_479 : i32 to vector<16xi32>
        %mul3A_481 = arith.muli %get3A_436, %mul3A_480 : vector<16xi32>
        %add3A_482 = arith.constant 2 : i32
        %add3A_483 = vector.broadcast %add3A_482 : i32 to vector<16xi32>
        %add3A_484 = arith.addi %mul3A_481, %add3A_483 : vector<16xi32>
        %gather3A_485 = tpu.vector_load_idx %arg15[%add3A_484] : memref<40960xf32, #tpu.memory_space<vmem>>[vector<16xi32>], vector<16xf32>,
        %mul3A_486 = arith.constant 4 : i32
        %mul3A_487 = vector.broadcast %mul3A_486 : i32 to vector<16xi32>
        %mul3A_488 = arith.muli %get3A_438, %mul3A_487 : vector<16xi32>
        %add3A_489 = arith.constant 2 : i32
        %add3A_490 = vector.broadcast %add3A_489 : i32 to vector<16xi32>
        %add3A_491 = arith.addi %mul3A_488, %add3A_490 : vector<16xi32>
        %gather3A_492 = tpu.vector_load_idx %arg15[%add3A_491] : memref<40960xf32, #tpu.memory_space<vmem>>[vector<16xi32>], vector<16xf32>,
        %sub3A_493 = arith.subf %gather3A_485, %gather3A_492 : vector<16xf32>
        %swap3A_494 = arith.constant 3 : i32
        %swap3A_495 = arith.index_cast %swap3A_494 : i32 to index
        %swap3A_496 = arith.index_cast %multiple_of3A_435 : i32 to index
        %swap3A_497 = tpu.vector_load %arg21[%swap3A_495, %swap3A_496] {strides = array<i32>} : memref<4x80xf32, #tpu.memory_space<vmem>>, vector<16xf32>,
        tpu.vector_store %arg21[%swap3A_495, %swap3A_496], %sub3A_493 {strides = array<i32>} : memref<4x80xf32, #tpu.memory_space<vmem>>, vector<16xf32>,
        %mul3A_498 = arith.mulf %sub3A_493, %sub3A_493 : vector<16xf32>
        %add3A_499 = arith.addf %add3A_478, %mul3A_498 : vector<16xf32>
        %swap3A_500 = arith.constant 0 : i32
        %swap3A_501 = arith.index_cast %swap3A_500 : i32 to index
        %swap3A_502 = arith.index_cast %multiple_of3A_435 : i32 to index
        %swap3A_503 = tpu.vector_load %arg21[%swap3A_501, %swap3A_502] {strides = array<i32>} : memref<4x80xf32, #tpu.memory_space<vmem>>, vector<16xf32>,
        tpu.vector_store %arg21[%swap3A_501, %swap3A_502], %add3A_499 {strides = array<i32>} : memref<4x80xf32, #tpu.memory_space<vmem>>, vector<16xf32>,
      }
      %scan3A_365 = arith.constant 5 : i32
      %dma_wait3A_366 = arith.constant 0 : i32
      %dma_wait3A_367 = tpu.memref_slice %arg13[%dma_wait3A_366] : memref<10000xi32, #tpu.memory_space<vmem>> -> memref<80xi32, #tpu.memory_space<vmem>>
      %dma_wait3A_368 = arith.constant 0 : i32
      %dma_wait3A_369 = arith.constant 0 : i32
      %dma_wait3A_370 = tpu.memref_slice %arg2[%dma_wait3A_368, %dma_wait3A_369] : memref<10240x128xf32, #tpu.memory_space<hbm>> -> memref<10240x128xf32, #tpu.memory_space<hbm>>
      tpu.wait_indirect_dma semaphore(%arg23 : memref<!tpu.dma_semaphore, #tpu.memory_space<semaphore_mem>>) src(%dma_wait3A_370 : memref<10240x128xf32, #tpu.memory_space<hbm>>) dst(%arg19 : memref<80x128xf32, #tpu.memory_space<vmem>>)
      %dma_wait3A_371 = arith.constant 0 : i32
      %dma_wait3A_372 = tpu.memref_slice %arg14[%dma_wait3A_371] : memref<10000xi32, #tpu.memory_space<vmem>> -> memref<80xi32, #tpu.memory_space<vmem>>
      %dma_wait3A_373 = arith.constant 0 : i32
      %dma_wait3A_374 = arith.constant 0 : i32
      %dma_wait3A_375 = tpu.memref_slice %arg3[%dma_wait3A_373, %dma_wait3A_374] : memref<10240x128xf32, #tpu.memory_space<hbm>> -> memref<10240x128xf32, #tpu.memory_space<hbm>>
      tpu.wait_indirect_dma semaphore(%arg23 : memref<!tpu.dma_semaphore, #tpu.memory_space<semaphore_mem>>) src(%dma_wait3A_375 : memref<10240x128xf32, #tpu.memory_space<hbm>>) dst(%arg20 : memref<80x128xf32, #tpu.memory_space<vmem>>)
      %mul3A_376 = arith.constant 2 : i32
      %mul3A_377 = arith.muli %mul3A_376, %scan3A_193 : i32
      %add3A_378 = arith.constant 1 : i32
      %add3A_379 = arith.addi %mul3A_377, %add3A_378 : i32
      %mul3A_380 = arith.constant 80 : i32
      %mul3A_381 = arith.muli %add3A_379, %mul3A_380 : i32
      %add3A_382 = arith.addi %multiple_of3A, %mul3A_381 : i32
      %multiple_of3A_383 = tpu.assume_multiple %add3A_382, 8 : i32
      %dma_start3A_384 = arith.constant 0 : i32
      %dma_start3A_385 = tpu.memref_slice %arg7[%multiple_of3A_383, %dma_start3A_384] : memref<320000x128xf32, #tpu.memory_space<hbm>> -> memref<80x128xf32, #tpu.memory_space<hbm>>
      %dma_start3A_386 = arith.constant 0 : i32
      %dma_start3A_387 = tpu.memref_slice %arg7[%multiple_of3A_383, %dma_start3A_386] : memref<320000x128xf32, #tpu.memory_space<hbm>> -> memref<80x128xf32, #tpu.memory_space<hbm>>
      tpu.enqueue_dma source(%arg19 : memref<80x128xf32, #tpu.memory_space<vmem>>) target(%dma_start3A_387 : memref<80x128xf32, #tpu.memory_space<hbm>>) target_semaphore(%arg25 : memref<!tpu.dma_semaphore, #tpu.memory_space<semaphore_mem>>)
      %dma_start3A_388 = arith.constant 0 : i32
      %dma_start3A_389 = tpu.memref_slice %arg8[%multiple_of3A_383, %dma_start3A_388] : memref<320000x128xf32, #tpu.memory_space<hbm>> -> memref<80x128xf32, #tpu.memory_space<hbm>>
      %dma_start3A_390 = arith.constant 0 : i32
      %dma_start3A_391 = tpu.memref_slice %arg8[%multiple_of3A_383, %dma_start3A_390] : memref<320000x128xf32, #tpu.memory_space<hbm>> -> memref<80x128xf32, #tpu.memory_space<hbm>>
      tpu.enqueue_dma source(%arg20 : memref<80x128xf32, #tpu.memory_space<vmem>>) target(%dma_start3A_391 : memref<80x128xf32, #tpu.memory_space<hbm>>) target_semaphore(%arg25 : memref<!tpu.dma_semaphore, #tpu.memory_space<semaphore_mem>>)
      %dma_start3A_392 = arith.constant 0 : i32
      %dma_start3A_393 = arith.constant 0 : i32
      %dma_start3A_394 = tpu.memref_slice %arg21[%dma_start3A_392, %dma_start3A_393] : memref<4x80xf32, #tpu.memory_space<vmem>> -> memref<1x80xf32, #tpu.memory_space<vmem>>
      %dma_start3A_395 = tpu.memref_squeeze %dma_start3A_394 : memref<1x80xf32, #tpu.memory_space<vmem>> -> memref<80xf32, #tpu.memory_space<vmem>>
      %dma_start3A_396 = tpu.memref_slice %arg9[%multiple_of3A_383] : memref<320000xf32, #tpu.memory_space<hbm>> -> memref<80xf32, #tpu.memory_space<hbm>>
      %dma_start3A_397 = tpu.memref_slice %arg9[%multiple_of3A_383] : memref<320000xf32, #tpu.memory_space<hbm>> -> memref<80xf32, #tpu.memory_space<hbm>>
      %dma_start3A_398 = arith.constant 0 : i32
      %dma_start3A_399 = tpu.memref_slice %arg21[%dma_start3A_392, %dma_start3A_398] : memref<4x80xf32, #tpu.memory_space<vmem>> -> memref<1x80xf32, #tpu.memory_space<vmem>>
      %dma_start3A_400 = tpu.memref_squeeze %dma_start3A_399 : memref<1x80xf32, #tpu.memory_space<vmem>> -> memref<80xf32, #tpu.memory_space<vmem>>
      tpu.enqueue_dma source(%dma_start3A_400 : memref<80xf32, #tpu.memory_space<vmem>>) target(%dma_start3A_397 : memref<80xf32, #tpu.memory_space<hbm>>) target_semaphore(%arg25 : memref<!tpu.dma_semaphore, #tpu.memory_space<semaphore_mem>>)
      %dma_start3A_401 = arith.constant 1 : i32
      %dma_start3A_402 = arith.constant 0 : i32
      %dma_start3A_403 = tpu.memref_slice %arg21[%dma_start3A_401, %dma_start3A_402] : memref<4x80xf32, #tpu.memory_space<vmem>> -> memref<1x80xf32, #tpu.memory_space<vmem>>
      %dma_start3A_404 = tpu.memref_squeeze %dma_start3A_403 : memref<1x80xf32, #tpu.memory_space<vmem>> -> memref<80xf32, #tpu.memory_space<vmem>>
      %dma_start3A_405 = tpu.memref_slice %arg10[%multiple_of3A_383] : memref<320000xf32, #tpu.memory_space<hbm>> -> memref<80xf32, #tpu.memory_space<hbm>>
      %dma_start3A_406 = tpu.memref_slice %arg10[%multiple_of3A_383] : memref<320000xf32, #tpu.memory_space<hbm>> -> memref<80xf32, #tpu.memory_space<hbm>>
      %dma_start3A_407 = arith.constant 0 : i32
      %dma_start3A_408 = tpu.memref_slice %arg21[%dma_start3A_401, %dma_start3A_407] : memref<4x80xf32, #tpu.memory_space<vmem>> -> memref<1x80xf32, #tpu.memory_space<vmem>>
      %dma_start3A_409 = tpu.memref_squeeze %dma_start3A_408 : memref<1x80xf32, #tpu.memory_space<vmem>> -> memref<80xf32, #tpu.memory_space<vmem>>
      tpu.enqueue_dma source(%dma_start3A_409 : memref<80xf32, #tpu.memory_space<vmem>>) target(%dma_start3A_406 : memref<80xf32, #tpu.memory_space<hbm>>) target_semaphore(%arg25 : memref<!tpu.dma_semaphore, #tpu.memory_space<semaphore_mem>>)
      %dma_start3A_410 = arith.constant 2 : i32
      %dma_start3A_411 = arith.constant 0 : i32
      %dma_start3A_412 = tpu.memref_slice %arg21[%dma_start3A_410, %dma_start3A_411] : memref<4x80xf32, #tpu.memory_space<vmem>> -> memref<1x80xf32, #tpu.memory_space<vmem>>
      %dma_start3A_413 = tpu.memref_squeeze %dma_start3A_412 : memref<1x80xf32, #tpu.memory_space<vmem>> -> memref<80xf32, #tpu.memory_space<vmem>>
      %dma_start3A_414 = tpu.memref_slice %arg11[%multiple_of3A_383] : memref<320000xf32, #tpu.memory_space<hbm>> -> memref<80xf32, #tpu.memory_space<hbm>>
      %dma_start3A_415 = tpu.memref_slice %arg11[%multiple_of3A_383] : memref<320000xf32, #tpu.memory_space<hbm>> -> memref<80xf32, #tpu.memory_space<hbm>>
      %dma_start3A_416 = arith.constant 0 : i32
      %dma_start3A_417 = tpu.memref_slice %arg21[%dma_start3A_410, %dma_start3A_416] : memref<4x80xf32, #tpu.memory_space<vmem>> -> memref<1x80xf32, #tpu.memory_space<vmem>>
      %dma_start3A_418 = tpu.memref_squeeze %dma_start3A_417 : memref<1x80xf32, #tpu.memory_space<vmem>> -> memref<80xf32, #tpu.memory_space<vmem>>
      tpu.enqueue_dma source(%dma_start3A_418 : memref<80xf32, #tpu.memory_space<vmem>>) target(%dma_start3A_415 : memref<80xf32, #tpu.memory_space<hbm>>) target_semaphore(%arg25 : memref<!tpu.dma_semaphore, #tpu.memory_space<semaphore_mem>>)
      %dma_start3A_419 = arith.constant 3 : i32
      %dma_start3A_420 = arith.constant 0 : i32
      %dma_start3A_421 = tpu.memref_slice %arg21[%dma_start3A_419, %dma_start3A_420] : memref<4x80xf32, #tpu.memory_space<vmem>> -> memref<1x80xf32, #tpu.memory_space<vmem>>
      %dma_start3A_422 = tpu.memref_squeeze %dma_start3A_421 : memref<1x80xf32, #tpu.memory_space<vmem>> -> memref<80xf32, #tpu.memory_space<vmem>>
      %dma_start3A_423 = tpu.memref_slice %arg12[%multiple_of3A_383] : memref<320000xf32, #tpu.memory_space<hbm>> -> memref<80xf32, #tpu.memory_space<hbm>>
      %dma_start3A_424 = tpu.memref_slice %arg12[%multiple_of3A_383] : memref<320000xf32, #tpu.memory_space<hbm>> -> memref<80xf32, #tpu.memory_space<hbm>>
      %dma_start3A_425 = arith.constant 0 : i32
      %dma_start3A_426 = tpu.memref_slice %arg21[%dma_start3A_419, %dma_start3A_425] : memref<4x80xf32, #tpu.memory_space<vmem>> -> memref<1x80xf32, #tpu.memory_space<vmem>>
      %dma_start3A_427 = tpu.memref_squeeze %dma_start3A_426 : memref<1x80xf32, #tpu.memory_space<vmem>> -> memref<80xf32, #tpu.memory_space<vmem>>
      tpu.enqueue_dma source(%dma_start3A_427 : memref<80xf32, #tpu.memory_space<vmem>>) target(%dma_start3A_424 : memref<80xf32, #tpu.memory_space<hbm>>) target_semaphore(%arg25 : memref<!tpu.dma_semaphore, #tpu.memory_space<semaphore_mem>>)
    }
    %scan3A_16 = arith.constant 62 : i32
    %dma_wait3A = arith.constant 0 : i32
    %dma_wait3A_17 = arith.constant 0 : i32
    %dma_wait3A_18 = tpu.memref_slice %arg7[%dma_wait3A, %dma_wait3A_17] : memref<320000x128xf32, #tpu.memory_space<hbm>> -> memref<80x128xf32, #tpu.memory_space<hbm>>
    %dma_wait3A_19 = arith.constant 0 : i32
    %dma_wait3A_20 = arith.constant 0 : i32
    %dma_wait3A_21 = tpu.memref_slice %arg7[%dma_wait3A_19, %dma_wait3A_20] : memref<320000x128xf32, #tpu.memory_space<hbm>> -> memref<80x128xf32, #tpu.memory_space<hbm>>
    tpu.wait_dma2 semaphore(%arg25 : memref<!tpu.dma_semaphore, #tpu.memory_space<semaphore_mem>>) src(%arg19 : memref<80x128xf32, #tpu.memory_space<vmem>>) dst(%dma_wait3A_21 : memref<80x128xf32, #tpu.memory_space<hbm>>)
    %dma_wait3A_22 = arith.constant 0 : i32
    %dma_wait3A_23 = arith.constant 0 : i32
    %dma_wait3A_24 = tpu.memref_slice %arg8[%dma_wait3A_22, %dma_wait3A_23] : memref<320000x128xf32, #tpu.memory_space<hbm>> -> memref<80x128xf32, #tpu.memory_space<hbm>>
    %dma_wait3A_25 = arith.constant 0 : i32
    %dma_wait3A_26 = arith.constant 0 : i32
    %dma_wait3A_27 = tpu.memref_slice %arg8[%dma_wait3A_25, %dma_wait3A_26] : memref<320000x128xf32, #tpu.memory_space<hbm>> -> memref<80x128xf32, #tpu.memory_space<hbm>>
    tpu.wait_dma2 semaphore(%arg25 : memref<!tpu.dma_semaphore, #tpu.memory_space<semaphore_mem>>) src(%arg20 : memref<80x128xf32, #tpu.memory_space<vmem>>) dst(%dma_wait3A_27 : memref<80x128xf32, #tpu.memory_space<hbm>>)
    %dma_wait3A_28 = arith.constant 0 : i32
    %dma_wait3A_29 = arith.constant 0 : i32
    %dma_wait3A_30 = tpu.memref_slice %arg21[%dma_wait3A_28, %dma_wait3A_29] : memref<4x80xf32, #tpu.memory_space<vmem>> -> memref<1x80xf32, #tpu.memory_space<vmem>>
    %dma_wait3A_31 = tpu.memref_squeeze %dma_wait3A_30 : memref<1x80xf32, #tpu.memory_space<vmem>> -> memref<80xf32, #tpu.memory_space<vmem>>
    %dma_wait3A_32 = arith.constant 0 : i32
    %dma_wait3A_33 = tpu.memref_slice %arg9[%dma_wait3A_32] : memref<320000xf32, #tpu.memory_space<hbm>> -> memref<80xf32, #tpu.memory_space<hbm>>
    %dma_wait3A_34 = arith.constant 0 : i32
    %dma_wait3A_35 = tpu.memref_slice %arg9[%dma_wait3A_34] : memref<320000xf32, #tpu.memory_space<hbm>> -> memref<80xf32, #tpu.memory_space<hbm>>
    %dma_wait3A_36 = arith.constant 0 : i32
    %dma_wait3A_37 = tpu.memref_slice %arg21[%dma_wait3A_28, %dma_wait3A_36] : memref<4x80xf32, #tpu.memory_space<vmem>> -> memref<1x80xf32, #tpu.memory_space<vmem>>
    %dma_wait3A_38 = tpu.memref_squeeze %dma_wait3A_37 : memref<1x80xf32, #tpu.memory_space<vmem>> -> memref<80xf32, #tpu.memory_space<vmem>>
    tpu.wait_dma2 semaphore(%arg25 : memref<!tpu.dma_semaphore, #tpu.memory_space<semaphore_mem>>) src(%dma_wait3A_38 : memref<80xf32, #tpu.memory_space<vmem>>) dst(%dma_wait3A_35 : memref<80xf32, #tpu.memory_space<hbm>>)
    %dma_wait3A_39 = arith.constant 1 : i32
    %dma_wait3A_40 = arith.constant 0 : i32
    %dma_wait3A_41 = tpu.memref_slice %arg21[%dma_wait3A_39, %dma_wait3A_40] : memref<4x80xf32, #tpu.memory_space<vmem>> -> memref<1x80xf32, #tpu.memory_space<vmem>>
    %dma_wait3A_42 = tpu.memref_squeeze %dma_wait3A_41 : memref<1x80xf32, #tpu.memory_space<vmem>> -> memref<80xf32, #tpu.memory_space<vmem>>
    %dma_wait3A_43 = arith.constant 0 : i32
    %dma_wait3A_44 = tpu.memref_slice %arg10[%dma_wait3A_43] : memref<320000xf32, #tpu.memory_space<hbm>> -> memref<80xf32, #tpu.memory_space<hbm>>
    %dma_wait3A_45 = arith.constant 0 : i32
    %dma_wait3A_46 = tpu.memref_slice %arg10[%dma_wait3A_45] : memref<320000xf32, #tpu.memory_space<hbm>> -> memref<80xf32, #tpu.memory_space<hbm>>
    %dma_wait3A_47 = arith.constant 0 : i32
    %dma_wait3A_48 = tpu.memref_slice %arg21[%dma_wait3A_39, %dma_wait3A_47] : memref<4x80xf32, #tpu.memory_space<vmem>> -> memref<1x80xf32, #tpu.memory_space<vmem>>
    %dma_wait3A_49 = tpu.memref_squeeze %dma_wait3A_48 : memref<1x80xf32, #tpu.memory_space<vmem>> -> memref<80xf32, #tpu.memory_space<vmem>>
    tpu.wait_dma2 semaphore(%arg25 : memref<!tpu.dma_semaphore, #tpu.memory_space<semaphore_mem>>) src(%dma_wait3A_49 : memref<80xf32, #tpu.memory_space<vmem>>) dst(%dma_wait3A_46 : memref<80xf32, #tpu.memory_space<hbm>>)
    %dma_wait3A_50 = arith.constant 2 : i32
    %dma_wait3A_51 = arith.constant 0 : i32
    %dma_wait3A_52 = tpu.memref_slice %arg21[%dma_wait3A_50, %dma_wait3A_51] : memref<4x80xf32, #tpu.memory_space<vmem>> -> memref<1x80xf32, #tpu.memory_space<vmem>>
    %dma_wait3A_53 = tpu.memref_squeeze %dma_wait3A_52 : memref<1x80xf32, #tpu.memory_space<vmem>> -> memref<80xf32, #tpu.memory_space<vmem>>
    %dma_wait3A_54 = arith.constant 0 : i32
    %dma_wait3A_55 = tpu.memref_slice %arg11[%dma_wait3A_54] : memref<320000xf32, #tpu.memory_space<hbm>> -> memref<80xf32, #tpu.memory_space<hbm>>
    %dma_wait3A_56 = arith.constant 0 : i32
    %dma_wait3A_57 = tpu.memref_slice %arg11[%dma_wait3A_56] : memref<320000xf32, #tpu.memory_space<hbm>> -> memref<80xf32, #tpu.memory_space<hbm>>
    %dma_wait3A_58 = arith.constant 0 : i32
    %dma_wait3A_59 = tpu.memref_slice %arg21[%dma_wait3A_50, %dma_wait3A_58] : memref<4x80xf32, #tpu.memory_space<vmem>> -> memref<1x80xf32, #tpu.memory_space<vmem>>
    %dma_wait3A_60 = tpu.memref_squeeze %dma_wait3A_59 : memref<1x80xf32, #tpu.memory_space<vmem>> -> memref<80xf32, #tpu.memory_space<vmem>>
    tpu.wait_dma2 semaphore(%arg25 : memref<!tpu.dma_semaphore, #tpu.memory_space<semaphore_mem>>) src(%dma_wait3A_60 : memref<80xf32, #tpu.memory_space<vmem>>) dst(%dma_wait3A_57 : memref<80xf32, #tpu.memory_space<hbm>>)
    %dma_wait3A_61 = arith.constant 3 : i32
    %dma_wait3A_62 = arith.constant 0 : i32
    %dma_wait3A_63 = tpu.memref_slice %arg21[%dma_wait3A_61, %dma_wait3A_62] : memref<4x80xf32, #tpu.memory_space<vmem>> -> memref<1x80xf32, #tpu.memory_space<vmem>>
    %dma_wait3A_64 = tpu.memref_squeeze %dma_wait3A_63 : memref<1x80xf32, #tpu.memory_space<vmem>> -> memref<80xf32, #tpu.memory_space<vmem>>
    %dma_wait3A_65 = arith.constant 0 : i32
    %dma_wait3A_66 = tpu.memref_slice %arg12[%dma_wait3A_65] : memref<320000xf32, #tpu.memory_space<hbm>> -> memref<80xf32, #tpu.memory_space<hbm>>
    %dma_wait3A_67 = arith.constant 0 : i32
    %dma_wait3A_68 = tpu.memref_slice %arg12[%dma_wait3A_67] : memref<320000xf32, #tpu.memory_space<hbm>> -> memref<80xf32, #tpu.memory_space<hbm>>
    %dma_wait3A_69 = arith.constant 0 : i32
    %dma_wait3A_70 = tpu.memref_slice %arg21[%dma_wait3A_61, %dma_wait3A_69] : memref<4x80xf32, #tpu.memory_space<vmem>> -> memref<1x80xf32, #tpu.memory_space<vmem>>
    %dma_wait3A_71 = tpu.memref_squeeze %dma_wait3A_70 : memref<1x80xf32, #tpu.memory_space<vmem>> -> memref<80xf32, #tpu.memory_space<vmem>>
    tpu.wait_dma2 semaphore(%arg25 : memref<!tpu.dma_semaphore, #tpu.memory_space<semaphore_mem>>) src(%dma_wait3A_71 : memref<80xf32, #tpu.memory_space<vmem>>) dst(%dma_wait3A_68 : memref<80xf32, #tpu.memory_space<hbm>>)
    %multiple_of3A_72 = arith.constant 9920 : i32
    %multiple_of3A_73 = tpu.assume_multiple %multiple_of3A_72, 8 : i32
    %scan3A_74 = arith.constant 0 : i32
    %scan3A_75 = arith.constant 0 : i32
    %scan3A_76 = arith.constant 5 : i32
    %scan3A_77 = arith.addi %scan3A_75, %scan3A_76 : i32
    %scan3A_78 = arith.constant 1 : i32
    scf.for %scan3A_193 = %scan3A_75 to %scan3A_77 step %scan3A_78  : i32 {
      %mul3A_194 = arith.constant 16 : i32
      %mul3A_195 = arith.muli %scan3A_193, %mul3A_194 : i32
      %add3A_196 = arith.addi %multiple_of3A_73, %mul3A_195 : i32
      %multiple_of3A_197 = tpu.assume_multiple %add3A_196, 16 : i32
      %mul3A_198 = arith.constant 16 : i32
      %mul3A_199 = arith.muli %scan3A_193, %mul3A_198 : i32
      %multiple_of3A_200 = tpu.assume_multiple %mul3A_199, 16 : i32
      %get3A = arith.index_cast %multiple_of3A_197 : i32 to index
      %get3A_201 = tpu.vector_load %arg13[%get3A] {strides = array<i32>} : memref<10000xi32, #tpu.memory_space<vmem>>, vector<16xi32>,
      %get3A_202 = arith.index_cast %multiple_of3A_197 : i32 to index
      %get3A_203 = tpu.vector_load %arg14[%get3A_202] {strides = array<i32>} : memref<10000xi32, #tpu.memory_space<vmem>>, vector<16xi32>,
      %broadcast_in_dim3A = arith.constant 0.000000e+00 : f32
      %broadcast_in_dim3A_204 = vector.broadcast %broadcast_in_dim3A : f32 to vector<16xf32>
      %mul3A_205 = arith.constant 4 : i32
      %mul3A_206 = vector.broadcast %mul3A_205 : i32 to vector<16xi32>
      %mul3A_207 = arith.muli %get3A_201, %mul3A_206 : vector<16xi32>
      %add3A_208 = arith.constant 0 : i32
      %add3A_209 = vector.broadcast %add3A_208 : i32 to vector<16xi32>
      %add3A_210 = arith.addi %mul3A_207, %add3A_209 : vector<16xi32>
      %gather3A = tpu.vector_load_idx %arg15[%add3A_210] : memref<40960xf32, #tpu.memory_space<vmem>>[vector<16xi32>], vector<16xf32>,
      %mul3A_211 = arith.constant 4 : i32
      %mul3A_212 = vector.broadcast %mul3A_211 : i32 to vector<16xi32>
      %mul3A_213 = arith.muli %get3A_203, %mul3A_212 : vector<16xi32>
      %add3A_214 = arith.constant 0 : i32
      %add3A_215 = vector.broadcast %add3A_214 : i32 to vector<16xi32>
      %add3A_216 = arith.addi %mul3A_213, %add3A_215 : vector<16xi32>
      %gather3A_217 = tpu.vector_load_idx %arg15[%add3A_216] : memref<40960xf32, #tpu.memory_space<vmem>>[vector<16xi32>], vector<16xf32>,
      %sub3A = arith.subf %gather3A, %gather3A_217 : vector<16xf32>
      %swap3A = arith.constant 1 : i32
      %swap3A_218 = arith.index_cast %swap3A : i32 to index
      %swap3A_219 = arith.index_cast %multiple_of3A_200 : i32 to index
      %swap3A_220 = tpu.vector_load %arg18[%swap3A_218, %swap3A_219] {strides = array<i32>} : memref<4x80xf32, #tpu.memory_space<vmem>>, vector<16xf32>,
      tpu.vector_store %arg18[%swap3A_218, %swap3A_219], %sub3A {strides = array<i32>} : memref<4x80xf32, #tpu.memory_space<vmem>>, vector<16xf32>,
      %mul3A_221 = arith.mulf %sub3A, %sub3A : vector<16xf32>
      %add3A_222 = arith.addf %broadcast_in_dim3A_204, %mul3A_221 : vector<16xf32>
      %mul3A_223 = arith.constant 4 : i32
      %mul3A_224 = vector.broadcast %mul3A_223 : i32 to vector<16xi32>
      %mul3A_225 = arith.muli %get3A_201, %mul3A_224 : vector<16xi32>
      %add3A_226 = arith.constant 1 : i32
      %add3A_227 = vector.broadcast %add3A_226 : i32 to vector<16xi32>
      %add3A_228 = arith.addi %mul3A_225, %add3A_227 : vector<16xi32>
      %gather3A_229 = tpu.vector_load_idx %arg15[%add3A_228] : memref<40960xf32, #tpu.memory_space<vmem>>[vector<16xi32>], vector<16xf32>,
      %mul3A_230 = arith.constant 4 : i32
      %mul3A_231 = vector.broadcast %mul3A_230 : i32 to vector<16xi32>
      %mul3A_232 = arith.muli %get3A_203, %mul3A_231 : vector<16xi32>
      %add3A_233 = arith.constant 1 : i32
      %add3A_234 = vector.broadcast %add3A_233 : i32 to vector<16xi32>
      %add3A_235 = arith.addi %mul3A_232, %add3A_234 : vector<16xi32>
      %gather3A_236 = tpu.vector_load_idx %arg15[%add3A_235] : memref<40960xf32, #tpu.memory_space<vmem>>[vector<16xi32>], vector<16xf32>,
      %sub3A_237 = arith.subf %gather3A_229, %gather3A_236 : vector<16xf32>
      %swap3A_238 = arith.constant 2 : i32
      %swap3A_239 = arith.index_cast %swap3A_238 : i32 to index
      %swap3A_240 = arith.index_cast %multiple_of3A_200 : i32 to index
      %swap3A_241 = tpu.vector_load %arg18[%swap3A_239, %swap3A_240] {strides = array<i32>} : memref<4x80xf32, #tpu.memory_space<vmem>>, vector<16xf32>,
      tpu.vector_store %arg18[%swap3A_239, %swap3A_240], %sub3A_237 {strides = array<i32>} : memref<4x80xf32, #tpu.memory_space<vmem>>, vector<16xf32>,
      %mul3A_242 = arith.mulf %sub3A_237, %sub3A_237 : vector<16xf32>
      %add3A_243 = arith.addf %add3A_222, %mul3A_242 : vector<16xf32>
      %mul3A_244 = arith.constant 4 : i32
      %mul3A_245 = vector.broadcast %mul3A_244 : i32 to vector<16xi32>
      %mul3A_246 = arith.muli %get3A_201, %mul3A_245 : vector<16xi32>
      %add3A_247 = arith.constant 2 : i32
      %add3A_248 = vector.broadcast %add3A_247 : i32 to vector<16xi32>
      %add3A_249 = arith.addi %mul3A_246, %add3A_248 : vector<16xi32>
      %gather3A_250 = tpu.vector_load_idx %arg15[%add3A_249] : memref<40960xf32, #tpu.memory_space<vmem>>[vector<16xi32>], vector<16xf32>,
      %mul3A_251 = arith.constant 4 : i32
      %mul3A_252 = vector.broadcast %mul3A_251 : i32 to vector<16xi32>
      %mul3A_253 = arith.muli %get3A_203, %mul3A_252 : vector<16xi32>
      %add3A_254 = arith.constant 2 : i32
      %add3A_255 = vector.broadcast %add3A_254 : i32 to vector<16xi32>
      %add3A_256 = arith.addi %mul3A_253, %add3A_255 : vector<16xi32>
      %gather3A_257 = tpu.vector_load_idx %arg15[%add3A_256] : memref<40960xf32, #tpu.memory_space<vmem>>[vector<16xi32>], vector<16xf32>,
      %sub3A_258 = arith.subf %gather3A_250, %gather3A_257 : vector<16xf32>
      %swap3A_259 = arith.constant 3 : i32
      %swap3A_260 = arith.index_cast %swap3A_259 : i32 to index
      %swap3A_261 = arith.index_cast %multiple_of3A_200 : i32 to index
      %swap3A_262 = tpu.vector_load %arg18[%swap3A_260, %swap3A_261] {strides = array<i32>} : memref<4x80xf32, #tpu.memory_space<vmem>>, vector<16xf32>,
      tpu.vector_store %arg18[%swap3A_260, %swap3A_261], %sub3A_258 {strides = array<i32>} : memref<4x80xf32, #tpu.memory_space<vmem>>, vector<16xf32>,
      %mul3A_263 = arith.mulf %sub3A_258, %sub3A_258 : vector<16xf32>
      %add3A_264 = arith.addf %add3A_243, %mul3A_263 : vector<16xf32>
      %swap3A_265 = arith.constant 0 : i32
      %swap3A_266 = arith.index_cast %swap3A_265 : i32 to index
      %swap3A_267 = arith.index_cast %multiple_of3A_200 : i32 to index
      %swap3A_268 = tpu.vector_load %arg18[%swap3A_266, %swap3A_267] {strides = array<i32>} : memref<4x80xf32, #tpu.memory_space<vmem>>, vector<16xf32>,
      tpu.vector_store %arg18[%swap3A_266, %swap3A_267], %add3A_264 {strides = array<i32>} : memref<4x80xf32, #tpu.memory_space<vmem>>, vector<16xf32>,
    }
    %scan3A_79 = arith.constant 5 : i32
    %dma_wait3A_80 = arith.constant 0 : i32
    %dma_wait3A_81 = tpu.memref_slice %arg13[%dma_wait3A_80] : memref<10000xi32, #tpu.memory_space<vmem>> -> memref<80xi32, #tpu.memory_space<vmem>>
    %dma_wait3A_82 = arith.constant 0 : i32
    %dma_wait3A_83 = arith.constant 0 : i32
    %dma_wait3A_84 = tpu.memref_slice %arg2[%dma_wait3A_82, %dma_wait3A_83] : memref<10240x128xf32, #tpu.memory_space<hbm>> -> memref<10240x128xf32, #tpu.memory_space<hbm>>
    tpu.wait_indirect_dma semaphore(%arg22 : memref<!tpu.dma_semaphore, #tpu.memory_space<semaphore_mem>>) src(%dma_wait3A_84 : memref<10240x128xf32, #tpu.memory_space<hbm>>) dst(%arg16 : memref<80x128xf32, #tpu.memory_space<vmem>>)
    %dma_wait3A_85 = arith.constant 0 : i32
    %dma_wait3A_86 = tpu.memref_slice %arg14[%dma_wait3A_85] : memref<10000xi32, #tpu.memory_space<vmem>> -> memref<80xi32, #tpu.memory_space<vmem>>
    %dma_wait3A_87 = arith.constant 0 : i32
    %dma_wait3A_88 = arith.constant 0 : i32
    %dma_wait3A_89 = tpu.memref_slice %arg3[%dma_wait3A_87, %dma_wait3A_88] : memref<10240x128xf32, #tpu.memory_space<hbm>> -> memref<10240x128xf32, #tpu.memory_space<hbm>>
    tpu.wait_indirect_dma semaphore(%arg22 : memref<!tpu.dma_semaphore, #tpu.memory_space<semaphore_mem>>) src(%dma_wait3A_89 : memref<10240x128xf32, #tpu.memory_space<hbm>>) dst(%arg17 : memref<80x128xf32, #tpu.memory_space<vmem>>)
    %add3A_90 = arith.constant 9920 : i32
    %add3A_91 = arith.addi %multiple_of3A, %add3A_90 : i32
    %multiple_of3A_92 = tpu.assume_multiple %add3A_91, 8 : i32
    %dma_start3A_93 = arith.constant 0 : i32
    %dma_start3A_94 = tpu.memref_slice %arg7[%multiple_of3A_92, %dma_start3A_93] : memref<320000x128xf32, #tpu.memory_space<hbm>> -> memref<80x128xf32, #tpu.memory_space<hbm>>
    %dma_start3A_95 = arith.constant 0 : i32
    %dma_start3A_96 = tpu.memref_slice %arg7[%multiple_of3A_92, %dma_start3A_95] : memref<320000x128xf32, #tpu.memory_space<hbm>> -> memref<80x128xf32, #tpu.memory_space<hbm>>
    tpu.enqueue_dma source(%arg16 : memref<80x128xf32, #tpu.memory_space<vmem>>) target(%dma_start3A_96 : memref<80x128xf32, #tpu.memory_space<hbm>>) target_semaphore(%arg24 : memref<!tpu.dma_semaphore, #tpu.memory_space<semaphore_mem>>)
    %dma_start3A_97 = arith.constant 0 : i32
    %dma_start3A_98 = tpu.memref_slice %arg8[%multiple_of3A_92, %dma_start3A_97] : memref<320000x128xf32, #tpu.memory_space<hbm>> -> memref<80x128xf32, #tpu.memory_space<hbm>>
    %dma_start3A_99 = arith.constant 0 : i32
    %dma_start3A_100 = tpu.memref_slice %arg8[%multiple_of3A_92, %dma_start3A_99] : memref<320000x128xf32, #tpu.memory_space<hbm>> -> memref<80x128xf32, #tpu.memory_space<hbm>>
    tpu.enqueue_dma source(%arg17 : memref<80x128xf32, #tpu.memory_space<vmem>>) target(%dma_start3A_100 : memref<80x128xf32, #tpu.memory_space<hbm>>) target_semaphore(%arg24 : memref<!tpu.dma_semaphore, #tpu.memory_space<semaphore_mem>>)
    %dma_start3A_101 = arith.constant 0 : i32
    %dma_start3A_102 = arith.constant 0 : i32
    %dma_start3A_103 = tpu.memref_slice %arg18[%dma_start3A_101, %dma_start3A_102] : memref<4x80xf32, #tpu.memory_space<vmem>> -> memref<1x80xf32, #tpu.memory_space<vmem>>
    %dma_start3A_104 = tpu.memref_squeeze %dma_start3A_103 : memref<1x80xf32, #tpu.memory_space<vmem>> -> memref<80xf32, #tpu.memory_space<vmem>>
    %dma_start3A_105 = tpu.memref_slice %arg9[%multiple_of3A_92] : memref<320000xf32, #tpu.memory_space<hbm>> -> memref<80xf32, #tpu.memory_space<hbm>>
    %dma_start3A_106 = tpu.memref_slice %arg9[%multiple_of3A_92] : memref<320000xf32, #tpu.memory_space<hbm>> -> memref<80xf32, #tpu.memory_space<hbm>>
    %dma_start3A_107 = arith.constant 0 : i32
    %dma_start3A_108 = tpu.memref_slice %arg18[%dma_start3A_101, %dma_start3A_107] : memref<4x80xf32, #tpu.memory_space<vmem>> -> memref<1x80xf32, #tpu.memory_space<vmem>>
    %dma_start3A_109 = tpu.memref_squeeze %dma_start3A_108 : memref<1x80xf32, #tpu.memory_space<vmem>> -> memref<80xf32, #tpu.memory_space<vmem>>
    tpu.enqueue_dma source(%dma_start3A_109 : memref<80xf32, #tpu.memory_space<vmem>>) target(%dma_start3A_106 : memref<80xf32, #tpu.memory_space<hbm>>) target_semaphore(%arg24 : memref<!tpu.dma_semaphore, #tpu.memory_space<semaphore_mem>>)
    %dma_start3A_110 = arith.constant 1 : i32
    %dma_start3A_111 = arith.constant 0 : i32
    %dma_start3A_112 = tpu.memref_slice %arg18[%dma_start3A_110, %dma_start3A_111] : memref<4x80xf32, #tpu.memory_space<vmem>> -> memref<1x80xf32, #tpu.memory_space<vmem>>
    %dma_start3A_113 = tpu.memref_squeeze %dma_start3A_112 : memref<1x80xf32, #tpu.memory_space<vmem>> -> memref<80xf32, #tpu.memory_space<vmem>>
    %dma_start3A_114 = tpu.memref_slice %arg10[%multiple_of3A_92] : memref<320000xf32, #tpu.memory_space<hbm>> -> memref<80xf32, #tpu.memory_space<hbm>>
    %dma_start3A_115 = tpu.memref_slice %arg10[%multiple_of3A_92] : memref<320000xf32, #tpu.memory_space<hbm>> -> memref<80xf32, #tpu.memory_space<hbm>>
    %dma_start3A_116 = arith.constant 0 : i32
    %dma_start3A_117 = tpu.memref_slice %arg18[%dma_start3A_110, %dma_start3A_116] : memref<4x80xf32, #tpu.memory_space<vmem>> -> memref<1x80xf32, #tpu.memory_space<vmem>>
    %dma_start3A_118 = tpu.memref_squeeze %dma_start3A_117 : memref<1x80xf32, #tpu.memory_space<vmem>> -> memref<80xf32, #tpu.memory_space<vmem>>
    tpu.enqueue_dma source(%dma_start3A_118 : memref<80xf32, #tpu.memory_space<vmem>>) target(%dma_start3A_115 : memref<80xf32, #tpu.memory_space<hbm>>) target_semaphore(%arg24 : memref<!tpu.dma_semaphore, #tpu.memory_space<semaphore_mem>>)
    %dma_start3A_119 = arith.constant 2 : i32
    %dma_start3A_120 = arith.constant 0 : i32
    %dma_start3A_121 = tpu.memref_slice %arg18[%dma_start3A_119, %dma_start3A_120] : memref<4x80xf32, #tpu.memory_space<vmem>> -> memref<1x80xf32, #tpu.memory_space<vmem>>
    %dma_start3A_122 = tpu.memref_squeeze %dma_start3A_121 : memref<1x80xf32, #tpu.memory_space<vmem>> -> memref<80xf32, #tpu.memory_space<vmem>>
    %dma_start3A_123 = tpu.memref_slice %arg11[%multiple_of3A_92] : memref<320000xf32, #tpu.memory_space<hbm>> -> memref<80xf32, #tpu.memory_space<hbm>>
    %dma_start3A_124 = tpu.memref_slice %arg11[%multiple_of3A_92] : memref<320000xf32, #tpu.memory_space<hbm>> -> memref<80xf32, #tpu.memory_space<hbm>>
    %dma_start3A_125 = arith.constant 0 : i32
    %dma_start3A_126 = tpu.memref_slice %arg18[%dma_start3A_119, %dma_start3A_125] : memref<4x80xf32, #tpu.memory_space<vmem>> -> memref<1x80xf32, #tpu.memory_space<vmem>>
    %dma_start3A_127 = tpu.memref_squeeze %dma_start3A_126 : memref<1x80xf32, #tpu.memory_space<vmem>> -> memref<80xf32, #tpu.memory_space<vmem>>
    tpu.enqueue_dma source(%dma_start3A_127 : memref<80xf32, #tpu.memory_space<vmem>>) target(%dma_start3A_124 : memref<80xf32, #tpu.memory_space<hbm>>) target_semaphore(%arg24 : memref<!tpu.dma_semaphore, #tpu.memory_space<semaphore_mem>>)
    %dma_start3A_128 = arith.constant 3 : i32
    %dma_start3A_129 = arith.constant 0 : i32
    %dma_start3A_130 = tpu.memref_slice %arg18[%dma_start3A_128, %dma_start3A_129] : memref<4x80xf32, #tpu.memory_space<vmem>> -> memref<1x80xf32, #tpu.memory_space<vmem>>
    %dma_start3A_131 = tpu.memref_squeeze %dma_start3A_130 : memref<1x80xf32, #tpu.memory_space<vmem>> -> memref<80xf32, #tpu.memory_space<vmem>>
    %dma_start3A_132 = tpu.memref_slice %arg12[%multiple_of3A_92] : memref<320000xf32, #tpu.memory_space<hbm>> -> memref<80xf32, #tpu.memory_space<hbm>>
    %dma_start3A_133 = tpu.memref_slice %arg12[%multiple_of3A_92] : memref<320000xf32, #tpu.memory_space<hbm>> -> memref<80xf32, #tpu.memory_space<hbm>>
    %dma_start3A_134 = arith.constant 0 : i32
    %dma_start3A_135 = tpu.memref_slice %arg18[%dma_start3A_128, %dma_start3A_134] : memref<4x80xf32, #tpu.memory_space<vmem>> -> memref<1x80xf32, #tpu.memory_space<vmem>>
    %dma_start3A_136 = tpu.memref_squeeze %dma_start3A_135 : memref<1x80xf32, #tpu.memory_space<vmem>> -> memref<80xf32, #tpu.memory_space<vmem>>
    tpu.enqueue_dma source(%dma_start3A_136 : memref<80xf32, #tpu.memory_space<vmem>>) target(%dma_start3A_133 : memref<80xf32, #tpu.memory_space<hbm>>) target_semaphore(%arg24 : memref<!tpu.dma_semaphore, #tpu.memory_space<semaphore_mem>>)
    %dma_wait3A_137 = arith.constant 0 : i32
    %dma_wait3A_138 = arith.constant 0 : i32
    %dma_wait3A_139 = tpu.memref_slice %arg7[%dma_wait3A_137, %dma_wait3A_138] : memref<320000x128xf32, #tpu.memory_space<hbm>> -> memref<80x128xf32, #tpu.memory_space<hbm>>
    %dma_wait3A_140 = arith.constant 0 : i32
    %dma_wait3A_141 = arith.constant 0 : i32
    %dma_wait3A_142 = tpu.memref_slice %arg7[%dma_wait3A_140, %dma_wait3A_141] : memref<320000x128xf32, #tpu.memory_space<hbm>> -> memref<80x128xf32, #tpu.memory_space<hbm>>
    tpu.wait_dma2 semaphore(%arg24 : memref<!tpu.dma_semaphore, #tpu.memory_space<semaphore_mem>>) src(%arg16 : memref<80x128xf32, #tpu.memory_space<vmem>>) dst(%dma_wait3A_142 : memref<80x128xf32, #tpu.memory_space<hbm>>)
    %dma_wait3A_143 = arith.constant 0 : i32
    %dma_wait3A_144 = arith.constant 0 : i32
    %dma_wait3A_145 = tpu.memref_slice %arg8[%dma_wait3A_143, %dma_wait3A_144] : memref<320000x128xf32, #tpu.memory_space<hbm>> -> memref<80x128xf32, #tpu.memory_space<hbm>>
    %dma_wait3A_146 = arith.constant 0 : i32
    %dma_wait3A_147 = arith.constant 0 : i32
    %dma_wait3A_148 = tpu.memref_slice %arg8[%dma_wait3A_146, %dma_wait3A_147] : memref<320000x128xf32, #tpu.memory_space<hbm>> -> memref<80x128xf32, #tpu.memory_space<hbm>>
    tpu.wait_dma2 semaphore(%arg24 : memref<!tpu.dma_semaphore, #tpu.memory_space<semaphore_mem>>) src(%arg17 : memref<80x128xf32, #tpu.memory_space<vmem>>) dst(%dma_wait3A_148 : memref<80x128xf32, #tpu.memory_space<hbm>>)
    %dma_wait3A_149 = arith.constant 0 : i32
    %dma_wait3A_150 = arith.constant 0 : i32
    %dma_wait3A_151 = tpu.memref_slice %arg18[%dma_wait3A_149, %dma_wait3A_150] : memref<4x80xf32, #tpu.memory_space<vmem>> -> memref<1x80xf32, #tpu.memory_space<vmem>>
    %dma_wait3A_152 = tpu.memref_squeeze %dma_wait3A_151 : memref<1x80xf32, #tpu.memory_space<vmem>> -> memref<80xf32, #tpu.memory_space<vmem>>
    %dma_wait3A_153 = arith.constant 0 : i32
    %dma_wait3A_154 = tpu.memref_slice %arg9[%dma_wait3A_153] : memref<320000xf32, #tpu.memory_space<hbm>> -> memref<80xf32, #tpu.memory_space<hbm>>
    %dma_wait3A_155 = arith.constant 0 : i32
    %dma_wait3A_156 = tpu.memref_slice %arg9[%dma_wait3A_155] : memref<320000xf32, #tpu.memory_space<hbm>> -> memref<80xf32, #tpu.memory_space<hbm>>
    %dma_wait3A_157 = arith.constant 0 : i32
    %dma_wait3A_158 = tpu.memref_slice %arg18[%dma_wait3A_149, %dma_wait3A_157] : memref<4x80xf32, #tpu.memory_space<vmem>> -> memref<1x80xf32, #tpu.memory_space<vmem>>
    %dma_wait3A_159 = tpu.memref_squeeze %dma_wait3A_158 : memref<1x80xf32, #tpu.memory_space<vmem>> -> memref<80xf32, #tpu.memory_space<vmem>>
    tpu.wait_dma2 semaphore(%arg24 : memref<!tpu.dma_semaphore, #tpu.memory_space<semaphore_mem>>) src(%dma_wait3A_159 : memref<80xf32, #tpu.memory_space<vmem>>) dst(%dma_wait3A_156 : memref<80xf32, #tpu.memory_space<hbm>>)
    %dma_wait3A_160 = arith.constant 1 : i32
    %dma_wait3A_161 = arith.constant 0 : i32
    %dma_wait3A_162 = tpu.memref_slice %arg18[%dma_wait3A_160, %dma_wait3A_161] : memref<4x80xf32, #tpu.memory_space<vmem>> -> memref<1x80xf32, #tpu.memory_space<vmem>>
    %dma_wait3A_163 = tpu.memref_squeeze %dma_wait3A_162 : memref<1x80xf32, #tpu.memory_space<vmem>> -> memref<80xf32, #tpu.memory_space<vmem>>
    %dma_wait3A_164 = arith.constant 0 : i32
    %dma_wait3A_165 = tpu.memref_slice %arg10[%dma_wait3A_164] : memref<320000xf32, #tpu.memory_space<hbm>> -> memref<80xf32, #tpu.memory_space<hbm>>
    %dma_wait3A_166 = arith.constant 0 : i32
    %dma_wait3A_167 = tpu.memref_slice %arg10[%dma_wait3A_166] : memref<320000xf32, #tpu.memory_space<hbm>> -> memref<80xf32, #tpu.memory_space<hbm>>
    %dma_wait3A_168 = arith.constant 0 : i32
    %dma_wait3A_169 = tpu.memref_slice %arg18[%dma_wait3A_160, %dma_wait3A_168] : memref<4x80xf32, #tpu.memory_space<vmem>> -> memref<1x80xf32, #tpu.memory_space<vmem>>
    %dma_wait3A_170 = tpu.memref_squeeze %dma_wait3A_169 : memref<1x80xf32, #tpu.memory_space<vmem>> -> memref<80xf32, #tpu.memory_space<vmem>>
    tpu.wait_dma2 semaphore(%arg24 : memref<!tpu.dma_semaphore, #tpu.memory_space<semaphore_mem>>) src(%dma_wait3A_170 : memref<80xf32, #tpu.memory_space<vmem>>) dst(%dma_wait3A_167 : memref<80xf32, #tpu.memory_space<hbm>>)
    %dma_wait3A_171 = arith.constant 2 : i32
    %dma_wait3A_172 = arith.constant 0 : i32
    %dma_wait3A_173 = tpu.memref_slice %arg18[%dma_wait3A_171, %dma_wait3A_172] : memref<4x80xf32, #tpu.memory_space<vmem>> -> memref<1x80xf32, #tpu.memory_space<vmem>>
    %dma_wait3A_174 = tpu.memref_squeeze %dma_wait3A_173 : memref<1x80xf32, #tpu.memory_space<vmem>> -> memref<80xf32, #tpu.memory_space<vmem>>
    %dma_wait3A_175 = arith.constant 0 : i32
    %dma_wait3A_176 = tpu.memref_slice %arg11[%dma_wait3A_175] : memref<320000xf32, #tpu.memory_space<hbm>> -> memref<80xf32, #tpu.memory_space<hbm>>
    %dma_wait3A_177 = arith.constant 0 : i32
    %dma_wait3A_178 = tpu.memref_slice %arg11[%dma_wait3A_177] : memref<320000xf32, #tpu.memory_space<hbm>> -> memref<80xf32, #tpu.memory_space<hbm>>
    %dma_wait3A_179 = arith.constant 0 : i32
    %dma_wait3A_180 = tpu.memref_slice %arg18[%dma_wait3A_171, %dma_wait3A_179] : memref<4x80xf32, #tpu.memory_space<vmem>> -> memref<1x80xf32, #tpu.memory_space<vmem>>
    %dma_wait3A_181 = tpu.memref_squeeze %dma_wait3A_180 : memref<1x80xf32, #tpu.memory_space<vmem>> -> memref<80xf32, #tpu.memory_space<vmem>>
    tpu.wait_dma2 semaphore(%arg24 : memref<!tpu.dma_semaphore, #tpu.memory_space<semaphore_mem>>) src(%dma_wait3A_181 : memref<80xf32, #tpu.memory_space<vmem>>) dst(%dma_wait3A_178 : memref<80xf32, #tpu.memory_space<hbm>>)
    %dma_wait3A_182 = arith.constant 3 : i32
    %dma_wait3A_183 = arith.constant 0 : i32
    %dma_wait3A_184 = tpu.memref_slice %arg18[%dma_wait3A_182, %dma_wait3A_183] : memref<4x80xf32, #tpu.memory_space<vmem>> -> memref<1x80xf32, #tpu.memory_space<vmem>>
    %dma_wait3A_185 = tpu.memref_squeeze %dma_wait3A_184 : memref<1x80xf32, #tpu.memory_space<vmem>> -> memref<80xf32, #tpu.memory_space<vmem>>
    %dma_wait3A_186 = arith.constant 0 : i32
    %dma_wait3A_187 = tpu.memref_slice %arg12[%dma_wait3A_186] : memref<320000xf32, #tpu.memory_space<hbm>> -> memref<80xf32, #tpu.memory_space<hbm>>
    %dma_wait3A_188 = arith.constant 0 : i32
    %dma_wait3A_189 = tpu.memref_slice %arg12[%dma_wait3A_188] : memref<320000xf32, #tpu.memory_space<hbm>> -> memref<80xf32, #tpu.memory_space<hbm>>
    %dma_wait3A_190 = arith.constant 0 : i32
    %dma_wait3A_191 = tpu.memref_slice %arg18[%dma_wait3A_182, %dma_wait3A_190] : memref<4x80xf32, #tpu.memory_space<vmem>> -> memref<1x80xf32, #tpu.memory_space<vmem>>
    %dma_wait3A_192 = tpu.memref_squeeze %dma_wait3A_191 : memref<1x80xf32, #tpu.memory_space<vmem>> -> memref<80xf32, #tpu.memory_space<vmem>>
    tpu.wait_dma2 semaphore(%arg24 : memref<!tpu.dma_semaphore, #tpu.memory_space<semaphore_mem>>) src(%dma_wait3A_192 : memref<80xf32, #tpu.memory_space<vmem>>) dst(%dma_wait3A_189 : memref<80xf32, #tpu.memory_space<hbm>>)
    return
  }
}

module attributes {stable_mosaic.version = 14 : i64} {
  func.func @_node_proj_body(%arg0: i32, %arg1: memref<512x128xf32, #tpu.memory_space<vmem>>, %arg2: memref<128x128xf32, #tpu.memory_space<vmem>>, %arg3: memref<128x128xf32, #tpu.memory_space<vmem>>, %arg4: memref<1x128xf32, #tpu.memory_space<vmem>>, %arg5: memref<512x128xf32, #tpu.memory_space<vmem>>, %arg6: memref<512x128xf32, #tpu.memory_space<vmem>>) attributes {dimension_semantics = [#tpu.dimension_semantics<arbitrary>], iteration_bounds = array<i64: 20>, scalar_prefetch = 0 : i64, scratch_operands = 0 : i64, tpu.core_type = #tpu.core_type<tc>, window_params = [{transform_indices = @transform_0, window_bounds = array<i64: 512, 128>}, {pipeline_mode = #tpu.pipeline_mode<synchronous>, transform_indices = @transform_1, window_bounds = array<i64: 128, 128>}, {pipeline_mode = #tpu.pipeline_mode<synchronous>, transform_indices = @transform_2, window_bounds = array<i64: 128, 128>}, {pipeline_mode = #tpu.pipeline_mode<synchronous>, transform_indices = @transform_3, window_bounds = array<i64: 1, 128>}, {transform_indices = @transform_4, window_bounds = array<i64: 512, 128>}, {transform_indices = @transform_5, window_bounds = array<i64: 512, 128>}]} {
    %get3A = arith.constant 0 : index
    %get3A_0 = arith.constant 0 : index
    %get3A_1 = vector.load %arg1[%get3A, %get3A_0] : memref<512x128xf32, #tpu.memory_space<vmem>>, vector<512x128xf32>
    %get3A_2 = arith.constant 0 : index
    %get3A_3 = arith.constant 0 : index
    %get3A_4 = vector.load %arg2[%get3A_2, %get3A_3] : memref<128x128xf32, #tpu.memory_space<vmem>>, vector<128x128xf32>
    %dot_general3A = arith.constant dense<0.000000e+00> : vector<512x128xf32>
    %dot_general3A_5 = tpu.matmul %get3A_1, %get3A_4, %dot_general3A {dimension_numbers = #tpu.dot_dimension_numbers<[1], [0], [0], [1], [0, 0, 1, 1], [], []>, transpose_lhs_hint = false} : vector<512x128xf32>, vector<128x128xf32>, vector<512x128xf32> -> vector<512x128xf32>
    %swap3A = arith.constant 0 : index
    %swap3A_6 = arith.constant 0 : index
    %swap3A_7 = vector.load %arg5[%swap3A, %swap3A_6] : memref<512x128xf32, #tpu.memory_space<vmem>>, vector<512x128xf32>
    tpu.vector_store %arg5[%swap3A, %swap3A_6], %dot_general3A_5 {strides = array<i32>} : memref<512x128xf32, #tpu.memory_space<vmem>>, vector<512x128xf32>,
    %get3A_8 = arith.constant 0 : index
    %get3A_9 = arith.constant 0 : index
    %get3A_10 = vector.load %arg1[%get3A_8, %get3A_9] : memref<512x128xf32, #tpu.memory_space<vmem>>, vector<512x128xf32>
    %get3A_11 = arith.constant 0 : index
    %get3A_12 = arith.constant 0 : index
    %get3A_13 = vector.load %arg3[%get3A_11, %get3A_12] : memref<128x128xf32, #tpu.memory_space<vmem>>, vector<128x128xf32>
    %dot_general3A_14 = arith.constant dense<0.000000e+00> : vector<512x128xf32>
    %dot_general3A_15 = tpu.matmul %get3A_10, %get3A_13, %dot_general3A_14 {dimension_numbers = #tpu.dot_dimension_numbers<[1], [0], [0], [1], [0, 0, 1, 1], [], []>, transpose_lhs_hint = false} : vector<512x128xf32>, vector<128x128xf32>, vector<512x128xf32> -> vector<512x128xf32>
    %get3A_16 = arith.constant 0 : index
    %get3A_17 = arith.constant 0 : index
    %get3A_18 = vector.load %arg4[%get3A_16, %get3A_17] : memref<1x128xf32, #tpu.memory_space<vmem>>, vector<1x128xf32>
    %add3A = vector.broadcast %get3A_18 : vector<1x128xf32> to vector<512x128xf32>
    %add3A_19 = arith.addf %dot_general3A_15, %add3A : vector<512x128xf32>
    %swap3A_20 = arith.constant 0 : index
    %swap3A_21 = arith.constant 0 : index
    %swap3A_22 = vector.load %arg6[%swap3A_20, %swap3A_21] : memref<512x128xf32, #tpu.memory_space<vmem>>, vector<512x128xf32>
    tpu.vector_store %arg6[%swap3A_20, %swap3A_21], %add3A_19 {strides = array<i32>} : memref<512x128xf32, #tpu.memory_space<vmem>>, vector<512x128xf32>,
    return
  }
  func.func @transform_0(%arg0: i32) -> (i32, i32) {
    %c0_i32 = arith.constant 0 : i32
    %c0_i32_0 = arith.constant 0 : i32
    return %arg0, %c0_i32 : i32, i32
  }
  func.func @transform_1(%arg0: i32) -> (i32, i32) {
    %c0_i32 = arith.constant 0 : i32
    %c0_i32_0 = arith.constant 0 : i32
    %c0_i32_1 = arith.constant 0 : i32
    return %c0_i32, %c0_i32_0 : i32, i32
  }
  func.func @transform_2(%arg0: i32) -> (i32, i32) {
    %c0_i32 = arith.constant 0 : i32
    %c0_i32_0 = arith.constant 0 : i32
    %c0_i32_1 = arith.constant 0 : i32
    return %c0_i32, %c0_i32_0 : i32, i32
  }
  func.func @transform_3(%arg0: i32) -> (i32, i32) {
    %c0_i32 = arith.constant 0 : i32
    %c0_i32_0 = arith.constant 0 : i32
    %c0_i32_1 = arith.constant 0 : i32
    return %c0_i32, %c0_i32_0 : i32, i32
  }
  func.func @transform_4(%arg0: i32) -> (i32, i32) {
    %c0_i32 = arith.constant 0 : i32
    %c0_i32_0 = arith.constant 0 : i32
    return %arg0, %c0_i32 : i32, i32
  }
  func.func @transform_5(%arg0: i32) -> (i32, i32) {
    %c0_i32 = arith.constant 0 : i32
    %c0_i32_0 = arith.constant 0 : i32
    return %arg0, %c0_i32 : i32, i32
  }
}

module attributes {stable_mosaic.version = 14 : i64} {
  func.func @_edge_body(%arg0: i32, %arg1: memref<2560x128xf32, #tpu.memory_space<vmem>>, %arg2: memref<2560x128xf32, #tpu.memory_space<vmem>>, %arg3: memref<2560x16xf32, #tpu.memory_space<vmem>>, %arg4: memref<1x1x2560xf32, #tpu.memory_space<vmem>>, %arg5: memref<1x1x2560xf32, #tpu.memory_space<vmem>>, %arg6: memref<1x1x2560xf32, #tpu.memory_space<vmem>>, %arg7: memref<1x1x2560xf32, #tpu.memory_space<vmem>>, %arg8: memref<16x128xf32, #tpu.memory_space<vmem>>, %arg9: memref<1x128xf32, #tpu.memory_space<vmem>>, %arg10: memref<128x128xf32, #tpu.memory_space<vmem>>, %arg11: memref<1x128xf32, #tpu.memory_space<vmem>>, %arg12: memref<128x128xf32, #tpu.memory_space<vmem>>, %arg13: memref<1x128xf32, #tpu.memory_space<vmem>>, %arg14: memref<128x1xf32, #tpu.memory_space<vmem>>, %arg15: memref<1x1xf32, #tpu.memory_space<vmem>>, %arg16: memref<2560x128xf32, #tpu.memory_space<vmem>>, %arg17: memref<1x1x2560xf32, #tpu.memory_space<vmem>>, %arg18: memref<1x1x2560xf32, #tpu.memory_space<vmem>>, %arg19: memref<1x1x2560xf32, #tpu.memory_space<vmem>>) attributes {dimension_semantics = [#tpu.dimension_semantics<arbitrary>], iteration_bounds = array<i64: 125>, scalar_prefetch = 0 : i64, scratch_operands = 0 : i64, tpu.core_type = #tpu.core_type<tc>, window_params = [{transform_indices = @transform_0, window_bounds = array<i64: 2560, 128>}, {transform_indices = @transform_1, window_bounds = array<i64: 2560, 128>}, {transform_indices = @transform_2, window_bounds = array<i64: 2560, 16>}, {transform_indices = @transform_3, window_bounds = array<i64: 1, 1, 2560>}, {transform_indices = @transform_4, window_bounds = array<i64: 1, 1, 2560>}, {transform_indices = @transform_5, window_bounds = array<i64: 1, 1, 2560>}, {transform_indices = @transform_6, window_bounds = array<i64: 1, 1, 2560>}, {pipeline_mode = #tpu.pipeline_mode<synchronous>, transform_indices = @transform_7, window_bounds = array<i64: 16, 128>}, {pipeline_mode = #tpu.pipeline_mode<synchronous>, transform_indices = @transform_8, window_bounds = array<i64: 1, 128>}, {pipeline_mode = #tpu.pipeline_mode<synchronous>, transform_indices = @transform_9, window_bounds = array<i64: 128, 128>}, {pipeline_mode = #tpu.pipeline_mode<synchronous>, transform_indices = @transform_10, window_bounds = array<i64: 1, 128>}, {pipeline_mode = #tpu.pipeline_mode<synchronous>, transform_indices = @transform_11, window_bounds = array<i64: 128, 128>}, {pipeline_mode = #tpu.pipeline_mode<synchronous>, transform_indices = @transform_12, window_bounds = array<i64: 1, 128>}, {pipeline_mode = #tpu.pipeline_mode<synchronous>, transform_indices = @transform_13, window_bounds = array<i64: 128, 1>}, {pipeline_mode = #tpu.pipeline_mode<synchronous>, transform_indices = @transform_14, window_bounds = array<i64: 1, 1>}, {transform_indices = @transform_15, window_bounds = array<i64: 2560, 128>}, {transform_indices = @transform_16, window_bounds = array<i64: 1, 1, 2560>}, {transform_indices = @transform_17, window_bounds = array<i64: 1, 1, 2560>}, {transform_indices = @transform_18, window_bounds = array<i64: 1, 1, 2560>}]} {
    %get3A = arith.constant 0 : index
    %get3A_0 = arith.constant 0 : index
    %get3A_1 = arith.constant 0 : index
    %get3A_2 = vector.load %arg4[%get3A, %get3A_0, %get3A_1] : memref<1x1x2560xf32, #tpu.memory_space<vmem>>, vector<1x1x2560xf32>
    %get3A_3 = vector.shape_cast %get3A_2 : vector<1x1x2560xf32> to vector<1x2560xf32>
    %transpose3A = tpu.transpose %get3A_3, [1, 0] : vector<1x2560xf32> -> vector<2560x1xf32>
    %get3A_4 = arith.constant 0 : index
    %get3A_5 = arith.constant 0 : index
    %get3A_6 = vector.load %arg1[%get3A_4, %get3A_5] : memref<2560x128xf32, #tpu.memory_space<vmem>>, vector<2560x128xf32>
    %get3A_7 = arith.constant 0 : index
    %get3A_8 = arith.constant 0 : index
    %get3A_9 = vector.load %arg2[%get3A_7, %get3A_8] : memref<2560x128xf32, #tpu.memory_space<vmem>>, vector<2560x128xf32>
    %add3A = arith.addf %get3A_6, %get3A_9 : vector<2560x128xf32>
    %get3A_10 = arith.constant 0 : index
    %get3A_11 = arith.constant 0 : index
    %get3A_12 = vector.load %arg3[%get3A_10, %get3A_11] : memref<2560x16xf32, #tpu.memory_space<vmem>>, vector<2560x16xf32>
    %get3A_13 = arith.constant 0 : index
    %get3A_14 = arith.constant 0 : index
    %get3A_15 = vector.load %arg8[%get3A_13, %get3A_14] : memref<16x128xf32, #tpu.memory_space<vmem>>, vector<16x128xf32>
    %dot_general3A = arith.constant dense<0.000000e+00> : vector<2560x128xf32>
    %dot_general3A_16 = tpu.matmul %get3A_12, %get3A_15, %dot_general3A {dimension_numbers = #tpu.dot_dimension_numbers<[1], [0], [0], [1], [0, 0, 1, 1], [], []>, transpose_lhs_hint = false} : vector<2560x16xf32>, vector<16x128xf32>, vector<2560x128xf32> -> vector<2560x128xf32>
    %add3A_17 = arith.addf %add3A, %dot_general3A_16 : vector<2560x128xf32>
    %get3A_18 = arith.constant 0 : index
    %get3A_19 = arith.constant 0 : index
    %get3A_20 = vector.load %arg9[%get3A_18, %get3A_19] : memref<1x128xf32, #tpu.memory_space<vmem>>, vector<1x128xf32>
    %mul3A = vector.broadcast %transpose3A : vector<2560x1xf32> to vector<2560x128xf32>
    %mul3A_21 = vector.broadcast %get3A_20 : vector<1x128xf32> to vector<2560x128xf32>
    %mul3A_22 = arith.mulf %mul3A, %mul3A_21 : vector<2560x128xf32>
    %add3A_23 = arith.addf %add3A_17, %mul3A_22 : vector<2560x128xf32>
    %logistic3A = arith.negf %add3A_23 : vector<2560x128xf32>
    %logistic3A_24 = math.exp %logistic3A : vector<2560x128xf32>
    %logistic3A_25 = arith.constant 1.000000e+00 : f32
    %logistic3A_26 = vector.broadcast %logistic3A_25 : f32 to vector<2560x128xf32>
    %logistic3A_27 = arith.addf %logistic3A_26, %logistic3A_24 : vector<2560x128xf32>
    %logistic3A_28 = arith.divf %logistic3A_26, %logistic3A_27 : vector<2560x128xf32>
    %mul3A_29 = arith.mulf %add3A_23, %logistic3A_28 : vector<2560x128xf32>
    %convert_element_type3A = arith.truncf %mul3A_29 : vector<2560x128xf32> to vector<2560x128xbf16>
    %get3A_30 = arith.constant 0 : index
    %get3A_31 = arith.constant 0 : index
    %get3A_32 = vector.load %arg10[%get3A_30, %get3A_31] : memref<128x128xf32, #tpu.memory_space<vmem>>, vector<128x128xf32>
    %convert_element_type3A_33 = arith.truncf %get3A_32 : vector<128x128xf32> to vector<128x128xbf16>
    %dot_general3A_34 = arith.constant dense<0.000000e+00> : vector<2560x128xf32>
    %dot_general3A_35 = tpu.matmul %convert_element_type3A, %convert_element_type3A_33, %dot_general3A_34 {dimension_numbers = #tpu.dot_dimension_numbers<[1], [0], [0], [1], [0, 0, 1, 1], [], []>, transpose_lhs_hint = false} : vector<2560x128xbf16>, vector<128x128xbf16>, vector<2560x128xf32> -> vector<2560x128xf32>
    %get3A_36 = arith.constant 0 : index
    %get3A_37 = arith.constant 0 : index
    %get3A_38 = vector.load %arg11[%get3A_36, %get3A_37] : memref<1x128xf32, #tpu.memory_space<vmem>>, vector<1x128xf32>
    %add3A_39 = vector.broadcast %get3A_38 : vector<1x128xf32> to vector<2560x128xf32>
    %add3A_40 = arith.addf %dot_general3A_35, %add3A_39 : vector<2560x128xf32>
    %convert_element_type3A_41 = arith.truncf %add3A_40 : vector<2560x128xf32> to vector<2560x128xbf16>
    %get3A_42 = arith.constant 0 : index
    %get3A_43 = arith.constant 0 : index
    %get3A_44 = vector.load %arg12[%get3A_42, %get3A_43] : memref<128x128xf32, #tpu.memory_space<vmem>>, vector<128x128xf32>
    %convert_element_type3A_45 = arith.truncf %get3A_44 : vector<128x128xf32> to vector<128x128xbf16>
    %dot_general3A_46 = arith.constant dense<0.000000e+00> : vector<2560x128xf32>
    %dot_general3A_47 = tpu.matmul %convert_element_type3A_41, %convert_element_type3A_45, %dot_general3A_46 {dimension_numbers = #tpu.dot_dimension_numbers<[1], [0], [0], [1], [0, 0, 1, 1], [], []>, transpose_lhs_hint = false} : vector<2560x128xbf16>, vector<128x128xbf16>, vector<2560x128xf32> -> vector<2560x128xf32>
    %get3A_48 = arith.constant 0 : index
    %get3A_49 = arith.constant 0 : index
    %get3A_50 = vector.load %arg13[%get3A_48, %get3A_49] : memref<1x128xf32, #tpu.memory_space<vmem>>, vector<1x128xf32>
    %add3A_51 = vector.broadcast %get3A_50 : vector<1x128xf32> to vector<2560x128xf32>
    %add3A_52 = arith.addf %dot_general3A_47, %add3A_51 : vector<2560x128xf32>
    %logistic3A_53 = arith.negf %add3A_52 : vector<2560x128xf32>
    %logistic3A_54 = math.exp %logistic3A_53 : vector<2560x128xf32>
    %logistic3A_55 = arith.constant 1.000000e+00 : f32
    %logistic3A_56 = vector.broadcast %logistic3A_55 : f32 to vector<2560x128xf32>
    %logistic3A_57 = arith.addf %logistic3A_56, %logistic3A_54 : vector<2560x128xf32>
    %logistic3A_58 = arith.divf %logistic3A_56, %logistic3A_57 : vector<2560x128xf32>
    %mul3A_59 = arith.mulf %add3A_52, %logistic3A_58 : vector<2560x128xf32>
    %convert_element_type3A_60 = arith.truncf %mul3A_59 : vector<2560x128xf32> to vector<2560x128xbf16>
    %get3A_61 = arith.constant 0 : index
    %get3A_62 = arith.constant 0 : index
    %get3A_63 = vector.load %arg14[%get3A_61, %get3A_62] : memref<128x1xf32, #tpu.memory_space<vmem>>, vector<128x1xf32>
    %convert_element_type3A_64 = arith.truncf %get3A_63 : vector<128x1xf32> to vector<128x1xbf16>
    %dot_general3A_65 = arith.constant dense<0.000000e+00> : vector<2560x1xf32>
    %dot_general3A_66 = tpu.matmul %convert_element_type3A_60, %convert_element_type3A_64, %dot_general3A_65 {dimension_numbers = #tpu.dot_dimension_numbers<[1], [0], [0], [1], [0, 0, 1, 1], [], []>, transpose_lhs_hint = false} : vector<2560x128xbf16>, vector<128x1xbf16>, vector<2560x1xf32> -> vector<2560x1xf32>
    %get3A_67 = arith.constant 0 : index
    %get3A_68 = arith.constant 0 : index
    %get3A_69 = vector.load %arg15[%get3A_67, %get3A_68] : memref<1x1xf32, #tpu.memory_space<vmem>>, vector<1x1xf32>
    %add3A_70 = vector.broadcast %get3A_69 : vector<1x1xf32> to vector<2560x1xf32>
    %add3A_71 = arith.addf %dot_general3A_66, %add3A_70 : vector<2560x1xf32>
    %jit3A = arith.constant -1.000000e+00 : f32
    %jit3A_72 = arith.constant 1.000000e+00 : f32
    %max3A = vector.broadcast %jit3A : f32 to vector<2560x1xf32>
    %max3A_73 = arith.maximumf %max3A, %add3A_71 : vector<2560x1xf32>
    %min3A = vector.broadcast %jit3A_72 : f32 to vector<2560x1xf32>
    %min3A_74 = arith.minimumf %min3A, %max3A_73 : vector<2560x1xf32>
    %swap3A = arith.constant 0 : index
    %swap3A_75 = arith.constant 0 : index
    %swap3A_76 = vector.load %arg16[%swap3A, %swap3A_75] : memref<2560x128xf32, #tpu.memory_space<vmem>>, vector<2560x128xf32>
    tpu.vector_store %arg16[%swap3A, %swap3A_75], %add3A_40 {strides = array<i32>} : memref<2560x128xf32, #tpu.memory_space<vmem>>, vector<2560x128xf32>,
    %transpose3A_77 = tpu.transpose %min3A_74, [1, 0] : vector<2560x1xf32> -> vector<1x2560xf32>
    %get3A_78 = arith.constant 0 : index
    %get3A_79 = arith.constant 0 : index
    %get3A_80 = arith.constant 0 : index
    %get3A_81 = vector.load %arg5[%get3A_78, %get3A_79, %get3A_80] : memref<1x1x2560xf32, #tpu.memory_space<vmem>>, vector<1x1x2560xf32>
    %get3A_82 = vector.shape_cast %get3A_81 : vector<1x1x2560xf32> to vector<1x2560xf32>
    %mul3A_83 = arith.mulf %transpose3A_77, %get3A_82 : vector<1x2560xf32>
    %swap3A_84 = arith.constant 0 : index
    %swap3A_85 = arith.constant 0 : index
    %swap3A_86 = arith.constant 0 : index
    %swap3A_87 = vector.load %arg17[%swap3A_84, %swap3A_85, %swap3A_86] : memref<1x1x2560xf32, #tpu.memory_space<vmem>>, vector<1x1x2560xf32>
    %swap3A_88 = vector.shape_cast %swap3A_87 : vector<1x1x2560xf32> to vector<1x2560xf32>
    %swap3A_89 = vector.shape_cast %mul3A_83 : vector<1x2560xf32> to vector<1x1x2560xf32>
    tpu.vector_store %arg17[%swap3A_84, %swap3A_85, %swap3A_86], %swap3A_89 {strides = array<i32>} : memref<1x1x2560xf32, #tpu.memory_space<vmem>>, vector<1x1x2560xf32>,
    %get3A_90 = arith.constant 0 : index
    %get3A_91 = arith.constant 0 : index
    %get3A_92 = arith.constant 0 : index
    %get3A_93 = vector.load %arg6[%get3A_90, %get3A_91, %get3A_92] : memref<1x1x2560xf32, #tpu.memory_space<vmem>>, vector<1x1x2560xf32>
    %get3A_94 = vector.shape_cast %get3A_93 : vector<1x1x2560xf32> to vector<1x2560xf32>
    %mul3A_95 = arith.mulf %transpose3A_77, %get3A_94 : vector<1x2560xf32>
    %swap3A_96 = arith.constant 0 : index
    %swap3A_97 = arith.constant 0 : index
    %swap3A_98 = arith.constant 0 : index
    %swap3A_99 = vector.load %arg18[%swap3A_96, %swap3A_97, %swap3A_98] : memref<1x1x2560xf32, #tpu.memory_space<vmem>>, vector<1x1x2560xf32>
    %swap3A_100 = vector.shape_cast %swap3A_99 : vector<1x1x2560xf32> to vector<1x2560xf32>
    %swap3A_101 = vector.shape_cast %mul3A_95 : vector<1x2560xf32> to vector<1x1x2560xf32>
    tpu.vector_store %arg18[%swap3A_96, %swap3A_97, %swap3A_98], %swap3A_101 {strides = array<i32>} : memref<1x1x2560xf32, #tpu.memory_space<vmem>>, vector<1x1x2560xf32>,
    %get3A_102 = arith.constant 0 : index
    %get3A_103 = arith.constant 0 : index
    %get3A_104 = arith.constant 0 : index
    %get3A_105 = vector.load %arg7[%get3A_102, %get3A_103, %get3A_104] : memref<1x1x2560xf32, #tpu.memory_space<vmem>>, vector<1x1x2560xf32>
    %get3A_106 = vector.shape_cast %get3A_105 : vector<1x1x2560xf32> to vector<1x2560xf32>
    %mul3A_107 = arith.mulf %transpose3A_77, %get3A_106 : vector<1x2560xf32>
    %swap3A_108 = arith.constant 0 : index
    %swap3A_109 = arith.constant 0 : index
    %swap3A_110 = arith.constant 0 : index
    %swap3A_111 = vector.load %arg19[%swap3A_108, %swap3A_109, %swap3A_110] : memref<1x1x2560xf32, #tpu.memory_space<vmem>>, vector<1x1x2560xf32>
    %swap3A_112 = vector.shape_cast %swap3A_111 : vector<1x1x2560xf32> to vector<1x2560xf32>
    %swap3A_113 = vector.shape_cast %mul3A_107 : vector<1x2560xf32> to vector<1x1x2560xf32>
    tpu.vector_store %arg19[%swap3A_108, %swap3A_109, %swap3A_110], %swap3A_113 {strides = array<i32>} : memref<1x1x2560xf32, #tpu.memory_space<vmem>>, vector<1x1x2560xf32>,
    return
  }
  func.func @transform_0(%arg0: i32) -> (i32, i32) {
    %c0_i32 = arith.constant 0 : i32
    %c0_i32_0 = arith.constant 0 : i32
    return %arg0, %c0_i32 : i32, i32
  }
  func.func @transform_1(%arg0: i32) -> (i32, i32) {
    %c0_i32 = arith.constant 0 : i32
    %c0_i32_0 = arith.constant 0 : i32
    return %arg0, %c0_i32 : i32, i32
  }
  func.func @transform_2(%arg0: i32) -> (i32, i32) {
    %c0_i32 = arith.constant 0 : i32
    %c0_i32_0 = arith.constant 0 : i32
    return %arg0, %c0_i32 : i32, i32
  }
  func.func @transform_3(%arg0: i32) -> (i32, i32, i32) {
    %c0_i32 = arith.constant 0 : i32
    %c0_i32_0 = arith.constant 0 : i32
    %c0_i32_1 = arith.constant 0 : i32
    return %arg0, %c0_i32, %c0_i32_0 : i32, i32, i32
  }
  func.func @transform_4(%arg0: i32) -> (i32, i32, i32) {
    %c0_i32 = arith.constant 0 : i32
    %c0_i32_0 = arith.constant 0 : i32
    %c0_i32_1 = arith.constant 0 : i32
    return %arg0, %c0_i32, %c0_i32_0 : i32, i32, i32
  }
  func.func @transform_5(%arg0: i32) -> (i32, i32, i32) {
    %c0_i32 = arith.constant 0 : i32
    %c0_i32_0 = arith.constant 0 : i32
    %c0_i32_1 = arith.constant 0 : i32
    return %arg0, %c0_i32, %c0_i32_0 : i32, i32, i32
  }
  func.func @transform_6(%arg0: i32) -> (i32, i32, i32) {
    %c0_i32 = arith.constant 0 : i32
    %c0_i32_0 = arith.constant 0 : i32
    %c0_i32_1 = arith.constant 0 : i32
    return %arg0, %c0_i32, %c0_i32_0 : i32, i32, i32
  }
  func.func @transform_7(%arg0: i32) -> (i32, i32) {
    %c0_i32 = arith.constant 0 : i32
    %c0_i32_0 = arith.constant 0 : i32
    %c0_i32_1 = arith.constant 0 : i32
    return %c0_i32, %c0_i32_0 : i32, i32
  }
  func.func @transform_8(%arg0: i32) -> (i32, i32) {
    %c0_i32 = arith.constant 0 : i32
    %c0_i32_0 = arith.constant 0 : i32
    %c0_i32_1 = arith.constant 0 : i32
    return %c0_i32, %c0_i32_0 : i32, i32
  }
  func.func @transform_9(%arg0: i32) -> (i32, i32) {
    %c0_i32 = arith.constant 0 : i32
    %c0_i32_0 = arith.constant 0 : i32
    %c0_i32_1 = arith.constant 0 : i32
    return %c0_i32, %c0_i32_0 : i32, i32
  }
  func.func @transform_10(%arg0: i32) -> (i32, i32) {
    %c0_i32 = arith.constant 0 : i32
    %c0_i32_0 = arith.constant 0 : i32
    %c0_i32_1 = arith.constant 0 : i32
    return %c0_i32, %c0_i32_0 : i32, i32
  }
  func.func @transform_11(%arg0: i32) -> (i32, i32) {
    %c0_i32 = arith.constant 0 : i32
    %c0_i32_0 = arith.constant 0 : i32
    %c0_i32_1 = arith.constant 0 : i32
    return %c0_i32, %c0_i32_0 : i32, i32
  }
  func.func @transform_12(%arg0: i32) -> (i32, i32) {
    %c0_i32 = arith.constant 0 : i32
    %c0_i32_0 = arith.constant 0 : i32
    %c0_i32_1 = arith.constant 0 : i32
    return %c0_i32, %c0_i32_0 : i32, i32
  }
  func.func @transform_13(%arg0: i32) -> (i32, i32) {
    %c0_i32 = arith.constant 0 : i32
    %c0_i32_0 = arith.constant 0 : i32
    %c0_i32_1 = arith.constant 0 : i32
    return %c0_i32, %c0_i32_0 : i32, i32
  }
  func.func @transform_14(%arg0: i32) -> (i32, i32) {
    %c0_i32 = arith.constant 0 : i32
    %c0_i32_0 = arith.constant 0 : i32
    %c0_i32_1 = arith.constant 0 : i32
    return %c0_i32, %c0_i32_0 : i32, i32
  }
  func.func @transform_15(%arg0: i32) -> (i32, i32) {
    %c0_i32 = arith.constant 0 : i32
    %c0_i32_0 = arith.constant 0 : i32
    return %arg0, %c0_i32 : i32, i32
  }
  func.func @transform_16(%arg0: i32) -> (i32, i32, i32) {
    %c0_i32 = arith.constant 0 : i32
    %c0_i32_0 = arith.constant 0 : i32
    %c0_i32_1 = arith.constant 0 : i32
    return %arg0, %c0_i32, %c0_i32_0 : i32, i32, i32
  }
  func.func @transform_17(%arg0: i32) -> (i32, i32, i32) {
    %c0_i32 = arith.constant 0 : i32
    %c0_i32_0 = arith.constant 0 : i32
    %c0_i32_1 = arith.constant 0 : i32
    return %arg0, %c0_i32, %c0_i32_0 : i32, i32, i32
  }
  func.func @transform_18(%arg0: i32) -> (i32, i32, i32) {
    %c0_i32 = arith.constant 0 : i32
    %c0_i32_0 = arith.constant 0 : i32
    %c0_i32_1 = arith.constant 0 : i32
    return %arg0, %c0_i32, %c0_i32_0 : i32, i32, i32
  }
}

module attributes {stable_mosaic.version = 14 : i64} {
  func.func @_update_body(%arg0: i32, %arg1: memref<512x128xf32, #tpu.memory_space<vmem>>, %arg2: memref<512x128xf32, #tpu.memory_space<vmem>>, %arg3: memref<512x128xf32, #tpu.memory_space<vmem>>, %arg4: memref<2048xf32, #tpu.memory_space<vmem>>, %arg5: memref<2048xf32, #tpu.memory_space<vmem>>, %arg6: memref<2048xf32, #tpu.memory_space<vmem>>, %arg7: memref<128x128xf32, #tpu.memory_space<vmem>>, %arg8: memref<128x128xf32, #tpu.memory_space<vmem>>, %arg9: memref<1x128xf32, #tpu.memory_space<vmem>>, %arg10: memref<128x128xf32, #tpu.memory_space<vmem>>, %arg11: memref<1x128xf32, #tpu.memory_space<vmem>>, %arg12: memref<1x128xf32, #tpu.memory_space<vmem>>, %arg13: memref<1x128xf32, #tpu.memory_space<vmem>>, %arg14: memref<512x128xf32, #tpu.memory_space<vmem>>, %arg15: memref<2048xf32, #tpu.memory_space<vmem>>) attributes {dimension_semantics = [#tpu.dimension_semantics<arbitrary>], iteration_bounds = array<i64: 20>, scalar_prefetch = 0 : i64, scratch_operands = 0 : i64, tpu.core_type = #tpu.core_type<tc>, window_params = [{transform_indices = @transform_0, window_bounds = array<i64: 512, 128>}, {transform_indices = @transform_1, window_bounds = array<i64: 512, 128>}, {transform_indices = @transform_2, window_bounds = array<i64: 512, 128>}, {transform_indices = @transform_3, window_bounds = array<i64: 2048>}, {transform_indices = @transform_4, window_bounds = array<i64: 2048>}, {transform_indices = @transform_5, window_bounds = array<i64: 2048>}, {pipeline_mode = #tpu.pipeline_mode<synchronous>, transform_indices = @transform_6, window_bounds = array<i64: 128, 128>}, {pipeline_mode = #tpu.pipeline_mode<synchronous>, transform_indices = @transform_7, window_bounds = array<i64: 128, 128>}, {pipeline_mode = #tpu.pipeline_mode<synchronous>, transform_indices = @transform_8, window_bounds = array<i64: 1, 128>}, {pipeline_mode = #tpu.pipeline_mode<synchronous>, transform_indices = @transform_9, window_bounds = array<i64: 128, 128>}, {pipeline_mode = #tpu.pipeline_mode<synchronous>, transform_indices = @transform_10, window_bounds = array<i64: 1, 128>}, {pipeline_mode = #tpu.pipeline_mode<synchronous>, transform_indices = @transform_11, window_bounds = array<i64: 1, 128>}, {pipeline_mode = #tpu.pipeline_mode<synchronous>, transform_indices = @transform_12, window_bounds = array<i64: 1, 128>}, {transform_indices = @transform_13, window_bounds = array<i64: 512, 128>}, {transform_indices = @transform_14, window_bounds = array<i64: 2048>}]} {
    %get3A = arith.constant 0 : index
    %get3A_0 = arith.constant 0 : index
    %get3A_1 = vector.load %arg2[%get3A, %get3A_0] : memref<512x128xf32, #tpu.memory_space<vmem>>, vector<512x128xf32>
    %get3A_2 = arith.constant 0 : index
    %get3A_3 = arith.constant 0 : index
    %get3A_4 = vector.load %arg3[%get3A_2, %get3A_3] : memref<512x128xf32, #tpu.memory_space<vmem>>, vector<512x128xf32>
    %add3A = arith.addf %get3A_1, %get3A_4 : vector<512x128xf32>
    %get3A_5 = arith.constant 0 : index
    %get3A_6 = arith.constant 0 : index
    %get3A_7 = vector.load %arg1[%get3A_5, %get3A_6] : memref<512x128xf32, #tpu.memory_space<vmem>>, vector<512x128xf32>
    %get3A_8 = arith.constant 0 : index
    %get3A_9 = arith.constant 0 : index
    %get3A_10 = vector.load %arg7[%get3A_8, %get3A_9] : memref<128x128xf32, #tpu.memory_space<vmem>>, vector<128x128xf32>
    %dot_general3A = arith.constant dense<0.000000e+00> : vector<512x128xf32>
    %dot_general3A_11 = tpu.matmul %get3A_7, %get3A_10, %dot_general3A {dimension_numbers = #tpu.dot_dimension_numbers<[1], [0], [0], [1], [0, 0, 1, 1], [], []>, transpose_lhs_hint = false} : vector<512x128xf32>, vector<128x128xf32>, vector<512x128xf32> -> vector<512x128xf32>
    %get3A_12 = arith.constant 0 : index
    %get3A_13 = arith.constant 0 : index
    %get3A_14 = vector.load %arg8[%get3A_12, %get3A_13] : memref<128x128xf32, #tpu.memory_space<vmem>>, vector<128x128xf32>
    %dot_general3A_15 = arith.constant dense<0.000000e+00> : vector<512x128xf32>
    %dot_general3A_16 = tpu.matmul %add3A, %get3A_14, %dot_general3A_15 {dimension_numbers = #tpu.dot_dimension_numbers<[1], [0], [0], [1], [0, 0, 1, 1], [], []>, transpose_lhs_hint = false} : vector<512x128xf32>, vector<128x128xf32>, vector<512x128xf32> -> vector<512x128xf32>
    %add3A_17 = arith.addf %dot_general3A_11, %dot_general3A_16 : vector<512x128xf32>
    %get3A_18 = arith.constant 0 : index
    %get3A_19 = arith.constant 0 : index
    %get3A_20 = vector.load %arg9[%get3A_18, %get3A_19] : memref<1x128xf32, #tpu.memory_space<vmem>>, vector<1x128xf32>
    %add3A_21 = vector.broadcast %get3A_20 : vector<1x128xf32> to vector<512x128xf32>
    %add3A_22 = arith.addf %add3A_17, %add3A_21 : vector<512x128xf32>
    %logistic3A = arith.negf %add3A_22 : vector<512x128xf32>
    %logistic3A_23 = math.exp %logistic3A : vector<512x128xf32>
    %logistic3A_24 = arith.constant 1.000000e+00 : f32
    %logistic3A_25 = vector.broadcast %logistic3A_24 : f32 to vector<512x128xf32>
    %logistic3A_26 = arith.addf %logistic3A_25, %logistic3A_23 : vector<512x128xf32>
    %logistic3A_27 = arith.divf %logistic3A_25, %logistic3A_26 : vector<512x128xf32>
    %mul3A = arith.mulf %add3A_22, %logistic3A_27 : vector<512x128xf32>
    %get3A_28 = arith.constant 0 : index
    %get3A_29 = arith.constant 0 : index
    %get3A_30 = vector.load %arg1[%get3A_28, %get3A_29] : memref<512x128xf32, #tpu.memory_space<vmem>>, vector<512x128xf32>
    %get3A_31 = arith.constant 0 : index
    %get3A_32 = arith.constant 0 : index
    %get3A_33 = vector.load %arg10[%get3A_31, %get3A_32] : memref<128x128xf32, #tpu.memory_space<vmem>>, vector<128x128xf32>
    %dot_general3A_34 = arith.constant dense<0.000000e+00> : vector<512x128xf32>
    %dot_general3A_35 = tpu.matmul %mul3A, %get3A_33, %dot_general3A_34 {dimension_numbers = #tpu.dot_dimension_numbers<[1], [0], [0], [1], [0, 0, 1, 1], [], []>, transpose_lhs_hint = false} : vector<512x128xf32>, vector<128x128xf32>, vector<512x128xf32> -> vector<512x128xf32>
    %add3A_36 = arith.addf %get3A_30, %dot_general3A_35 : vector<512x128xf32>
    %get3A_37 = arith.constant 0 : index
    %get3A_38 = arith.constant 0 : index
    %get3A_39 = vector.load %arg11[%get3A_37, %get3A_38] : memref<1x128xf32, #tpu.memory_space<vmem>>, vector<1x128xf32>
    %add3A_40 = vector.broadcast %get3A_39 : vector<1x128xf32> to vector<512x128xf32>
    %add3A_41 = arith.addf %add3A_36, %add3A_40 : vector<512x128xf32>
    %reduce_sum3A = arith.constant dense<0.000000e+00> : vector<512xf32>
    %reduce_sum3A_42 = vector.multi_reduction <add>, %add3A_41, %reduce_sum3A [1] : vector<512x128xf32> to vector<512xf32>
    %broadcast_in_dim3A = vector.shape_cast %reduce_sum3A_42 : vector<512xf32> to vector<512x1xf32>
    %div3A = arith.constant 1.280000e+02 : f32
    %div3A_43 = vector.broadcast %div3A : f32 to vector<512x1xf32>
    %div3A_44 = arith.divf %broadcast_in_dim3A, %div3A_43 : vector<512x1xf32>
    %sub3A = vector.broadcast %div3A_44 : vector<512x1xf32> to vector<512x128xf32>
    %sub3A_45 = arith.subf %add3A_41, %sub3A : vector<512x128xf32>
    %mul3A_46 = arith.mulf %sub3A_45, %sub3A_45 : vector<512x128xf32>
    %reduce_sum3A_47 = arith.constant dense<0.000000e+00> : vector<512xf32>
    %reduce_sum3A_48 = vector.multi_reduction <add>, %mul3A_46, %reduce_sum3A_47 [1] : vector<512x128xf32> to vector<512xf32>
    %broadcast_in_dim3A_49 = vector.shape_cast %reduce_sum3A_48 : vector<512xf32> to vector<512x1xf32>
    %div3A_50 = arith.constant 1.280000e+02 : f32
    %div3A_51 = vector.broadcast %div3A_50 : f32 to vector<512x1xf32>
    %div3A_52 = arith.divf %broadcast_in_dim3A_49, %div3A_51 : vector<512x1xf32>
    %add3A_53 = arith.constant 9.99999974E-6 : f32
    %add3A_54 = vector.broadcast %add3A_53 : f32 to vector<512x1xf32>
    %add3A_55 = arith.addf %div3A_52, %add3A_54 : vector<512x1xf32>
    %rsqrt3A = math.rsqrt %add3A_55 : vector<512x1xf32>
    %mul3A_56 = vector.broadcast %rsqrt3A : vector<512x1xf32> to vector<512x128xf32>
    %mul3A_57 = arith.mulf %sub3A_45, %mul3A_56 : vector<512x128xf32>
    %get3A_58 = arith.constant 0 : index
    %get3A_59 = arith.constant 0 : index
    %get3A_60 = vector.load %arg12[%get3A_58, %get3A_59] : memref<1x128xf32, #tpu.memory_space<vmem>>, vector<1x128xf32>
    %mul3A_61 = vector.broadcast %get3A_60 : vector<1x128xf32> to vector<512x128xf32>
    %mul3A_62 = arith.mulf %mul3A_57, %mul3A_61 : vector<512x128xf32>
    %get3A_63 = arith.constant 0 : index
    %get3A_64 = arith.constant 0 : index
    %get3A_65 = vector.load %arg13[%get3A_63, %get3A_64] : memref<1x128xf32, #tpu.memory_space<vmem>>, vector<1x128xf32>
    %add3A_66 = vector.broadcast %get3A_65 : vector<1x128xf32> to vector<512x128xf32>
    %add3A_67 = arith.addf %mul3A_62, %add3A_66 : vector<512x128xf32>
    %swap3A = arith.constant 0 : index
    %swap3A_68 = arith.constant 0 : index
    %swap3A_69 = vector.load %arg14[%swap3A, %swap3A_68] : memref<512x128xf32, #tpu.memory_space<vmem>>, vector<512x128xf32>
    tpu.vector_store %arg14[%swap3A, %swap3A_68], %add3A_67 {strides = array<i32>} : memref<512x128xf32, #tpu.memory_space<vmem>>, vector<512x128xf32>,
    %get3A_70 = arith.constant 0 : index
    %get3A_71 = vector.load %arg6[%get3A_70] : memref<2048xf32, #tpu.memory_space<vmem>>, vector<2048xf32>
    %get3A_72 = arith.constant 0 : index
    %get3A_73 = vector.load %arg4[%get3A_72] : memref<2048xf32, #tpu.memory_space<vmem>>, vector<2048xf32>
    %add3A_74 = arith.addf %get3A_71, %get3A_73 : vector<2048xf32>
    %get3A_75 = arith.constant 0 : index
    %get3A_76 = vector.load %arg5[%get3A_75] : memref<2048xf32, #tpu.memory_space<vmem>>, vector<2048xf32>
    %add3A_77 = arith.addf %add3A_74, %get3A_76 : vector<2048xf32>
    %swap3A_78 = arith.constant 0 : index
    %swap3A_79 = vector.load %arg15[%swap3A_78] : memref<2048xf32, #tpu.memory_space<vmem>>, vector<2048xf32>
    tpu.vector_store %arg15[%swap3A_78], %add3A_77 {strides = array<i32>} : memref<2048xf32, #tpu.memory_space<vmem>>, vector<2048xf32>,
    return
  }
  func.func @transform_0(%arg0: i32) -> (i32, i32) {
    %c0_i32 = arith.constant 0 : i32
    %c0_i32_0 = arith.constant 0 : i32
    return %arg0, %c0_i32 : i32, i32
  }
  func.func @transform_1(%arg0: i32) -> (i32, i32) {
    %c0_i32 = arith.constant 0 : i32
    %c0_i32_0 = arith.constant 0 : i32
    return %arg0, %c0_i32 : i32, i32
  }
  func.func @transform_2(%arg0: i32) -> (i32, i32) {
    %c0_i32 = arith.constant 0 : i32
    %c0_i32_0 = arith.constant 0 : i32
    return %arg0, %c0_i32 : i32, i32
  }
  func.func @transform_3(%arg0: i32) -> i32 {
    %c0_i32 = arith.constant 0 : i32
    return %arg0 : i32
  }
  func.func @transform_4(%arg0: i32) -> i32 {
    %c0_i32 = arith.constant 0 : i32
    return %arg0 : i32
  }
  func.func @transform_5(%arg0: i32) -> i32 {
    %c0_i32 = arith.constant 0 : i32
    return %arg0 : i32
  }
  func.func @transform_6(%arg0: i32) -> (i32, i32) {
    %c0_i32 = arith.constant 0 : i32
    %c0_i32_0 = arith.constant 0 : i32
    %c0_i32_1 = arith.constant 0 : i32
    return %c0_i32, %c0_i32_0 : i32, i32
  }
  func.func @transform_7(%arg0: i32) -> (i32, i32) {
    %c0_i32 = arith.constant 0 : i32
    %c0_i32_0 = arith.constant 0 : i32
    %c0_i32_1 = arith.constant 0 : i32
    return %c0_i32, %c0_i32_0 : i32, i32
  }
  func.func @transform_8(%arg0: i32) -> (i32, i32) {
    %c0_i32 = arith.constant 0 : i32
    %c0_i32_0 = arith.constant 0 : i32
    %c0_i32_1 = arith.constant 0 : i32
    return %c0_i32, %c0_i32_0 : i32, i32
  }
  func.func @transform_9(%arg0: i32) -> (i32, i32) {
    %c0_i32 = arith.constant 0 : i32
    %c0_i32_0 = arith.constant 0 : i32
    %c0_i32_1 = arith.constant 0 : i32
    return %c0_i32, %c0_i32_0 : i32, i32
  }
  func.func @transform_10(%arg0: i32) -> (i32, i32) {
    %c0_i32 = arith.constant 0 : i32
    %c0_i32_0 = arith.constant 0 : i32
    %c0_i32_1 = arith.constant 0 : i32
    return %c0_i32, %c0_i32_0 : i32, i32
  }
  func.func @transform_11(%arg0: i32) -> (i32, i32) {
    %c0_i32 = arith.constant 0 : i32
    %c0_i32_0 = arith.constant 0 : i32
    %c0_i32_1 = arith.constant 0 : i32
    return %c0_i32, %c0_i32_0 : i32, i32
  }
  func.func @transform_12(%arg0: i32) -> (i32, i32) {
    %c0_i32 = arith.constant 0 : i32
    %c0_i32_0 = arith.constant 0 : i32
    %c0_i32_1 = arith.constant 0 : i32
    return %c0_i32, %c0_i32_0 : i32, i32
  }
  func.func @transform_13(%arg0: i32) -> (i32, i32) {
    %c0_i32 = arith.constant 0 : i32
    %c0_i32_0 = arith.constant 0 : i32
    return %arg0, %c0_i32 : i32, i32
  }
  func.func @transform_14(%arg0: i32) -> i32 {
    %c0_i32 = arith.constant 0 : i32
    return %arg0 : i32
  }
}

</mosaic_0001>

<sc_bundles>
// kernel: kernel.10.cloned.1.call-start
scs
__scs_entry_jumppad:
0x0: {  	(pc) =	sbr.rel $0x88, $3  }
0x1: {  	(tag) =	ssettag $0x0;
	lr =	simm.s32 $0x1  }
0x2: {  	[smem:$0x3F8F] =	sst lr;
	_ =	strace $0xD0000000  }
0x3: {  	_ = 	snop  }
0x4: {  	_ = 	snop  }
0x5: {  	_ = 	snop  }
0x6: {  	_ = 	snop  }
0x7: {  	_ = 	snop  }
__scs_overlays_trampoline_lowered:
0x8: {  	[smem:$0x3F9E] =	sst s0  }
0x9: {  	[smem:$0x3F9F] =	sst s1  }
0xa: {  	[smem:$0x3FA0] =	sst s2  }
0xb: {  	[smem:$0x3FA1] =	sst s3  }
0xc: {  	[smem:$0x3FA2] =	sst s4  }
0xd: {  	[smem:$0x3FA3] =	sst s5  }
0xe: {  	[smem:$0x3FA4] =	sst s6  }
0xf: {  	[smem:$0x3FA5] =	sst s7  }
0x10: {  	[smem:$0x3FA6] =	sst s8  }
0x11: {  	[smem:$0x3FA7] =	sst s9;
	s0 =	simm.s32 @!p0 $0x0  }
0x12: {  	s1 =	sld [smem:$0x3F8D];
	s0 =	simm.s32 @p0 $0x1  }
0x13: {  	[smem:$0x3FA8] =	sst s0;
	s0 =	simm.s32 @!p1 $0x0  }
0x14: {  	s2 =	sld [smem:$0x3F8C];
	s0 =	simm.s32 @p1 $0x1  }
0x15: {  	[smem:$0x3FA9] =	sst s0;
	s0 =	simm.s32 @!p2 $0x0  }
0x16: {  	s3 =	sld [smem:$0x3FDB];
	s0 =	simm.s32 @p2 $0x1  }
0x17: {  	s4 =	simm.s32 $0x1BF5;
	[smem:$0x3FAB] =	sst s0  }
0x18: {  	s0 =	sld [smem:$0x3F8E];
	_ =	swait.ge [sflag:s4], $0x0  }
0x19: {  	s7 =	sld [smem:$0x3F8F]  }
0x1a: {  	s8 =	sadd.s32 $0xFFFFE003, lr  }
0x1b: {  	s9 =	sadd.s32 $0xFFFFFEF7, lr;
	s5 =	simm.s32 $0xFFFFFFFF;
	p2 =	slt.u32 s8, $0xFFFFF086  }
0x1c: {  	p1 =	slt.u32 s9, $0xF7A;
	s5 =	simm.s32 @!p2 $0x0  }
0x1d: {  	s5 =	simm.s32 @p1 $0x1;
	p0 =	seq.s32 s7, s2  }
0x1e: {  	s7 =	smul.u32 @!p0 $0xF7A, s2;
	p2 =	seq.s32 @!p0 s5, $0x0  }
0x1f: {  	s9 =	smul.u32 $0xF7A, s1;
	s8 =	simm.s32 @!p0 $0x1BF5;
	p2 =	por !p2, p0  }
0x20: {  	[sflag:s8] =	ssyncset.s32 @!p0 $0xFFFFF086;
	s6 =	sadd.s32 @!p0 s3, s7;
	s7 =	simm.s32 @!p0 $0x108  }
0x21: {  	s3 =	sadd.s32 s3, s9;
	s6 =	sadd.s32 @!p0 $0x88, s6;
	s7 =	simm.s32 @p2 $0x1082  }
0x22: {  	[simem:s7], [sflag:s8] =	dma.local @!p0 [hbm:s6], $0xF7A  }
0x23: {  	s9 =	sor.u32 $0xD0000000, s2;
	s6 =	simm.s32 $0x108;
	_ =	swait.ge @!p0 [sflag:s8], $0x0  }
0x24: {  	s3 =	sadd.s32 $0x88, s3;
	s6 =	simm.s32 @!p1 $0x1082;
	[sflag:s4] =	ssyncset.s32 $0xFFFFF086  }
0x25: {  	[simem:s6], [sflag:s4] =	dma.local [hbm:s3], $0xF7A  }
0x26: {  	[smem:$0x3F8F] =	sst s1;
	(tag) =	ssettag s2;
	_ =	strace s9  }
0x27: {  	s1 =	sld [smem:$0x3F9F]  }
0x28: {  	s2 =	sld [smem:$0x3FA0]  }
0x29: {  	s4 =	sld [smem:$0x3FA2]  }
0x2a: {  	p0 =	seq.s32 s5, $0x0;
	s5 =	sld [smem:$0x3FA3]  }
0x2b: {  	s6 =	sld [smem:$0x3FA4]  }
0x2c: {  	s7 =	sld [smem:$0x3FA5]  }
0x2d: {  	s3 =	simm.s32 $0x108;
	s8 =	sld [smem:$0x3FA6]  }
0x2e: {  	s3 =	simm.s32 @!p0 $0x1082;
	s9 =	sld [smem:$0x3FA7]  }
0x2f: {  	lr =	sadd.s32 s0, s3;
	s0 =	sld [smem:$0x3F9E]  }
0x30: {  	s3 =	sld [smem:$0x3FA1]  }
0x31: {  	[smem:$0x3FAA] =	sst s10  }
0x32: {  	s10 =	sld [smem:$0x3FA8];
	_ =	sdelay $0x3  }
0x33: {  	p0 =	seq.s32 s10, $0x1;
	s10 =	sld [smem:$0x3FAA];
	_ =	sdelay $0x3  }
0x34: {  	[smem:$0x3FAA] =	sst s10  }
0x35: {  	s10 =	sld [smem:$0x3FA9];
	_ =	sdelay $0x3  }
0x36: {  	p1 =	seq.s32 s10, $0x1;
	s10 =	sld [smem:$0x3FAA];
	_ =	sdelay $0x3  }
0x37: {  	[smem:$0x3FAA] =	sst s10  }
0x38: {  	s10 =	sld [smem:$0x3FAB]  }
0x39: {  	_ = 	snop;
	(pc) =	sbr.ind lr, $3  }
0x3a: {  	_ = 	snop  }
0x3b: {  	_ = 	snop  }
0x3c: {  	p2 =	seq.s32 s10, $0x1;
	s10 =	sld [smem:$0x3FAA]  }
0x3d: {  	_ =	shalt  }
0x3e: {  	_ =	shalt  }
0x3f: {  	_ =	shalt  }
0x40: {  	_ =	shalt  }
0x41: {  	_ =	shalt  }
0x42: {  	_ =	shalt  }
0x43: {  	_ =	shalt  }
0x44: {  	_ =	shalt  }
0x45: {  	_ =	shalt  }
0x46: {  	_ =	shalt  }
0x47: {  	_ =	shalt  }
0x48: {  	_ =	shalt  }
0x49: {  	_ =	shalt  }
0x4a: {  	_ =	shalt  }
0x4b: {  	_ =	shalt  }
0x4c: {  	_ =	shalt  }
0x4d: {  	_ =	shalt  }
0x4e: {  	_ =	shalt  }
0x4f: {  	_ =	shalt  }
0x50: {  	_ =	shalt  }
0x51: {  	_ =	shalt  }
0x52: {  	_ =	shalt  }
0x53: {  	_ =	shalt  }
0x54: {  	_ =	shalt  }
0x55: {  	_ =	shalt  }
0x56: {  	_ =	shalt  }
0x57: {  	_ =	shalt  }
0x58: {  	_ =	shalt  }
0x59: {  	_ =	shalt  }
0x5a: {  	_ =	shalt  }
0x5b: {  	_ =	shalt  }
0x5c: {  	_ =	shalt  }
0x5d: {  	_ =	shalt  }
0x5e: {  	_ =	shalt  }
0x5f: {  	_ =	shalt  }
0x60: {  	_ =	shalt  }
0x61: {  	_ =	shalt  }
0x62: {  	_ =	shalt  }
0x63: {  	_ =	shalt  }
0x64: {  	_ =	shalt  }
0x65: {  	_ =	shalt  }
0x66: {  	_ =	shalt  }
0x67: {  	_ =	shalt  }
0x68: {  	_ =	shalt  }
0x69: {  	_ =	shalt  }
0x6a: {  	_ =	shalt  }
0x6b: {  	_ =	shalt  }
0x6c: {  	_ =	shalt  }
0x6d: {  	_ =	shalt  }
0x6e: {  	_ =	shalt  }
0x6f: {  	_ =	shalt  }
0x70: {  	_ =	shalt  }
0x71: {  	_ =	shalt  }
0x72: {  	_ =	shalt  }
0x73: {  	_ =	shalt  }
0x74: {  	_ =	shalt  }
0x75: {  	_ =	shalt  }
0x76: {  	_ =	shalt  }
0x77: {  	_ =	shalt  }
0x78: {  	_ =	shalt  }
0x79: {  	_ =	shalt  }
0x7a: {  	_ =	shalt  }
0x7b: {  	_ =	shalt  }
0x7c: {  	_ =	shalt  }
0x7d: {  	_ =	shalt  }
0x7e: {  	_ =	shalt  }
0x7f: {  	_ =	shalt  }
0x80: {  	_ =	shalt  }
0x81: {  	_ =	shalt  }
0x82: {  	_ =	shalt  }
0x83: {  	_ =	shalt  }
0x84: {  	_ =	shalt  }
0x85: {  	_ =	shalt  }
0x86: {  	_ =	shalt  }
0x87: {  	_ =	shalt  }
.Lfunc_end0:
.L_simem_size_0:
called_computation.1_lowered:
.L_overlay_start_0:
0x88: {  	s2 =	sld [smem:$0x3FD9]  }
0x89: {  	s3 =	sld [smem:$0x3FFE];
	_ =	sdelay $0x1  }
0x8a: {  	s1 =	srdreg.scid  }
0x8b: {  	s0 =	sand.u32 $0x1, s1  }
0x8c: {  	s14 =	sshll.u32 s0, $0xA;
	s2 =	sadd.s32 s3, s2  }
0x8d: {  	s2 =	sadd.s32 s2, s14  }
0x8e: {  	[smem:$0x3FB6] =	sst s2  }
0x8f: {  	_ = 	snop  }
0x90: {  	s2 =	sld [smem:$0x3FD0];
	_ =	sdelay $0x2  }
0x91: {  	s15 =	simm.s32 $0xA;
	s4 =	simm.s32 $0x10  }
0x92: {  	[smem:s4], [sflag:s15] =	dma.local [hbm:s2], $0x1  }
0x93: {  	_ =	swait.eq [sflag:s15], $0x1  }
0x94: {  	[sflag:s15] =	ssyncset.done $0x0  }
0x95: {  	[sflag:s15] =	ssyncadd.s32 $0xFFFFFFFF  }
0x96: {  	s16 =	sld [smem:$0x11];
	(tm) =	ssettm $0x1  }
0x97: {  	s17 =	sld [smem:$0x3FFB];
	_ =	sdelay $0x3  }
0x98: {  	_ =	strace s17  }
0x99: {  	s3 =	sld [smem:$0x3FFC];
	_ =	sdelay $0x3  }
0x9a: {  	_ =	strace s3  }
0x9b: {  	s3 =	sld [smem:$0x3FFD];
	_ =	sdelay $0x3  }
0x9c: {  	_ =	strace s3  }
0x9d: {  	_ =	strace $0x8FFFFFFF  }
0x9e: {  	s18 =	sld [smem:$0x3FDB];
	_ =	sdelay $0x1  }
0x9f: {  	s19 =	simm.s32 $_scs_section_size  }
0xa0: {  	s5 =	simm.s32 $_size__tile_overlayer_lowered;
	s6 =	simm.s32 $_tile_overlayer_lowered  }
0xa1: {  	s22 =	simm.s32 $0x1BFF;
	s21 =	sshll.u32 s6, $0x1;
	s3 =	sadd.s32 s19, s18  }
0xa2: {  	s7 =	simm.s32 $0x0;
	s20 =	sshll.u32 s5, $0x1;
	s5 =	sadd.s32 s21, s3  }
0xa3: {  	[timem:s7], [sflag:s22] =	dma.local [hbm:s5], s20  }
0xa4: {  	_ =	swait.ge [sflag:s22], s20  }
0xa5: {  	s4 =	ssub.s32 $0x0, s20;
	[sflag:s22] =	ssyncset.done $0x0  }
0xa6: {  	[sflag:s22] =	ssyncadd.s32 s4;
	_ =	sdelay $0x1  }
0xa7: {  	s23 =	simm.s32 $0x1B8B  }
0xa8: {  	_ =	swait.ge [sflag:s23], $0x1  }
0xa9: {  	[sflag:s23] =	ssyncset.done $0x0  }
0xaa: {  	s25 =	simm.s32 $0x1B8E;
	s24 =	sld [smem:$0x3FFE];
	[sflag:s23] =	ssyncadd.s32 $0xFFFFFFFF  }
0xab: {  	s26 =	simm.s32 $execute0_lowered;
	[smem:$0x3FD2] =	sst s25  }
0xac: {  	s5 =	sshll.u32 s26, $0x1;
	_ =	strace $0x80000049;
	[dreg:$0x1] =	wrdreg $0xFFFFFFFF  }
0xad: {  	s28 =	simm.s32 $_size_execute0_lowered;
	s3 =	sadd.s32 s3, s5;
	[dreg:$0x0] =	wrdreg $0x0  }
0xae: {  	s5 =	sshll.u32 s28, $0x1;
	[dreg:$0x2] =	wrdreg s3  }
0xaf: {  	[dreg:$0x3] =	wrdreg s5  }
0xb0: {  	[dreg:$0x4] =	wrdreg $0xC0  }
0xb1: {  	_ =	task [dreg:s7], $0x5FFFF  }
0xb2: {  	[dreg:$0x1] =	wrdreg $0xFFFFFFFF  }
0xb3: {  	[dreg:$0x0] =	wrdreg $0x60  }
0xb4: {  	[dreg:$0x2] =	wrdreg s24  }
0xb5: {  	[dreg:$0x3] =	wrdreg s16  }
0xb6: {  	[dreg:$0x4] =	wrdreg $0x0  }
0xb7: {  	[dreg:$0x5] =	wrdreg $0x140000  }
0xb8: {  	[dreg:$0x6] =	wrdreg $0x9  }
0xb9: {  	_ =	task.clear_ibuf [dreg:s7], $0x7FFFF;
	_ =	strace $0x90000049  }
0xba: {  	s29 =	simm.s32 $0x9;
	_ =	strace $0x8000004B  }
0xbb: {  	_ =	swait.ge [sflag:s29], $0x1  }
0xbc: {  	[sflag:s29] =	ssyncadd.s32 $0xFFFFFFFF  }
0xbd: {  	_ =	strace $0x9000004B  }
0xbe: {  	_ =	sfence  }
0xbf: {  	s30 =	sld [smem:$0x0];
	_ =	sdelay $0x2  }
0xc0: {  	s31 =	sshll.u32 s1, $0xD;
	s1 =	sshrl.u32 s1, $0x2  }
0xc1: {  	s3 =	sand.u32 $0x4000, s31;
	s1 =	sadd.s32 s1, s30  }
0xc2: {  	s0 =	sor.u32 s3, s0;
	s1 =	sshll.u32 s1, $0x11  }
0xc3: {  	s0 =	sor.u32 s1, s0  }
0xc4: {  	s0 =	sadd.s32 $0x8F2B, s0  }
0xc5: {  	[sflag:s0] =	ssyncadd.remote.s32 $0x1  }
0xc6: {  	_ =	sfence.sel $0xFFFF  }
0xc7: {  	[dreg:$0x0] =	wrdreg $0xFFFFFFFF;
	(pc) =	sbr.abs _section_cstart, $3  }
0xc8: {  	[dreg:$0x1] =	wrdreg $0xFFFFFFFF  }
0xc9: {  	_ =	task.clear_ibuf [dreg:s7], $0x2FFFF;
	_ =	strace $0x9FFFFFFF  }
0xca: {  	(tm) =	ssettm $0x7FFFFFFF  }
0xcb: {  	_ =	shalt  }
tec
execute0_lowered:
.L_overlay_start_1:
0x0: {  	(tag) =	ssettag $0x1  }
0x1: {  	s0 =	rddreg [dreg:$0x0]  }
0x2: {  	s1 =	rddreg [dreg:$0x1]  }
0x3: {  	s2 =	rddreg [dreg:$0x2]  }
0x4: {  	s3 =	rddreg [dreg:$0x3];
	s4 =	simm.s32 $0x0;
	s21 =	stileid.u32  }
0x5: {  	s5 =	srdreg.scid;
	[smem:$0x7FF] =	sst s4  }
0x6: {  	s8 =	sadd.s32 $0xF55C00, s0;
	s6 =	sadd.s32 $0x5200, s0;
	s13 =	smul.u32 $0x2800, s21  }
0x7: {  	s7 =	sadd.s32 $0x38400, s0;
	s10 =	smul.u32 $0xA00, s21;
	s11 =	sand.u32 $0x1, s5  }
0x8: {  	s23 =	sshll.u32 s21, $0x1;
	s9 =	sadd.s32 $0x42200, s0;
	s16 =	smul.u32 $0x50000, s21  }
0x9: {  	s19 =	smul.u32 $0x4E20, s21;
	s25 =	sshll.u32 s21, $0x6;
	_ =	strace $0x8000004A  }
0xa: {  	s12 =	smul.u32 $0x28000, s11;
	s5 =	sor.u32 s11, s23;
	s17 =	sshll.u32 s11, $0x4  }
0xb: {  	s18 =	ssub.s32 $0x2, s11;
	s20 =	smul.u32 $0x2710, s11;
	s23 =	sor.u32 $0x1C05, s25  }
0xc: {  	[dreg:$0xc] =	wrdreg s13;
	s13 =	sadd.s32 s13, s0;
	s14 =	sshrl.u32 s10, $0x3  }
0xd: {  	s15 =	smul.u32 $0x2710, s5;
	s17 =	sadd.s32 s17, s0;
	s16 =	sshrl.u32 s16, $0x2  }
0xe: {  	[dreg:$0xf] =	wrdreg s23;
	s23 =	simm.s32 $0x1A200;
	s31 =	sadd.s32 s16, s2  }
0xf: {  	s16 =	smul.u32 $0x27100, s5;
	s13 =	sadd.s32 $0x4C000, s13;
	[dreg:$0xb] =	wrdreg s23  }
0x10: {  	s5 =	sadd.s32 s20, s19;
	s19 =	simm.s32 $0x1A100;
	[dreg:$0xe] =	wrdreg s13  }
0x11: {  	s24 =	sshrl.u32 s18, $0x1;
	s14 =	sadd.s32 s14, s0;
	[dreg:$0x9] =	wrdreg s19  }
0x12: {  	s12 =	sadd.s32 s12, s0;
	s20 =	sadd.s32 s10, s3;
	[dreg:$0xd] =	wrdreg s31  }
0x13: {  	s0 =	ssub.s32 s18, s24;
	s14 =	sadd.s32 $0x74000, s14;
	[dreg:$0x11] =	wrdreg s20  }
0x14: {  	s26 =	smul.u32 $0x4E200, s21;
	s0 =	smax.u32 s0, $0x1;
	[dreg:$0x12] =	wrdreg s14  }
0x15: {  	s18 =	smul.u32 $0x280, s21;
	s19 =	sadd.s32 $0x75400, s12;
	[smem:$0x7F4] =	sst s0  }
0x16: {  	s15 =	sshrl.u32 s15, $0x3;
	s16 =	sadd.s32 s8, s16;
	[dreg:$0x17] =	wrdreg s19  }
0x17: {  	s22 =	sadd.s32 $0x50, s5;
	s21 =	sadd.s32 s1, s15;
	[dreg:$0x10] =	wrdreg s16  }
0x18: {  	s24 =	sshrl.u32 s22, $0x3;
	s22 =	simm.s32 $0x1A180;
	[dreg:$0x13] =	wrdreg s21  }
0x19: {  	s28 =	simm.s32 $0x19F00;
	s13 =	sadd.s32 s9, s15;
	[dreg:$0xa] =	wrdreg s22  }
0x1a: {  	s29 =	simm.s32 $0x19F80;
	s25 =	sadd.s32 s24, s9;
	[dreg:$0x16] =	wrdreg s13  }
0x1b: {  	s8 =	sadd.s32 s26, s8;
	s26 =	sadd.s32 s24, s7;
	[dreg:$0x5] =	wrdreg s25  }
0x1c: {  	s30 =	simm.s32 $0x1A000;
	s14 =	sadd.s32 s24, s6;
	[dreg:$0x6] =	wrdreg s26  }
0x1d: {  	s11 =	smul.u32 $0x27100, s11;
	s16 =	sadd.s32 s24, s1;
	[dreg:$0x7] =	wrdreg s14  }
0x1e: {  	s23 =	sadd.s32 $0x140, s18;
	s24 =	sadd.s32 s6, s15;
	[dreg:$0x8] =	wrdreg s16  }
0x1f: {  	s8 =	sadd.s32 s11, s8;
	s21 =	sadd.s32 $0xF0, s18;
	[dreg:$0x14] =	wrdreg s24  }
0x20: {  	s25 =	sor.u32 $0x50, s18;
	s26 =	sadd.s32 s7, s15;
	s15 =	sadd.s32 $0xA0, s18  }
0x21: {  	s22 =	sshll.u32 s21, $0x7;
	s24 =	sadd.s32 $0x190, s18;
	s13 =	sshll.u32 s21, $0x4  }
0x22: {  	s8 =	sadd.s32 $0xA00, s8;
	[dreg:$0x15] =	wrdreg s26;
	s14 =	sshll.u32 s25, $0x7  }
0x23: {  	s10 =	sshll.u32 s25, $0x4;
	s16 =	sshll.u32 s15, $0x7;
	s25 =	sshll.u32 s23, $0x7  }
0x24: {  	s26 =	sshll.u32 s24, $0x7;
	[smem:$0x7F5] =	sst s8;
	s11 =	sadd.s32 s14, s2  }
0x25: {  	s8 =	simm.s32 $0x50;
	s12 =	sadd.s32 s16, s2;
	[dreg:$0x18] =	wrdreg s11  }
0x26: {  	s21 =	sadd.s32 s26, s2;
	s14 =	sshll.u32 s24, $0x4;
	[dreg:$0x19] =	wrdreg s12  }
0x27: {  	s24 =	sadd.s32 $0x230, s18;
	s12 =	sadd.s32 s22, s2;
	[dreg:$0x1c] =	wrdreg s21  }
0x28: {  	s11 =	sshll.u32 s15, $0x4;
	s15 =	sadd.s32 s25, s2;
	[dreg:$0x1a] =	wrdreg s12  }
0x29: {  	s22 =	sadd.s32 $0xC5400, s17;
	s26 =	sshll.u32 s24, $0x7;
	[dreg:$0x1b] =	wrdreg s15  }
0x2a: {  	s12 =	sshll.u32 s23, $0x4;
	s23 =	sadd.s32 $0x1E0, s18;
	s15 =	sadd.s32 s18, s22  }
0x2b: {  	s18 =	sadd.s32 s10, s19;
	s21 =	sadd.s32 s11, s19;
	s22 =	sadd.s32 s13, s19  }
0x2c: {  	s11 =	simm.s32 $0x17480;
	s13 =	simm.s32 $0x17500;
	[dreg:$0x1d] =	wrdreg s15  }
0x2d: {  	s10 =	simm.s32 $0x0;
	s25 =	sshll.u32 s23, $0x7;
	[smem:$0x7F7] =	sst s18  }
0x2e: {  	s16 =	sshll.u32 s23, $0x4;
	s15 =	sshll.u32 s24, $0x4;
	[smem:$0x7F8] =	sst s21  }
0x2f: {  	[smem:$0x7F9] =	sst s22;
	s23 =	sadd.s32 s12, s19;
	s24 =	sadd.s32 s14, s19  }
0x30: {  	s14 =	simm.s32 $0x5;
	s21 =	simm.s32 $0x14A80;
	[smem:$0x7FA] =	sst s23  }
0x31: {  	s22 =	simm.s32 $0x17280;
	s17 =	sadd.s32 s25, s2;
	[smem:$0x7FB] =	sst s24  }
0x32: {  	s25 =	sadd.s32 s16, s19;
	s23 =	simm.s32 $0x17300;
	s24 =	simm.s32 $0x17380  }
0x33: {  	s16 =	simm.s32 $0x3;
	[dreg:$0x1e] =	wrdreg s17;
	s17 =	sadd.s32 s26, s2  }
0x34: {  	[smem:$0x7FC] =	sst s25;
	s26 =	sadd.s32 s15, s19;
	s19 =	simm.s32 $0x14A00  }
0x35: {  	s25 =	simm.s32 $0x17680;
	s15 =	simm.s32 $0x17580;
	[dreg:$0x1f] =	wrdreg s17  }
0x36: {  	s17 =	sadd.s32 $0xA0, s5;
	[smem:$0x7FD] =	sst s26;
	s26 =	simm.s32 $0x17700  }
0x37: {  	s5 =	simm.s32 $0x1;
	[smem:$0x7F6] =	sst s17;
	s17 =	simm.s32 $0x2  }
.LBB2_1:
0x38: {  	[smem:$0x7F3] =	sst s10  }
0x39: {  	s18 =	rddreg [dreg:$0xe]  }
0x3a: {  	s0 =	sshrl.u32 s31, $0x3;
	s12 =	rddreg [dreg:$0xf]  }
0x3b: {  	[spmem:s0], [sflag:s12] =	dma.local [hbm:s18], $0x2800  }
0x3c: {  	_ =	swait.ge [sflag:s14], $0x2800  }
0x3d: {  	[sflag:s14] =	ssyncset.done $0x0  }
0x3e: {  	s18 =	sshrl.u32 s20, $0x3;
	s20 =	rddreg [dreg:$0x12];
	[sflag:s14] =	ssyncadd.s32 $0xFFFFD800  }
0x3f: {  	[spmem:s18], [sflag:s12] =	dma.local [hbm:s20], $0x140  }
0x40: {  	_ =	swait.ge [sflag:s14], $0x140  }
0x41: {  	[sflag:s14] =	ssyncset.done $0x0  }
0x42: {  	[sflag:s14] =	ssyncadd.s32 $0xFFFFFEC0  }
0x43: {  	[bflag:$0x0] =	sbarrier.arrive $0xFFFF  }
0x44: {  	s12 =	rddreg [dreg:$0x13]  }
0x45: {  	[tilespmem:s19], [sflag:$0x1] =	stream.linear.gather [hbm4b:s12+s4], $0x50, $0x38;
	[tilespmem:$0x1D500] =	vst v63  }
0x46: {  	s14 =	rddreg [dreg:$0x10]  }
0x47: {  	[tilespmem:s21], [sflag:$0x1] =	stream.linear.gather [hbm4b:s14+s4], $0x2800, $0x38;
	[tilespmem:$0x1D500] =	vst v63  }
0x48: {  	s18 =	rddreg [dreg:$0x14]  }
0x49: {  	[tilespmem:s22], [sflag:$0x1] =	stream.linear.gather [hbm4b:s18+s4], $0x50, $0x38;
	[tilespmem:$0x1D500] =	vst v63  }
0x4a: {  	p0 =	por $0x1, $0x1;
	s20 =	rddreg [dreg:$0x15]  }
0x4b: {  	[tilespmem:s23], [sflag:$0x1] =	stream.linear.gather [hbm4b:s20+s4], $0x50, $0x38;
	[tilespmem:$0x1D500] =	vst v63  }
0x4c: {  	s0 =	simm.s32 @!p0 $0x4;
	s10 =	rddreg [dreg:$0x16]  }
0x4d: {  	[tilespmem:s24], [sflag:$0x1] =	stream.linear.gather [hbm4b:s10+s4], $0x50, $0x38;
	[tilespmem:$0x1D500] =	vst v63  }
0x4e: {  	_ =	swait.ge @!p0 [sflag:s0], $0x2800  }
0x4f: {  	[sflag:s0] =	ssyncset.done @!p0 $0x0  }
0x50: {  	[sflag:s0] =	ssyncadd.s32 @!p0 $0xFFFFD800  }
0x51: {  	_ =	swait.ge @!p0 [sflag:s0], $0x50  }
0x52: {  	[sflag:s0] =	ssyncset.done @!p0 $0x0  }
0x53: {  	[sflag:s0] =	ssyncadd.s32 @!p0 $0xFFFFFFB0  }
0x54: {  	_ =	swait.ge @!p0 [sflag:s0], $0x50  }
0x55: {  	[sflag:s0] =	ssyncset.done @!p0 $0x0  }
0x56: {  	[sflag:s0] =	ssyncadd.s32 @!p0 $0xFFFFFFB0  }
0x57: {  	_ =	swait.ge @!p0 [sflag:s0], $0x50  }
0x58: {  	s12 =	rddreg [dreg:$0x8]  }
0x59: {  	[sflag:s0] =	ssyncset.done @!p0 $0x0;
	s31 =	sld [smem:$0x7F5]  }
0x5a: {  	[sflag:s0] =	ssyncadd.s32 @!p0 $0xFFFFFFB0;
	s18 =	sadd.s32 $0x0, s12  }
0x5b: {  	[tilespmem:s25], [sflag:$0x2] =	stream.linear.gather [hbm4b:s18+s4], $0x50, $0x38;
	[tilespmem:$0x1D500] =	vst v63  }
0x5c: {  	s20 =	rddreg [dreg:$0x7];
	s10 =	sadd.s32 $0xFFFFFB00, s31  }
0x5d: {  	[tilespmem:s26], [sflag:$0x2] =	stream.linear.gather [hbm4b:s10+s4], $0x2800, $0x38;
	[tilespmem:$0x1D500] =	vst v63  }
0x5e: {  	s12 =	rddreg [dreg:$0x6];
	s14 =	sadd.s32 $0x0, s20  }
0x5f: {  	[tilespmem:s28], [sflag:$0x2] =	stream.linear.gather [hbm4b:s14+s4], $0x50, $0x38;
	[tilespmem:$0x1D500] =	vst v63  }
0x60: {  	s18 =	rddreg [dreg:$0x5];
	s20 =	sadd.s32 $0x0, s12  }
0x61: {  	[tilespmem:s29], [sflag:$0x2] =	stream.linear.gather [hbm4b:s20+s4], $0x50, $0x38;
	[tilespmem:$0x1D500] =	vst v63  }
0x62: {  	s10 =	sadd.s32 $0x0, s18  }
0x63: {  	[tilespmem:s30], [sflag:$0x2] =	stream.linear.gather [hbm4b:s10+s4], $0x50, $0x38;
	[tilespmem:$0x1D500] =	vst v63  }
0x64: {  	_ =	swait.ge [sflag:s5], $0x50  }
0x65: {  	[sflag:s5] =	ssyncset.done $0x0  }
0x66: {  	[sflag:s5] =	ssyncadd.s32 $0xFFFFFFB0  }
0x67: {  	_ =	swait.ge [sflag:s5], $0x2800  }
0x68: {  	[sflag:s5] =	ssyncset.done $0x0  }
0x69: {  	[sflag:s5] =	ssyncadd.s32 $0xFFFFD800  }
0x6a: {  	_ =	swait.ge [sflag:s5], $0x50  }
0x6b: {  	[sflag:s5] =	ssyncset.done $0x0  }
0x6c: {  	[sflag:s5] =	ssyncadd.s32 $0xFFFFFFB0  }
0x6d: {  	_ =	swait.ge [sflag:s5], $0x50  }
0x6e: {  	[sflag:s5] =	ssyncset.done $0x0  }
0x6f: {  	[sflag:s5] =	ssyncadd.s32 $0xFFFFFFB0  }
0x70: {  	_ =	swait.ge [sflag:s5], $0x50  }
0x71: {  	[sflag:s5] =	ssyncset.done $0x0  }
0x72: {  	[sflag:s5] =	ssyncadd.s32 $0xFFFFFFB0  }
0x73: {  	v0 =	vld [tilespmem:$0x14A40]  }
0x74: {  	v1 =	vld [tilespmem:$0x14A30]  }
0x75: {  	v2 =	vld [tilespmem:$0x14A10]  }
0x76: {  	v3 =	vld [tilespmem:$0x14A20];
	_ =	sdelay $0x1  }
0x77: {  	v0 =	vshll.u32 v0, $0x2  }
0x78: {  	v1 =	vshll.u32 v1, $0x2;
	[tilespmem:$0x174C0] =	vst v0  }
0x79: {  	v2 =	vshll.u32 v2, $0x2;
	[tilespmem:$0x174B0] =	vst v1  }
0x7a: {  	v3 =	vshll.u32 v3, $0x2;
	[tilespmem:$0x17490] =	vst v2  }
0x7b: {  	v4 =	vor.u32 $0x1, v0;
	[tilespmem:$0x174A0] =	vst v3  }
0x7c: {  	v0 =	vor.u32 $0x2, v0;
	[tilespmem:$0x17540] =	vst v4  }
0x7d: {  	v62 =	vor.u32 $0x2, v2;
	[tilespmem:$0x175C0] =	vst v0  }
0x7e: {  	v5 =	vor.u32 $0x1, v3;
	v0 =	vld [tilespmem:$0x14A00];
	[tilespmem:$0x17590] =	vst v62  }
0x7f: {  	v63 =	vor.u32 $0x1, v1;
	[tilespmem:$0x17520] =	vst v5  }
0x80: {  	v1 =	vor.u32 $0x2, v1;
	[tilespmem:$0x17530] =	vst v63  }
0x81: {  	v2 =	vor.u32 $0x1, v2;
	[tilespmem:$0x175B0] =	vst v1  }
0x82: {  	[tilespmem:$0x17510] =	vst v2;
	v2 =	vor.u32 $0x2, v3  }
0x83: {  	[tilespmem:$0x175A0] =	vst v2;
	v0 =	vshll.u32 v0, $0x2  }
0x84: {  	v1 =	vor.u32 $0x2, v0;
	[tilespmem:$0x17480] =	vst v0  }
0x85: {  	v0 =	vor.u32 $0x1, v0;
	[tilespmem:$0x17580] =	vst v1  }
0x86: {  	[tilespmem:$0x17500] =	vst v0  }
0x87: {  	[spmem:s2] =	stream.indirect.scatter.add.f32 [tilespmem:s21], [sflag:$0x3], $0x80, s19, s8, $0xb8;
	[tilespmem:$0x1D500] =	vst v63  }
0x88: {  	_ = 	snop  }
0x89: {  	[spmem:s3] =	stream.indirect.scatter.add.f32 [tilespmem:s22], [sflag:$0x3], $0x1, s11, s8, $0xb8;
	[tilespmem:$0x1D500] =	vst v63  }
0x8a: {  	_ = 	snop  }
0x8b: {  	[spmem:s3] =	stream.indirect.scatter.add.f32 [tilespmem:s23], [sflag:$0x3], $0x1, s13, s8, $0xb8;
	[tilespmem:$0x1D500] =	vst v63  }
0x8c: {  	_ = 	snop  }
0x8d: {  	[spmem:s3] =	stream.indirect.scatter.add.f32 [tilespmem:s24], [sflag:$0x3], $0x1, s15, s8, $0xb8;
	[tilespmem:$0x1D500] =	vst v63  }
0x8e: {  	_ =	swait.ge [sflag:s16], $0x2800  }
0x8f: {  	[sflag:s16] =	ssyncset.done $0x0  }
0x90: {  	[sflag:s16] =	ssyncadd.s32 $0xFFFFD800  }
0x91: {  	_ =	swait.ge [sflag:s16], $0x50  }
0x92: {  	[sflag:s16] =	ssyncset.done $0x0  }
0x93: {  	[sflag:s16] =	ssyncadd.s32 $0xFFFFFFB0  }
0x94: {  	_ =	swait.ge [sflag:s16], $0x50  }
0x95: {  	[sflag:s16] =	ssyncset.done $0x0  }
0x96: {  	[sflag:s16] =	ssyncadd.s32 $0xFFFFFFB0  }
0x97: {  	_ =	swait.ge [sflag:s16], $0x50  }
0x98: {  	s10 =	sld [smem:$0x7F6];
	_ =	sdelay $0x2  }
0x99: {  	[sflag:s16] =	ssyncset.done $0x0;
	s0 =	sshrl.u32 s10, $0x3  }
0x9a: {  	[sflag:s16] =	ssyncadd.s32 $0xFFFFFFB0;
	s12 =	sadd.s32 s1, s0  }
0x9b: {  	[tilespmem:s19], [sflag:$0x1] =	stream.linear.gather [hbm4b:s12+s4], $0x50, $0x38;
	[tilespmem:$0x1D500] =	vst v63  }
0x9c: {  	_ = 	snop  }
0x9d: {  	[tilespmem:s21], [sflag:$0x1] =	stream.linear.gather [hbm4b:s31+s4], $0x2800, $0x38;
	[tilespmem:$0x1D500] =	vst v63  }
0x9e: {  	s18 =	sadd.s32 s6, s0  }
0x9f: {  	[tilespmem:s22], [sflag:$0x1] =	stream.linear.gather [hbm4b:s18+s4], $0x50, $0x38;
	[tilespmem:$0x1D500] =	vst v63  }
0xa0: {  	s20 =	sadd.s32 s7, s0  }
0xa1: {  	[tilespmem:s23], [sflag:$0x1] =	stream.linear.gather [hbm4b:s20+s4], $0x50, $0x38;
	[tilespmem:$0x1D500] =	vst v63  }
0xa2: {  	s0 =	sadd.s32 s9, s0  }
0xa3: {  	[tilespmem:s24], [sflag:$0x1] =	stream.linear.gather [hbm4b:s0+s4], $0x50, $0x38;
	[tilespmem:$0x1D500] =	vst v63  }
0xa4: {  	_ =	swait.ge [sflag:s17], $0x50  }
0xa5: {  	[sflag:s17] =	ssyncset.done $0x0  }
0xa6: {  	[sflag:s17] =	ssyncadd.s32 $0xFFFFFFB0  }
0xa7: {  	_ =	swait.ge [sflag:s17], $0x2800  }
0xa8: {  	[sflag:s17] =	ssyncset.done $0x0  }
0xa9: {  	[sflag:s17] =	ssyncadd.s32 $0xFFFFD800  }
0xaa: {  	_ =	swait.ge [sflag:s17], $0x50  }
0xab: {  	[sflag:s17] =	ssyncset.done $0x0  }
0xac: {  	[sflag:s17] =	ssyncadd.s32 $0xFFFFFFB0  }
0xad: {  	_ =	swait.ge [sflag:s17], $0x50  }
0xae: {  	[sflag:s17] =	ssyncset.done $0x0  }
0xaf: {  	[sflag:s17] =	ssyncadd.s32 $0xFFFFFFB0  }
0xb0: {  	_ =	swait.ge [sflag:s17], $0x50  }
0xb1: {  	[sflag:s17] =	ssyncset.done $0x0  }
0xb2: {  	[sflag:s17] =	ssyncadd.s32 $0xFFFFFFB0  }
0xb3: {  	s14 =	simm.s32 $0x14;
	s0 =	smov.u32 s10;
	v0 =	vld [tilespmem:$0x17680]  }
.LBB2_2:
0xb4: {  	_ =	sdelay $0x1  }
0xb5: {  	v1 =	vld [tilespmem:$0x17690]  }
0xb6: {  	v4 =	vld [tilespmem:$0x176C0]  }
0xb7: {  	v3 =	vld [tilespmem:$0x176B0];
	v0 =	vshll.u32 v0, $0x2  }
0xb8: {  	v2 =	vld [tilespmem:$0x176A0];
	[tilespmem:$0x1A100] =	vst v0;
	v5 =	vor.u32 $0x1, v0  }
0xb9: {  	v0 =	vor.u32 $0x2, v0;
	[tilespmem:$0x1A180] =	vst v5  }
0xba: {  	v1 =	vshll.u32 v1, $0x2;
	[tilespmem:$0x1A200] =	vst v0  }
0xbb: {  	v4 =	vshll.u32 v4, $0x2;
	[tilespmem:$0x1A110] =	vst v1  }
0xbc: {  	v3 =	vshll.u32 v3, $0x2;
	[tilespmem:$0x1A140] =	vst v4  }
0xbd: {  	v2 =	vshll.u32 v2, $0x2;
	[tilespmem:$0x1A130] =	vst v3  }
0xbe: {  	v56 =	vor.u32 $0x1, v1;
	[tilespmem:$0x1A120] =	vst v2  }
0xbf: {  	v9 =	vor.u32 $0x2, v4;
	[tilespmem:$0x1A190] =	vst v56  }
0xc0: {  	v0 =	vor.u32 $0x1, v3;
	[tilespmem:$0x1A240] =	vst v9  }
0xc1: {  	v8 =	vor.u32 $0x2, v3;
	[tilespmem:$0x1A1B0] =	vst v0  }
0xc2: {  	v57 =	vor.u32 $0x1, v2;
	[tilespmem:$0x1A230] =	vst v8  }
0xc3: {  	v7 =	vor.u32 $0x2, v2;
	[tilespmem:$0x1A1A0] =	vst v57  }
0xc4: {  	v6 =	vor.u32 $0x2, v1;
	[tilespmem:$0x1A220] =	vst v7  }
0xc5: {  	v1 =	vor.u32 $0x1, v4;
	[tilespmem:$0x1A210] =	vst v6  }
0xc6: {  	[tilespmem:$0x1A1C0] =	vst v1  }
0xc7: {  	[spmem:s2] =	stream.indirect.scatter.add.f32 [tilespmem:s26], [sflag:$0x4], $0x80, s25, s8, $0xb8;
	[tilespmem:$0x1D500] =	vst v63  }
0xc8: {  	s20 =	smov.u32 s14;
	s12 =	rddreg [dreg:$0x9]  }
0xc9: {  	[spmem:s3] =	stream.indirect.scatter.add.f32 [tilespmem:s28], [sflag:$0x4], $0x1, s12, s8, $0xb8;
	[tilespmem:$0x1D500] =	vst v63  }
0xca: {  	s10 =	rddreg [dreg:$0xa];
	p1 =	seq.s32 s20, $0x0  }
0xcb: {  	[spmem:s3] =	stream.indirect.scatter.add.f32 [tilespmem:s29], [sflag:$0x4], $0x1, s10, s8, $0xb8;
	[tilespmem:$0x1D500] =	vst v63  }
0xcc: {  	s18 =	rddreg [dreg:$0xb];
	s10 =	simm.s32 @!p1 $0x4  }
0xcd: {  	[spmem:s3] =	stream.indirect.scatter.add.f32 [tilespmem:s30], [sflag:$0x4], $0x1, s18, s8, $0xb8;
	[tilespmem:$0x1D500] =	vst v63  }
0xce: {  	_ =	swait.ge @!p1 [sflag:s10], $0x2800  }
0xcf: {  	[sflag:s10] =	ssyncset.done @!p1 $0x0  }
0xd0: {  	[sflag:s10] =	ssyncadd.s32 @!p1 $0xFFFFD800  }
0xd1: {  	_ =	swait.ge @!p1 [sflag:s10], $0x50  }
0xd2: {  	[sflag:s10] =	ssyncset.done @!p1 $0x0  }
0xd3: {  	[sflag:s10] =	ssyncadd.s32 @!p1 $0xFFFFFFB0  }
0xd4: {  	_ =	swait.ge @!p1 [sflag:s10], $0x50  }
0xd5: {  	[sflag:s10] =	ssyncset.done @!p1 $0x0  }
0xd6: {  	[sflag:s10] =	ssyncadd.s32 @!p1 $0xFFFFFFB0  }
0xd7: {  	_ =	swait.ge @!p1 [sflag:s10], $0x50  }
0xd8: {  	s18 =	rddreg [dreg:$0x8];
	[sflag:s10] =	ssyncset.done @!p1 $0x0  }
0xd9: {  	s31 =	sadd.s32 $0xA00, s31;
	[sflag:s10] =	ssyncadd.s32 @!p1 $0xFFFFFFB0;
	s18 =	sadd.s32 s20, s18  }
0xda: {  	[tilespmem:s25], [sflag:$0x2] =	stream.linear.gather [hbm4b:s18+s4], $0x50, $0x38;
	[tilespmem:$0x1D500] =	vst v63  }
0xdb: {  	s12 =	rddreg [dreg:$0x7];
	s10 =	sadd.s32 $0xFFFFFB00, s31  }
0xdc: {  	[tilespmem:s26], [sflag:$0x2] =	stream.linear.gather [hbm4b:s10+s4], $0x2800, $0x38;
	[tilespmem:$0x1D500] =	vst v63  }
0xdd: {  	s18 =	rddreg [dreg:$0x6];
	s10 =	sadd.s32 s20, s12  }
0xde: {  	[tilespmem:s28], [sflag:$0x2] =	stream.linear.gather [hbm4b:s10+s4], $0x50, $0x38;
	[tilespmem:$0x1D500] =	vst v63  }
0xdf: {  	s18 =	sadd.s32 s20, s18;
	s12 =	rddreg [dreg:$0x5]  }
0xe0: {  	[tilespmem:s29], [sflag:$0x2] =	stream.linear.gather [hbm4b:s18+s4], $0x50, $0x38;
	[tilespmem:$0x1D500] =	vst v63  }
0xe1: {  	s18 =	sadd.s32 s20, s12  }
0xe2: {  	[tilespmem:s30], [sflag:$0x2] =	stream.linear.gather [hbm4b:s18+s4], $0x50, $0x38;
	[tilespmem:$0x1D500] =	vst v63  }
0xe3: {  	_ =	swait.ge [sflag:s5], $0x50  }
0xe4: {  	[sflag:s5] =	ssyncset.done $0x0  }
0xe5: {  	[sflag:s5] =	ssyncadd.s32 $0xFFFFFFB0  }
0xe6: {  	_ =	swait.ge [sflag:s5], $0x2800  }
0xe7: {  	[sflag:s5] =	ssyncset.done $0x0  }
0xe8: {  	[sflag:s5] =	ssyncadd.s32 $0xFFFFD800  }
0xe9: {  	_ =	swait.ge [sflag:s5], $0x50  }
0xea: {  	[sflag:s5] =	ssyncset.done $0x0  }
0xeb: {  	[sflag:s5] =	ssyncadd.s32 $0xFFFFFFB0  }
0xec: {  	_ =	swait.ge [sflag:s5], $0x50  }
0xed: {  	[sflag:s5] =	ssyncset.done $0x0  }
0xee: {  	[sflag:s5] =	ssyncadd.s32 $0xFFFFFFB0  }
0xef: {  	_ =	swait.ge [sflag:s5], $0x50  }
0xf0: {  	[sflag:s5] =	ssyncset.done $0x0  }
0xf1: {  	[sflag:s5] =	ssyncadd.s32 $0xFFFFFFB0  }
0xf2: {  	v0 =	vld [tilespmem:$0x14A40]  }
0xf3: {  	v1 =	vld [tilespmem:$0x14A30]  }
0xf4: {  	v2 =	vld [tilespmem:$0x14A10]  }
0xf5: {  	v3 =	vld [tilespmem:$0x14A20];
	_ =	sdelay $0x1  }
0xf6: {  	v0 =	vshll.u32 v0, $0x2  }
0xf7: {  	v1 =	vshll.u32 v1, $0x2;
	[tilespmem:$0x174C0] =	vst v0  }
0xf8: {  	v2 =	vshll.u32 v2, $0x2;
	[tilespmem:$0x174B0] =	vst v1  }
0xf9: {  	v3 =	vshll.u32 v3, $0x2;
	[tilespmem:$0x17490] =	vst v2  }
0xfa: {  	v59 =	vor.u32 $0x1, v0;
	[tilespmem:$0x174A0] =	vst v3  }
0xfb: {  	v0 =	vor.u32 $0x2, v0;
	[tilespmem:$0x17540] =	vst v59  }
0xfc: {  	v61 =	vor.u32 $0x2, v2;
	[tilespmem:$0x175C0] =	vst v0  }
0xfd: {  	v58 =	vld [tilespmem:$0x14A00];
	v62 =	vor.u32 $0x1, v3;
	[tilespmem:$0x17590] =	vst v61  }
0xfe: {  	v60 =	vor.u32 $0x1, v1;
	[tilespmem:$0x17520] =	vst v62  }
0xff: {  	v1 =	vor.u32 $0x2, v1;
	[tilespmem:$0x17530] =	vst v60  }
0x100: {  	v2 =	vor.u32 $0x1, v2;
	[tilespmem:$0x175B0] =	vst v1  }
0x101: {  	v63 =	vor.u32 $0x2, v3;
	[tilespmem:$0x17510] =	vst v2  }
0x102: {  	v0 =	vshll.u32 v58, $0x2;
	[tilespmem:$0x175A0] =	vst v63  }
0x103: {  	v4 =	vor.u32 $0x2, v0;
	[tilespmem:$0x17480] =	vst v0  }
0x104: {  	v3 =	vor.u32 $0x1, v0;
	[tilespmem:$0x17580] =	vst v4  }
0x105: {  	[tilespmem:$0x17500] =	vst v3  }
0x106: {  	[spmem:s2] =	stream.indirect.scatter.add.f32 [tilespmem:s21], [sflag:$0x3], $0x80, s19, s8, $0xb8;
	[tilespmem:$0x1D500] =	vst v63  }
0x107: {  	_ = 	snop  }
0x108: {  	[spmem:s3] =	stream.indirect.scatter.add.f32 [tilespmem:s22], [sflag:$0x3], $0x1, s11, s8, $0xb8;
	[tilespmem:$0x1D500] =	vst v63  }
0x109: {  	_ = 	snop  }
0x10a: {  	[spmem:s3] =	stream.indirect.scatter.add.f32 [tilespmem:s23], [sflag:$0x3], $0x1, s13, s8, $0xb8;
	[tilespmem:$0x1D500] =	vst v63  }
0x10b: {  	_ = 	snop  }
0x10c: {  	[spmem:s3] =	stream.indirect.scatter.add.f32 [tilespmem:s24], [sflag:$0x3], $0x1, s15, s8, $0xb8;
	[tilespmem:$0x1D500] =	vst v63  }
0x10d: {  	_ =	swait.ge [sflag:s16], $0x2800  }
0x10e: {  	[sflag:s16] =	ssyncset.done $0x0  }
0x10f: {  	[sflag:s16] =	ssyncadd.s32 $0xFFFFD800  }
0x110: {  	_ =	swait.ge [sflag:s16], $0x50  }
0x111: {  	[sflag:s16] =	ssyncset.done $0x0  }
0x112: {  	[sflag:s16] =	ssyncadd.s32 $0xFFFFFFB0  }
0x113: {  	_ =	swait.ge [sflag:s16], $0x50  }
0x114: {  	[sflag:s16] =	ssyncset.done $0x0  }
0x115: {  	[sflag:s16] =	ssyncadd.s32 $0xFFFFFFB0  }
0x116: {  	s0 =	sadd.s32 $0xA0, s0;
	_ =	swait.ge [sflag:s16], $0x50  }
0x117: {  	s10 =	sshrl.u32 s0, $0x3;
	[sflag:s16] =	ssyncset.done $0x0  }
0x118: {  	s20 =	sadd.s32 s1, s10;
	[sflag:s16] =	ssyncadd.s32 $0xFFFFFFB0  }
0x119: {  	[tilespmem:s19], [sflag:$0x1] =	stream.linear.gather [hbm4b:s20+s4], $0x50, $0x38;
	[tilespmem:$0x1D500] =	vst v63  }
0x11a: {  	_ = 	snop  }
0x11b: {  	[tilespmem:s21], [sflag:$0x1] =	stream.linear.gather [hbm4b:s31+s4], $0x2800, $0x38;
	[tilespmem:$0x1D500] =	vst v63  }
0x11c: {  	s18 =	sadd.s32 s6, s10  }
0x11d: {  	[tilespmem:s22], [sflag:$0x1] =	stream.linear.gather [hbm4b:s18+s4], $0x50, $0x38;
	[tilespmem:$0x1D500] =	vst v63  }
0x11e: {  	s20 =	sadd.s32 s7, s10  }
0x11f: {  	[tilespmem:s23], [sflag:$0x1] =	stream.linear.gather [hbm4b:s20+s4], $0x50, $0x38;
	[tilespmem:$0x1D500] =	vst v63  }
0x120: {  	s10 =	sadd.s32 s9, s10  }
0x121: {  	[tilespmem:s24], [sflag:$0x1] =	stream.linear.gather [hbm4b:s10+s4], $0x50, $0x38;
	[tilespmem:$0x1D500] =	vst v63  }
0x122: {  	_ =	swait.ge [sflag:s17], $0x50  }
0x123: {  	[sflag:s17] =	ssyncset.done $0x0  }
0x124: {  	[sflag:s17] =	ssyncadd.s32 $0xFFFFFFB0  }
0x125: {  	_ =	swait.ge [sflag:s17], $0x2800  }
0x126: {  	[sflag:s17] =	ssyncset.done $0x0  }
0x127: {  	[sflag:s17] =	ssyncadd.s32 $0xFFFFD800  }
0x128: {  	_ =	swait.ge [sflag:s17], $0x50  }
0x129: {  	[sflag:s17] =	ssyncset.done $0x0  }
0x12a: {  	[sflag:s17] =	ssyncadd.s32 $0xFFFFFFB0  }
0x12b: {  	s14 =	sadd.s32 $0x14, s14;
	_ =	swait.ge [sflag:s17], $0x50  }
0x12c: {  	p0 =	sne.s32 s14, $0x4D8;
	[sflag:s17] =	ssyncset.done $0x0  }
.Ltmp0:
0x12d: {  	[sflag:s17] =	ssyncadd.s32 $0xFFFFFFB0;
	(pc) =	sbr.rel @p0 .LBB2_2-.Ltmp0, $4  }
0x12e: {  	_ =	swait.ge [sflag:s17], $0x50  }
0x12f: {  	[sflag:s17] =	ssyncset.done $0x0  }
0x130: {  	[sflag:s17] =	ssyncadd.s32 $0xFFFFFFB0  }
0x131: {  	v0 =	vld [tilespmem:$0x17680]  }
0x132: {  	_ =	sdelay $0x1  }
0x133: {  	v1 =	vld [tilespmem:$0x17690]  }
0x134: {  	v2 =	vld [tilespmem:$0x176C0]  }
0x135: {  	v3 =	vld [tilespmem:$0x176B0];
	v0 =	vshll.u32 v0, $0x2  }
0x136: {  	v5 =	vld [tilespmem:$0x176A0];
	[tilespmem:$0x1A100] =	vst v0;
	v4 =	vor.u32 $0x1, v0  }
0x137: {  	v0 =	vor.u32 $0x2, v0;
	[tilespmem:$0x1A180] =	vst v4  }
0x138: {  	v1 =	vshll.u32 v1, $0x2;
	[tilespmem:$0x1A200] =	vst v0  }
0x139: {  	v44 =	vshll.u32 v2, $0x2;
	[tilespmem:$0x1A110] =	vst v1  }
0x13a: {  	v45 =	vshll.u32 v3, $0x2;
	[tilespmem:$0x1A140] =	vst v44  }
0x13b: {  	v49 =	vshll.u32 v5, $0x2;
	[tilespmem:$0x1A130] =	vst v45  }
0x13c: {  	v43 =	vor.u32 $0x1, v1;
	[tilespmem:$0x1A120] =	vst v49  }
0x13d: {  	v46 =	vor.u32 $0x2, v44;
	[tilespmem:$0x1A190] =	vst v43  }
0x13e: {  	v47 =	vor.u32 $0x1, v45;
	[tilespmem:$0x1A240] =	vst v46  }
0x13f: {  	v48 =	vor.u32 $0x2, v45;
	[tilespmem:$0x1A1B0] =	vst v47  }
0x140: {  	v50 =	vor.u32 $0x1, v49;
	[tilespmem:$0x1A230] =	vst v48  }
0x141: {  	v5 =	vor.u32 $0x2, v49;
	[tilespmem:$0x1A1A0] =	vst v50  }
0x142: {  	v1 =	vor.u32 $0x2, v1;
	[tilespmem:$0x1A220] =	vst v5  }
0x143: {  	v0 =	vor.u32 $0x1, v44;
	[tilespmem:$0x1A210] =	vst v1  }
0x144: {  	[tilespmem:$0x1A1C0] =	vst v0  }
0x145: {  	[spmem:s2] =	stream.indirect.scatter.add.f32 [tilespmem:s26], [sflag:$0x4], $0x80, s25, s8, $0xb8;
	[tilespmem:$0x1D500] =	vst v63  }
0x146: {  	s0 =	rddreg [dreg:$0x9]  }
0x147: {  	[spmem:s3] =	stream.indirect.scatter.add.f32 [tilespmem:s28], [sflag:$0x4], $0x1, s0, s8, $0xb8;
	[tilespmem:$0x1D500] =	vst v63  }
0x148: {  	s10 =	rddreg [dreg:$0xa]  }
0x149: {  	[spmem:s3] =	stream.indirect.scatter.add.f32 [tilespmem:s29], [sflag:$0x4], $0x1, s10, s8, $0xb8;
	[tilespmem:$0x1D500] =	vst v63  }
0x14a: {  	s18 =	rddreg [dreg:$0xb];
	s20 =	simm.s32 $0x4  }
0x14b: {  	[spmem:s3] =	stream.indirect.scatter.add.f32 [tilespmem:s30], [sflag:$0x4], $0x1, s18, s8, $0xb8;
	[tilespmem:$0x1D500] =	vst v63  }
0x14c: {  	_ =	swait.ge [sflag:s20], $0x2800  }
0x14d: {  	[sflag:s20] =	ssyncset.done $0x0  }
0x14e: {  	[sflag:s20] =	ssyncadd.s32 $0xFFFFD800  }
0x14f: {  	_ =	swait.ge [sflag:s20], $0x50  }
0x150: {  	[sflag:s20] =	ssyncset.done $0x0  }
0x151: {  	[sflag:s20] =	ssyncadd.s32 $0xFFFFFFB0  }
0x152: {  	_ =	swait.ge [sflag:s20], $0x50  }
0x153: {  	[sflag:s20] =	ssyncset.done $0x0  }
0x154: {  	[sflag:s20] =	ssyncadd.s32 $0xFFFFFFB0  }
0x155: {  	_ =	swait.ge [sflag:s20], $0x50  }
0x156: {  	[sflag:s20] =	ssyncset.done $0x0  }
0x157: {  	[sflag:s20] =	ssyncadd.s32 $0xFFFFFFB0  }
0x158: {  	_ =	swait.ge [sflag:s5], $0x50  }
0x159: {  	[sflag:s5] =	ssyncset.done $0x0  }
0x15a: {  	[sflag:s5] =	ssyncadd.s32 $0xFFFFFFB0  }
0x15b: {  	_ =	swait.ge [sflag:s5], $0x2800  }
0x15c: {  	[sflag:s5] =	ssyncset.done $0x0  }
0x15d: {  	[sflag:s5] =	ssyncadd.s32 $0xFFFFD800  }
0x15e: {  	_ =	swait.ge [sflag:s5], $0x50  }
0x15f: {  	[sflag:s5] =	ssyncset.done $0x0  }
0x160: {  	[sflag:s5] =	ssyncadd.s32 $0xFFFFFFB0  }
0x161: {  	_ =	swait.ge [sflag:s5], $0x50  }
0x162: {  	[sflag:s5] =	ssyncset.done $0x0  }
0x163: {  	[sflag:s5] =	ssyncadd.s32 $0xFFFFFFB0  }
0x164: {  	_ =	swait.ge [sflag:s5], $0x50  }
0x165: {  	[sflag:s5] =	ssyncset.done $0x0  }
0x166: {  	[sflag:s5] =	ssyncadd.s32 $0xFFFFFFB0  }
0x167: {  	v51 =	vld [tilespmem:$0x14A00]  }
0x168: {  	v52 =	vld [tilespmem:$0x14A10]  }
0x169: {  	v54 =	vld [tilespmem:$0x14A20]  }
0x16a: {  	v56 =	vld [tilespmem:$0x14A30]  }
0x16b: {  	v59 =	vld [tilespmem:$0x14A40]  }
0x16c: {  	v0 =	vshll.u32 v51, $0x2  }
0x16d: {  	v55 =	vshll.u32 v52, $0x2;
	[tilespmem:$0x17480] =	vst v0  }
0x16e: {  	v57 =	vshll.u32 v54, $0x2;
	[tilespmem:$0x17490] =	vst v55  }
0x16f: {  	v60 =	vshll.u32 v56, $0x2;
	[tilespmem:$0x174A0] =	vst v57  }
0x170: {  	v62 =	vshll.u32 v59, $0x2;
	[tilespmem:$0x174B0] =	vst v60  }
0x171: {  	v53 =	vor.u32 $0x1, v0;
	[tilespmem:$0x174C0] =	vst v62  }
0x172: {  	v0 =	vor.u32 $0x2, v0;
	[tilespmem:$0x17500] =	vst v53  }
0x173: {  	v1 =	vor.u32 $0x1, v55;
	[tilespmem:$0x17580] =	vst v0  }
0x174: {  	v58 =	vor.u32 $0x1, v57;
	[tilespmem:$0x17510] =	vst v1  }
0x175: {  	v61 =	vor.u32 $0x1, v60;
	[tilespmem:$0x17520] =	vst v58  }
0x176: {  	v63 =	vor.u32 $0x1, v62;
	[tilespmem:$0x17530] =	vst v61  }
0x177: {  	v0 =	vor.u32 $0x2, v55;
	[tilespmem:$0x17540] =	vst v63  }
0x178: {  	[tilespmem:$0x17590] =	vst v0;
	v0 =	vor.u32 $0x2, v57  }
0x179: {  	[tilespmem:$0x175A0] =	vst v0;
	v0 =	vor.u32 $0x2, v60  }
0x17a: {  	[tilespmem:$0x175B0] =	vst v0;
	v0 =	vor.u32 $0x2, v62  }
0x17b: {  	[tilespmem:$0x175C0] =	vst v0  }
0x17c: {  	[spmem:s2] =	stream.indirect.scatter.add.f32 [tilespmem:s21], [sflag:$0x3], $0x80, s19, s8, $0xb8;
	[tilespmem:$0x1D500] =	vst v63  }
0x17d: {  	_ = 	snop  }
0x17e: {  	[spmem:s3] =	stream.indirect.scatter.add.f32 [tilespmem:s22], [sflag:$0x3], $0x1, s11, s8, $0xb8;
	[tilespmem:$0x1D500] =	vst v63  }
0x17f: {  	_ = 	snop  }
0x180: {  	[spmem:s3] =	stream.indirect.scatter.add.f32 [tilespmem:s23], [sflag:$0x3], $0x1, s13, s8, $0xb8;
	[tilespmem:$0x1D500] =	vst v63  }
0x181: {  	_ = 	snop  }
0x182: {  	[spmem:s3] =	stream.indirect.scatter.add.f32 [tilespmem:s24], [sflag:$0x3], $0x1, s15, s8, $0xb8;
	[tilespmem:$0x1D500] =	vst v63  }
0x183: {  	_ =	swait.ge [sflag:s16], $0x2800  }
0x184: {  	[sflag:s16] =	ssyncset.done $0x0  }
0x185: {  	[sflag:s16] =	ssyncadd.s32 $0xFFFFD800  }
0x186: {  	_ =	swait.ge [sflag:s16], $0x50  }
0x187: {  	[sflag:s16] =	ssyncset.done $0x0  }
0x188: {  	[sflag:s16] =	ssyncadd.s32 $0xFFFFFFB0  }
0x189: {  	_ =	swait.ge [sflag:s16], $0x50  }
0x18a: {  	[sflag:s16] =	ssyncset.done $0x0  }
0x18b: {  	[sflag:s16] =	ssyncadd.s32 $0xFFFFFFB0  }
0x18c: {  	_ =	swait.ge [sflag:s16], $0x50  }
0x18d: {  	[sflag:s16] =	ssyncset.done $0x0  }
0x18e: {  	[sflag:s16] =	ssyncadd.s32 $0xFFFFFFB0  }
0x18f: {  	[bflag:$0x0] =	sbarrier.arrive $0xFFFF  }
0x190: {  	s12 =	simm.s32 $0x1A300;
	s14 =	simm.s32 $0x5;
	s31 =	rddreg [dreg:$0xd]  }
0x191: {  	[tilespmem:s12], [sflag:$0x5] =	stream.linear.gather [spmem:s31], $0x2800, $0x38;
	[tilespmem:$0x1D500] =	vst v63  }
0x192: {  	_ =	swait.ge [sflag:s14], $0x2800  }
0x193: {  	s10 =	rddreg [dreg:$0xc]  }
0x194: {  	[sflag:s14] =	ssyncset.done $0x0;
	s18 =	rddreg [dreg:$0x17]  }
0x195: {  	[sflag:s14] =	ssyncadd.s32 $0xFFFFD800;
	s0 =	sadd.s32 s10, s18  }
0x196: {  	[hbm4b:s0+s4] =	stream.linear.scatter [tilespmem:s12], [sflag:$0x5], $0x2800, $0x38;
	[tilespmem:$0x1D500] =	vst v63  }
0x197: {  	_ =	swait.ge [sflag:s14], $0x2800  }
0x198: {  	[sflag:s14] =	ssyncset.done $0x0  }
0x199: {  	s20 =	rddreg [dreg:$0x18];
	[sflag:s14] =	ssyncadd.s32 $0xFFFFD800  }
0x19a: {  	[tilespmem:s12], [sflag:$0x5] =	stream.linear.gather [spmem:s20], $0x2800, $0x38;
	[tilespmem:$0x1D500] =	vst v63  }
0x19b: {  	_ =	swait.ge [sflag:s14], $0x2800  }
0x19c: {  	s10 =	sld [smem:$0x7F7]  }
0x19d: {  	[sflag:s14] =	ssyncset.done $0x0  }
0x19e: {  	[sflag:s14] =	ssyncadd.s32 $0xFFFFD800  }
0x19f: {  	[hbm4b:s10+s4] =	stream.linear.scatter [tilespmem:s12], [sflag:$0x5], $0x2800, $0x38;
	[tilespmem:$0x1D500] =	vst v63  }
0x1a0: {  	_ =	swait.ge [sflag:s14], $0x2800  }
0x1a1: {  	[sflag:s14] =	ssyncset.done $0x0  }
0x1a2: {  	s18 =	rddreg [dreg:$0x19];
	[sflag:s14] =	ssyncadd.s32 $0xFFFFD800  }
0x1a3: {  	[tilespmem:s12], [sflag:$0x5] =	stream.linear.gather [spmem:s18], $0x2800, $0x38;
	[tilespmem:$0x1D500] =	vst v63  }
0x1a4: {  	_ =	swait.ge [sflag:s14], $0x2800  }
0x1a5: {  	s20 =	sld [smem:$0x7F8]  }
0x1a6: {  	[sflag:s14] =	ssyncset.done $0x0  }
0x1a7: {  	[sflag:s14] =	ssyncadd.s32 $0xFFFFD800  }
0x1a8: {  	[hbm4b:s20+s4] =	stream.linear.scatter [tilespmem:s12], [sflag:$0x5], $0x2800, $0x38;
	[tilespmem:$0x1D500] =	vst v63  }
0x1a9: {  	_ =	swait.ge [sflag:s14], $0x2800  }
0x1aa: {  	[sflag:s14] =	ssyncset.done $0x0  }
0x1ab: {  	s10 =	rddreg [dreg:$0x1a];
	[sflag:s14] =	ssyncadd.s32 $0xFFFFD800  }
0x1ac: {  	[tilespmem:s12], [sflag:$0x5] =	stream.linear.gather [spmem:s10], $0x2800, $0x38;
	[tilespmem:$0x1D500] =	vst v63  }
0x1ad: {  	_ =	swait.ge [sflag:s14], $0x2800  }
0x1ae: {  	s18 =	sld [smem:$0x7F9]  }
0x1af: {  	[sflag:s14] =	ssyncset.done $0x0  }
0x1b0: {  	[sflag:s14] =	ssyncadd.s32 $0xFFFFD800  }
0x1b1: {  	[hbm4b:s18+s4] =	stream.linear.scatter [tilespmem:s12], [sflag:$0x5], $0x2800, $0x38;
	[tilespmem:$0x1D500] =	vst v63  }
0x1b2: {  	_ =	swait.ge [sflag:s14], $0x2800  }
0x1b3: {  	[sflag:s14] =	ssyncset.done $0x0  }
0x1b4: {  	s20 =	rddreg [dreg:$0x1b];
	[sflag:s14] =	ssyncadd.s32 $0xFFFFD800  }
0x1b5: {  	[tilespmem:s12], [sflag:$0x5] =	stream.linear.gather [spmem:s20], $0x2800, $0x38;
	[tilespmem:$0x1D500] =	vst v63  }
0x1b6: {  	_ =	swait.ge [sflag:s14], $0x2800  }
0x1b7: {  	s10 =	sld [smem:$0x7FA]  }
0x1b8: {  	[sflag:s14] =	ssyncset.done $0x0  }
0x1b9: {  	[sflag:s14] =	ssyncadd.s32 $0xFFFFD800  }
0x1ba: {  	[hbm4b:s10+s4] =	stream.linear.scatter [tilespmem:s12], [sflag:$0x5], $0x2800, $0x38;
	[tilespmem:$0x1D500] =	vst v63  }
0x1bb: {  	_ =	swait.ge [sflag:s14], $0x2800  }
0x1bc: {  	[sflag:s14] =	ssyncset.done $0x0  }
0x1bd: {  	s18 =	rddreg [dreg:$0x1c];
	[sflag:s14] =	ssyncadd.s32 $0xFFFFD800  }
0x1be: {  	[tilespmem:s12], [sflag:$0x5] =	stream.linear.gather [spmem:s18], $0x2800, $0x38;
	[tilespmem:$0x1D500] =	vst v63  }
0x1bf: {  	_ =	swait.ge [sflag:s14], $0x2800  }
0x1c0: {  	s20 =	sld [smem:$0x7FB]  }
0x1c1: {  	[sflag:s14] =	ssyncset.done $0x0  }
0x1c2: {  	[sflag:s14] =	ssyncadd.s32 $0xFFFFD800  }
0x1c3: {  	[hbm4b:s20+s4] =	stream.linear.scatter [tilespmem:s12], [sflag:$0x5], $0x2800, $0x38;
	[tilespmem:$0x1D500] =	vst v63  }
0x1c4: {  	_ =	swait.ge [sflag:s14], $0x2800  }
0x1c5: {  	[sflag:s14] =	ssyncset.done $0x0  }
0x1c6: {  	s10 =	rddreg [dreg:$0x1e];
	[sflag:s14] =	ssyncadd.s32 $0xFFFFD800  }
0x1c7: {  	[tilespmem:s12], [sflag:$0x5] =	stream.linear.gather [spmem:s10], $0x2800, $0x38;
	[tilespmem:$0x1D500] =	vst v63  }
0x1c8: {  	_ =	swait.ge [sflag:s14], $0x2800  }
0x1c9: {  	s18 =	sld [smem:$0x7FC]  }
0x1ca: {  	[sflag:s14] =	ssyncset.done $0x0  }
0x1cb: {  	[sflag:s14] =	ssyncadd.s32 $0xFFFFD800  }
0x1cc: {  	[hbm4b:s18+s4] =	stream.linear.scatter [tilespmem:s12], [sflag:$0x5], $0x2800, $0x38;
	[tilespmem:$0x1D500] =	vst v63  }
0x1cd: {  	_ =	swait.ge [sflag:s14], $0x2800  }
0x1ce: {  	[sflag:s14] =	ssyncset.done $0x0  }
0x1cf: {  	s20 =	rddreg [dreg:$0x1f];
	[sflag:s14] =	ssyncadd.s32 $0xFFFFD800  }
0x1d0: {  	[tilespmem:s12], [sflag:$0x5] =	stream.linear.gather [spmem:s20], $0x2800, $0x38;
	[tilespmem:$0x1D500] =	vst v63  }
0x1d1: {  	_ =	swait.ge [sflag:s14], $0x2800  }
0x1d2: {  	s10 =	sld [smem:$0x7FD]  }
0x1d3: {  	[sflag:s14] =	ssyncset.done $0x0  }
0x1d4: {  	[sflag:s14] =	ssyncadd.s32 $0xFFFFD800  }
0x1d5: {  	[hbm4b:s10+s4] =	stream.linear.scatter [tilespmem:s12], [sflag:$0x5], $0x2800, $0x38;
	[tilespmem:$0x1D500] =	vst v63  }
0x1d6: {  	_ =	swait.ge [sflag:s14], $0x2800  }
0x1d7: {  	[sflag:s14] =	ssyncset.done $0x0  }
0x1d8: {  	s10 =	simm.s32 $0x1CB00;
	s20 =	rddreg [dreg:$0x11];
	[sflag:s14] =	ssyncadd.s32 $0xFFFFD800  }
0x1d9: {  	[tilespmem:s10], [sflag:$0x5] =	stream.linear.gather [spmem:s20], $0xA00, $0x38;
	[tilespmem:$0x1D500] =	vst v63  }
0x1da: {  	_ =	swait.ge [sflag:s14], $0xA00  }
0x1db: {  	s18 =	simm.s32 $0x100;
	[sflag:s14] =	ssyncset.done $0x0  }
0x1dc: {  	s12 =	simm.s32 $0x80;
	s0 =	rddreg [dreg:$0x1d];
	[sflag:s14] =	ssyncadd.s32 $0xFFFFF600  }
0x1dd: {  	[hbm4b:s0+s12] =	stream.strided.scatter [tilespmem:s10], [sflag:$0x5], $0xA00, s18, s12, $0x38;
	[tilespmem:$0x1D500] =	vst v63  }
0x1de: {  	_ =	swait.ge [sflag:s14], $0xA00  }
0x1df: {  	s12 =	sld [smem:$0x7F3]  }
0x1e0: {  	s18 =	sld [smem:$0x7F4];
	_ =	sdelay $0x1  }
0x1e1: {  	s10 =	sadd.s32 $0x1, s12  }
0x1e2: {  	p0 =	sne.s32 s10, s18  }
.Ltmp1:
0x1e3: {  	_ = 	snop;
	(pc) =	sbr.rel @p0 .LBB2_1-.Ltmp1, $3  }
0x1e4: {  	_ =	sdelay $0x1  }
0x1e5: {  	[sflag:s14] =	ssyncset.done $0x0  }
0x1e6: {  	[sflag:s14] =	ssyncadd.s32 $0xFFFFF600  }
0x1e7: {  	_ =	sfence.sel $0x180000  }
0x1e8: {  	[bflag:$0x0] =	sbarrier.arrive $0xFFFF  }
0x1e9: {  	_ =	strace $0x9000004A  }
0x1ea: {  	s0 =	stileid.u32;
	[bflag:$0x2] =	sbarrier.arrive $0xFFFF  }
0x1eb: {  	p0 =	sne.s32 s0, $0x0;
	s0 =	rddreg [dreg:$0x4]  }
0x1ec: {  	s0 =	sadd.s32 @!p0 $0x100000, s0  }
0x1ed: {  	[sflag:s0] =	ssyncadd.tile.s32 @!p0 $0x1;
	_ =	shalt  }
.Lfunc_end2:
_tile_overlayer_lowered:
.L_overlay_start_2:
0x1ee: {  	(tag) =	ssettag $0x2  }
0x1ef: {  	s0 =	rddreg [dreg:$0x0];
	s2 =	stileid.u32  }
0x1f0: {  	s1 =	rddreg [dreg:$0x1];
	p0 =	sne.s32 s2, $0x0  }
0x1f1: {  	s3 =	rddreg [dreg:$0x2];
	[bflag:$0x3] =	sbarrier.arrive $0xFFFF;
	s2 =	simm.s32 @!p0 $0x1C05  }
0x1f2: {  	[timem:s3], [sflag:s2] =	dma.local @!p0 [hbm:s0], s1  }
0x1f3: {  	s0 =	simm.s32 @!p0 $0x5  }
0x1f4: {  	_ =	swait.ge @!p0 [sflag:s0], s1  }
0x1f5: {  	s1 =	ssub.s32 @!p0 $0x0, s1;
	[sflag:s0] =	ssyncset.done @!p0 $0x0  }
0x1f6: {  	[sflag:s0] =	ssyncadd.s32 @!p0 s1  }
0x1f7: {  	[bflag:$0x3] =	sbarrier.arrive $0xFFFF  }
0x1f8: {  	_ =	shalt  }

// kernel: kernel.7.cloned.1.call-start
scs
__scs_entry_jumppad:
0x0: {  	(pc) =	sbr.rel $0x88, $3  }
0x1: {  	(tag) =	ssettag $0x0;
	lr =	simm.s32 $0x1  }
0x2: {  	[smem:$0x3F8F] =	sst lr;
	_ =	strace $0xD0000000  }
0x3: {  	_ = 	snop  }
0x4: {  	_ = 	snop  }
0x5: {  	_ = 	snop  }
0x6: {  	_ = 	snop  }
0x7: {  	_ = 	snop  }
__scs_overlays_trampoline_lowered:
0x8: {  	[smem:$0x3F9E] =	sst s0  }
0x9: {  	[smem:$0x3F9F] =	sst s1  }
0xa: {  	[smem:$0x3FA0] =	sst s2  }
0xb: {  	[smem:$0x3FA1] =	sst s3  }
0xc: {  	[smem:$0x3FA2] =	sst s4  }
0xd: {  	[smem:$0x3FA3] =	sst s5  }
0xe: {  	[smem:$0x3FA4] =	sst s6  }
0xf: {  	[smem:$0x3FA5] =	sst s7  }
0x10: {  	[smem:$0x3FA6] =	sst s8  }
0x11: {  	[smem:$0x3FA7] =	sst s9;
	s0 =	simm.s32 @!p0 $0x0  }
0x12: {  	s1 =	sld [smem:$0x3F8D];
	s0 =	simm.s32 @p0 $0x1  }
0x13: {  	[smem:$0x3FA8] =	sst s0;
	s0 =	simm.s32 @!p1 $0x0  }
0x14: {  	s2 =	sld [smem:$0x3F8C];
	s0 =	simm.s32 @p1 $0x1  }
0x15: {  	[smem:$0x3FA9] =	sst s0;
	s0 =	simm.s32 @!p2 $0x0  }
0x16: {  	s3 =	sld [smem:$0x3FDB];
	s0 =	simm.s32 @p2 $0x1  }
0x17: {  	s4 =	simm.s32 $0x1BF5;
	[smem:$0x3FAB] =	sst s0  }
0x18: {  	s0 =	sld [smem:$0x3F8E];
	_ =	swait.ge [sflag:s4], $0x0  }
0x19: {  	s7 =	sld [smem:$0x3F8F]  }
0x1a: {  	s8 =	sadd.s32 $0xFFFFE003, lr  }
0x1b: {  	s9 =	sadd.s32 $0xFFFFFEF7, lr;
	s5 =	simm.s32 $0xFFFFFFFF;
	p2 =	slt.u32 s8, $0xFFFFF086  }
0x1c: {  	p1 =	slt.u32 s9, $0xF7A;
	s5 =	simm.s32 @!p2 $0x0  }
0x1d: {  	s5 =	simm.s32 @p1 $0x1;
	p0 =	seq.s32 s7, s2  }
0x1e: {  	s7 =	smul.u32 @!p0 $0xF7A, s2;
	p2 =	seq.s32 @!p0 s5, $0x0  }
0x1f: {  	s9 =	smul.u32 $0xF7A, s1;
	s8 =	simm.s32 @!p0 $0x1BF5;
	p2 =	por !p2, p0  }
0x20: {  	[sflag:s8] =	ssyncset.s32 @!p0 $0xFFFFF086;
	s6 =	sadd.s32 @!p0 s3, s7;
	s7 =	simm.s32 @!p0 $0x108  }
0x21: {  	s3 =	sadd.s32 s3, s9;
	s6 =	sadd.s32 @!p0 $0x88, s6;
	s7 =	simm.s32 @p2 $0x1082  }
0x22: {  	[simem:s7], [sflag:s8] =	dma.local @!p0 [hbm:s6], $0xF7A  }
0x23: {  	s9 =	sor.u32 $0xD0000000, s2;
	s6 =	simm.s32 $0x108;
	_ =	swait.ge @!p0 [sflag:s8], $0x0  }
0x24: {  	s3 =	sadd.s32 $0x88, s3;
	s6 =	simm.s32 @!p1 $0x1082;
	[sflag:s4] =	ssyncset.s32 $0xFFFFF086  }
0x25: {  	[simem:s6], [sflag:s4] =	dma.local [hbm:s3], $0xF7A  }
0x26: {  	[smem:$0x3F8F] =	sst s1;
	(tag) =	ssettag s2;
	_ =	strace s9  }
0x27: {  	s1 =	sld [smem:$0x3F9F]  }
0x28: {  	s2 =	sld [smem:$0x3FA0]  }
0x29: {  	s4 =	sld [smem:$0x3FA2]  }
0x2a: {  	p0 =	seq.s32 s5, $0x0;
	s5 =	sld [smem:$0x3FA3]  }
0x2b: {  	s6 =	sld [smem:$0x3FA4]  }
0x2c: {  	s7 =	sld [smem:$0x3FA5]  }
0x2d: {  	s3 =	simm.s32 $0x108;
	s8 =	sld [smem:$0x3FA6]  }
0x2e: {  	s3 =	simm.s32 @!p0 $0x1082;
	s9 =	sld [smem:$0x3FA7]  }
0x2f: {  	lr =	sadd.s32 s0, s3;
	s0 =	sld [smem:$0x3F9E]  }
0x30: {  	s3 =	sld [smem:$0x3FA1]  }
0x31: {  	[smem:$0x3FAA] =	sst s10  }
0x32: {  	s10 =	sld [smem:$0x3FA8];
	_ =	sdelay $0x3  }
0x33: {  	p0 =	seq.s32 s10, $0x1;
	s10 =	sld [smem:$0x3FAA];
	_ =	sdelay $0x3  }
0x34: {  	[smem:$0x3FAA] =	sst s10  }
0x35: {  	s10 =	sld [smem:$0x3FA9];
	_ =	sdelay $0x3  }
0x36: {  	p1 =	seq.s32 s10, $0x1;
	s10 =	sld [smem:$0x3FAA];
	_ =	sdelay $0x3  }
0x37: {  	[smem:$0x3FAA] =	sst s10  }
0x38: {  	s10 =	sld [smem:$0x3FAB]  }
0x39: {  	_ = 	snop;
	(pc) =	sbr.ind lr, $3  }
0x3a: {  	_ = 	snop  }
0x3b: {  	_ = 	snop  }
0x3c: {  	p2 =	seq.s32 s10, $0x1;
	s10 =	sld [smem:$0x3FAA]  }
0x3d: {  	_ =	shalt  }
0x3e: {  	_ =	shalt  }
0x3f: {  	_ =	shalt  }
0x40: {  	_ =	shalt  }
0x41: {  	_ =	shalt  }
0x42: {  	_ =	shalt  }
0x43: {  	_ =	shalt  }
0x44: {  	_ =	shalt  }
0x45: {  	_ =	shalt  }
0x46: {  	_ =	shalt  }
0x47: {  	_ =	shalt  }
0x48: {  	_ =	shalt  }
0x49: {  	_ =	shalt  }
0x4a: {  	_ =	shalt  }
0x4b: {  	_ =	shalt  }
0x4c: {  	_ =	shalt  }
0x4d: {  	_ =	shalt  }
0x4e: {  	_ =	shalt  }
0x4f: {  	_ =	shalt  }
0x50: {  	_ =	shalt  }
0x51: {  	_ =	shalt  }
0x52: {  	_ =	shalt  }
0x53: {  	_ =	shalt  }
0x54: {  	_ =	shalt  }
0x55: {  	_ =	shalt  }
0x56: {  	_ =	shalt  }
0x57: {  	_ =	shalt  }
0x58: {  	_ =	shalt  }
0x59: {  	_ =	shalt  }
0x5a: {  	_ =	shalt  }
0x5b: {  	_ =	shalt  }
0x5c: {  	_ =	shalt  }
0x5d: {  	_ =	shalt  }
0x5e: {  	_ =	shalt  }
0x5f: {  	_ =	shalt  }
0x60: {  	_ =	shalt  }
0x61: {  	_ =	shalt  }
0x62: {  	_ =	shalt  }
0x63: {  	_ =	shalt  }
0x64: {  	_ =	shalt  }
0x65: {  	_ =	shalt  }
0x66: {  	_ =	shalt  }
0x67: {  	_ =	shalt  }
0x68: {  	_ =	shalt  }
0x69: {  	_ =	shalt  }
0x6a: {  	_ =	shalt  }
0x6b: {  	_ =	shalt  }
0x6c: {  	_ =	shalt  }
0x6d: {  	_ =	shalt  }
0x6e: {  	_ =	shalt  }
0x6f: {  	_ =	shalt  }
0x70: {  	_ =	shalt  }
0x71: {  	_ =	shalt  }
0x72: {  	_ =	shalt  }
0x73: {  	_ =	shalt  }
0x74: {  	_ =	shalt  }
0x75: {  	_ =	shalt  }
0x76: {  	_ =	shalt  }
0x77: {  	_ =	shalt  }
0x78: {  	_ =	shalt  }
0x79: {  	_ =	shalt  }
0x7a: {  	_ =	shalt  }
0x7b: {  	_ =	shalt  }
0x7c: {  	_ =	shalt  }
0x7d: {  	_ =	shalt  }
0x7e: {  	_ =	shalt  }
0x7f: {  	_ =	shalt  }
0x80: {  	_ =	shalt  }
0x81: {  	_ =	shalt  }
0x82: {  	_ =	shalt  }
0x83: {  	_ =	shalt  }
0x84: {  	_ =	shalt  }
0x85: {  	_ =	shalt  }
0x86: {  	_ =	shalt  }
0x87: {  	_ =	shalt  }
.Lfunc_end0:
.L_simem_size_0:
called_computation_lowered:
.L_overlay_start_0:
0x88: {  	s2 =	sld [smem:$0x3FD9]  }
0x89: {  	s3 =	sld [smem:$0x3FFE];
	_ =	sdelay $0x1  }
0x8a: {  	s1 =	srdreg.scid  }
0x8b: {  	s0 =	sand.u32 $0x1, s1  }
0x8c: {  	s14 =	sshll.u32 s0, $0xA;
	s2 =	sadd.s32 s3, s2  }
0x8d: {  	s2 =	sadd.s32 s2, s14  }
0x8e: {  	[smem:$0x3FB6] =	sst s2  }
0x8f: {  	_ = 	snop  }
0x90: {  	s2 =	sld [smem:$0x3FD0];
	_ =	sdelay $0x2  }
0x91: {  	s15 =	simm.s32 $0xA;
	s4 =	simm.s32 $0x10  }
0x92: {  	[smem:s4], [sflag:s15] =	dma.local [hbm:s2], $0x1  }
0x93: {  	_ =	swait.eq [sflag:s15], $0x1  }
0x94: {  	[sflag:s15] =	ssyncset.done $0x0  }
0x95: {  	[sflag:s15] =	ssyncadd.s32 $0xFFFFFFFF  }
0x96: {  	s16 =	sld [smem:$0x11];
	(tm) =	ssettm $0x1  }
0x97: {  	s17 =	sld [smem:$0x3FFB];
	_ =	sdelay $0x3  }
0x98: {  	_ =	strace s17  }
0x99: {  	s3 =	sld [smem:$0x3FFC];
	_ =	sdelay $0x3  }
0x9a: {  	_ =	strace s3  }
0x9b: {  	s3 =	sld [smem:$0x3FFD];
	_ =	sdelay $0x3  }
0x9c: {  	_ =	strace s3  }
0x9d: {  	_ =	strace $0x8FFFFFFF  }
0x9e: {  	s18 =	sld [smem:$0x3FDB];
	_ =	sdelay $0x1  }
0x9f: {  	s19 =	simm.s32 $_scs_section_size  }
0xa0: {  	s5 =	simm.s32 $_size__tile_overlayer_lowered;
	s6 =	simm.s32 $_tile_overlayer_lowered  }
0xa1: {  	s22 =	simm.s32 $0x1BFF;
	s21 =	sshll.u32 s6, $0x1;
	s3 =	sadd.s32 s19, s18  }
0xa2: {  	s7 =	simm.s32 $0x0;
	s20 =	sshll.u32 s5, $0x1;
	s5 =	sadd.s32 s21, s3  }
0xa3: {  	[timem:s7], [sflag:s22] =	dma.local [hbm:s5], s20  }
0xa4: {  	_ =	swait.ge [sflag:s22], s20  }
0xa5: {  	s4 =	ssub.s32 $0x0, s20;
	[sflag:s22] =	ssyncset.done $0x0  }
0xa6: {  	[sflag:s22] =	ssyncadd.s32 s4;
	_ =	sdelay $0x1  }
0xa7: {  	s23 =	simm.s32 $0x1B8B  }
0xa8: {  	_ =	swait.ge [sflag:s23], $0x1  }
0xa9: {  	[sflag:s23] =	ssyncset.done $0x0  }
0xaa: {  	s25 =	simm.s32 $0x1B8E;
	s24 =	sld [smem:$0x3FFE];
	[sflag:s23] =	ssyncadd.s32 $0xFFFFFFFF  }
0xab: {  	s26 =	simm.s32 $execute0_lowered;
	[smem:$0x3FD2] =	sst s25  }
0xac: {  	s5 =	sshll.u32 s26, $0x1;
	_ =	strace $0x80000046;
	[dreg:$0x1] =	wrdreg $0xFFFFFFFF  }
0xad: {  	s28 =	simm.s32 $_size_execute0_lowered;
	s3 =	sadd.s32 s3, s5;
	[dreg:$0x0] =	wrdreg $0x0  }
0xae: {  	s5 =	sshll.u32 s28, $0x1;
	[dreg:$0x2] =	wrdreg s3  }
0xaf: {  	[dreg:$0x3] =	wrdreg s5  }
0xb0: {  	[dreg:$0x4] =	wrdreg $0xC0  }
0xb1: {  	_ =	task [dreg:s7], $0x5FFFF  }
0xb2: {  	[dreg:$0x1] =	wrdreg $0xFFFFFFFF  }
0xb3: {  	[dreg:$0x0] =	wrdreg $0x60  }
0xb4: {  	[dreg:$0x2] =	wrdreg s24  }
0xb5: {  	[dreg:$0x3] =	wrdreg s16  }
0xb6: {  	[dreg:$0x4] =	wrdreg $0x9  }
0xb7: {  	_ =	task.clear_ibuf [dreg:s7], $0x5FFFF;
	_ =	strace $0x90000046  }
0xb8: {  	s29 =	simm.s32 $0x9;
	_ =	strace $0x80000048  }
0xb9: {  	_ =	swait.ge [sflag:s29], $0x1  }
0xba: {  	[sflag:s29] =	ssyncadd.s32 $0xFFFFFFFF  }
0xbb: {  	_ =	strace $0x90000048  }
0xbc: {  	_ =	sfence  }
0xbd: {  	s30 =	sld [smem:$0x0];
	_ =	sdelay $0x2  }
0xbe: {  	s31 =	sshll.u32 s1, $0xD;
	s1 =	sshrl.u32 s1, $0x2  }
0xbf: {  	s3 =	sand.u32 $0x4000, s31;
	s1 =	sadd.s32 s1, s30  }
0xc0: {  	s0 =	sor.u32 s3, s0;
	s1 =	sshll.u32 s1, $0x11  }
0xc1: {  	s0 =	sor.u32 s1, s0  }
0xc2: {  	s0 =	sadd.s32 $0x8F2B, s0  }
0xc3: {  	[sflag:s0] =	ssyncadd.remote.s32 $0x1  }
0xc4: {  	_ =	sfence.sel $0xFFFF  }
0xc5: {  	[dreg:$0x0] =	wrdreg $0xFFFFFFFF;
	(pc) =	sbr.abs _section_cstart, $3  }
0xc6: {  	[dreg:$0x1] =	wrdreg $0xFFFFFFFF  }
0xc7: {  	_ =	task.clear_ibuf [dreg:s7], $0x2FFFF;
	_ =	strace $0x9FFFFFFF  }
0xc8: {  	(tm) =	ssettm $0x7FFFFFFF  }
0xc9: {  	_ =	shalt  }
tec
execute0_lowered:
.L_overlay_start_1:
0x0: {  	(tag) =	ssettag $0x1  }
0x1: {  	s0 =	rddreg [dreg:$0x0];
	s1 =	srdreg.scid  }
0x2: {  	s19 =	stileid.u32;
	s5 =	rddreg [dreg:$0x1];
	s2 =	simm.s32 $0x0  }
0x3: {  	s28 =	simm.s32 $0x13F80;
	s29 =	simm.s32 $0x14000;
	s30 =	simm.s32 $0x14080  }
0x4: {  	s1 =	sand.u32 $0x1, s1;
	s3 =	sshll.u32 s19, $0x1;
	[smem:$0x7FF] =	sst s2  }
0x5: {  	s4 =	sadd.s32 $0x60400, s0;
	s9 =	sadd.s32 $0x37000, s0;
	s10 =	sadd.s32 $0x591C00, s0  }
0x6: {  	s16 =	sadd.s32 $0x92200, s0;
	s12 =	smul.u32 $0x4E20, s19;
	s3 =	sor.u32 s1, s3  }
0x7: {  	_ =	strace $0x80000047;
	s11 =	ssub.s32 $0x2, s1;
	s14 =	smul.u32 $0x2710, s1  }
0x8: {  	[dreg:$0xf] =	wrdreg s9;
	s6 =	smul.u32 $0x2710, s3;
	s13 =	sshrl.u32 s11, $0x1  }
0x9: {  	s9 =	sadd.s32 $0xAFC00, s0;
	s18 =	ssub.s32 s11, s13;
	s13 =	sadd.s32 s14, s12  }
0xa: {  	s7 =	sshrl.u32 s6, $0x3;
	s6 =	sadd.s32 $0x26C0, s6;
	s20 =	sadd.s32 $0x50, s13  }
0xb: {  	s13 =	sshrl.u32 s13, $0x3;
	s8 =	sadd.s32 s7, s0;
	s5 =	sadd.s32 s5, s7  }
0xc: {  	s22 =	sshrl.u32 s20, $0x3;
	s20 =	sadd.s32 s13, s16;
	[dreg:$0x11] =	wrdreg s5  }
0xd: {  	s11 =	sshll.u32 s6, $0x4;
	s8 =	sadd.s32 $0x5200, s8;
	[dreg:$0x8] =	wrdreg s20  }
0xe: {  	s15 =	sadd.s32 $0x88400, s0;
	s14 =	sadd.s32 s9, s11;
	[dreg:$0x10] =	wrdreg s8  }
0xf: {  	s6 =	sshrl.u32 s6, $0x3;
	s5 =	sadd.s32 s10, s11;
	[dreg:$0x12] =	wrdreg s14  }
0x10: {  	s17 =	sadd.s32 $0x9C000, s0;
	s21 =	sadd.s32 s15, s6;
	[dreg:$0x13] =	wrdreg s5  }
0x11: {  	s3 =	sadd.s32 $0x38400, s0;
	s23 =	sadd.s32 s16, s6;
	[dreg:$0x14] =	wrdreg s21  }
0x12: {  	s0 =	sadd.s32 $0xA5E00, s0;
	s24 =	sadd.s32 s17, s6;
	[dreg:$0x15] =	wrdreg s23  }
0x13: {  	s31 =	simm.s32 $0x3;
	s6 =	sadd.s32 s0, s6;
	[dreg:$0x16] =	wrdreg s24  }
0x14: {  	s1 =	smul.u32 $0x27100, s1;
	s25 =	sadd.s32 s22, s15;
	[dreg:$0x17] =	wrdreg s6  }
0x15: {  	s26 =	sadd.s32 s22, s16;
	s11 =	smul.u32 $0x4E200, s19;
	[dreg:$0x3] =	wrdreg s25  }
0x16: {  	s19 =	sadd.s32 s13, s15;
	s20 =	simm.s32 $0x50;
	[dreg:$0x4] =	wrdreg s26  }
0x17: {  	s8 =	sadd.s32 s22, s17;
	s14 =	smax.u32 s18, $0x1;
	[dreg:$0x7] =	wrdreg s19  }
0x18: {  	s5 =	sadd.s32 s22, s0;
	s22 =	sadd.s32 s13, s17;
	[dreg:$0x5] =	wrdreg s8  }
0x19: {  	s0 =	sadd.s32 s13, s0;
	s17 =	simm.s32 $0x4F00;
	[dreg:$0x6] =	wrdreg s5  }
0x1a: {  	s19 =	simm.s32 $0x2780;
	s23 =	simm.s32 $0x19100;
	[dreg:$0x9] =	wrdreg s22  }
0x1b: {  	s24 =	simm.s32 $0x19180;
	s25 =	simm.s32 $0x19200;
	[dreg:$0xa] =	wrdreg s0  }
0x1c: {  	s26 =	simm.s32 $0x19280;
	s12 =	sadd.s32 s11, s10;
	[dreg:$0xb] =	wrdreg s23  }
0x1d: {  	s21 =	sadd.s32 s11, s9;
	[dreg:$0xc] =	wrdreg s24;
	s22 =	simm.s32 $0x11700  }
0x1e: {  	[dreg:$0xd] =	wrdreg s25;
	s23 =	simm.s32 $0x14100;
	s24 =	simm.s32 $0x16900  }
0x1f: {  	[dreg:$0xe] =	wrdreg s26;
	s25 =	simm.s32 $0x1;
	s26 =	simm.s32 $0x13F00  }
0x20: {  	s0 =	simm.s32 $0x4;
	s5 =	simm.s32 $0x0;
	s18 =	sadd.s32 s1, s12  }
0x21: {  	s1 =	sadd.s32 s1, s21;
	s21 =	simm.s32 $0xEF00;
	s7 =	sadd.s32 $0x500, s18  }
0x22: {  	s6 =	sadd.s32 $0x500, s1;
	s18 =	simm.s32 $0x5;
	s1 =	simm.s32 $0x2  }
.LBB2_1:
0x23: {  	s8 =	rddreg [dreg:$0xf]  }
0x24: {  	[tilespmem:s17], [sflag:$0x5] =	stream.linear.gather [hbm4b:s8+s2], $0xA000, $0x38;
	[tilespmem:$0x19300] =	vst v63  }
0x25: {  	_ =	swait.ge [sflag:s18], $0xA000  }
0x26: {  	[sflag:s18] =	ssyncset.done $0x0  }
0x27: {  	s15 =	rddreg [dreg:$0x10];
	[sflag:s18] =	ssyncadd.s32 $0xFFFF6000  }
0x28: {  	[tilespmem:s2], [sflag:$0x5] =	stream.linear.gather [hbm4b:s15+s2], $0x2710, $0x38;
	[tilespmem:$0x19300] =	vst v63  }
0x29: {  	_ =	swait.ge [sflag:s18], $0x2710  }
0x2a: {  	[sflag:s18] =	ssyncset.done $0x0  }
0x2b: {  	s16 =	rddreg [dreg:$0x11];
	[sflag:s18] =	ssyncadd.s32 $0xFFFFD8F0  }
0x2c: {  	[tilespmem:s19], [sflag:$0x5] =	stream.linear.gather [hbm4b:s16+s2], $0x2710, $0x38;
	[tilespmem:$0x19300] =	vst v63  }
0x2d: {  	_ =	swait.ge [sflag:s18], $0x2710  }
0x2e: {  	[sflag:s18] =	ssyncset.done $0x0  }
0x2f: {  	s9 =	simm.s32 $0x0;
	[sflag:s18] =	ssyncadd.s32 $0xFFFFD8F0  }
0x30: {  	[tilespmem:s21], [sflag:$0x1] =	stream.indirect.gather [hbm4b:s3+s20], $0x80, s2, s20, $0xb8;
	[tilespmem:$0x19300] =	vst v63  }
0x31: {  	s8 =	simm.s32 $0x0;
	s15 =	smov.u32 s7;
	s16 =	smov.u32 s6  }
0x32: {  	[tilespmem:s22], [sflag:$0x1] =	stream.indirect.gather [hbm4b:s4+s20], $0x80, s19, s20, $0xb8;
	[tilespmem:$0x19300] =	vst v63  }
.LBB2_2:
0x33: {  	p0 =	seq.s32 s9, $0x0  }
0x34: {  	s11 =	simm.s32 @!p0 $0x4  }
0x35: {  	_ =	swait.ge @!p0 [sflag:s11], $0x2800  }
0x36: {  	[sflag:s11] =	ssyncset.done @!p0 $0x0  }
0x37: {  	[sflag:s11] =	ssyncadd.s32 @!p0 $0xFFFFD800  }
0x38: {  	_ =	swait.ge @!p0 [sflag:s11], $0x2800  }
0x39: {  	[sflag:s11] =	ssyncset.done @!p0 $0x0  }
0x3a: {  	[sflag:s11] =	ssyncadd.s32 @!p0 $0xFFFFD800  }
0x3b: {  	_ =	swait.ge @!p0 [sflag:s11], $0x50  }
0x3c: {  	[sflag:s11] =	ssyncset.done @!p0 $0x0  }
0x3d: {  	[sflag:s11] =	ssyncadd.s32 @!p0 $0xFFFFFFB0  }
0x3e: {  	_ =	swait.ge @!p0 [sflag:s11], $0x50  }
0x3f: {  	[sflag:s11] =	ssyncset.done @!p0 $0x0  }
0x40: {  	[sflag:s11] =	ssyncadd.s32 @!p0 $0xFFFFFFB0  }
0x41: {  	_ =	swait.ge @!p0 [sflag:s11], $0x50  }
0x42: {  	[sflag:s11] =	ssyncset.done @!p0 $0x0  }
0x43: {  	[sflag:s11] =	ssyncadd.s32 @!p0 $0xFFFFFFB0  }
0x44: {  	_ =	swait.ge @!p0 [sflag:s11], $0x50  }
0x45: {  	s10 =	sshra.s32 s8, $0x2;
	[sflag:s11] =	ssyncset.done @!p0 $0x0  }
0x46: {  	s12 =	sadd.s32 $0x50, s10;
	[sflag:s11] =	ssyncadd.s32 @!p0 $0xFFFFFFB0  }
0x47: {  	[tilespmem:s23], [sflag:$0x2] =	stream.indirect.gather [hbm4b:s3+s20], $0x80, s12, s20, $0xb8;
	[tilespmem:$0x19300] =	vst v63  }
0x48: {  	s13 =	sadd.s32 $0x27D0, s10  }
0x49: {  	[tilespmem:s24], [sflag:$0x2] =	stream.indirect.gather [hbm4b:s4+s20], $0x80, s13, s20, $0xb8;
	[tilespmem:$0x19300] =	vst v63  }
0x4a: {  	v0 =	vld [tilespmem:s10+$0x0]  }
0x4b: {  	v1 =	vld [tilespmem:s10+$0x2780];
	_ =	sdelay $0x3  }
0x4c: {  	v0 =	vshll.u32 v0, $0x2  }
0x4d: {  	v1 =	vshll.u32 v1, $0x2;
	_ =	sdelay $0x3  }
0x4e: {  	v2 =	vld.idx.msk [tilespmem:v0+s17+$0x0], $0xffff  }
0x4f: {  	v3 =	vld.idx.msk [tilespmem:v1+s17+$0x0], $0xffff;
	_ =	sdelay $0x2  }
0x50: {  	v4 =	vor.u32 $0x1, v0  }
0x51: {  	v5 =	vor.u32 $0x1, v1  }
0x52: {  	v2 =	vsub.f32 v2, v3;
	_ =	sdelay $0x1  }
0x53: {  	[tilespmem:$0x13F80] =	vst v2  }
0x54: {  	v42 =	vld.idx.msk [tilespmem:v4+s17+$0x0], $0xffff  }
0x55: {  	v43 =	vld.idx.msk [tilespmem:v5+s17+$0x0], $0xffff;
	_ =	sdelay $0x2  }
0x56: {  	v0 =	vor.u32 $0x2, v0  }
0x57: {  	v1 =	vor.u32 $0x2, v1  }
0x58: {  	v3 =	vsub.f32 v42, v43;
	_ =	sdelay $0x1  }
0x59: {  	[tilespmem:$0x14000] =	vst v3  }
0x5a: {  	v0 =	vld.idx.msk [tilespmem:v0+s17+$0x0], $0xffff  }
0x5b: {  	v1 =	vld.idx.msk [tilespmem:v1+s17+$0x0], $0xffff;
	_ =	sdelay $0x4  }
0x5c: {  	v2 =	vmul.f32 v2, v2;
	v3 =	vmul.f32 v3, v3;
	v0 =	vsub.f32 v0, v1;
	_ =	sdelay $0x1  }
0x5d: {  	v44 =	vadd.f32 v3, v2;
	v45 =	vmul.f32 v0, v0;
	_ =	sdelay $0x1  }
0x5e: {  	v1 =	vadd.f32 v45, v44  }
0x5f: {  	[tilespmem:$0x14080] =	vst v0  }
0x60: {  	[tilespmem:$0x13F00] =	vst v1  }
0x61: {  	v0 =	vld [tilespmem:s10+$0x10]  }
0x62: {  	v1 =	vld [tilespmem:s10+$0x2790];
	_ =	sdelay $0x3  }
0x63: {  	v0 =	vshll.u32 v0, $0x2  }
0x64: {  	v1 =	vshll.u32 v1, $0x2;
	_ =	sdelay $0x3  }
0x65: {  	v46 =	vld.idx.msk [tilespmem:v0+s17+$0x0], $0xffff  }
0x66: {  	v47 =	vld.idx.msk [tilespmem:v1+s17+$0x0], $0xffff;
	_ =	sdelay $0x2  }
0x67: {  	v48 =	vor.u32 $0x1, v0  }
0x68: {  	v49 =	vor.u32 $0x1, v1  }
0x69: {  	v2 =	vsub.f32 v46, v47;
	_ =	sdelay $0x1  }
0x6a: {  	[tilespmem:$0x13F90] =	vst v2  }
0x6b: {  	v50 =	vld.idx.msk [tilespmem:v48+s17+$0x0], $0xffff  }
0x6c: {  	v51 =	vld.idx.msk [tilespmem:v49+s17+$0x0], $0xffff;
	_ =	sdelay $0x2  }
0x6d: {  	v0 =	vor.u32 $0x2, v0  }
0x6e: {  	v1 =	vor.u32 $0x2, v1  }
0x6f: {  	v3 =	vsub.f32 v50, v51;
	_ =	sdelay $0x1  }
0x70: {  	[tilespmem:$0x14010] =	vst v3  }
0x71: {  	v0 =	vld.idx.msk [tilespmem:v0+s17+$0x0], $0xffff  }
0x72: {  	v1 =	vld.idx.msk [tilespmem:v1+s17+$0x0], $0xffff;
	_ =	sdelay $0x4  }
0x73: {  	v2 =	vmul.f32 v2, v2;
	v3 =	vmul.f32 v3, v3;
	v0 =	vsub.f32 v0, v1;
	_ =	sdelay $0x1  }
0x74: {  	v52 =	vadd.f32 v3, v2;
	v53 =	vmul.f32 v0, v0;
	_ =	sdelay $0x1  }
0x75: {  	v1 =	vadd.f32 v53, v52  }
0x76: {  	[tilespmem:$0x14090] =	vst v0  }
0x77: {  	[tilespmem:$0x13F10] =	vst v1  }
0x78: {  	v0 =	vld [tilespmem:s10+$0x20]  }
0x79: {  	v1 =	vld [tilespmem:s10+$0x27A0];
	_ =	sdelay $0x3  }
0x7a: {  	v0 =	vshll.u32 v0, $0x2  }
0x7b: {  	v1 =	vshll.u32 v1, $0x2;
	_ =	sdelay $0x3  }
0x7c: {  	v54 =	vld.idx.msk [tilespmem:v0+s17+$0x0], $0xffff  }
0x7d: {  	v55 =	vld.idx.msk [tilespmem:v1+s17+$0x0], $0xffff;
	_ =	sdelay $0x2  }
0x7e: {  	v56 =	vor.u32 $0x1, v0  }
0x7f: {  	v57 =	vor.u32 $0x1, v1  }
0x80: {  	v2 =	vsub.f32 v54, v55;
	_ =	sdelay $0x1  }
0x81: {  	[tilespmem:$0x13FA0] =	vst v2  }
0x82: {  	v58 =	vld.idx.msk [tilespmem:v56+s17+$0x0], $0xffff  }
0x83: {  	v59 =	vld.idx.msk [tilespmem:v57+s17+$0x0], $0xffff;
	_ =	sdelay $0x2  }
0x84: {  	v0 =	vor.u32 $0x2, v0  }
0x85: {  	v1 =	vor.u32 $0x2, v1  }
0x86: {  	v3 =	vsub.f32 v58, v59;
	_ =	sdelay $0x1  }
0x87: {  	[tilespmem:$0x14020] =	vst v3  }
0x88: {  	v0 =	vld.idx.msk [tilespmem:v0+s17+$0x0], $0xffff  }
0x89: {  	v1 =	vld.idx.msk [tilespmem:v1+s17+$0x0], $0xffff;
	_ =	sdelay $0x4  }
0x8a: {  	v2 =	vmul.f32 v2, v2;
	v3 =	vmul.f32 v3, v3;
	v0 =	vsub.f32 v0, v1;
	_ =	sdelay $0x1  }
0x8b: {  	v60 =	vadd.f32 v3, v2;
	v61 =	vmul.f32 v0, v0;
	_ =	sdelay $0x1  }
0x8c: {  	v1 =	vadd.f32 v61, v60  }
0x8d: {  	[tilespmem:$0x140A0] =	vst v0  }
0x8e: {  	[tilespmem:$0x13F20] =	vst v1  }
0x8f: {  	v0 =	vld [tilespmem:s10+$0x30]  }
0x90: {  	v1 =	vld [tilespmem:s10+$0x27B0];
	_ =	sdelay $0x3  }
0x91: {  	v0 =	vshll.u32 v0, $0x2  }
0x92: {  	v1 =	vshll.u32 v1, $0x2;
	_ =	sdelay $0x3  }
0x93: {  	v62 =	vld.idx.msk [tilespmem:v0+s17+$0x0], $0xffff  }
0x94: {  	v63 =	vld.idx.msk [tilespmem:v1+s17+$0x0], $0xffff;
	_ =	sdelay $0x2  }
0x95: {  	v8 =	vor.u32 $0x1, v0  }
0x96: {  	v9 =	vor.u32 $0x1, v1  }
0x97: {  	v2 =	vsub.f32 v62, v63;
	_ =	sdelay $0x1  }
0x98: {  	[tilespmem:$0x13FB0] =	vst v2  }
0x99: {  	v10 =	vld.idx.msk [tilespmem:v8+s17+$0x0], $0xffff  }
0x9a: {  	v11 =	vld.idx.msk [tilespmem:v9+s17+$0x0], $0xffff;
	_ =	sdelay $0x2  }
0x9b: {  	v0 =	vor.u32 $0x2, v0  }
0x9c: {  	v1 =	vor.u32 $0x2, v1  }
0x9d: {  	v3 =	vsub.f32 v10, v11;
	_ =	sdelay $0x1  }
0x9e: {  	[tilespmem:$0x14030] =	vst v3  }
0x9f: {  	v0 =	vld.idx.msk [tilespmem:v0+s17+$0x0], $0xffff  }
0xa0: {  	v1 =	vld.idx.msk [tilespmem:v1+s17+$0x0], $0xffff;
	_ =	sdelay $0x4  }
0xa1: {  	v2 =	vmul.f32 v2, v2;
	v3 =	vmul.f32 v3, v3;
	v0 =	vsub.f32 v0, v1;
	_ =	sdelay $0x1  }
0xa2: {  	v12 =	vadd.f32 v3, v2;
	v13 =	vmul.f32 v0, v0;
	_ =	sdelay $0x1  }
0xa3: {  	v1 =	vadd.f32 v13, v12  }
0xa4: {  	[tilespmem:$0x140B0] =	vst v0  }
0xa5: {  	[tilespmem:$0x13F30] =	vst v1  }
0xa6: {  	v0 =	vld [tilespmem:s10+$0x40]  }
0xa7: {  	v1 =	vld [tilespmem:s10+$0x27C0];
	_ =	sdelay $0x3  }
0xa8: {  	v0 =	vshll.u32 v0, $0x2  }
0xa9: {  	v1 =	vshll.u32 v1, $0x2;
	_ =	sdelay $0x3  }
0xaa: {  	v14 =	vld.idx.msk [tilespmem:v0+s17+$0x0], $0xffff  }
0xab: {  	v15 =	vld.idx.msk [tilespmem:v1+s17+$0x0], $0xffff;
	_ =	sdelay $0x2  }
0xac: {  	v16 =	vor.u32 $0x1, v0  }
0xad: {  	v17 =	vor.u32 $0x1, v1  }
0xae: {  	v2 =	vsub.f32 v14, v15;
	_ =	sdelay $0x1  }
0xaf: {  	[tilespmem:$0x13FC0] =	vst v2  }
0xb0: {  	v18 =	vld.idx.msk [tilespmem:v16+s17+$0x0], $0xffff  }
0xb1: {  	v19 =	vld.idx.msk [tilespmem:v17+s17+$0x0], $0xffff;
	_ =	sdelay $0x2  }
0xb2: {  	v0 =	vor.u32 $0x2, v0  }
0xb3: {  	v1 =	vor.u32 $0x2, v1  }
0xb4: {  	v3 =	vsub.f32 v18, v19;
	_ =	sdelay $0x1  }
0xb5: {  	[tilespmem:$0x14040] =	vst v3  }
0xb6: {  	v0 =	vld.idx.msk [tilespmem:v0+s17+$0x0], $0xffff  }
0xb7: {  	v1 =	vld.idx.msk [tilespmem:v1+s17+$0x0], $0xffff;
	_ =	sdelay $0x4  }
0xb8: {  	v2 =	vmul.f32 v2, v2;
	v3 =	vmul.f32 v3, v3;
	v0 =	vsub.f32 v0, v1;
	_ =	sdelay $0x1  }
0xb9: {  	v20 =	vadd.f32 v3, v2;
	v21 =	vmul.f32 v0, v0;
	_ =	sdelay $0x1  }
0xba: {  	v1 =	vadd.f32 v21, v20  }
0xbb: {  	[tilespmem:$0x140C0] =	vst v0  }
0xbc: {  	[tilespmem:$0x13F40] =	vst v1  }
0xbd: {  	_ =	swait.ge [sflag:s25], $0x2800  }
0xbe: {  	[sflag:s25] =	ssyncset.done $0x0  }
0xbf: {  	[sflag:s25] =	ssyncadd.s32 $0xFFFFD800  }
0xc0: {  	_ =	swait.ge [sflag:s25], $0x2800  }
0xc1: {  	[sflag:s25] =	ssyncset.done $0x0  }
0xc2: {  	s12 =	sadd.s32 $0xFFFFFB00, s16;
	[sflag:s25] =	ssyncadd.s32 $0xFFFFD800  }
0xc3: {  	[hbm4b:s12+s2] =	stream.linear.scatter [tilespmem:s21], [sflag:$0x3], $0x2800, $0x38;
	[tilespmem:$0x19300] =	vst v63  }
0xc4: {  	s13 =	sadd.s32 $0xFFFFFB00, s15;
	s12 =	rddreg [dreg:$0x7]  }
0xc5: {  	[hbm4b:s13+s2] =	stream.linear.scatter [tilespmem:s22], [sflag:$0x3], $0x2800, $0x38;
	[tilespmem:$0x19300] =	vst v63  }
0xc6: {  	s12 =	sadd.s32 s9, s12;
	s13 =	rddreg [dreg:$0x8]  }
0xc7: {  	[hbm4b:s12+s2] =	stream.linear.scatter [tilespmem:s26], [sflag:$0x3], $0x50, $0x38;
	[tilespmem:$0x19300] =	vst v63  }
0xc8: {  	s11 =	sadd.s32 s9, s13;
	s12 =	rddreg [dreg:$0x9]  }
0xc9: {  	[hbm4b:s11+s2] =	stream.linear.scatter [tilespmem:s28], [sflag:$0x3], $0x50, $0x38;
	[tilespmem:$0x19300] =	vst v63  }
0xca: {  	s13 =	rddreg [dreg:$0xa];
	s12 =	sadd.s32 s9, s12  }
0xcb: {  	[hbm4b:s12+s2] =	stream.linear.scatter [tilespmem:s29], [sflag:$0x3], $0x50, $0x38;
	[tilespmem:$0x19300] =	vst v63  }
0xcc: {  	s11 =	sadd.s32 s9, s13  }
0xcd: {  	[hbm4b:s11+s2] =	stream.linear.scatter [tilespmem:s30], [sflag:$0x3], $0x50, $0x38;
	[tilespmem:$0x19300] =	vst v63  }
0xce: {  	_ =	swait.ge [sflag:s31], $0x2800  }
0xcf: {  	[sflag:s31] =	ssyncset.done $0x0  }
0xd0: {  	[sflag:s31] =	ssyncadd.s32 $0xFFFFD800  }
0xd1: {  	_ =	swait.ge [sflag:s31], $0x2800  }
0xd2: {  	[sflag:s31] =	ssyncset.done $0x0  }
0xd3: {  	[sflag:s31] =	ssyncadd.s32 $0xFFFFD800  }
0xd4: {  	_ =	swait.ge [sflag:s31], $0x50  }
0xd5: {  	[sflag:s31] =	ssyncset.done $0x0  }
0xd6: {  	[sflag:s31] =	ssyncadd.s32 $0xFFFFFFB0  }
0xd7: {  	_ =	swait.ge [sflag:s31], $0x50  }
0xd8: {  	[sflag:s31] =	ssyncset.done $0x0  }
0xd9: {  	[sflag:s31] =	ssyncadd.s32 $0xFFFFFFB0  }
0xda: {  	_ =	swait.ge [sflag:s31], $0x50  }
0xdb: {  	[sflag:s31] =	ssyncset.done $0x0  }
0xdc: {  	[sflag:s31] =	ssyncadd.s32 $0xFFFFFFB0  }
0xdd: {  	_ =	swait.ge [sflag:s31], $0x50  }
0xde: {  	[sflag:s31] =	ssyncset.done $0x0  }
0xdf: {  	s13 =	sadd.s32 $0xA0, s10;
	[sflag:s31] =	ssyncadd.s32 $0xFFFFFFB0  }
0xe0: {  	[tilespmem:s21], [sflag:$0x1] =	stream.indirect.gather [hbm4b:s3+s20], $0x80, s13, s20, $0xb8;
	[tilespmem:$0x19300] =	vst v63  }
0xe1: {  	s12 =	sadd.s32 $0x2820, s10  }
0xe2: {  	[tilespmem:s22], [sflag:$0x1] =	stream.indirect.gather [hbm4b:s4+s20], $0x80, s12, s20, $0xb8;
	[tilespmem:$0x19300] =	vst v63  }
0xe3: {  	v22 =	vld [tilespmem:s10+$0x50]  }
0xe4: {  	v23 =	vld [tilespmem:s10+$0x27D0];
	_ =	sdelay $0x3  }
0xe5: {  	v0 =	vshll.u32 v22, $0x2  }
0xe6: {  	v1 =	vshll.u32 v23, $0x2;
	_ =	sdelay $0x3  }
0xe7: {  	v24 =	vld.idx.msk [tilespmem:v0+s17+$0x0], $0xffff  }
0xe8: {  	v25 =	vld.idx.msk [tilespmem:v1+s17+$0x0], $0xffff;
	_ =	sdelay $0x2  }
0xe9: {  	v26 =	vor.u32 $0x1, v0  }
0xea: {  	v27 =	vor.u32 $0x1, v1  }
0xeb: {  	v2 =	vsub.f32 v24, v25;
	_ =	sdelay $0x1  }
0xec: {  	[tilespmem:$0x19180] =	vst v2  }
0xed: {  	v28 =	vld.idx.msk [tilespmem:v26+s17+$0x0], $0xffff  }
0xee: {  	v29 =	vld.idx.msk [tilespmem:v27+s17+$0x0], $0xffff;
	_ =	sdelay $0x2  }
0xef: {  	v0 =	vor.u32 $0x2, v0  }
0xf0: {  	v1 =	vor.u32 $0x2, v1  }
0xf1: {  	v3 =	vsub.f32 v28, v29;
	_ =	sdelay $0x1  }
0xf2: {  	[tilespmem:$0x19200] =	vst v3  }
0xf3: {  	v0 =	vld.idx.msk [tilespmem:v0+s17+$0x0], $0xffff  }
0xf4: {  	v1 =	vld.idx.msk [tilespmem:v1+s17+$0x0], $0xffff;
	_ =	sdelay $0x4  }
0xf5: {  	v2 =	vmul.f32 v2, v2;
	v3 =	vmul.f32 v3, v3;
	v0 =	vsub.f32 v0, v1;
	_ =	sdelay $0x1  }
0xf6: {  	v30 =	vadd.f32 v3, v2;
	v31 =	vmul.f32 v0, v0;
	_ =	sdelay $0x1  }
0xf7: {  	v1 =	vadd.f32 v31, v30  }
0xf8: {  	[tilespmem:$0x19280] =	vst v0  }
0xf9: {  	[tilespmem:$0x19100] =	vst v1  }
0xfa: {  	v0 =	vld [tilespmem:s10+$0x60]  }
0xfb: {  	v1 =	vld [tilespmem:s10+$0x27E0];
	_ =	sdelay $0x3  }
0xfc: {  	v0 =	vshll.u32 v0, $0x2  }
0xfd: {  	v1 =	vshll.u32 v1, $0x2;
	_ =	sdelay $0x3  }
0xfe: {  	v32 =	vld.idx.msk [tilespmem:v0+s17+$0x0], $0xffff  }
0xff: {  	v33 =	vld.idx.msk [tilespmem:v1+s17+$0x0], $0xffff;
	_ =	sdelay $0x2  }
0x100: {  	v34 =	vor.u32 $0x1, v0  }
0x101: {  	v35 =	vor.u32 $0x1, v1  }
0x102: {  	v2 =	vsub.f32 v32, v33;
	_ =	sdelay $0x1  }
0x103: {  	[tilespmem:$0x19190] =	vst v2  }
0x104: {  	v36 =	vld.idx.msk [tilespmem:v34+s17+$0x0], $0xffff  }
0x105: {  	v37 =	vld.idx.msk [tilespmem:v35+s17+$0x0], $0xffff;
	_ =	sdelay $0x2  }
0x106: {  	v0 =	vor.u32 $0x2, v0  }
0x107: {  	v1 =	vor.u32 $0x2, v1  }
0x108: {  	v3 =	vsub.f32 v36, v37;
	_ =	sdelay $0x1  }
0x109: {  	[tilespmem:$0x19210] =	vst v3  }
0x10a: {  	v0 =	vld.idx.msk [tilespmem:v0+s17+$0x0], $0xffff  }
0x10b: {  	v1 =	vld.idx.msk [tilespmem:v1+s17+$0x0], $0xffff;
	_ =	sdelay $0x4  }
0x10c: {  	v2 =	vmul.f32 v2, v2;
	v3 =	vmul.f32 v3, v3;
	v0 =	vsub.f32 v0, v1;
	_ =	sdelay $0x1  }
0x10d: {  	v38 =	vadd.f32 v3, v2;
	v39 =	vmul.f32 v0, v0;
	_ =	sdelay $0x1  }
0x10e: {  	v1 =	vadd.f32 v39, v38  }
0x10f: {  	[tilespmem:$0x19290] =	vst v0  }
0x110: {  	[tilespmem:$0x19110] =	vst v1  }
0x111: {  	v0 =	vld [tilespmem:s10+$0x70]  }
0x112: {  	v1 =	vld [tilespmem:s10+$0x27F0];
	_ =	sdelay $0x3  }
0x113: {  	v0 =	vshll.u32 v0, $0x2  }
0x114: {  	v1 =	vshll.u32 v1, $0x2;
	_ =	sdelay $0x3  }
0x115: {  	v40 =	vld.idx.msk [tilespmem:v0+s17+$0x0], $0xffff  }
0x116: {  	v41 =	vld.idx.msk [tilespmem:v1+s17+$0x0], $0xffff;
	_ =	sdelay $0x2  }
0x117: {  	v42 =	vor.u32 $0x1, v0  }
0x118: {  	v43 =	vor.u32 $0x1, v1  }
0x119: {  	v2 =	vsub.f32 v40, v41;
	_ =	sdelay $0x1  }
0x11a: {  	[tilespmem:$0x191A0] =	vst v2  }
0x11b: {  	v44 =	vld.idx.msk [tilespmem:v42+s17+$0x0], $0xffff  }
0x11c: {  	v45 =	vld.idx.msk [tilespmem:v43+s17+$0x0], $0xffff;
	_ =	sdelay $0x2  }
0x11d: {  	v0 =	vor.u32 $0x2, v0  }
0x11e: {  	v1 =	vor.u32 $0x2, v1  }
0x11f: {  	v3 =	vsub.f32 v44, v45;
	_ =	sdelay $0x1  }
0x120: {  	[tilespmem:$0x19220] =	vst v3  }
0x121: {  	v0 =	vld.idx.msk [tilespmem:v0+s17+$0x0], $0xffff  }
0x122: {  	v1 =	vld.idx.msk [tilespmem:v1+s17+$0x0], $0xffff;
	_ =	sdelay $0x4  }
0x123: {  	v2 =	vmul.f32 v2, v2;
	v3 =	vmul.f32 v3, v3;
	v0 =	vsub.f32 v0, v1;
	_ =	sdelay $0x1  }
0x124: {  	v46 =	vadd.f32 v3, v2;
	v47 =	vmul.f32 v0, v0;
	_ =	sdelay $0x1  }
0x125: {  	v1 =	vadd.f32 v47, v46  }
0x126: {  	[tilespmem:$0x192A0] =	vst v0  }
0x127: {  	[tilespmem:$0x19120] =	vst v1  }
0x128: {  	v0 =	vld [tilespmem:s10+$0x80]  }
0x129: {  	v1 =	vld [tilespmem:s10+$0x2800];
	_ =	sdelay $0x3  }
0x12a: {  	v0 =	vshll.u32 v0, $0x2  }
0x12b: {  	v1 =	vshll.u32 v1, $0x2;
	_ =	sdelay $0x3  }
0x12c: {  	v48 =	vld.idx.msk [tilespmem:v0+s17+$0x0], $0xffff  }
0x12d: {  	v49 =	vld.idx.msk [tilespmem:v1+s17+$0x0], $0xffff;
	_ =	sdelay $0x2  }
0x12e: {  	v50 =	vor.u32 $0x1, v0  }
0x12f: {  	v51 =	vor.u32 $0x1, v1  }
0x130: {  	v2 =	vsub.f32 v48, v49;
	_ =	sdelay $0x1  }
0x131: {  	[tilespmem:$0x191B0] =	vst v2  }
0x132: {  	v52 =	vld.idx.msk [tilespmem:v50+s17+$0x0], $0xffff  }
0x133: {  	v53 =	vld.idx.msk [tilespmem:v51+s17+$0x0], $0xffff;
	_ =	sdelay $0x2  }
0x134: {  	v0 =	vor.u32 $0x2, v0  }
0x135: {  	v1 =	vor.u32 $0x2, v1  }
0x136: {  	v3 =	vsub.f32 v52, v53;
	_ =	sdelay $0x1  }
0x137: {  	[tilespmem:$0x19230] =	vst v3  }
0x138: {  	v0 =	vld.idx.msk [tilespmem:v0+s17+$0x0], $0xffff  }
0x139: {  	v1 =	vld.idx.msk [tilespmem:v1+s17+$0x0], $0xffff;
	_ =	sdelay $0x4  }
0x13a: {  	v2 =	vmul.f32 v2, v2;
	v3 =	vmul.f32 v3, v3;
	v0 =	vsub.f32 v0, v1;
	_ =	sdelay $0x1  }
0x13b: {  	v54 =	vadd.f32 v3, v2;
	v55 =	vmul.f32 v0, v0;
	_ =	sdelay $0x1  }
0x13c: {  	v1 =	vadd.f32 v55, v54  }
0x13d: {  	[tilespmem:$0x192B0] =	vst v0  }
0x13e: {  	[tilespmem:$0x19130] =	vst v1  }
0x13f: {  	v0 =	vld [tilespmem:s10+$0x90]  }
0x140: {  	v1 =	vld [tilespmem:s10+$0x2810];
	_ =	sdelay $0x3  }
0x141: {  	v0 =	vshll.u32 v0, $0x2  }
0x142: {  	v1 =	vshll.u32 v1, $0x2;
	_ =	sdelay $0x3  }
0x143: {  	v56 =	vld.idx.msk [tilespmem:v0+s17+$0x0], $0xffff  }
0x144: {  	v57 =	vld.idx.msk [tilespmem:v1+s17+$0x0], $0xffff;
	_ =	sdelay $0x2  }
0x145: {  	v58 =	vor.u32 $0x1, v0  }
0x146: {  	v59 =	vor.u32 $0x1, v1  }
0x147: {  	v2 =	vsub.f32 v56, v57;
	_ =	sdelay $0x1  }
0x148: {  	[tilespmem:$0x191C0] =	vst v2  }
0x149: {  	v60 =	vld.idx.msk [tilespmem:v58+s17+$0x0], $0xffff  }
0x14a: {  	v61 =	vld.idx.msk [tilespmem:v59+s17+$0x0], $0xffff;
	_ =	sdelay $0x2  }
0x14b: {  	v0 =	vor.u32 $0x2, v0  }
0x14c: {  	v1 =	vor.u32 $0x2, v1  }
0x14d: {  	v3 =	vsub.f32 v60, v61;
	_ =	sdelay $0x1  }
0x14e: {  	[tilespmem:$0x19240] =	vst v3  }
0x14f: {  	v0 =	vld.idx.msk [tilespmem:v0+s17+$0x0], $0xffff  }
0x150: {  	v1 =	vld.idx.msk [tilespmem:v1+s17+$0x0], $0xffff;
	_ =	sdelay $0x4  }
0x151: {  	v2 =	vmul.f32 v2, v2;
	v3 =	vmul.f32 v3, v3;
	v0 =	vsub.f32 v0, v1;
	_ =	sdelay $0x1  }
0x152: {  	v62 =	vadd.f32 v3, v2;
	v63 =	vmul.f32 v0, v0;
	_ =	sdelay $0x1  }
0x153: {  	v1 =	vadd.f32 v63, v62  }
0x154: {  	[tilespmem:$0x192C0] =	vst v0  }
0x155: {  	[tilespmem:$0x19140] =	vst v1  }
0x156: {  	_ =	swait.ge [sflag:s1], $0x2800  }
0x157: {  	[sflag:s1] =	ssyncset.done $0x0  }
0x158: {  	[sflag:s1] =	ssyncadd.s32 $0xFFFFD800  }
0x159: {  	_ =	swait.ge [sflag:s1], $0x2800  }
0x15a: {  	[sflag:s1] =	ssyncset.done $0x0  }
0x15b: {  	s13 =	rddreg [dreg:$0x3];
	[sflag:s1] =	ssyncadd.s32 $0xFFFFD800  }
0x15c: {  	[hbm4b:s16+s2] =	stream.linear.scatter [tilespmem:s23], [sflag:$0x4], $0x2800, $0x38;
	[tilespmem:$0x19300] =	vst v63  }
0x15d: {  	s11 =	rddreg [dreg:$0xb]  }
0x15e: {  	[hbm4b:s15+s2] =	stream.linear.scatter [tilespmem:s24], [sflag:$0x4], $0x2800, $0x38;
	[tilespmem:$0x19300] =	vst v63  }
0x15f: {  	s12 =	rddreg [dreg:$0x4];
	s10 =	sadd.s32 s9, s13  }
0x160: {  	[hbm4b:s10+s2] =	stream.linear.scatter [tilespmem:s11], [sflag:$0x4], $0x50, $0x38;
	[tilespmem:$0x19300] =	vst v63  }
0x161: {  	s13 =	rddreg [dreg:$0xc];
	s12 =	sadd.s32 s9, s12  }
0x162: {  	[hbm4b:s12+s2] =	stream.linear.scatter [tilespmem:s13], [sflag:$0x4], $0x50, $0x38;
	[tilespmem:$0x19300] =	vst v63  }
0x163: {  	s13 =	rddreg [dreg:$0x5]  }
0x164: {  	s12 =	rddreg [dreg:$0x6]  }
0x165: {  	s10 =	sadd.s32 s9, s13;
	s12 =	sadd.s32 s9, s12;
	s9 =	sadd.s32 $0x14, s9  }
0x166: {  	p0 =	sne.s32 s9, $0x4D8  }
.Ltmp0:
0x167: {  	_ = 	snop;
	(pc) =	sbr.rel @p0 .LBB2_2-.Ltmp0, $4  }
0x168: {  	s8 =	sadd.s32 $0x280, s8;
	s11 =	rddreg [dreg:$0xd]  }
0x169: {  	[hbm4b:s10+s2] =	stream.linear.scatter [tilespmem:s11], [sflag:$0x4], $0x50, $0x38;
	[tilespmem:$0x19300] =	vst v63  }
0x16a: {  	s16 =	sadd.s32 $0xA00, s16;
	s15 =	sadd.s32 $0xA00, s15;
	s13 =	rddreg [dreg:$0xe]  }
0x16b: {  	[hbm4b:s12+s2] =	stream.linear.scatter [tilespmem:s13], [sflag:$0x4], $0x50, $0x38;
	[tilespmem:$0x19300] =	vst v63  }
0x16c: {  	_ =	swait.ge [sflag:s0], $0x2800  }
0x16d: {  	[sflag:s0] =	ssyncset.done $0x0  }
0x16e: {  	[sflag:s0] =	ssyncadd.s32 $0xFFFFD800  }
0x16f: {  	_ =	swait.ge [sflag:s0], $0x2800  }
0x170: {  	[sflag:s0] =	ssyncset.done $0x0  }
0x171: {  	[sflag:s0] =	ssyncadd.s32 $0xFFFFD800  }
0x172: {  	_ =	swait.ge [sflag:s0], $0x50  }
0x173: {  	[sflag:s0] =	ssyncset.done $0x0  }
0x174: {  	[sflag:s0] =	ssyncadd.s32 $0xFFFFFFB0  }
0x175: {  	_ =	swait.ge [sflag:s0], $0x50  }
0x176: {  	[sflag:s0] =	ssyncset.done $0x0  }
0x177: {  	[sflag:s0] =	ssyncadd.s32 $0xFFFFFFB0  }
0x178: {  	_ =	swait.ge [sflag:s0], $0x50  }
0x179: {  	[sflag:s0] =	ssyncset.done $0x0  }
0x17a: {  	[sflag:s0] =	ssyncadd.s32 $0xFFFFFFB0  }
0x17b: {  	_ =	swait.ge [sflag:s0], $0x50  }
0x17c: {  	[sflag:s0] =	ssyncset.done $0x0  }
0x17d: {  	[sflag:s0] =	ssyncadd.s32 $0xFFFFFFB0  }
0x17e: {  	v0 =	vld [tilespmem:$0x26C0]  }
0x17f: {  	v1 =	vld [tilespmem:$0x4E40];
	_ =	sdelay $0x3  }
0x180: {  	v0 =	vshll.u32 v0, $0x2  }
0x181: {  	v1 =	vshll.u32 v1, $0x2;
	_ =	sdelay $0x3  }
0x182: {  	v2 =	vld.idx.msk [tilespmem:v0+s17+$0x0], $0xffff  }
0x183: {  	v3 =	vld.idx.msk [tilespmem:v1+s17+$0x0], $0xffff;
	_ =	sdelay $0x2  }
0x184: {  	v4 =	vor.u32 $0x1, v0  }
0x185: {  	v5 =	vor.u32 $0x1, v1  }
0x186: {  	v2 =	vsub.f32 v2, v3;
	_ =	sdelay $0x1  }
0x187: {  	[tilespmem:$0x13F80] =	vst v2  }
0x188: {  	v17 =	vld.idx.msk [tilespmem:v4+s17+$0x0], $0xffff  }
0x189: {  	v18 =	vld.idx.msk [tilespmem:v5+s17+$0x0], $0xffff;
	_ =	sdelay $0x2  }
0x18a: {  	v0 =	vor.u32 $0x2, v0  }
0x18b: {  	v1 =	vor.u32 $0x2, v1  }
0x18c: {  	v3 =	vsub.f32 v17, v18;
	_ =	sdelay $0x1  }
0x18d: {  	[tilespmem:$0x14000] =	vst v3  }
0x18e: {  	v0 =	vld.idx.msk [tilespmem:v0+s17+$0x0], $0xffff  }
0x18f: {  	v1 =	vld.idx.msk [tilespmem:v1+s17+$0x0], $0xffff;
	_ =	sdelay $0x1  }
0x190: {  	v19 =	vld [tilespmem:$0x26D0]  }
0x191: {  	v20 =	vld [tilespmem:$0x4E50];
	_ =	sdelay $0x1  }
0x192: {  	v2 =	vmul.f32 v2, v2;
	v3 =	vmul.f32 v3, v3;
	v0 =	vsub.f32 v0, v1;
	_ =	sdelay $0x1  }
0x193: {  	v23 =	vshll.u32 v19, $0x2;
	v21 =	vadd.f32 v3, v2;
	v22 =	vmul.f32 v0, v0  }
0x194: {  	v24 =	vshll.u32 v20, $0x2  }
0x195: {  	v1 =	vadd.f32 v22, v21  }
0x196: {  	[tilespmem:$0x14080] =	vst v0  }
0x197: {  	[tilespmem:$0x13F00] =	vst v1  }
0x198: {  	v0 =	vld.idx.msk [tilespmem:v23+s17+$0x0], $0xffff  }
0x199: {  	v1 =	vld.idx.msk [tilespmem:v24+s17+$0x0], $0xffff;
	_ =	sdelay $0x2  }
0x19a: {  	v25 =	vor.u32 $0x1, v23  }
0x19b: {  	v5 =	vor.u32 $0x1, v24  }
0x19c: {  	v0 =	vsub.f32 v0, v1;
	_ =	sdelay $0x1  }
0x19d: {  	[tilespmem:$0x13F90] =	vst v0  }
0x19e: {  	v26 =	vld.idx.msk [tilespmem:v25+s17+$0x0], $0xffff  }
0x19f: {  	v27 =	vld.idx.msk [tilespmem:v5+s17+$0x0], $0xffff;
	_ =	sdelay $0x2  }
0x1a0: {  	v3 =	vor.u32 $0x2, v23  }
0x1a1: {  	v4 =	vor.u32 $0x2, v24  }
0x1a2: {  	v1 =	vsub.f32 v26, v27;
	_ =	sdelay $0x1  }
0x1a3: {  	[tilespmem:$0x14010] =	vst v1  }
0x1a4: {  	v28 =	vld.idx.msk [tilespmem:v3+s17+$0x0], $0xffff  }
0x1a5: {  	v29 =	vld.idx.msk [tilespmem:v4+s17+$0x0], $0xffff;
	_ =	sdelay $0x1  }
0x1a6: {  	v30 =	vld [tilespmem:$0x26E0]  }
0x1a7: {  	v31 =	vld [tilespmem:$0x4E60];
	_ =	sdelay $0x1  }
0x1a8: {  	v0 =	vmul.f32 v0, v0;
	v1 =	vmul.f32 v1, v1;
	v2 =	vsub.f32 v28, v29;
	_ =	sdelay $0x1  }
0x1a9: {  	v33 =	vshll.u32 v30, $0x2;
	v0 =	vadd.f32 v1, v0;
	v32 =	vmul.f32 v2, v2  }
0x1aa: {  	v34 =	vshll.u32 v31, $0x2  }
0x1ab: {  	v0 =	vadd.f32 v32, v0  }
0x1ac: {  	[tilespmem:$0x14090] =	vst v2  }
0x1ad: {  	[tilespmem:$0x13F10] =	vst v0  }
0x1ae: {  	v0 =	vld.idx.msk [tilespmem:v33+s17+$0x0], $0xffff  }
0x1af: {  	v35 =	vld.idx.msk [tilespmem:v34+s17+$0x0], $0xffff;
	_ =	sdelay $0x2  }
0x1b0: {  	v36 =	vor.u32 $0x1, v33  }
0x1b1: {  	v5 =	vor.u32 $0x1, v34  }
0x1b2: {  	v0 =	vsub.f32 v0, v35;
	_ =	sdelay $0x1  }
0x1b3: {  	[tilespmem:$0x13FA0] =	vst v0  }
0x1b4: {  	v37 =	vld.idx.msk [tilespmem:v36+s17+$0x0], $0xffff  }
0x1b5: {  	v38 =	vld.idx.msk [tilespmem:v5+s17+$0x0], $0xffff;
	_ =	sdelay $0x2  }
0x1b6: {  	v3 =	vor.u32 $0x2, v33  }
0x1b7: {  	v4 =	vor.u32 $0x2, v34  }
0x1b8: {  	v1 =	vsub.f32 v37, v38;
	_ =	sdelay $0x1  }
0x1b9: {  	[tilespmem:$0x14020] =	vst v1  }
0x1ba: {  	v39 =	vld.idx.msk [tilespmem:v3+s17+$0x0], $0xffff  }
0x1bb: {  	v40 =	vld.idx.msk [tilespmem:v4+s17+$0x0], $0xffff;
	_ =	sdelay $0x1  }
0x1bc: {  	v41 =	vld [tilespmem:$0x26F0]  }
0x1bd: {  	v42 =	vld [tilespmem:$0x4E70];
	_ =	sdelay $0x1  }
0x1be: {  	v0 =	vmul.f32 v0, v0;
	v1 =	vmul.f32 v1, v1;
	v2 =	vsub.f32 v39, v40;
	_ =	sdelay $0x1  }
0x1bf: {  	v44 =	vshll.u32 v41, $0x2;
	v0 =	vadd.f32 v1, v0;
	v43 =	vmul.f32 v2, v2  }
0x1c0: {  	v45 =	vshll.u32 v42, $0x2  }
0x1c1: {  	v0 =	vadd.f32 v43, v0  }
0x1c2: {  	[tilespmem:$0x140A0] =	vst v2  }
0x1c3: {  	[tilespmem:$0x13F20] =	vst v0  }
0x1c4: {  	v0 =	vld.idx.msk [tilespmem:v44+s17+$0x0], $0xffff  }
0x1c5: {  	v46 =	vld.idx.msk [tilespmem:v45+s17+$0x0], $0xffff;
	_ =	sdelay $0x2  }
0x1c6: {  	v47 =	vor.u32 $0x1, v44  }
0x1c7: {  	v5 =	vor.u32 $0x1, v45  }
0x1c8: {  	v0 =	vsub.f32 v0, v46;
	_ =	sdelay $0x1  }
0x1c9: {  	[tilespmem:$0x13FB0] =	vst v0  }
0x1ca: {  	v48 =	vld.idx.msk [tilespmem:v47+s17+$0x0], $0xffff  }
0x1cb: {  	v49 =	vld.idx.msk [tilespmem:v5+s17+$0x0], $0xffff;
	_ =	sdelay $0x2  }
0x1cc: {  	v3 =	vor.u32 $0x2, v44  }
0x1cd: {  	v4 =	vor.u32 $0x2, v45  }
0x1ce: {  	v1 =	vsub.f32 v48, v49;
	_ =	sdelay $0x1  }
0x1cf: {  	[tilespmem:$0x14030] =	vst v1  }
0x1d0: {  	v50 =	vld.idx.msk [tilespmem:v3+s17+$0x0], $0xffff  }
0x1d1: {  	v51 =	vld.idx.msk [tilespmem:v4+s17+$0x0], $0xffff;
	_ =	sdelay $0x1  }
0x1d2: {  	v52 =	vld [tilespmem:$0x2700]  }
0x1d3: {  	v53 =	vld [tilespmem:$0x4E80];
	_ =	sdelay $0x1  }
0x1d4: {  	v0 =	vmul.f32 v0, v0;
	v1 =	vmul.f32 v1, v1;
	v2 =	vsub.f32 v50, v51;
	_ =	sdelay $0x1  }
0x1d5: {  	v55 =	vshll.u32 v52, $0x2;
	v0 =	vadd.f32 v1, v0;
	v54 =	vmul.f32 v2, v2  }
0x1d6: {  	v56 =	vshll.u32 v53, $0x2  }
0x1d7: {  	v0 =	vadd.f32 v54, v0  }
0x1d8: {  	[tilespmem:$0x140B0] =	vst v2  }
0x1d9: {  	[tilespmem:$0x13F30] =	vst v0  }
0x1da: {  	v0 =	vld.idx.msk [tilespmem:v55+s17+$0x0], $0xffff  }
0x1db: {  	v57 =	vld.idx.msk [tilespmem:v56+s17+$0x0], $0xffff;
	_ =	sdelay $0x2  }
0x1dc: {  	v58 =	vor.u32 $0x1, v55  }
0x1dd: {  	v5 =	vor.u32 $0x1, v56  }
0x1de: {  	v0 =	vsub.f32 v0, v57;
	_ =	sdelay $0x1  }
0x1df: {  	[tilespmem:$0x13FC0] =	vst v0  }
0x1e0: {  	v59 =	vld.idx.msk [tilespmem:v58+s17+$0x0], $0xffff  }
0x1e1: {  	v60 =	vld.idx.msk [tilespmem:v5+s17+$0x0], $0xffff;
	_ =	sdelay $0x2  }
0x1e2: {  	v3 =	vor.u32 $0x2, v55  }
0x1e3: {  	v4 =	vor.u32 $0x2, v56  }
0x1e4: {  	v1 =	vsub.f32 v59, v60;
	_ =	sdelay $0x1  }
0x1e5: {  	[tilespmem:$0x14040] =	vst v1  }
0x1e6: {  	v61 =	vld.idx.msk [tilespmem:v3+s17+$0x0], $0xffff  }
0x1e7: {  	v62 =	vld.idx.msk [tilespmem:v4+s17+$0x0], $0xffff;
	_ =	sdelay $0x4  }
0x1e8: {  	v0 =	vmul.f32 v0, v0;
	v1 =	vmul.f32 v1, v1;
	v2 =	vsub.f32 v61, v62;
	_ =	sdelay $0x1  }
0x1e9: {  	v0 =	vadd.f32 v1, v0;
	v63 =	vmul.f32 v2, v2;
	_ =	sdelay $0x1  }
0x1ea: {  	v0 =	vadd.f32 v63, v0  }
0x1eb: {  	[tilespmem:$0x140C0] =	vst v2  }
0x1ec: {  	[tilespmem:$0x13F40] =	vst v0  }
0x1ed: {  	_ =	swait.ge [sflag:s25], $0x2800  }
0x1ee: {  	[sflag:s25] =	ssyncset.done $0x0  }
0x1ef: {  	[sflag:s25] =	ssyncadd.s32 $0xFFFFD800  }
0x1f0: {  	_ =	swait.ge [sflag:s25], $0x2800  }
0x1f1: {  	[sflag:s25] =	ssyncset.done $0x0  }
0x1f2: {  	s8 =	rddreg [dreg:$0x12];
	[sflag:s25] =	ssyncadd.s32 $0xFFFFD800  }
0x1f3: {  	[hbm4b:s8+s2] =	stream.linear.scatter [tilespmem:s21], [sflag:$0x3], $0x2800, $0x38;
	[tilespmem:$0x19300] =	vst v63  }
0x1f4: {  	s11 =	rddreg [dreg:$0x13]  }
0x1f5: {  	[hbm4b:s11+s2] =	stream.linear.scatter [tilespmem:s22], [sflag:$0x3], $0x2800, $0x38;
	[tilespmem:$0x19300] =	vst v63  }
0x1f6: {  	s12 =	rddreg [dreg:$0x14]  }
0x1f7: {  	[hbm4b:s12+s2] =	stream.linear.scatter [tilespmem:s26], [sflag:$0x3], $0x50, $0x38;
	[tilespmem:$0x19300] =	vst v63  }
0x1f8: {  	s13 =	rddreg [dreg:$0x15]  }
0x1f9: {  	[hbm4b:s13+s2] =	stream.linear.scatter [tilespmem:s28], [sflag:$0x3], $0x50, $0x38;
	[tilespmem:$0x19300] =	vst v63  }
0x1fa: {  	s15 =	rddreg [dreg:$0x16]  }
0x1fb: {  	[hbm4b:s15+s2] =	stream.linear.scatter [tilespmem:s29], [sflag:$0x3], $0x50, $0x38;
	[tilespmem:$0x19300] =	vst v63  }
0x1fc: {  	s16 =	rddreg [dreg:$0x17]  }
0x1fd: {  	[hbm4b:s16+s2] =	stream.linear.scatter [tilespmem:s30], [sflag:$0x3], $0x50, $0x38;
	[tilespmem:$0x19300] =	vst v63  }
0x1fe: {  	_ =	swait.ge [sflag:s31], $0x2800  }
0x1ff: {  	[sflag:s31] =	ssyncset.done $0x0  }
0x200: {  	[sflag:s31] =	ssyncadd.s32 $0xFFFFD800  }
0x201: {  	_ =	swait.ge [sflag:s31], $0x2800  }
0x202: {  	[sflag:s31] =	ssyncset.done $0x0  }
0x203: {  	[sflag:s31] =	ssyncadd.s32 $0xFFFFD800  }
0x204: {  	_ =	swait.ge [sflag:s31], $0x50  }
0x205: {  	[sflag:s31] =	ssyncset.done $0x0  }
0x206: {  	[sflag:s31] =	ssyncadd.s32 $0xFFFFFFB0  }
0x207: {  	_ =	swait.ge [sflag:s31], $0x50  }
0x208: {  	[sflag:s31] =	ssyncset.done $0x0  }
0x209: {  	s5 =	sadd.s32 $0x1, s5;
	[sflag:s31] =	ssyncadd.s32 $0xFFFFFFB0  }
0x20a: {  	p0 =	sne.s32 s5, s14;
	_ =	swait.ge [sflag:s31], $0x50  }
.Ltmp1:
0x20b: {  	[sflag:s31] =	ssyncset.done $0x0;
	(pc) =	sbr.rel @p0 .LBB2_1-.Ltmp1, $4  }
0x20c: {  	[sflag:s31] =	ssyncadd.s32 $0xFFFFFFB0  }
0x20d: {  	_ =	swait.ge [sflag:s31], $0x50  }
0x20e: {  	[sflag:s31] =	ssyncset.done $0x0  }
0x20f: {  	[sflag:s31] =	ssyncadd.s32 $0xFFFFFFB0  }
0x210: {  	_ =	sfence.sel $0x180000  }
0x211: {  	[bflag:$0x0] =	sbarrier.arrive $0xFFFF  }
0x212: {  	_ =	strace $0x90000047  }
0x213: {  	s0 =	stileid.u32;
	[bflag:$0x2] =	sbarrier.arrive $0xFFFF  }
0x214: {  	p0 =	sne.s32 s0, $0x0;
	s0 =	rddreg [dreg:$0x2]  }
0x215: {  	s0 =	sadd.s32 @!p0 $0x100000, s0  }
0x216: {  	[sflag:s0] =	ssyncadd.tile.s32 @!p0 $0x1;
	_ =	shalt  }
.Lfunc_end2:
_tile_overlayer_lowered:
.L_overlay_start_2:
0x217: {  	(tag) =	ssettag $0x2  }
0x218: {  	s0 =	rddreg [dreg:$0x0];
	s2 =	stileid.u32  }
0x219: {  	s1 =	rddreg [dreg:$0x1];
	p0 =	sne.s32 s2, $0x0  }
0x21a: {  	s3 =	rddreg [dreg:$0x2];
	[bflag:$0x3] =	sbarrier.arrive $0xFFFF;
	s2 =	simm.s32 @!p0 $0x1C05  }
0x21b: {  	[timem:s3], [sflag:s2] =	dma.local @!p0 [hbm:s0], s1  }
0x21c: {  	s0 =	simm.s32 @!p0 $0x5  }
0x21d: {  	_ =	swait.ge @!p0 [sflag:s0], s1  }
0x21e: {  	s1 =	ssub.s32 @!p0 $0x0, s1;
	[sflag:s0] =	ssyncset.done @!p0 $0x0  }
0x21f: {  	[sflag:s0] =	ssyncadd.s32 @!p0 s1  }
0x220: {  	[bflag:$0x3] =	sbarrier.arrive $0xFFFF  }
0x221: {  	_ =	shalt  }

</sc_bundles>
